<compile_context>
chip_gen: v7x
topology: tpu7x:2x2x1
jax: 0.10.2.dev20260603
libtpu: 0.0.44.dev20260713+nightly
codegen_flags: <defaults>
</compile_context>

<pallas_src>
import functools

import jax
import jax.numpy as jnp
from jax import lax
from jax.experimental import pallas as pl
from jax.experimental.pallas import tpu as pltpu
from jax.experimental.pallas import tpu_sc as plsc

_NUM_ROWS = 16384
_NUM_COLS = 26
_DIM = 64
_V = 1000000
_NC = 2
_NS = 16
_NW = _NC * _NS

_IPW = _NUM_ROWS // _NW

_mesh = plsc.VectorSubcoreMesh(core_axis_name="c", subcore_axis_name="s")


@functools.partial(
    pl.kernel,
    mesh=_mesh,
    compiler_params=pltpu.CompilerParams(use_tc_tiling_on_sc=False),
    out_type=jax.ShapeDtypeStruct((_NUM_COLS * _NUM_ROWS, _DIM), jnp.float32),
    scratch_types=[
        pltpu.VMEM((2, _IPW), jnp.int32),
        pltpu.VMEM((2, _IPW, _DIM), jnp.float32),
        pltpu.SemaphoreType.DMA((2,)),
        pltpu.SemaphoreType.DMA((2,)),
        pltpu.SemaphoreType.DMA((2,)),
    ],
)
def _gather_kernel(xt_hbm, tbl_hbm, out_hbm, idx_v, rows_v, isem, gsem, wsem):
    wid = lax.axis_index("s") * _NC + lax.axis_index("c")
    i0 = wid * _IPW

    def idx_dma(j):
        b = j % 2
        return pltpu.make_async_copy(
            xt_hbm.at[j, pl.ds(i0, _IPW)], idx_v.at[b], isem.at[b]
        )

    def gather(j):
        b = j % 2
        return pltpu.make_async_copy(
            tbl_hbm.at[idx_v.at[b]], rows_v.at[b], gsem.at[b]
        )

    def writeback(j):
        b = j % 2
        return pltpu.make_async_copy(
            rows_v.at[b],
            out_hbm.at[pl.ds(j * _NUM_ROWS + i0, _IPW)],
            wsem.at[b],
        )

    idx_dma(0).start()
    for j in range(_NUM_COLS):
        if j >= 2:
            writeback(j - 2).wait()
        idx_dma(j).wait()
        gather(j).start()
        if j + 1 < _NUM_COLS:
            idx_dma(j + 1).start()
        gather(j).wait()
        writeback(j).start()
    writeback(_NUM_COLS - 2).wait()
    writeback(_NUM_COLS - 1).wait()


def kernel(x, weights):
    res = _gather_kernel(x.T, weights)
    res = res.reshape(_NUM_COLS, _NUM_ROWS, _DIM)
    return jnp.transpose(res, (1, 0, 2))

# --- scband reference (transcript-rebuilt; emitter-appended) ---
"""Pipeline reference for scband-embedding-11003706213200 (READ-ONLY COPY).

The authoritative reference and input builder live on the scoring server;
editing this copy changes nothing except your own understanding.
"""

import jax, jax.numpy as jnp
import numpy as np

NUM_EMBEDDINGS = 1000000
EMBEDDING_DIM = 64

def setup_inputs(seed: int = 0) -> dict:
    key = jax.random.key(seed)
    k_idx, k_w = jax.random.split(key)
    x = jax.random.randint(k_idx, (16384, 26), 0, NUM_EMBEDDINGS, dtype=jnp.int64 if jax.config.jax_enable_x64 else jnp.int32)
    # truncated normal init with std=1, a=-3, b=3
    weights = jax.random.truncated_normal(k_w, -3.0, 3.0, (NUM_EMBEDDINGS, EMBEDDING_DIM), dtype=jnp.float32)
    return {"x": x, "weights": weights}

def reference(x, weights):
    # Embedding lookup: weights[x]
    return jnp.take(weights, x, axis=0)

if __name__ == "__main__":
    import jax
    _d = setup_inputs()
    print(jax.jit(kernel)(*tuple(_d.values())))

</pallas_src>

<mosaic_0001>
#map = affine_map<(d0, d1) -> (0, 0)>
module attributes {stable_mosaic.version = 14 : i64} {
  func.func @_gather_kernel(%arg0: i32, %arg1: i32, %arg2: memref<26x16384xi32, #tpu.memory_space<hbm>>, %arg3: memref<1000000x64xf32, #tpu.memory_space<hbm>>, %arg4: memref<425984x64xf32, #tpu.memory_space<hbm>>, %arg5: memref<2x512xi32, #tpu.memory_space<vmem>>, %arg6: memref<2x512x64xf32, #tpu.memory_space<vmem>>, %arg7: memref<2x!tpu.dma_semaphore, #tpu.memory_space<semaphore_mem>>, %arg8: memref<2x!tpu.dma_semaphore, #tpu.memory_space<semaphore_mem>>, %arg9: memref<2x!tpu.dma_semaphore, #tpu.memory_space<semaphore_mem>>) attributes {dimension_semantics = [#tpu.dimension_semantics<core_parallel>, #tpu.dimension_semantics<subcore_parallel>], iteration_bounds = array<i64: 2, 16>, scalar_prefetch = 0 : i64, scratch_operands = 5 : i64, tpu.core_type = #tpu.core_type<sc_vector_subcore>, window_params = [{transform_indices = #map}, {transform_indices = #map}, {transform_indices = #map}]} {
    %mul3A = arith.constant 2 : i32
    %mul3A_0 = arith.muli %arg1, %mul3A : i32
    %add3A = arith.addi %mul3A_0, %arg0 : i32
    %mul3A_1 = arith.constant 512 : i32
    %mul3A_2 = arith.muli %add3A, %mul3A_1 : i32
    %dma_start3A = arith.constant 0 : i32
    %dma_start3A_3 = arith.constant 0 : i32
    %dma_start3A_4 = arith.constant 0 : i32
    %dma_start3A_5 = arith.constant 0 : i32
    %dma_start3A_6 = tpu.memref_slice %arg5[%dma_start3A_3, %dma_start3A_5] : memref<2x512xi32, #tpu.memory_space<vmem>> -> memref<1x512xi32, #tpu.memory_space<vmem>>
    %dma_start3A_7 = tpu.memref_squeeze %dma_start3A_6 : memref<1x512xi32, #tpu.memory_space<vmem>> -> memref<512xi32, #tpu.memory_space<vmem>>
    %dma_start3A_8 = tpu.memref_slice %arg2[%dma_start3A, %mul3A_2] : memref<26x16384xi32, #tpu.memory_space<hbm>> -> memref<1x512xi32, #tpu.memory_space<hbm>>
    %dma_start3A_9 = tpu.memref_squeeze %dma_start3A_8 : memref<1x512xi32, #tpu.memory_space<hbm>> -> memref<512xi32, #tpu.memory_space<hbm>>
    %dma_start3A_10 = tpu.memref_slice %arg7[%dma_start3A_4] : memref<2x!tpu.dma_semaphore, #tpu.memory_space<semaphore_mem>> -> memref<1x!tpu.dma_semaphore, #tpu.memory_space<semaphore_mem>>
    %dma_start3A_11 = tpu.memref_squeeze %dma_start3A_10 : memref<1x!tpu.dma_semaphore, #tpu.memory_space<semaphore_mem>> -> memref<!tpu.dma_semaphore, #tpu.memory_space<semaphore_mem>>
    %dma_start3A_12 = arith.constant 0 : i32
    %dma_start3A_13 = tpu.memref_slice %arg5[%dma_start3A_3, %dma_start3A_12] : memref<2x512xi32, #tpu.memory_space<vmem>> -> memref<1x512xi32, #tpu.memory_space<vmem>>
    %dma_start3A_14 = tpu.memref_squeeze %dma_start3A_13 : memref<1x512xi32, #tpu.memory_space<vmem>> -> memref<512xi32, #tpu.memory_space<vmem>>
    %dma_start3A_15 = tpu.memref_slice %arg2[%dma_start3A, %mul3A_2] : memref<26x16384xi32, #tpu.memory_space<hbm>> -> memref<1x512xi32, #tpu.memory_space<hbm>>
    %dma_start3A_16 = tpu.memref_squeeze %dma_start3A_15 : memref<1x512xi32, #tpu.memory_space<hbm>> -> memref<512xi32, #tpu.memory_space<hbm>>
    tpu.enqueue_dma source(%dma_start3A_16 : memref<512xi32, #tpu.memory_space<hbm>>) target(%dma_start3A_14 : memref<512xi32, #tpu.memory_space<vmem>>) target_semaphore(%dma_start3A_11 : memref<!tpu.dma_semaphore, #tpu.memory_space<semaphore_mem>>)
    %dma_wait3A = arith.constant 0 : i32
    %dma_wait3A_17 = arith.constant 0 : i32
    %dma_wait3A_18 = arith.constant 0 : i32
    %dma_wait3A_19 = arith.constant 0 : i32
    %dma_wait3A_20 = tpu.memref_slice %arg5[%dma_wait3A_17, %dma_wait3A_19] : memref<2x512xi32, #tpu.memory_space<vmem>> -> memref<1x512xi32, #tpu.memory_space<vmem>>
    %dma_wait3A_21 = tpu.memref_squeeze %dma_wait3A_20 : memref<1x512xi32, #tpu.memory_space<vmem>> -> memref<512xi32, #tpu.memory_space<vmem>>
    %dma_wait3A_22 = tpu.memref_slice %arg2[%dma_wait3A, %mul3A_2] : memref<26x16384xi32, #tpu.memory_space<hbm>> -> memref<1x512xi32, #tpu.memory_space<hbm>>
    %dma_wait3A_23 = tpu.memref_squeeze %dma_wait3A_22 : memref<1x512xi32, #tpu.memory_space<hbm>> -> memref<512xi32, #tpu.memory_space<hbm>>
    %dma_wait3A_24 = tpu.memref_slice %arg7[%dma_wait3A_18] : memref<2x!tpu.dma_semaphore, #tpu.memory_space<semaphore_mem>> -> memref<1x!tpu.dma_semaphore, #tpu.memory_space<semaphore_mem>>
    %dma_wait3A_25 = tpu.memref_squeeze %dma_wait3A_24 : memref<1x!tpu.dma_semaphore, #tpu.memory_space<semaphore_mem>> -> memref<!tpu.dma_semaphore, #tpu.memory_space<semaphore_mem>>
    %dma_wait3A_26 = arith.constant 0 : i32
    %dma_wait3A_27 = tpu.memref_slice %arg5[%dma_wait3A_17, %dma_wait3A_26] : memref<2x512xi32, #tpu.memory_space<vmem>> -> memref<1x512xi32, #tpu.memory_space<vmem>>
    %dma_wait3A_28 = tpu.memref_squeeze %dma_wait3A_27 : memref<1x512xi32, #tpu.memory_space<vmem>> -> memref<512xi32, #tpu.memory_space<vmem>>
    %dma_wait3A_29 = tpu.memref_slice %arg2[%dma_wait3A, %mul3A_2] : memref<26x16384xi32, #tpu.memory_space<hbm>> -> memref<1x512xi32, #tpu.memory_space<hbm>>
    %dma_wait3A_30 = tpu.memref_squeeze %dma_wait3A_29 : memref<1x512xi32, #tpu.memory_space<hbm>> -> memref<512xi32, #tpu.memory_space<hbm>>
    tpu.wait_dma2 semaphore(%dma_wait3A_25 : memref<!tpu.dma_semaphore, #tpu.memory_space<semaphore_mem>>) src(%dma_wait3A_30 : memref<512xi32, #tpu.memory_space<hbm>>) dst(%dma_wait3A_28 : memref<512xi32, #tpu.memory_space<vmem>>)
    %dma_start3A_31 = arith.constant 0 : i32
    %dma_start3A_32 = arith.constant 0 : i32
    %dma_start3A_33 = arith.constant 0 : i32
    %dma_start3A_34 = arith.constant 0 : i32
    %dma_start3A_35 = arith.constant 0 : i32
    %dma_start3A_36 = tpu.memref_slice %arg6[%dma_start3A_32, %dma_start3A_34, %dma_start3A_35] : memref<2x512x64xf32, #tpu.memory_space<vmem>> -> memref<1x512x64xf32, #tpu.memory_space<vmem>>
    %dma_start3A_37 = tpu.memref_squeeze %dma_start3A_36 : memref<1x512x64xf32, #tpu.memory_space<vmem>> -> memref<512x64xf32, #tpu.memory_space<vmem>>
    %dma_start3A_38 = arith.constant 0 : i32
    %dma_start3A_39 = tpu.memref_slice %arg5[%dma_start3A_31, %dma_start3A_38] : memref<2x512xi32, #tpu.memory_space<vmem>> -> memref<1x512xi32, #tpu.memory_space<vmem>>
    %dma_start3A_40 = tpu.memref_squeeze %dma_start3A_39 : memref<1x512xi32, #tpu.memory_space<vmem>> -> memref<512xi32, #tpu.memory_space<vmem>>
    %dma_start3A_41 = arith.constant 0 : i32
    %dma_start3A_42 = arith.constant 0 : i32
    %dma_start3A_43 = tpu.memref_slice %arg3[%dma_start3A_41, %dma_start3A_42] : memref<1000000x64xf32, #tpu.memory_space<hbm>> -> memref<1000000x64xf32, #tpu.memory_space<hbm>>
    %dma_start3A_44 = tpu.memref_slice %arg8[%dma_start3A_33] : memref<2x!tpu.dma_semaphore, #tpu.memory_space<semaphore_mem>> -> memref<1x!tpu.dma_semaphore, #tpu.memory_space<semaphore_mem>>
    %dma_start3A_45 = tpu.memref_squeeze %dma_start3A_44 : memref<1x!tpu.dma_semaphore, #tpu.memory_space<semaphore_mem>> -> memref<!tpu.dma_semaphore, #tpu.memory_space<semaphore_mem>>
    tpu.enqueue_indirect_dma source(%dma_start3A_43 : memref<1000000x64xf32, #tpu.memory_space<hbm>>) target(%dma_start3A_37 : memref<512x64xf32, #tpu.memory_space<vmem>>) offsets(%dma_start3A_40 : memref<512xi32, #tpu.memory_space<vmem>>) semaphore(%dma_start3A_45 : memref<!tpu.dma_semaphore, #tpu.memory_space<semaphore_mem>>)
    %dma_start3A_46 = arith.constant 1 : i32
    %dma_start3A_47 = arith.constant 1 : i32
    %dma_start3A_48 = arith.constant 1 : i32
    %dma_start3A_49 = arith.constant 0 : i32
    %dma_start3A_50 = tpu.memref_slice %arg5[%dma_start3A_47, %dma_start3A_49] : memref<2x512xi32, #tpu.memory_space<vmem>> -> memref<1x512xi32, #tpu.memory_space<vmem>>
    %dma_start3A_51 = tpu.memref_squeeze %dma_start3A_50 : memref<1x512xi32, #tpu.memory_space<vmem>> -> memref<512xi32, #tpu.memory_space<vmem>>
    %dma_start3A_52 = tpu.memref_slice %arg2[%dma_start3A_46, %mul3A_2] : memref<26x16384xi32, #tpu.memory_space<hbm>> -> memref<1x512xi32, #tpu.memory_space<hbm>>
    %dma_start3A_53 = tpu.memref_squeeze %dma_start3A_52 : memref<1x512xi32, #tpu.memory_space<hbm>> -> memref<512xi32, #tpu.memory_space<hbm>>
    %dma_start3A_54 = tpu.memref_slice %arg7[%dma_start3A_48] : memref<2x!tpu.dma_semaphore, #tpu.memory_space<semaphore_mem>> -> memref<1x!tpu.dma_semaphore, #tpu.memory_space<semaphore_mem>>
    %dma_start3A_55 = tpu.memref_squeeze %dma_start3A_54 : memref<1x!tpu.dma_semaphore, #tpu.memory_space<semaphore_mem>> -> memref<!tpu.dma_semaphore, #tpu.memory_space<semaphore_mem>>
    %dma_start3A_56 = arith.constant 0 : i32
    %dma_start3A_57 = tpu.memref_slice %arg5[%dma_start3A_47, %dma_start3A_56] : memref<2x512xi32, #tpu.memory_space<vmem>> -> memref<1x512xi32, #tpu.memory_space<vmem>>
    %dma_start3A_58 = tpu.memref_squeeze %dma_start3A_57 : memref<1x512xi32, #tpu.memory_space<vmem>> -> memref<512xi32, #tpu.memory_space<vmem>>
    %dma_start3A_59 = tpu.memref_slice %arg2[%dma_start3A_46, %mul3A_2] : memref<26x16384xi32, #tpu.memory_space<hbm>> -> memref<1x512xi32, #tpu.memory_space<hbm>>
    %dma_start3A_60 = tpu.memref_squeeze %dma_start3A_59 : memref<1x512xi32, #tpu.memory_space<hbm>> -> memref<512xi32, #tpu.memory_space<hbm>>
    tpu.enqueue_dma source(%dma_start3A_60 : memref<512xi32, #tpu.memory_space<hbm>>) target(%dma_start3A_58 : memref<512xi32, #tpu.memory_space<vmem>>) target_semaphore(%dma_start3A_55 : memref<!tpu.dma_semaphore, #tpu.memory_space<semaphore_mem>>)
    %dma_wait3A_61 = arith.constant 0 : i32
    %dma_wait3A_62 = arith.constant 0 : i32
    %dma_wait3A_63 = arith.constant 0 : i32
    %dma_wait3A_64 = arith.constant 0 : i32
    %dma_wait3A_65 = arith.constant 0 : i32
    %dma_wait3A_66 = tpu.memref_slice %arg6[%dma_wait3A_62, %dma_wait3A_64, %dma_wait3A_65] : memref<2x512x64xf32, #tpu.memory_space<vmem>> -> memref<1x512x64xf32, #tpu.memory_space<vmem>>
    %dma_wait3A_67 = tpu.memref_squeeze %dma_wait3A_66 : memref<1x512x64xf32, #tpu.memory_space<vmem>> -> memref<512x64xf32, #tpu.memory_space<vmem>>
    %dma_wait3A_68 = arith.constant 0 : i32
    %dma_wait3A_69 = tpu.memref_slice %arg5[%dma_wait3A_61, %dma_wait3A_68] : memref<2x512xi32, #tpu.memory_space<vmem>> -> memref<1x512xi32, #tpu.memory_space<vmem>>
    %dma_wait3A_70 = tpu.memref_squeeze %dma_wait3A_69 : memref<1x512xi32, #tpu.memory_space<vmem>> -> memref<512xi32, #tpu.memory_space<vmem>>
    %dma_wait3A_71 = arith.constant 0 : i32
    %dma_wait3A_72 = arith.constant 0 : i32
    %dma_wait3A_73 = tpu.memref_slice %arg3[%dma_wait3A_71, %dma_wait3A_72] : memref<1000000x64xf32, #tpu.memory_space<hbm>> -> memref<1000000x64xf32, #tpu.memory_space<hbm>>
    %dma_wait3A_74 = tpu.memref_slice %arg8[%dma_wait3A_63] : memref<2x!tpu.dma_semaphore, #tpu.memory_space<semaphore_mem>> -> memref<1x!tpu.dma_semaphore, #tpu.memory_space<semaphore_mem>>
    %dma_wait3A_75 = tpu.memref_squeeze %dma_wait3A_74 : memref<1x!tpu.dma_semaphore, #tpu.memory_space<semaphore_mem>> -> memref<!tpu.dma_semaphore, #tpu.memory_space<semaphore_mem>>
    tpu.wait_indirect_dma semaphore(%dma_wait3A_75 : memref<!tpu.dma_semaphore, #tpu.memory_space<semaphore_mem>>) src(%dma_wait3A_73 : memref<1000000x64xf32, #tpu.memory_space<hbm>>) dst(%dma_wait3A_67 : memref<512x64xf32, #tpu.memory_space<vmem>>)
    %add3A_76 = arith.constant 0 : i32
    %add3A_77 = arith.addi %add3A_76, %mul3A_2 : i32
    %dma_start3A_78 = arith.constant 0 : i32
    %dma_start3A_79 = arith.constant 0 : i32
    %dma_start3A_80 = arith.constant 0 : i32
    %dma_start3A_81 = arith.constant 0 : i32
    %dma_start3A_82 = tpu.memref_slice %arg6[%dma_start3A_78, %dma_start3A_80, %dma_start3A_81] : memref<2x512x64xf32, #tpu.memory_space<vmem>> -> memref<1x512x64xf32, #tpu.memory_space<vmem>>
    %dma_start3A_83 = tpu.memref_squeeze %dma_start3A_82 : memref<1x512x64xf32, #tpu.memory_space<vmem>> -> memref<512x64xf32, #tpu.memory_space<vmem>>
    %dma_start3A_84 = arith.constant 0 : i32
    %dma_start3A_85 = tpu.memref_slice %arg4[%add3A_77, %dma_start3A_84] : memref<425984x64xf32, #tpu.memory_space<hbm>> -> memref<512x64xf32, #tpu.memory_space<hbm>>
    %dma_start3A_86 = tpu.memref_slice %arg9[%dma_start3A_79] : memref<2x!tpu.dma_semaphore, #tpu.memory_space<semaphore_mem>> -> memref<1x!tpu.dma_semaphore, #tpu.memory_space<semaphore_mem>>
    %dma_start3A_87 = tpu.memref_squeeze %dma_start3A_86 : memref<1x!tpu.dma_semaphore, #tpu.memory_space<semaphore_mem>> -> memref<!tpu.dma_semaphore, #tpu.memory_space<semaphore_mem>>
    %dma_start3A_88 = arith.constant 0 : i32
    %dma_start3A_89 = tpu.memref_slice %arg4[%add3A_77, %dma_start3A_88] : memref<425984x64xf32, #tpu.memory_space<hbm>> -> memref<512x64xf32, #tpu.memory_space<hbm>>
    %dma_start3A_90 = arith.constant 0 : i32
    %dma_start3A_91 = arith.constant 0 : i32
    %dma_start3A_92 = tpu.memref_slice %arg6[%dma_start3A_78, %dma_start3A_90, %dma_start3A_91] : memref<2x512x64xf32, #tpu.memory_space<vmem>> -> memref<1x512x64xf32, #tpu.memory_space<vmem>>
    %dma_start3A_93 = tpu.memref_squeeze %dma_start3A_92 : memref<1x512x64xf32, #tpu.memory_space<vmem>> -> memref<512x64xf32, #tpu.memory_space<vmem>>
    tpu.enqueue_dma source(%dma_start3A_93 : memref<512x64xf32, #tpu.memory_space<vmem>>) target(%dma_start3A_89 : memref<512x64xf32, #tpu.memory_space<hbm>>) target_semaphore(%dma_start3A_87 : memref<!tpu.dma_semaphore, #tpu.memory_space<semaphore_mem>>)
    %dma_wait3A_94 = arith.constant 1 : i32
    %dma_wait3A_95 = arith.constant 1 : i32
    %dma_wait3A_96 = arith.constant 1 : i32
    %dma_wait3A_97 = arith.constant 0 : i32
    %dma_wait3A_98 = tpu.memref_slice %arg5[%dma_wait3A_95, %dma_wait3A_97] : memref<2x512xi32, #tpu.memory_space<vmem>> -> memref<1x512xi32, #tpu.memory_space<vmem>>
    %dma_wait3A_99 = tpu.memref_squeeze %dma_wait3A_98 : memref<1x512xi32, #tpu.memory_space<vmem>> -> memref<512xi32, #tpu.memory_space<vmem>>
    %dma_wait3A_100 = tpu.memref_slice %arg2[%dma_wait3A_94, %mul3A_2] : memref<26x16384xi32, #tpu.memory_space<hbm>> -> memref<1x512xi32, #tpu.memory_space<hbm>>
    %dma_wait3A_101 = tpu.memref_squeeze %dma_wait3A_100 : memref<1x512xi32, #tpu.memory_space<hbm>> -> memref<512xi32, #tpu.memory_space<hbm>>
    %dma_wait3A_102 = tpu.memref_slice %arg7[%dma_wait3A_96] : memref<2x!tpu.dma_semaphore, #tpu.memory_space<semaphore_mem>> -> memref<1x!tpu.dma_semaphore, #tpu.memory_space<semaphore_mem>>
    %dma_wait3A_103 = tpu.memref_squeeze %dma_wait3A_102 : memref<1x!tpu.dma_semaphore, #tpu.memory_space<semaphore_mem>> -> memref<!tpu.dma_semaphore, #tpu.memory_space<semaphore_mem>>
    %dma_wait3A_104 = arith.constant 0 : i32
    %dma_wait3A_105 = tpu.memref_slice %arg5[%dma_wait3A_95, %dma_wait3A_104] : memref<2x512xi32, #tpu.memory_space<vmem>> -> memref<1x512xi32, #tpu.memory_space<vmem>>
    %dma_wait3A_106 = tpu.memref_squeeze %dma_wait3A_105 : memref<1x512xi32, #tpu.memory_space<vmem>> -> memref<512xi32, #tpu.memory_space<vmem>>
    %dma_wait3A_107 = tpu.memref_slice %arg2[%dma_wait3A_94, %mul3A_2] : memref<26x16384xi32, #tpu.memory_space<hbm>> -> memref<1x512xi32, #tpu.memory_space<hbm>>
    %dma_wait3A_108 = tpu.memref_squeeze %dma_wait3A_107 : memref<1x512xi32, #tpu.memory_space<hbm>> -> memref<512xi32, #tpu.memory_space<hbm>>
    tpu.wait_dma2 semaphore(%dma_wait3A_103 : memref<!tpu.dma_semaphore, #tpu.memory_space<semaphore_mem>>) src(%dma_wait3A_108 : memref<512xi32, #tpu.memory_space<hbm>>) dst(%dma_wait3A_106 : memref<512xi32, #tpu.memory_space<vmem>>)
    %dma_start3A_109 = arith.constant 1 : i32
    %dma_start3A_110 = arith.constant 1 : i32
    %dma_start3A_111 = arith.constant 1 : i32
    %dma_start3A_112 = arith.constant 0 : i32
    %dma_start3A_113 = arith.constant 0 : i32
    %dma_start3A_114 = tpu.memref_slice %arg6[%dma_start3A_110, %dma_start3A_112, %dma_start3A_113] : memref<2x512x64xf32, #tpu.memory_space<vmem>> -> memref<1x512x64xf32, #tpu.memory_space<vmem>>
    %dma_start3A_115 = tpu.memref_squeeze %dma_start3A_114 : memref<1x512x64xf32, #tpu.memory_space<vmem>> -> memref<512x64xf32, #tpu.memory_space<vmem>>
    %dma_start3A_116 = arith.constant 0 : i32
    %dma_start3A_117 = tpu.memref_slice %arg5[%dma_start3A_109, %dma_start3A_116] : memref<2x512xi32, #tpu.memory_space<vmem>> -> memref<1x512xi32, #tpu.memory_space<vmem>>
    %dma_start3A_118 = tpu.memref_squeeze %dma_start3A_117 : memref<1x512xi32, #tpu.memory_space<vmem>> -> memref<512xi32, #tpu.memory_space<vmem>>
    %dma_start3A_119 = arith.constant 0 : i32
    %dma_start3A_120 = arith.constant 0 : i32
    %dma_start3A_121 = tpu.memref_slice %arg3[%dma_start3A_119, %dma_start3A_120] : memref<1000000x64xf32, #tpu.memory_space<hbm>> -> memref<1000000x64xf32, #tpu.memory_space<hbm>>
    %dma_start3A_122 = tpu.memref_slice %arg8[%dma_start3A_111] : memref<2x!tpu.dma_semaphore, #tpu.memory_space<semaphore_mem>> -> memref<1x!tpu.dma_semaphore, #tpu.memory_space<semaphore_mem>>
    %dma_start3A_123 = tpu.memref_squeeze %dma_start3A_122 : memref<1x!tpu.dma_semaphore, #tpu.memory_space<semaphore_mem>> -> memref<!tpu.dma_semaphore, #tpu.memory_space<semaphore_mem>>
    tpu.enqueue_indirect_dma source(%dma_start3A_121 : memref<1000000x64xf32, #tpu.memory_space<hbm>>) target(%dma_start3A_115 : memref<512x64xf32, #tpu.memory_space<vmem>>) offsets(%dma_start3A_118 : memref<512xi32, #tpu.memory_space<vmem>>) semaphore(%dma_start3A_123 : memref<!tpu.dma_semaphore, #tpu.memory_space<semaphore_mem>>)
    %dma_start3A_124 = arith.constant 2 : i32
    %dma_start3A_125 = arith.constant 0 : i32
    %dma_start3A_126 = arith.constant 0 : i32
    %dma_start3A_127 = arith.constant 0 : i32
    %dma_start3A_128 = tpu.memref_slice %arg5[%dma_start3A_125, %dma_start3A_127] : memref<2x512xi32, #tpu.memory_space<vmem>> -> memref<1x512xi32, #tpu.memory_space<vmem>>
    %dma_start3A_129 = tpu.memref_squeeze %dma_start3A_128 : memref<1x512xi32, #tpu.memory_space<vmem>> -> memref<512xi32, #tpu.memory_space<vmem>>
    %dma_start3A_130 = tpu.memref_slice %arg2[%dma_start3A_124, %mul3A_2] : memref<26x16384xi32, #tpu.memory_space<hbm>> -> memref<1x512xi32, #tpu.memory_space<hbm>>
    %dma_start3A_131 = tpu.memref_squeeze %dma_start3A_130 : memref<1x512xi32, #tpu.memory_space<hbm>> -> memref<512xi32, #tpu.memory_space<hbm>>
    %dma_start3A_132 = tpu.memref_slice %arg7[%dma_start3A_126] : memref<2x!tpu.dma_semaphore, #tpu.memory_space<semaphore_mem>> -> memref<1x!tpu.dma_semaphore, #tpu.memory_space<semaphore_mem>>
    %dma_start3A_133 = tpu.memref_squeeze %dma_start3A_132 : memref<1x!tpu.dma_semaphore, #tpu.memory_space<semaphore_mem>> -> memref<!tpu.dma_semaphore, #tpu.memory_space<semaphore_mem>>
    %dma_start3A_134 = arith.constant 0 : i32
    %dma_start3A_135 = tpu.memref_slice %arg5[%dma_start3A_125, %dma_start3A_134] : memref<2x512xi32, #tpu.memory_space<vmem>> -> memref<1x512xi32, #tpu.memory_space<vmem>>
    %dma_start3A_136 = tpu.memref_squeeze %dma_start3A_135 : memref<1x512xi32, #tpu.memory_space<vmem>> -> memref<512xi32, #tpu.memory_space<vmem>>
    %dma_start3A_137 = tpu.memref_slice %arg2[%dma_start3A_124, %mul3A_2] : memref<26x16384xi32, #tpu.memory_space<hbm>> -> memref<1x512xi32, #tpu.memory_space<hbm>>
    %dma_start3A_138 = tpu.memref_squeeze %dma_start3A_137 : memref<1x512xi32, #tpu.memory_space<hbm>> -> memref<512xi32, #tpu.memory_space<hbm>>
    tpu.enqueue_dma source(%dma_start3A_138 : memref<512xi32, #tpu.memory_space<hbm>>) target(%dma_start3A_136 : memref<512xi32, #tpu.memory_space<vmem>>) target_semaphore(%dma_start3A_133 : memref<!tpu.dma_semaphore, #tpu.memory_space<semaphore_mem>>)
    %dma_wait3A_139 = arith.constant 1 : i32
    %dma_wait3A_140 = arith.constant 1 : i32
    %dma_wait3A_141 = arith.constant 1 : i32
    %dma_wait3A_142 = arith.constant 0 : i32
    %dma_wait3A_143 = arith.constant 0 : i32
    %dma_wait3A_144 = tpu.memref_slice %arg6[%dma_wait3A_140, %dma_wait3A_142, %dma_wait3A_143] : memref<2x512x64xf32, #tpu.memory_space<vmem>> -> memref<1x512x64xf32, #tpu.memory_space<vmem>>
    %dma_wait3A_145 = tpu.memref_squeeze %dma_wait3A_144 : memref<1x512x64xf32, #tpu.memory_space<vmem>> -> memref<512x64xf32, #tpu.memory_space<vmem>>
    %dma_wait3A_146 = arith.constant 0 : i32
    %dma_wait3A_147 = tpu.memref_slice %arg5[%dma_wait3A_139, %dma_wait3A_146] : memref<2x512xi32, #tpu.memory_space<vmem>> -> memref<1x512xi32, #tpu.memory_space<vmem>>
    %dma_wait3A_148 = tpu.memref_squeeze %dma_wait3A_147 : memref<1x512xi32, #tpu.memory_space<vmem>> -> memref<512xi32, #tpu.memory_space<vmem>>
    %dma_wait3A_149 = arith.constant 0 : i32
    %dma_wait3A_150 = arith.constant 0 : i32
    %dma_wait3A_151 = tpu.memref_slice %arg3[%dma_wait3A_149, %dma_wait3A_150] : memref<1000000x64xf32, #tpu.memory_space<hbm>> -> memref<1000000x64xf32, #tpu.memory_space<hbm>>
    %dma_wait3A_152 = tpu.memref_slice %arg8[%dma_wait3A_141] : memref<2x!tpu.dma_semaphore, #tpu.memory_space<semaphore_mem>> -> memref<1x!tpu.dma_semaphore, #tpu.memory_space<semaphore_mem>>
    %dma_wait3A_153 = tpu.memref_squeeze %dma_wait3A_152 : memref<1x!tpu.dma_semaphore, #tpu.memory_space<semaphore_mem>> -> memref<!tpu.dma_semaphore, #tpu.memory_space<semaphore_mem>>
    tpu.wait_indirect_dma semaphore(%dma_wait3A_153 : memref<!tpu.dma_semaphore, #tpu.memory_space<semaphore_mem>>) src(%dma_wait3A_151 : memref<1000000x64xf32, #tpu.memory_space<hbm>>) dst(%dma_wait3A_145 : memref<512x64xf32, #tpu.memory_space<vmem>>)
    %add3A_154 = arith.constant 16384 : i32
    %add3A_155 = arith.addi %add3A_154, %mul3A_2 : i32
    %dma_start3A_156 = arith.constant 1 : i32
    %dma_start3A_157 = arith.constant 1 : i32
    %dma_start3A_158 = arith.constant 0 : i32
    %dma_start3A_159 = arith.constant 0 : i32
    %dma_start3A_160 = tpu.memref_slice %arg6[%dma_start3A_156, %dma_start3A_158, %dma_start3A_159] : memref<2x512x64xf32, #tpu.memory_space<vmem>> -> memref<1x512x64xf32, #tpu.memory_space<vmem>>
    %dma_start3A_161 = tpu.memref_squeeze %dma_start3A_160 : memref<1x512x64xf32, #tpu.memory_space<vmem>> -> memref<512x64xf32, #tpu.memory_space<vmem>>
    %dma_start3A_162 = arith.constant 0 : i32
    %dma_start3A_163 = tpu.memref_slice %arg4[%add3A_155, %dma_start3A_162] : memref<425984x64xf32, #tpu.memory_space<hbm>> -> memref<512x64xf32, #tpu.memory_space<hbm>>
    %dma_start3A_164 = tpu.memref_slice %arg9[%dma_start3A_157] : memref<2x!tpu.dma_semaphore, #tpu.memory_space<semaphore_mem>> -> memref<1x!tpu.dma_semaphore, #tpu.memory_space<semaphore_mem>>
    %dma_start3A_165 = tpu.memref_squeeze %dma_start3A_164 : memref<1x!tpu.dma_semaphore, #tpu.memory_space<semaphore_mem>> -> memref<!tpu.dma_semaphore, #tpu.memory_space<semaphore_mem>>
    %dma_start3A_166 = arith.constant 0 : i32
    %dma_start3A_167 = tpu.memref_slice %arg4[%add3A_155, %dma_start3A_166] : memref<425984x64xf32, #tpu.memory_space<hbm>> -> memref<512x64xf32, #tpu.memory_space<hbm>>
    %dma_start3A_168 = arith.constant 0 : i32
    %dma_start3A_169 = arith.constant 0 : i32
    %dma_start3A_170 = tpu.memref_slice %arg6[%dma_start3A_156, %dma_start3A_168, %dma_start3A_169] : memref<2x512x64xf32, #tpu.memory_space<vmem>> -> memref<1x512x64xf32, #tpu.memory_space<vmem>>
    %dma_start3A_171 = tpu.memref_squeeze %dma_start3A_170 : memref<1x512x64xf32, #tpu.memory_space<vmem>> -> memref<512x64xf32, #tpu.memory_space<vmem>>
    tpu.enqueue_dma source(%dma_start3A_171 : memref<512x64xf32, #tpu.memory_space<vmem>>) target(%dma_start3A_167 : memref<512x64xf32, #tpu.memory_space<hbm>>) target_semaphore(%dma_start3A_165 : memref<!tpu.dma_semaphore, #tpu.memory_space<semaphore_mem>>)
    %add3A_172 = arith.constant 0 : i32
    %add3A_173 = arith.addi %add3A_172, %mul3A_2 : i32
    %dma_wait3A_174 = arith.constant 0 : i32
    %dma_wait3A_175 = arith.constant 0 : i32
    %dma_wait3A_176 = arith.constant 0 : i32
    %dma_wait3A_177 = arith.constant 0 : i32
    %dma_wait3A_178 = tpu.memref_slice %arg6[%dma_wait3A_174, %dma_wait3A_176, %dma_wait3A_177] : memref<2x512x64xf32, #tpu.memory_space<vmem>> -> memref<1x512x64xf32, #tpu.memory_space<vmem>>
    %dma_wait3A_179 = tpu.memref_squeeze %dma_wait3A_178 : memref<1x512x64xf32, #tpu.memory_space<vmem>> -> memref<512x64xf32, #tpu.memory_space<vmem>>
    %dma_wait3A_180 = arith.constant 0 : i32
    %dma_wait3A_181 = tpu.memref_slice %arg4[%add3A_173, %dma_wait3A_180] : memref<425984x64xf32, #tpu.memory_space<hbm>> -> memref<512x64xf32, #tpu.memory_space<hbm>>
    %dma_wait3A_182 = tpu.memref_slice %arg9[%dma_wait3A_175] : memref<2x!tpu.dma_semaphore, #tpu.memory_space<semaphore_mem>> -> memref<1x!tpu.dma_semaphore, #tpu.memory_space<semaphore_mem>>
    %dma_wait3A_183 = tpu.memref_squeeze %dma_wait3A_182 : memref<1x!tpu.dma_semaphore, #tpu.memory_space<semaphore_mem>> -> memref<!tpu.dma_semaphore, #tpu.memory_space<semaphore_mem>>
    %dma_wait3A_184 = arith.constant 0 : i32
    %dma_wait3A_185 = tpu.memref_slice %arg4[%add3A_173, %dma_wait3A_184] : memref<425984x64xf32, #tpu.memory_space<hbm>> -> memref<512x64xf32, #tpu.memory_space<hbm>>
    %dma_wait3A_186 = arith.constant 0 : i32
    %dma_wait3A_187 = arith.constant 0 : i32
    %dma_wait3A_188 = tpu.memref_slice %arg6[%dma_wait3A_174, %dma_wait3A_186, %dma_wait3A_187] : memref<2x512x64xf32, #tpu.memory_space<vmem>> -> memref<1x512x64xf32, #tpu.memory_space<vmem>>
    %dma_wait3A_189 = tpu.memref_squeeze %dma_wait3A_188 : memref<1x512x64xf32, #tpu.memory_space<vmem>> -> memref<512x64xf32, #tpu.memory_space<vmem>>
    tpu.wait_dma2 semaphore(%dma_wait3A_183 : memref<!tpu.dma_semaphore, #tpu.memory_space<semaphore_mem>>) src(%dma_wait3A_189 : memref<512x64xf32, #tpu.memory_space<vmem>>) dst(%dma_wait3A_185 : memref<512x64xf32, #tpu.memory_space<hbm>>)
    %dma_wait3A_190 = arith.constant 2 : i32
    %dma_wait3A_191 = arith.constant 0 : i32
    %dma_wait3A_192 = arith.constant 0 : i32
    %dma_wait3A_193 = arith.constant 0 : i32
    %dma_wait3A_194 = tpu.memref_slice %arg5[%dma_wait3A_191, %dma_wait3A_193] : memref<2x512xi32, #tpu.memory_space<vmem>> -> memref<1x512xi32, #tpu.memory_space<vmem>>
    %dma_wait3A_195 = tpu.memref_squeeze %dma_wait3A_194 : memref<1x512xi32, #tpu.memory_space<vmem>> -> memref<512xi32, #tpu.memory_space<vmem>>
    %dma_wait3A_196 = tpu.memref_slice %arg2[%dma_wait3A_190, %mul3A_2] : memref<26x16384xi32, #tpu.memory_space<hbm>> -> memref<1x512xi32, #tpu.memory_space<hbm>>
    %dma_wait3A_197 = tpu.memref_squeeze %dma_wait3A_196 : memref<1x512xi32, #tpu.memory_space<hbm>> -> memref<512xi32, #tpu.memory_space<hbm>>
    %dma_wait3A_198 = tpu.memref_slice %arg7[%dma_wait3A_192] : memref<2x!tpu.dma_semaphore, #tpu.memory_space<semaphore_mem>> -> memref<1x!tpu.dma_semaphore, #tpu.memory_space<semaphore_mem>>
    %dma_wait3A_199 = tpu.memref_squeeze %dma_wait3A_198 : memref<1x!tpu.dma_semaphore, #tpu.memory_space<semaphore_mem>> -> memref<!tpu.dma_semaphore, #tpu.memory_space<semaphore_mem>>
    %dma_wait3A_200 = arith.constant 0 : i32
    %dma_wait3A_201 = tpu.memref_slice %arg5[%dma_wait3A_191, %dma_wait3A_200] : memref<2x512xi32, #tpu.memory_space<vmem>> -> memref<1x512xi32, #tpu.memory_space<vmem>>
    %dma_wait3A_202 = tpu.memref_squeeze %dma_wait3A_201 : memref<1x512xi32, #tpu.memory_space<vmem>> -> memref<512xi32, #tpu.memory_space<vmem>>
    %dma_wait3A_203 = tpu.memref_slice %arg2[%dma_wait3A_190, %mul3A_2] : memref<26x16384xi32, #tpu.memory_space<hbm>> -> memref<1x512xi32, #tpu.memory_space<hbm>>
    %dma_wait3A_204 = tpu.memref_squeeze %dma_wait3A_203 : memref<1x512xi32, #tpu.memory_space<hbm>> -> memref<512xi32, #tpu.memory_space<hbm>>
    tpu.wait_dma2 semaphore(%dma_wait3A_199 : memref<!tpu.dma_semaphore, #tpu.memory_space<semaphore_mem>>) src(%dma_wait3A_204 : memref<512xi32, #tpu.memory_space<hbm>>) dst(%dma_wait3A_202 : memref<512xi32, #tpu.memory_space<vmem>>)
    %dma_start3A_205 = arith.constant 0 : i32
    %dma_start3A_206 = arith.constant 0 : i32
    %dma_start3A_207 = arith.constant 0 : i32
    %dma_start3A_208 = arith.constant 0 : i32
    %dma_start3A_209 = arith.constant 0 : i32
    %dma_start3A_210 = tpu.memref_slice %arg6[%dma_start3A_206, %dma_start3A_208, %dma_start3A_209] : memref<2x512x64xf32, #tpu.memory_space<vmem>> -> memref<1x512x64xf32, #tpu.memory_space<vmem>>
    %dma_start3A_211 = tpu.memref_squeeze %dma_start3A_210 : memref<1x512x64xf32, #tpu.memory_space<vmem>> -> memref<512x64xf32, #tpu.memory_space<vmem>>
    %dma_start3A_212 = arith.constant 0 : i32
    %dma_start3A_213 = tpu.memref_slice %arg5[%dma_start3A_205, %dma_start3A_212] : memref<2x512xi32, #tpu.memory_space<vmem>> -> memref<1x512xi32, #tpu.memory_space<vmem>>
    %dma_start3A_214 = tpu.memref_squeeze %dma_start3A_213 : memref<1x512xi32, #tpu.memory_space<vmem>> -> memref<512xi32, #tpu.memory_space<vmem>>
    %dma_start3A_215 = arith.constant 0 : i32
    %dma_start3A_216 = arith.constant 0 : i32
    %dma_start3A_217 = tpu.memref_slice %arg3[%dma_start3A_215, %dma_start3A_216] : memref<1000000x64xf32, #tpu.memory_space<hbm>> -> memref<1000000x64xf32, #tpu.memory_space<hbm>>
    %dma_start3A_218 = tpu.memref_slice %arg8[%dma_start3A_207] : memref<2x!tpu.dma_semaphore, #tpu.memory_space<semaphore_mem>> -> memref<1x!tpu.dma_semaphore, #tpu.memory_space<semaphore_mem>>
    %dma_start3A_219 = tpu.memref_squeeze %dma_start3A_218 : memref<1x!tpu.dma_semaphore, #tpu.memory_space<semaphore_mem>> -> memref<!tpu.dma_semaphore, #tpu.memory_space<semaphore_mem>>
    tpu.enqueue_indirect_dma source(%dma_start3A_217 : memref<1000000x64xf32, #tpu.memory_space<hbm>>) target(%dma_start3A_211 : memref<512x64xf32, #tpu.memory_space<vmem>>) offsets(%dma_start3A_214 : memref<512xi32, #tpu.memory_space<vmem>>) semaphore(%dma_start3A_219 : memref<!tpu.dma_semaphore, #tpu.memory_space<semaphore_mem>>)
    %dma_start3A_220 = arith.constant 3 : i32
    %dma_start3A_221 = arith.constant 1 : i32
    %dma_start3A_222 = arith.constant 1 : i32
    %dma_start3A_223 = arith.constant 0 : i32
    %dma_start3A_224 = tpu.memref_slice %arg5[%dma_start3A_221, %dma_start3A_223] : memref<2x512xi32, #tpu.memory_space<vmem>> -> memref<1x512xi32, #tpu.memory_space<vmem>>
    %dma_start3A_225 = tpu.memref_squeeze %dma_start3A_224 : memref<1x512xi32, #tpu.memory_space<vmem>> -> memref<512xi32, #tpu.memory_space<vmem>>
    %dma_start3A_226 = tpu.memref_slice %arg2[%dma_start3A_220, %mul3A_2] : memref<26x16384xi32, #tpu.memory_space<hbm>> -> memref<1x512xi32, #tpu.memory_space<hbm>>
    %dma_start3A_227 = tpu.memref_squeeze %dma_start3A_226 : memref<1x512xi32, #tpu.memory_space<hbm>> -> memref<512xi32, #tpu.memory_space<hbm>>
    %dma_start3A_228 = tpu.memref_slice %arg7[%dma_start3A_222] : memref<2x!tpu.dma_semaphore, #tpu.memory_space<semaphore_mem>> -> memref<1x!tpu.dma_semaphore, #tpu.memory_space<semaphore_mem>>
    %dma_start3A_229 = tpu.memref_squeeze %dma_start3A_228 : memref<1x!tpu.dma_semaphore, #tpu.memory_space<semaphore_mem>> -> memref<!tpu.dma_semaphore, #tpu.memory_space<semaphore_mem>>
    %dma_start3A_230 = arith.constant 0 : i32
    %dma_start3A_231 = tpu.memref_slice %arg5[%dma_start3A_221, %dma_start3A_230] : memref<2x512xi32, #tpu.memory_space<vmem>> -> memref<1x512xi32, #tpu.memory_space<vmem>>
    %dma_start3A_232 = tpu.memref_squeeze %dma_start3A_231 : memref<1x512xi32, #tpu.memory_space<vmem>> -> memref<512xi32, #tpu.memory_space<vmem>>
    %dma_start3A_233 = tpu.memref_slice %arg2[%dma_start3A_220, %mul3A_2] : memref<26x16384xi32, #tpu.memory_space<hbm>> -> memref<1x512xi32, #tpu.memory_space<hbm>>
    %dma_start3A_234 = tpu.memref_squeeze %dma_start3A_233 : memref<1x512xi32, #tpu.memory_space<hbm>> -> memref<512xi32, #tpu.memory_space<hbm>>
    tpu.enqueue_dma source(%dma_start3A_234 : memref<512xi32, #tpu.memory_space<hbm>>) target(%dma_start3A_232 : memref<512xi32, #tpu.memory_space<vmem>>) target_semaphore(%dma_start3A_229 : memref<!tpu.dma_semaphore, #tpu.memory_space<semaphore_mem>>)
    %dma_wait3A_235 = arith.constant 0 : i32
    %dma_wait3A_236 = arith.constant 0 : i32
    %dma_wait3A_237 = arith.constant 0 : i32
    %dma_wait3A_238 = arith.constant 0 : i32
    %dma_wait3A_239 = arith.constant 0 : i32
    %dma_wait3A_240 = tpu.memref_slice %arg6[%dma_wait3A_236, %dma_wait3A_238, %dma_wait3A_239] : memref<2x512x64xf32, #tpu.memory_space<vmem>> -> memref<1x512x64xf32, #tpu.memory_space<vmem>>
    %dma_wait3A_241 = tpu.memref_squeeze %dma_wait3A_240 : memref<1x512x64xf32, #tpu.memory_space<vmem>> -> memref<512x64xf32, #tpu.memory_space<vmem>>
    %dma_wait3A_242 = arith.constant 0 : i32
    %dma_wait3A_243 = tpu.memref_slice %arg5[%dma_wait3A_235, %dma_wait3A_242] : memref<2x512xi32, #tpu.memory_space<vmem>> -> memref<1x512xi32, #tpu.memory_space<vmem>>
    %dma_wait3A_244 = tpu.memref_squeeze %dma_wait3A_243 : memref<1x512xi32, #tpu.memory_space<vmem>> -> memref<512xi32, #tpu.memory_space<vmem>>
    %dma_wait3A_245 = arith.constant 0 : i32
    %dma_wait3A_246 = arith.constant 0 : i32
    %dma_wait3A_247 = tpu.memref_slice %arg3[%dma_wait3A_245, %dma_wait3A_246] : memref<1000000x64xf32, #tpu.memory_space<hbm>> -> memref<1000000x64xf32, #tpu.memory_space<hbm>>
    %dma_wait3A_248 = tpu.memref_slice %arg8[%dma_wait3A_237] : memref<2x!tpu.dma_semaphore, #tpu.memory_space<semaphore_mem>> -> memref<1x!tpu.dma_semaphore, #tpu.memory_space<semaphore_mem>>
    %dma_wait3A_249 = tpu.memref_squeeze %dma_wait3A_248 : memref<1x!tpu.dma_semaphore, #tpu.memory_space<semaphore_mem>> -> memref<!tpu.dma_semaphore, #tpu.memory_space<semaphore_mem>>
    tpu.wait_indirect_dma semaphore(%dma_wait3A_249 : memref<!tpu.dma_semaphore, #tpu.memory_space<semaphore_mem>>) src(%dma_wait3A_247 : memref<1000000x64xf32, #tpu.memory_space<hbm>>) dst(%dma_wait3A_241 : memref<512x64xf32, #tpu.memory_space<vmem>>)
    %add3A_250 = arith.constant 32768 : i32
    %add3A_251 = arith.addi %add3A_250, %mul3A_2 : i32
    %dma_start3A_252 = arith.constant 0 : i32
    %dma_start3A_253 = arith.constant 0 : i32
    %dma_start3A_254 = arith.constant 0 : i32
    %dma_start3A_255 = arith.constant 0 : i32
    %dma_start3A_256 = tpu.memref_slice %arg6[%dma_start3A_252, %dma_start3A_254, %dma_start3A_255] : memref<2x512x64xf32, #tpu.memory_space<vmem>> -> memref<1x512x64xf32, #tpu.memory_space<vmem>>
    %dma_start3A_257 = tpu.memref_squeeze %dma_start3A_256 : memref<1x512x64xf32, #tpu.memory_space<vmem>> -> memref<512x64xf32, #tpu.memory_space<vmem>>
    %dma_start3A_258 = arith.constant 0 : i32
    %dma_start3A_259 = tpu.memref_slice %arg4[%add3A_251, %dma_start3A_258] : memref<425984x64xf32, #tpu.memory_space<hbm>> -> memref<512x64xf32, #tpu.memory_space<hbm>>
    %dma_start3A_260 = tpu.memref_slice %arg9[%dma_start3A_253] : memref<2x!tpu.dma_semaphore, #tpu.memory_space<semaphore_mem>> -> memref<1x!tpu.dma_semaphore, #tpu.memory_space<semaphore_mem>>
    %dma_start3A_261 = tpu.memref_squeeze %dma_start3A_260 : memref<1x!tpu.dma_semaphore, #tpu.memory_space<semaphore_mem>> -> memref<!tpu.dma_semaphore, #tpu.memory_space<semaphore_mem>>
    %dma_start3A_262 = arith.constant 0 : i32
    %dma_start3A_263 = tpu.memref_slice %arg4[%add3A_251, %dma_start3A_262] : memref<425984x64xf32, #tpu.memory_space<hbm>> -> memref<512x64xf32, #tpu.memory_space<hbm>>
    %dma_start3A_264 = arith.constant 0 : i32
    %dma_start3A_265 = arith.constant 0 : i32
    %dma_start3A_266 = tpu.memref_slice %arg6[%dma_start3A_252, %dma_start3A_264, %dma_start3A_265] : memref<2x512x64xf32, #tpu.memory_space<vmem>> -> memref<1x512x64xf32, #tpu.memory_space<vmem>>
    %dma_start3A_267 = tpu.memref_squeeze %dma_start3A_266 : memref<1x512x64xf32, #tpu.memory_space<vmem>> -> memref<512x64xf32, #tpu.memory_space<vmem>>
    tpu.enqueue_dma source(%dma_start3A_267 : memref<512x64xf32, #tpu.memory_space<vmem>>) target(%dma_start3A_263 : memref<512x64xf32, #tpu.memory_space<hbm>>) target_semaphore(%dma_start3A_261 : memref<!tpu.dma_semaphore, #tpu.memory_space<semaphore_mem>>)
    %add3A_268 = arith.constant 16384 : i32
    %add3A_269 = arith.addi %add3A_268, %mul3A_2 : i32
    %dma_wait3A_270 = arith.constant 1 : i32
    %dma_wait3A_271 = arith.constant 1 : i32
    %dma_wait3A_272 = arith.constant 0 : i32
    %dma_wait3A_273 = arith.constant 0 : i32
    %dma_wait3A_274 = tpu.memref_slice %arg6[%dma_wait3A_270, %dma_wait3A_272, %dma_wait3A_273] : memref<2x512x64xf32, #tpu.memory_space<vmem>> -> memref<1x512x64xf32, #tpu.memory_space<vmem>>
    %dma_wait3A_275 = tpu.memref_squeeze %dma_wait3A_274 : memref<1x512x64xf32, #tpu.memory_space<vmem>> -> memref<512x64xf32, #tpu.memory_space<vmem>>
    %dma_wait3A_276 = arith.constant 0 : i32
    %dma_wait3A_277 = tpu.memref_slice %arg4[%add3A_269, %dma_wait3A_276] : memref<425984x64xf32, #tpu.memory_space<hbm>> -> memref<512x64xf32, #tpu.memory_space<hbm>>
    %dma_wait3A_278 = tpu.memref_slice %arg9[%dma_wait3A_271] : memref<2x!tpu.dma_semaphore, #tpu.memory_space<semaphore_mem>> -> memref<1x!tpu.dma_semaphore, #tpu.memory_space<semaphore_mem>>
    %dma_wait3A_279 = tpu.memref_squeeze %dma_wait3A_278 : memref<1x!tpu.dma_semaphore, #tpu.memory_space<semaphore_mem>> -> memref<!tpu.dma_semaphore, #tpu.memory_space<semaphore_mem>>
    %dma_wait3A_280 = arith.constant 0 : i32
    %dma_wait3A_281 = tpu.memref_slice %arg4[%add3A_269, %dma_wait3A_280] : memref<425984x64xf32, #tpu.memory_space<hbm>> -> memref<512x64xf32, #tpu.memory_space<hbm>>
    %dma_wait3A_282 = arith.constant 0 : i32
    %dma_wait3A_283 = arith.constant 0 : i32
    %dma_wait3A_284 = tpu.memref_slice %arg6[%dma_wait3A_270, %dma_wait3A_282, %dma_wait3A_283] : memref<2x512x64xf32, #tpu.memory_space<vmem>> -> memref<1x512x64xf32, #tpu.memory_space<vmem>>
    %dma_wait3A_285 = tpu.memref_squeeze %dma_wait3A_284 : memref<1x512x64xf32, #tpu.memory_space<vmem>> -> memref<512x64xf32, #tpu.memory_space<vmem>>
    tpu.wait_dma2 semaphore(%dma_wait3A_279 : memref<!tpu.dma_semaphore, #tpu.memory_space<semaphore_mem>>) src(%dma_wait3A_285 : memref<512x64xf32, #tpu.memory_space<vmem>>) dst(%dma_wait3A_281 : memref<512x64xf32, #tpu.memory_space<hbm>>)
    %dma_wait3A_286 = arith.constant 3 : i32
    %dma_wait3A_287 = arith.constant 1 : i32
    %dma_wait3A_288 = arith.constant 1 : i32
    %dma_wait3A_289 = arith.constant 0 : i32
    %dma_wait3A_290 = tpu.memref_slice %arg5[%dma_wait3A_287, %dma_wait3A_289] : memref<2x512xi32, #tpu.memory_space<vmem>> -> memref<1x512xi32, #tpu.memory_space<vmem>>
    %dma_wait3A_291 = tpu.memref_squeeze %dma_wait3A_290 : memref<1x512xi32, #tpu.memory_space<vmem>> -> memref<512xi32, #tpu.memory_space<vmem>>
    %dma_wait3A_292 = tpu.memref_slice %arg2[%dma_wait3A_286, %mul3A_2] : memref<26x16384xi32, #tpu.memory_space<hbm>> -> memref<1x512xi32, #tpu.memory_space<hbm>>
    %dma_wait3A_293 = tpu.memref_squeeze %dma_wait3A_292 : memref<1x512xi32, #tpu.memory_space<hbm>> -> memref<512xi32, #tpu.memory_space<hbm>>
    %dma_wait3A_294 = tpu.memref_slice %arg7[%dma_wait3A_288] : memref<2x!tpu.dma_semaphore, #tpu.memory_space<semaphore_mem>> -> memref<1x!tpu.dma_semaphore, #tpu.memory_space<semaphore_mem>>
    %dma_wait3A_295 = tpu.memref_squeeze %dma_wait3A_294 : memref<1x!tpu.dma_semaphore, #tpu.memory_space<semaphore_mem>> -> memref<!tpu.dma_semaphore, #tpu.memory_space<semaphore_mem>>
    %dma_wait3A_296 = arith.constant 0 : i32
    %dma_wait3A_297 = tpu.memref_slice %arg5[%dma_wait3A_287, %dma_wait3A_296] : memref<2x512xi32, #tpu.memory_space<vmem>> -> memref<1x512xi32, #tpu.memory_space<vmem>>
    %dma_wait3A_298 = tpu.memref_squeeze %dma_wait3A_297 : memref<1x512xi32, #tpu.memory_space<vmem>> -> memref<512xi32, #tpu.memory_space<vmem>>
    %dma_wait3A_299 = tpu.memref_slice %arg2[%dma_wait3A_286, %mul3A_2] : memref<26x16384xi32, #tpu.memory_space<hbm>> -> memref<1x512xi32, #tpu.memory_space<hbm>>
    %dma_wait3A_300 = tpu.memref_squeeze %dma_wait3A_299 : memref<1x512xi32, #tpu.memory_space<hbm>> -> memref<512xi32, #tpu.memory_space<hbm>>
    tpu.wait_dma2 semaphore(%dma_wait3A_295 : memref<!tpu.dma_semaphore, #tpu.memory_space<semaphore_mem>>) src(%dma_wait3A_300 : memref<512xi32, #tpu.memory_space<hbm>>) dst(%dma_wait3A_298 : memref<512xi32, #tpu.memory_space<vmem>>)
    %dma_start3A_301 = arith.constant 1 : i32
    %dma_start3A_302 = arith.constant 1 : i32
    %dma_start3A_303 = arith.constant 1 : i32
    %dma_start3A_304 = arith.constant 0 : i32
    %dma_start3A_305 = arith.constant 0 : i32
    %dma_start3A_306 = tpu.memref_slice %arg6[%dma_start3A_302, %dma_start3A_304, %dma_start3A_305] : memref<2x512x64xf32, #tpu.memory_space<vmem>> -> memref<1x512x64xf32, #tpu.memory_space<vmem>>
    %dma_start3A_307 = tpu.memref_squeeze %dma_start3A_306 : memref<1x512x64xf32, #tpu.memory_space<vmem>> -> memref<512x64xf32, #tpu.memory_space<vmem>>
    %dma_start3A_308 = arith.constant 0 : i32
    %dma_start3A_309 = tpu.memref_slice %arg5[%dma_start3A_301, %dma_start3A_308] : memref<2x512xi32, #tpu.memory_space<vmem>> -> memref<1x512xi32, #tpu.memory_space<vmem>>
    %dma_start3A_310 = tpu.memref_squeeze %dma_start3A_309 : memref<1x512xi32, #tpu.memory_space<vmem>> -> memref<512xi32, #tpu.memory_space<vmem>>
    %dma_start3A_311 = arith.constant 0 : i32
    %dma_start3A_312 = arith.constant 0 : i32
    %dma_start3A_313 = tpu.memref_slice %arg3[%dma_start3A_311, %dma_start3A_312] : memref<1000000x64xf32, #tpu.memory_space<hbm>> -> memref<1000000x64xf32, #tpu.memory_space<hbm>>
    %dma_start3A_314 = tpu.memref_slice %arg8[%dma_start3A_303] : memref<2x!tpu.dma_semaphore, #tpu.memory_space<semaphore_mem>> -> memref<1x!tpu.dma_semaphore, #tpu.memory_space<semaphore_mem>>
    %dma_start3A_315 = tpu.memref_squeeze %dma_start3A_314 : memref<1x!tpu.dma_semaphore, #tpu.memory_space<semaphore_mem>> -> memref<!tpu.dma_semaphore, #tpu.memory_space<semaphore_mem>>
    tpu.enqueue_indirect_dma source(%dma_start3A_313 : memref<1000000x64xf32, #tpu.memory_space<hbm>>) target(%dma_start3A_307 : memref<512x64xf32, #tpu.memory_space<vmem>>) offsets(%dma_start3A_310 : memref<512xi32, #tpu.memory_space<vmem>>) semaphore(%dma_start3A_315 : memref<!tpu.dma_semaphore, #tpu.memory_space<semaphore_mem>>)
    %dma_start3A_316 = arith.constant 4 : i32
    %dma_start3A_317 = arith.constant 0 : i32
    %dma_start3A_318 = arith.constant 0 : i32
    %dma_start3A_319 = arith.constant 0 : i32
    %dma_start3A_320 = tpu.memref_slice %arg5[%dma_start3A_317, %dma_start3A_319] : memref<2x512xi32, #tpu.memory_space<vmem>> -> memref<1x512xi32, #tpu.memory_space<vmem>>
    %dma_start3A_321 = tpu.memref_squeeze %dma_start3A_320 : memref<1x512xi32, #tpu.memory_space<vmem>> -> memref<512xi32, #tpu.memory_space<vmem>>
    %dma_start3A_322 = tpu.memref_slice %arg2[%dma_start3A_316, %mul3A_2] : memref<26x16384xi32, #tpu.memory_space<hbm>> -> memref<1x512xi32, #tpu.memory_space<hbm>>
    %dma_start3A_323 = tpu.memref_squeeze %dma_start3A_322 : memref<1x512xi32, #tpu.memory_space<hbm>> -> memref<512xi32, #tpu.memory_space<hbm>>
    %dma_start3A_324 = tpu.memref_slice %arg7[%dma_start3A_318] : memref<2x!tpu.dma_semaphore, #tpu.memory_space<semaphore_mem>> -> memref<1x!tpu.dma_semaphore, #tpu.memory_space<semaphore_mem>>
    %dma_start3A_325 = tpu.memref_squeeze %dma_start3A_324 : memref<1x!tpu.dma_semaphore, #tpu.memory_space<semaphore_mem>> -> memref<!tpu.dma_semaphore, #tpu.memory_space<semaphore_mem>>
    %dma_start3A_326 = arith.constant 0 : i32
    %dma_start3A_327 = tpu.memref_slice %arg5[%dma_start3A_317, %dma_start3A_326] : memref<2x512xi32, #tpu.memory_space<vmem>> -> memref<1x512xi32, #tpu.memory_space<vmem>>
    %dma_start3A_328 = tpu.memref_squeeze %dma_start3A_327 : memref<1x512xi32, #tpu.memory_space<vmem>> -> memref<512xi32, #tpu.memory_space<vmem>>
    %dma_start3A_329 = tpu.memref_slice %arg2[%dma_start3A_316, %mul3A_2] : memref<26x16384xi32, #tpu.memory_space<hbm>> -> memref<1x512xi32, #tpu.memory_space<hbm>>
    %dma_start3A_330 = tpu.memref_squeeze %dma_start3A_329 : memref<1x512xi32, #tpu.memory_space<hbm>> -> memref<512xi32, #tpu.memory_space<hbm>>
    tpu.enqueue_dma source(%dma_start3A_330 : memref<512xi32, #tpu.memory_space<hbm>>) target(%dma_start3A_328 : memref<512xi32, #tpu.memory_space<vmem>>) target_semaphore(%dma_start3A_325 : memref<!tpu.dma_semaphore, #tpu.memory_space<semaphore_mem>>)
    %dma_wait3A_331 = arith.constant 1 : i32
    %dma_wait3A_332 = arith.constant 1 : i32
    %dma_wait3A_333 = arith.constant 1 : i32
    %dma_wait3A_334 = arith.constant 0 : i32
    %dma_wait3A_335 = arith.constant 0 : i32
    %dma_wait3A_336 = tpu.memref_slice %arg6[%dma_wait3A_332, %dma_wait3A_334, %dma_wait3A_335] : memref<2x512x64xf32, #tpu.memory_space<vmem>> -> memref<1x512x64xf32, #tpu.memory_space<vmem>>
    %dma_wait3A_337 = tpu.memref_squeeze %dma_wait3A_336 : memref<1x512x64xf32, #tpu.memory_space<vmem>> -> memref<512x64xf32, #tpu.memory_space<vmem>>
    %dma_wait3A_338 = arith.constant 0 : i32
    %dma_wait3A_339 = tpu.memref_slice %arg5[%dma_wait3A_331, %dma_wait3A_338] : memref<2x512xi32, #tpu.memory_space<vmem>> -> memref<1x512xi32, #tpu.memory_space<vmem>>
    %dma_wait3A_340 = tpu.memref_squeeze %dma_wait3A_339 : memref<1x512xi32, #tpu.memory_space<vmem>> -> memref<512xi32, #tpu.memory_space<vmem>>
    %dma_wait3A_341 = arith.constant 0 : i32
    %dma_wait3A_342 = arith.constant 0 : i32
    %dma_wait3A_343 = tpu.memref_slice %arg3[%dma_wait3A_341, %dma_wait3A_342] : memref<1000000x64xf32, #tpu.memory_space<hbm>> -> memref<1000000x64xf32, #tpu.memory_space<hbm>>
    %dma_wait3A_344 = tpu.memref_slice %arg8[%dma_wait3A_333] : memref<2x!tpu.dma_semaphore, #tpu.memory_space<semaphore_mem>> -> memref<1x!tpu.dma_semaphore, #tpu.memory_space<semaphore_mem>>
    %dma_wait3A_345 = tpu.memref_squeeze %dma_wait3A_344 : memref<1x!tpu.dma_semaphore, #tpu.memory_space<semaphore_mem>> -> memref<!tpu.dma_semaphore, #tpu.memory_space<semaphore_mem>>
    tpu.wait_indirect_dma semaphore(%dma_wait3A_345 : memref<!tpu.dma_semaphore, #tpu.memory_space<semaphore_mem>>) src(%dma_wait3A_343 : memref<1000000x64xf32, #tpu.memory_space<hbm>>) dst(%dma_wait3A_337 : memref<512x64xf32, #tpu.memory_space<vmem>>)
    %add3A_346 = arith.constant 49152 : i32
    %add3A_347 = arith.addi %add3A_346, %mul3A_2 : i32
    %dma_start3A_348 = arith.constant 1 : i32
    %dma_start3A_349 = arith.constant 1 : i32
    %dma_start3A_350 = arith.constant 0 : i32
    %dma_start3A_351 = arith.constant 0 : i32
    %dma_start3A_352 = tpu.memref_slice %arg6[%dma_start3A_348, %dma_start3A_350, %dma_start3A_351] : memref<2x512x64xf32, #tpu.memory_space<vmem>> -> memref<1x512x64xf32, #tpu.memory_space<vmem>>
    %dma_start3A_353 = tpu.memref_squeeze %dma_start3A_352 : memref<1x512x64xf32, #tpu.memory_space<vmem>> -> memref<512x64xf32, #tpu.memory_space<vmem>>
    %dma_start3A_354 = arith.constant 0 : i32
    %dma_start3A_355 = tpu.memref_slice %arg4[%add3A_347, %dma_start3A_354] : memref<425984x64xf32, #tpu.memory_space<hbm>> -> memref<512x64xf32, #tpu.memory_space<hbm>>
    %dma_start3A_356 = tpu.memref_slice %arg9[%dma_start3A_349] : memref<2x!tpu.dma_semaphore, #tpu.memory_space<semaphore_mem>> -> memref<1x!tpu.dma_semaphore, #tpu.memory_space<semaphore_mem>>
    %dma_start3A_357 = tpu.memref_squeeze %dma_start3A_356 : memref<1x!tpu.dma_semaphore, #tpu.memory_space<semaphore_mem>> -> memref<!tpu.dma_semaphore, #tpu.memory_space<semaphore_mem>>
    %dma_start3A_358 = arith.constant 0 : i32
    %dma_start3A_359 = tpu.memref_slice %arg4[%add3A_347, %dma_start3A_358] : memref<425984x64xf32, #tpu.memory_space<hbm>> -> memref<512x64xf32, #tpu.memory_space<hbm>>
    %dma_start3A_360 = arith.constant 0 : i32
    %dma_start3A_361 = arith.constant 0 : i32
    %dma_start3A_362 = tpu.memref_slice %arg6[%dma_start3A_348, %dma_start3A_360, %dma_start3A_361] : memref<2x512x64xf32, #tpu.memory_space<vmem>> -> memref<1x512x64xf32, #tpu.memory_space<vmem>>
    %dma_start3A_363 = tpu.memref_squeeze %dma_start3A_362 : memref<1x512x64xf32, #tpu.memory_space<vmem>> -> memref<512x64xf32, #tpu.memory_space<vmem>>
    tpu.enqueue_dma source(%dma_start3A_363 : memref<512x64xf32, #tpu.memory_space<vmem>>) target(%dma_start3A_359 : memref<512x64xf32, #tpu.memory_space<hbm>>) target_semaphore(%dma_start3A_357 : memref<!tpu.dma_semaphore, #tpu.memory_space<semaphore_mem>>)
    %add3A_364 = arith.constant 32768 : i32
    %add3A_365 = arith.addi %add3A_364, %mul3A_2 : i32
    %dma_wait3A_366 = arith.constant 0 : i32
    %dma_wait3A_367 = arith.constant 0 : i32
    %dma_wait3A_368 = arith.constant 0 : i32
    %dma_wait3A_369 = arith.constant 0 : i32
    %dma_wait3A_370 = tpu.memref_slice %arg6[%dma_wait3A_366, %dma_wait3A_368, %dma_wait3A_369] : memref<2x512x64xf32, #tpu.memory_space<vmem>> -> memref<1x512x64xf32, #tpu.memory_space<vmem>>
    %dma_wait3A_371 = tpu.memref_squeeze %dma_wait3A_370 : memref<1x512x64xf32, #tpu.memory_space<vmem>> -> memref<512x64xf32, #tpu.memory_space<vmem>>
    %dma_wait3A_372 = arith.constant 0 : i32
    %dma_wait3A_373 = tpu.memref_slice %arg4[%add3A_365, %dma_wait3A_372] : memref<425984x64xf32, #tpu.memory_space<hbm>> -> memref<512x64xf32, #tpu.memory_space<hbm>>
    %dma_wait3A_374 = tpu.memref_slice %arg9[%dma_wait3A_367] : memref<2x!tpu.dma_semaphore, #tpu.memory_space<semaphore_mem>> -> memref<1x!tpu.dma_semaphore, #tpu.memory_space<semaphore_mem>>
    %dma_wait3A_375 = tpu.memref_squeeze %dma_wait3A_374 : memref<1x!tpu.dma_semaphore, #tpu.memory_space<semaphore_mem>> -> memref<!tpu.dma_semaphore, #tpu.memory_space<semaphore_mem>>
    %dma_wait3A_376 = arith.constant 0 : i32
    %dma_wait3A_377 = tpu.memref_slice %arg4[%add3A_365, %dma_wait3A_376] : memref<425984x64xf32, #tpu.memory_space<hbm>> -> memref<512x64xf32, #tpu.memory_space<hbm>>
    %dma_wait3A_378 = arith.constant 0 : i32
    %dma_wait3A_379 = arith.constant 0 : i32
    %dma_wait3A_380 = tpu.memref_slice %arg6[%dma_wait3A_366, %dma_wait3A_378, %dma_wait3A_379] : memref<2x512x64xf32, #tpu.memory_space<vmem>> -> memref<1x512x64xf32, #tpu.memory_space<vmem>>
    %dma_wait3A_381 = tpu.memref_squeeze %dma_wait3A_380 : memref<1x512x64xf32, #tpu.memory_space<vmem>> -> memref<512x64xf32, #tpu.memory_space<vmem>>
    tpu.wait_dma2 semaphore(%dma_wait3A_375 : memref<!tpu.dma_semaphore, #tpu.memory_space<semaphore_mem>>) src(%dma_wait3A_381 : memref<512x64xf32, #tpu.memory_space<vmem>>) dst(%dma_wait3A_377 : memref<512x64xf32, #tpu.memory_space<hbm>>)
    %dma_wait3A_382 = arith.constant 4 : i32
    %dma_wait3A_383 = arith.constant 0 : i32
    %dma_wait3A_384 = arith.constant 0 : i32
    %dma_wait3A_385 = arith.constant 0 : i32
    %dma_wait3A_386 = tpu.memref_slice %arg5[%dma_wait3A_383, %dma_wait3A_385] : memref<2x512xi32, #tpu.memory_space<vmem>> -> memref<1x512xi32, #tpu.memory_space<vmem>>
    %dma_wait3A_387 = tpu.memref_squeeze %dma_wait3A_386 : memref<1x512xi32, #tpu.memory_space<vmem>> -> memref<512xi32, #tpu.memory_space<vmem>>
    %dma_wait3A_388 = tpu.memref_slice %arg2[%dma_wait3A_382, %mul3A_2] : memref<26x16384xi32, #tpu.memory_space<hbm>> -> memref<1x512xi32, #tpu.memory_space<hbm>>
    %dma_wait3A_389 = tpu.memref_squeeze %dma_wait3A_388 : memref<1x512xi32, #tpu.memory_space<hbm>> -> memref<512xi32, #tpu.memory_space<hbm>>
    %dma_wait3A_390 = tpu.memref_slice %arg7[%dma_wait3A_384] : memref<2x!tpu.dma_semaphore, #tpu.memory_space<semaphore_mem>> -> memref<1x!tpu.dma_semaphore, #tpu.memory_space<semaphore_mem>>
    %dma_wait3A_391 = tpu.memref_squeeze %dma_wait3A_390 : memref<1x!tpu.dma_semaphore, #tpu.memory_space<semaphore_mem>> -> memref<!tpu.dma_semaphore, #tpu.memory_space<semaphore_mem>>
    %dma_wait3A_392 = arith.constant 0 : i32
    %dma_wait3A_393 = tpu.memref_slice %arg5[%dma_wait3A_383, %dma_wait3A_392] : memref<2x512xi32, #tpu.memory_space<vmem>> -> memref<1x512xi32, #tpu.memory_space<vmem>>
    %dma_wait3A_394 = tpu.memref_squeeze %dma_wait3A_393 : memref<1x512xi32, #tpu.memory_space<vmem>> -> memref<512xi32, #tpu.memory_space<vmem>>
    %dma_wait3A_395 = tpu.memref_slice %arg2[%dma_wait3A_382, %mul3A_2] : memref<26x16384xi32, #tpu.memory_space<hbm>> -> memref<1x512xi32, #tpu.memory_space<hbm>>
    %dma_wait3A_396 = tpu.memref_squeeze %dma_wait3A_395 : memref<1x512xi32, #tpu.memory_space<hbm>> -> memref<512xi32, #tpu.memory_space<hbm>>
    tpu.wait_dma2 semaphore(%dma_wait3A_391 : memref<!tpu.dma_semaphore, #tpu.memory_space<semaphore_mem>>) src(%dma_wait3A_396 : memref<512xi32, #tpu.memory_space<hbm>>) dst(%dma_wait3A_394 : memref<512xi32, #tpu.memory_space<vmem>>)
    %dma_start3A_397 = arith.constant 0 : i32
    %dma_start3A_398 = arith.constant 0 : i32
    %dma_start3A_399 = arith.constant 0 : i32
    %dma_start3A_400 = arith.constant 0 : i32
    %dma_start3A_401 = arith.constant 0 : i32
    %dma_start3A_402 = tpu.memref_slice %arg6[%dma_start3A_398, %dma_start3A_400, %dma_start3A_401] : memref<2x512x64xf32, #tpu.memory_space<vmem>> -> memref<1x512x64xf32, #tpu.memory_space<vmem>>
    %dma_start3A_403 = tpu.memref_squeeze %dma_start3A_402 : memref<1x512x64xf32, #tpu.memory_space<vmem>> -> memref<512x64xf32, #tpu.memory_space<vmem>>
    %dma_start3A_404 = arith.constant 0 : i32
    %dma_start3A_405 = tpu.memref_slice %arg5[%dma_start3A_397, %dma_start3A_404] : memref<2x512xi32, #tpu.memory_space<vmem>> -> memref<1x512xi32, #tpu.memory_space<vmem>>
    %dma_start3A_406 = tpu.memref_squeeze %dma_start3A_405 : memref<1x512xi32, #tpu.memory_space<vmem>> -> memref<512xi32, #tpu.memory_space<vmem>>
    %dma_start3A_407 = arith.constant 0 : i32
    %dma_start3A_408 = arith.constant 0 : i32
    %dma_start3A_409 = tpu.memref_slice %arg3[%dma_start3A_407, %dma_start3A_408] : memref<1000000x64xf32, #tpu.memory_space<hbm>> -> memref<1000000x64xf32, #tpu.memory_space<hbm>>
    %dma_start3A_410 = tpu.memref_slice %arg8[%dma_start3A_399] : memref<2x!tpu.dma_semaphore, #tpu.memory_space<semaphore_mem>> -> memref<1x!tpu.dma_semaphore, #tpu.memory_space<semaphore_mem>>
    %dma_start3A_411 = tpu.memref_squeeze %dma_start3A_410 : memref<1x!tpu.dma_semaphore, #tpu.memory_space<semaphore_mem>> -> memref<!tpu.dma_semaphore, #tpu.memory_space<semaphore_mem>>
    tpu.enqueue_indirect_dma source(%dma_start3A_409 : memref<1000000x64xf32, #tpu.memory_space<hbm>>) target(%dma_start3A_403 : memref<512x64xf32, #tpu.memory_space<vmem>>) offsets(%dma_start3A_406 : memref<512xi32, #tpu.memory_space<vmem>>) semaphore(%dma_start3A_411 : memref<!tpu.dma_semaphore, #tpu.memory_space<semaphore_mem>>)
    %dma_start3A_412 = arith.constant 5 : i32
    %dma_start3A_413 = arith.constant 1 : i32
    %dma_start3A_414 = arith.constant 1 : i32
    %dma_start3A_415 = arith.constant 0 : i32
    %dma_start3A_416 = tpu.memref_slice %arg5[%dma_start3A_413, %dma_start3A_415] : memref<2x512xi32, #tpu.memory_space<vmem>> -> memref<1x512xi32, #tpu.memory_space<vmem>>
    %dma_start3A_417 = tpu.memref_squeeze %dma_start3A_416 : memref<1x512xi32, #tpu.memory_space<vmem>> -> memref<512xi32, #tpu.memory_space<vmem>>
    %dma_start3A_418 = tpu.memref_slice %arg2[%dma_start3A_412, %mul3A_2] : memref<26x16384xi32, #tpu.memory_space<hbm>> -> memref<1x512xi32, #tpu.memory_space<hbm>>
    %dma_start3A_419 = tpu.memref_squeeze %dma_start3A_418 : memref<1x512xi32, #tpu.memory_space<hbm>> -> memref<512xi32, #tpu.memory_space<hbm>>
    %dma_start3A_420 = tpu.memref_slice %arg7[%dma_start3A_414] : memref<2x!tpu.dma_semaphore, #tpu.memory_space<semaphore_mem>> -> memref<1x!tpu.dma_semaphore, #tpu.memory_space<semaphore_mem>>
    %dma_start3A_421 = tpu.memref_squeeze %dma_start3A_420 : memref<1x!tpu.dma_semaphore, #tpu.memory_space<semaphore_mem>> -> memref<!tpu.dma_semaphore, #tpu.memory_space<semaphore_mem>>
    %dma_start3A_422 = arith.constant 0 : i32
    %dma_start3A_423 = tpu.memref_slice %arg5[%dma_start3A_413, %dma_start3A_422] : memref<2x512xi32, #tpu.memory_space<vmem>> -> memref<1x512xi32, #tpu.memory_space<vmem>>
    %dma_start3A_424 = tpu.memref_squeeze %dma_start3A_423 : memref<1x512xi32, #tpu.memory_space<vmem>> -> memref<512xi32, #tpu.memory_space<vmem>>
    %dma_start3A_425 = tpu.memref_slice %arg2[%dma_start3A_412, %mul3A_2] : memref<26x16384xi32, #tpu.memory_space<hbm>> -> memref<1x512xi32, #tpu.memory_space<hbm>>
    %dma_start3A_426 = tpu.memref_squeeze %dma_start3A_425 : memref<1x512xi32, #tpu.memory_space<hbm>> -> memref<512xi32, #tpu.memory_space<hbm>>
    tpu.enqueue_dma source(%dma_start3A_426 : memref<512xi32, #tpu.memory_space<hbm>>) target(%dma_start3A_424 : memref<512xi32, #tpu.memory_space<vmem>>) target_semaphore(%dma_start3A_421 : memref<!tpu.dma_semaphore, #tpu.memory_space<semaphore_mem>>)
    %dma_wait3A_427 = arith.constant 0 : i32
    %dma_wait3A_428 = arith.constant 0 : i32
    %dma_wait3A_429 = arith.constant 0 : i32
    %dma_wait3A_430 = arith.constant 0 : i32
    %dma_wait3A_431 = arith.constant 0 : i32
    %dma_wait3A_432 = tpu.memref_slice %arg6[%dma_wait3A_428, %dma_wait3A_430, %dma_wait3A_431] : memref<2x512x64xf32, #tpu.memory_space<vmem>> -> memref<1x512x64xf32, #tpu.memory_space<vmem>>
    %dma_wait3A_433 = tpu.memref_squeeze %dma_wait3A_432 : memref<1x512x64xf32, #tpu.memory_space<vmem>> -> memref<512x64xf32, #tpu.memory_space<vmem>>
    %dma_wait3A_434 = arith.constant 0 : i32
    %dma_wait3A_435 = tpu.memref_slice %arg5[%dma_wait3A_427, %dma_wait3A_434] : memref<2x512xi32, #tpu.memory_space<vmem>> -> memref<1x512xi32, #tpu.memory_space<vmem>>
    %dma_wait3A_436 = tpu.memref_squeeze %dma_wait3A_435 : memref<1x512xi32, #tpu.memory_space<vmem>> -> memref<512xi32, #tpu.memory_space<vmem>>
    %dma_wait3A_437 = arith.constant 0 : i32
    %dma_wait3A_438 = arith.constant 0 : i32
    %dma_wait3A_439 = tpu.memref_slice %arg3[%dma_wait3A_437, %dma_wait3A_438] : memref<1000000x64xf32, #tpu.memory_space<hbm>> -> memref<1000000x64xf32, #tpu.memory_space<hbm>>
    %dma_wait3A_440 = tpu.memref_slice %arg8[%dma_wait3A_429] : memref<2x!tpu.dma_semaphore, #tpu.memory_space<semaphore_mem>> -> memref<1x!tpu.dma_semaphore, #tpu.memory_space<semaphore_mem>>
    %dma_wait3A_441 = tpu.memref_squeeze %dma_wait3A_440 : memref<1x!tpu.dma_semaphore, #tpu.memory_space<semaphore_mem>> -> memref<!tpu.dma_semaphore, #tpu.memory_space<semaphore_mem>>
    tpu.wait_indirect_dma semaphore(%dma_wait3A_441 : memref<!tpu.dma_semaphore, #tpu.memory_space<semaphore_mem>>) src(%dma_wait3A_439 : memref<1000000x64xf32, #tpu.memory_space<hbm>>) dst(%dma_wait3A_433 : memref<512x64xf32, #tpu.memory_space<vmem>>)
    %add3A_442 = arith.constant 65536 : i32
    %add3A_443 = arith.addi %add3A_442, %mul3A_2 : i32
    %dma_start3A_444 = arith.constant 0 : i32
    %dma_start3A_445 = arith.constant 0 : i32
    %dma_start3A_446 = arith.constant 0 : i32
    %dma_start3A_447 = arith.constant 0 : i32
    %dma_start3A_448 = tpu.memref_slice %arg6[%dma_start3A_444, %dma_start3A_446, %dma_start3A_447] : memref<2x512x64xf32, #tpu.memory_space<vmem>> -> memref<1x512x64xf32, #tpu.memory_space<vmem>>
    %dma_start3A_449 = tpu.memref_squeeze %dma_start3A_448 : memref<1x512x64xf32, #tpu.memory_space<vmem>> -> memref<512x64xf32, #tpu.memory_space<vmem>>
    %dma_start3A_450 = arith.constant 0 : i32
    %dma_start3A_451 = tpu.memref_slice %arg4[%add3A_443, %dma_start3A_450] : memref<425984x64xf32, #tpu.memory_space<hbm>> -> memref<512x64xf32, #tpu.memory_space<hbm>>
    %dma_start3A_452 = tpu.memref_slice %arg9[%dma_start3A_445] : memref<2x!tpu.dma_semaphore, #tpu.memory_space<semaphore_mem>> -> memref<1x!tpu.dma_semaphore, #tpu.memory_space<semaphore_mem>>
    %dma_start3A_453 = tpu.memref_squeeze %dma_start3A_452 : memref<1x!tpu.dma_semaphore, #tpu.memory_space<semaphore_mem>> -> memref<!tpu.dma_semaphore, #tpu.memory_space<semaphore_mem>>
    %dma_start3A_454 = arith.constant 0 : i32
    %dma_start3A_455 = tpu.memref_slice %arg4[%add3A_443, %dma_start3A_454] : memref<425984x64xf32, #tpu.memory_space<hbm>> -> memref<512x64xf32, #tpu.memory_space<hbm>>
    %dma_start3A_456 = arith.constant 0 : i32
    %dma_start3A_457 = arith.constant 0 : i32
    %dma_start3A_458 = tpu.memref_slice %arg6[%dma_start3A_444, %dma_start3A_456, %dma_start3A_457] : memref<2x512x64xf32, #tpu.memory_space<vmem>> -> memref<1x512x64xf32, #tpu.memory_space<vmem>>
    %dma_start3A_459 = tpu.memref_squeeze %dma_start3A_458 : memref<1x512x64xf32, #tpu.memory_space<vmem>> -> memref<512x64xf32, #tpu.memory_space<vmem>>
    tpu.enqueue_dma source(%dma_start3A_459 : memref<512x64xf32, #tpu.memory_space<vmem>>) target(%dma_start3A_455 : memref<512x64xf32, #tpu.memory_space<hbm>>) target_semaphore(%dma_start3A_453 : memref<!tpu.dma_semaphore, #tpu.memory_space<semaphore_mem>>)
    %add3A_460 = arith.constant 49152 : i32
    %add3A_461 = arith.addi %add3A_460, %mul3A_2 : i32
    %dma_wait3A_462 = arith.constant 1 : i32
    %dma_wait3A_463 = arith.constant 1 : i32
    %dma_wait3A_464 = arith.constant 0 : i32
    %dma_wait3A_465 = arith.constant 0 : i32
    %dma_wait3A_466 = tpu.memref_slice %arg6[%dma_wait3A_462, %dma_wait3A_464, %dma_wait3A_465] : memref<2x512x64xf32, #tpu.memory_space<vmem>> -> memref<1x512x64xf32, #tpu.memory_space<vmem>>
    %dma_wait3A_467 = tpu.memref_squeeze %dma_wait3A_466 : memref<1x512x64xf32, #tpu.memory_space<vmem>> -> memref<512x64xf32, #tpu.memory_space<vmem>>
    %dma_wait3A_468 = arith.constant 0 : i32
    %dma_wait3A_469 = tpu.memref_slice %arg4[%add3A_461, %dma_wait3A_468] : memref<425984x64xf32, #tpu.memory_space<hbm>> -> memref<512x64xf32, #tpu.memory_space<hbm>>
    %dma_wait3A_470 = tpu.memref_slice %arg9[%dma_wait3A_463] : memref<2x!tpu.dma_semaphore, #tpu.memory_space<semaphore_mem>> -> memref<1x!tpu.dma_semaphore, #tpu.memory_space<semaphore_mem>>
    %dma_wait3A_471 = tpu.memref_squeeze %dma_wait3A_470 : memref<1x!tpu.dma_semaphore, #tpu.memory_space<semaphore_mem>> -> memref<!tpu.dma_semaphore, #tpu.memory_space<semaphore_mem>>
    %dma_wait3A_472 = arith.constant 0 : i32
    %dma_wait3A_473 = tpu.memref_slice %arg4[%add3A_461, %dma_wait3A_472] : memref<425984x64xf32, #tpu.memory_space<hbm>> -> memref<512x64xf32, #tpu.memory_space<hbm>>
    %dma_wait3A_474 = arith.constant 0 : i32
    %dma_wait3A_475 = arith.constant 0 : i32
    %dma_wait3A_476 = tpu.memref_slice %arg6[%dma_wait3A_462, %dma_wait3A_474, %dma_wait3A_475] : memref<2x512x64xf32, #tpu.memory_space<vmem>> -> memref<1x512x64xf32, #tpu.memory_space<vmem>>
    %dma_wait3A_477 = tpu.memref_squeeze %dma_wait3A_476 : memref<1x512x64xf32, #tpu.memory_space<vmem>> -> memref<512x64xf32, #tpu.memory_space<vmem>>
    tpu.wait_dma2 semaphore(%dma_wait3A_471 : memref<!tpu.dma_semaphore, #tpu.memory_space<semaphore_mem>>) src(%dma_wait3A_477 : memref<512x64xf32, #tpu.memory_space<vmem>>) dst(%dma_wait3A_473 : memref<512x64xf32, #tpu.memory_space<hbm>>)
    %dma_wait3A_478 = arith.constant 5 : i32
    %dma_wait3A_479 = arith.constant 1 : i32
    %dma_wait3A_480 = arith.constant 1 : i32
    %dma_wait3A_481 = arith.constant 0 : i32
    %dma_wait3A_482 = tpu.memref_slice %arg5[%dma_wait3A_479, %dma_wait3A_481] : memref<2x512xi32, #tpu.memory_space<vmem>> -> memref<1x512xi32, #tpu.memory_space<vmem>>
    %dma_wait3A_483 = tpu.memref_squeeze %dma_wait3A_482 : memref<1x512xi32, #tpu.memory_space<vmem>> -> memref<512xi32, #tpu.memory_space<vmem>>
    %dma_wait3A_484 = tpu.memref_slice %arg2[%dma_wait3A_478, %mul3A_2] : memref<26x16384xi32, #tpu.memory_space<hbm>> -> memref<1x512xi32, #tpu.memory_space<hbm>>
    %dma_wait3A_485 = tpu.memref_squeeze %dma_wait3A_484 : memref<1x512xi32, #tpu.memory_space<hbm>> -> memref<512xi32, #tpu.memory_space<hbm>>
    %dma_wait3A_486 = tpu.memref_slice %arg7[%dma_wait3A_480] : memref<2x!tpu.dma_semaphore, #tpu.memory_space<semaphore_mem>> -> memref<1x!tpu.dma_semaphore, #tpu.memory_space<semaphore_mem>>
    %dma_wait3A_487 = tpu.memref_squeeze %dma_wait3A_486 : memref<1x!tpu.dma_semaphore, #tpu.memory_space<semaphore_mem>> -> memref<!tpu.dma_semaphore, #tpu.memory_space<semaphore_mem>>
    %dma_wait3A_488 = arith.constant 0 : i32
    %dma_wait3A_489 = tpu.memref_slice %arg5[%dma_wait3A_479, %dma_wait3A_488] : memref<2x512xi32, #tpu.memory_space<vmem>> -> memref<1x512xi32, #tpu.memory_space<vmem>>
    %dma_wait3A_490 = tpu.memref_squeeze %dma_wait3A_489 : memref<1x512xi32, #tpu.memory_space<vmem>> -> memref<512xi32, #tpu.memory_space<vmem>>
    %dma_wait3A_491 = tpu.memref_slice %arg2[%dma_wait3A_478, %mul3A_2] : memref<26x16384xi32, #tpu.memory_space<hbm>> -> memref<1x512xi32, #tpu.memory_space<hbm>>
    %dma_wait3A_492 = tpu.memref_squeeze %dma_wait3A_491 : memref<1x512xi32, #tpu.memory_space<hbm>> -> memref<512xi32, #tpu.memory_space<hbm>>
    tpu.wait_dma2 semaphore(%dma_wait3A_487 : memref<!tpu.dma_semaphore, #tpu.memory_space<semaphore_mem>>) src(%dma_wait3A_492 : memref<512xi32, #tpu.memory_space<hbm>>) dst(%dma_wait3A_490 : memref<512xi32, #tpu.memory_space<vmem>>)
    %dma_start3A_493 = arith.constant 1 : i32
    %dma_start3A_494 = arith.constant 1 : i32
    %dma_start3A_495 = arith.constant 1 : i32
    %dma_start3A_496 = arith.constant 0 : i32
    %dma_start3A_497 = arith.constant 0 : i32
    %dma_start3A_498 = tpu.memref_slice %arg6[%dma_start3A_494, %dma_start3A_496, %dma_start3A_497] : memref<2x512x64xf32, #tpu.memory_space<vmem>> -> memref<1x512x64xf32, #tpu.memory_space<vmem>>
    %dma_start3A_499 = tpu.memref_squeeze %dma_start3A_498 : memref<1x512x64xf32, #tpu.memory_space<vmem>> -> memref<512x64xf32, #tpu.memory_space<vmem>>
    %dma_start3A_500 = arith.constant 0 : i32
    %dma_start3A_501 = tpu.memref_slice %arg5[%dma_start3A_493, %dma_start3A_500] : memref<2x512xi32, #tpu.memory_space<vmem>> -> memref<1x512xi32, #tpu.memory_space<vmem>>
    %dma_start3A_502 = tpu.memref_squeeze %dma_start3A_501 : memref<1x512xi32, #tpu.memory_space<vmem>> -> memref<512xi32, #tpu.memory_space<vmem>>
    %dma_start3A_503 = arith.constant 0 : i32
    %dma_start3A_504 = arith.constant 0 : i32
    %dma_start3A_505 = tpu.memref_slice %arg3[%dma_start3A_503, %dma_start3A_504] : memref<1000000x64xf32, #tpu.memory_space<hbm>> -> memref<1000000x64xf32, #tpu.memory_space<hbm>>
    %dma_start3A_506 = tpu.memref_slice %arg8[%dma_start3A_495] : memref<2x!tpu.dma_semaphore, #tpu.memory_space<semaphore_mem>> -> memref<1x!tpu.dma_semaphore, #tpu.memory_space<semaphore_mem>>
    %dma_start3A_507 = tpu.memref_squeeze %dma_start3A_506 : memref<1x!tpu.dma_semaphore, #tpu.memory_space<semaphore_mem>> -> memref<!tpu.dma_semaphore, #tpu.memory_space<semaphore_mem>>
    tpu.enqueue_indirect_dma source(%dma_start3A_505 : memref<1000000x64xf32, #tpu.memory_space<hbm>>) target(%dma_start3A_499 : memref<512x64xf32, #tpu.memory_space<vmem>>) offsets(%dma_start3A_502 : memref<512xi32, #tpu.memory_space<vmem>>) semaphore(%dma_start3A_507 : memref<!tpu.dma_semaphore, #tpu.memory_space<semaphore_mem>>)
    %dma_start3A_508 = arith.constant 6 : i32
    %dma_start3A_509 = arith.constant 0 : i32
    %dma_start3A_510 = arith.constant 0 : i32
    %dma_start3A_511 = arith.constant 0 : i32
    %dma_start3A_512 = tpu.memref_slice %arg5[%dma_start3A_509, %dma_start3A_511] : memref<2x512xi32, #tpu.memory_space<vmem>> -> memref<1x512xi32, #tpu.memory_space<vmem>>
    %dma_start3A_513 = tpu.memref_squeeze %dma_start3A_512 : memref<1x512xi32, #tpu.memory_space<vmem>> -> memref<512xi32, #tpu.memory_space<vmem>>
    %dma_start3A_514 = tpu.memref_slice %arg2[%dma_start3A_508, %mul3A_2] : memref<26x16384xi32, #tpu.memory_space<hbm>> -> memref<1x512xi32, #tpu.memory_space<hbm>>
    %dma_start3A_515 = tpu.memref_squeeze %dma_start3A_514 : memref<1x512xi32, #tpu.memory_space<hbm>> -> memref<512xi32, #tpu.memory_space<hbm>>
    %dma_start3A_516 = tpu.memref_slice %arg7[%dma_start3A_510] : memref<2x!tpu.dma_semaphore, #tpu.memory_space<semaphore_mem>> -> memref<1x!tpu.dma_semaphore, #tpu.memory_space<semaphore_mem>>
    %dma_start3A_517 = tpu.memref_squeeze %dma_start3A_516 : memref<1x!tpu.dma_semaphore, #tpu.memory_space<semaphore_mem>> -> memref<!tpu.dma_semaphore, #tpu.memory_space<semaphore_mem>>
    %dma_start3A_518 = arith.constant 0 : i32
    %dma_start3A_519 = tpu.memref_slice %arg5[%dma_start3A_509, %dma_start3A_518] : memref<2x512xi32, #tpu.memory_space<vmem>> -> memref<1x512xi32, #tpu.memory_space<vmem>>
    %dma_start3A_520 = tpu.memref_squeeze %dma_start3A_519 : memref<1x512xi32, #tpu.memory_space<vmem>> -> memref<512xi32, #tpu.memory_space<vmem>>
    %dma_start3A_521 = tpu.memref_slice %arg2[%dma_start3A_508, %mul3A_2] : memref<26x16384xi32, #tpu.memory_space<hbm>> -> memref<1x512xi32, #tpu.memory_space<hbm>>
    %dma_start3A_522 = tpu.memref_squeeze %dma_start3A_521 : memref<1x512xi32, #tpu.memory_space<hbm>> -> memref<512xi32, #tpu.memory_space<hbm>>
    tpu.enqueue_dma source(%dma_start3A_522 : memref<512xi32, #tpu.memory_space<hbm>>) target(%dma_start3A_520 : memref<512xi32, #tpu.memory_space<vmem>>) target_semaphore(%dma_start3A_517 : memref<!tpu.dma_semaphore, #tpu.memory_space<semaphore_mem>>)
    %dma_wait3A_523 = arith.constant 1 : i32
    %dma_wait3A_524 = arith.constant 1 : i32
    %dma_wait3A_525 = arith.constant 1 : i32
    %dma_wait3A_526 = arith.constant 0 : i32
    %dma_wait3A_527 = arith.constant 0 : i32
    %dma_wait3A_528 = tpu.memref_slice %arg6[%dma_wait3A_524, %dma_wait3A_526, %dma_wait3A_527] : memref<2x512x64xf32, #tpu.memory_space<vmem>> -> memref<1x512x64xf32, #tpu.memory_space<vmem>>
    %dma_wait3A_529 = tpu.memref_squeeze %dma_wait3A_528 : memref<1x512x64xf32, #tpu.memory_space<vmem>> -> memref<512x64xf32, #tpu.memory_space<vmem>>
    %dma_wait3A_530 = arith.constant 0 : i32
    %dma_wait3A_531 = tpu.memref_slice %arg5[%dma_wait3A_523, %dma_wait3A_530] : memref<2x512xi32, #tpu.memory_space<vmem>> -> memref<1x512xi32, #tpu.memory_space<vmem>>
    %dma_wait3A_532 = tpu.memref_squeeze %dma_wait3A_531 : memref<1x512xi32, #tpu.memory_space<vmem>> -> memref<512xi32, #tpu.memory_space<vmem>>
    %dma_wait3A_533 = arith.constant 0 : i32
    %dma_wait3A_534 = arith.constant 0 : i32
    %dma_wait3A_535 = tpu.memref_slice %arg3[%dma_wait3A_533, %dma_wait3A_534] : memref<1000000x64xf32, #tpu.memory_space<hbm>> -> memref<1000000x64xf32, #tpu.memory_space<hbm>>
    %dma_wait3A_536 = tpu.memref_slice %arg8[%dma_wait3A_525] : memref<2x!tpu.dma_semaphore, #tpu.memory_space<semaphore_mem>> -> memref<1x!tpu.dma_semaphore, #tpu.memory_space<semaphore_mem>>
    %dma_wait3A_537 = tpu.memref_squeeze %dma_wait3A_536 : memref<1x!tpu.dma_semaphore, #tpu.memory_space<semaphore_mem>> -> memref<!tpu.dma_semaphore, #tpu.memory_space<semaphore_mem>>
    tpu.wait_indirect_dma semaphore(%dma_wait3A_537 : memref<!tpu.dma_semaphore, #tpu.memory_space<semaphore_mem>>) src(%dma_wait3A_535 : memref<1000000x64xf32, #tpu.memory_space<hbm>>) dst(%dma_wait3A_529 : memref<512x64xf32, #tpu.memory_space<vmem>>)
    %add3A_538 = arith.constant 81920 : i32
    %add3A_539 = arith.addi %add3A_538, %mul3A_2 : i32
    %dma_start3A_540 = arith.constant 1 : i32
    %dma_start3A_541 = arith.constant 1 : i32
    %dma_start3A_542 = arith.constant 0 : i32
    %dma_start3A_543 = arith.constant 0 : i32
    %dma_start3A_544 = tpu.memref_slice %arg6[%dma_start3A_540, %dma_start3A_542, %dma_start3A_543] : memref<2x512x64xf32, #tpu.memory_space<vmem>> -> memref<1x512x64xf32, #tpu.memory_space<vmem>>
    %dma_start3A_545 = tpu.memref_squeeze %dma_start3A_544 : memref<1x512x64xf32, #tpu.memory_space<vmem>> -> memref<512x64xf32, #tpu.memory_space<vmem>>
    %dma_start3A_546 = arith.constant 0 : i32
    %dma_start3A_547 = tpu.memref_slice %arg4[%add3A_539, %dma_start3A_546] : memref<425984x64xf32, #tpu.memory_space<hbm>> -> memref<512x64xf32, #tpu.memory_space<hbm>>
    %dma_start3A_548 = tpu.memref_slice %arg9[%dma_start3A_541] : memref<2x!tpu.dma_semaphore, #tpu.memory_space<semaphore_mem>> -> memref<1x!tpu.dma_semaphore, #tpu.memory_space<semaphore_mem>>
    %dma_start3A_549 = tpu.memref_squeeze %dma_start3A_548 : memref<1x!tpu.dma_semaphore, #tpu.memory_space<semaphore_mem>> -> memref<!tpu.dma_semaphore, #tpu.memory_space<semaphore_mem>>
    %dma_start3A_550 = arith.constant 0 : i32
    %dma_start3A_551 = tpu.memref_slice %arg4[%add3A_539, %dma_start3A_550] : memref<425984x64xf32, #tpu.memory_space<hbm>> -> memref<512x64xf32, #tpu.memory_space<hbm>>
    %dma_start3A_552 = arith.constant 0 : i32
    %dma_start3A_553 = arith.constant 0 : i32
    %dma_start3A_554 = tpu.memref_slice %arg6[%dma_start3A_540, %dma_start3A_552, %dma_start3A_553] : memref<2x512x64xf32, #tpu.memory_space<vmem>> -> memref<1x512x64xf32, #tpu.memory_space<vmem>>
    %dma_start3A_555 = tpu.memref_squeeze %dma_start3A_554 : memref<1x512x64xf32, #tpu.memory_space<vmem>> -> memref<512x64xf32, #tpu.memory_space<vmem>>
    tpu.enqueue_dma source(%dma_start3A_555 : memref<512x64xf32, #tpu.memory_space<vmem>>) target(%dma_start3A_551 : memref<512x64xf32, #tpu.memory_space<hbm>>) target_semaphore(%dma_start3A_549 : memref<!tpu.dma_semaphore, #tpu.memory_space<semaphore_mem>>)
    %add3A_556 = arith.constant 65536 : i32
    %add3A_557 = arith.addi %add3A_556, %mul3A_2 : i32
    %dma_wait3A_558 = arith.constant 0 : i32
    %dma_wait3A_559 = arith.constant 0 : i32
    %dma_wait3A_560 = arith.constant 0 : i32
    %dma_wait3A_561 = arith.constant 0 : i32
    %dma_wait3A_562 = tpu.memref_slice %arg6[%dma_wait3A_558, %dma_wait3A_560, %dma_wait3A_561] : memref<2x512x64xf32, #tpu.memory_space<vmem>> -> memref<1x512x64xf32, #tpu.memory_space<vmem>>
    %dma_wait3A_563 = tpu.memref_squeeze %dma_wait3A_562 : memref<1x512x64xf32, #tpu.memory_space<vmem>> -> memref<512x64xf32, #tpu.memory_space<vmem>>
    %dma_wait3A_564 = arith.constant 0 : i32
    %dma_wait3A_565 = tpu.memref_slice %arg4[%add3A_557, %dma_wait3A_564] : memref<425984x64xf32, #tpu.memory_space<hbm>> -> memref<512x64xf32, #tpu.memory_space<hbm>>
    %dma_wait3A_566 = tpu.memref_slice %arg9[%dma_wait3A_559] : memref<2x!tpu.dma_semaphore, #tpu.memory_space<semaphore_mem>> -> memref<1x!tpu.dma_semaphore, #tpu.memory_space<semaphore_mem>>
    %dma_wait3A_567 = tpu.memref_squeeze %dma_wait3A_566 : memref<1x!tpu.dma_semaphore, #tpu.memory_space<semaphore_mem>> -> memref<!tpu.dma_semaphore, #tpu.memory_space<semaphore_mem>>
    %dma_wait3A_568 = arith.constant 0 : i32
    %dma_wait3A_569 = tpu.memref_slice %arg4[%add3A_557, %dma_wait3A_568] : memref<425984x64xf32, #tpu.memory_space<hbm>> -> memref<512x64xf32, #tpu.memory_space<hbm>>
    %dma_wait3A_570 = arith.constant 0 : i32
    %dma_wait3A_571 = arith.constant 0 : i32
    %dma_wait3A_572 = tpu.memref_slice %arg6[%dma_wait3A_558, %dma_wait3A_570, %dma_wait3A_571] : memref<2x512x64xf32, #tpu.memory_space<vmem>> -> memref<1x512x64xf32, #tpu.memory_space<vmem>>
    %dma_wait3A_573 = tpu.memref_squeeze %dma_wait3A_572 : memref<1x512x64xf32, #tpu.memory_space<vmem>> -> memref<512x64xf32, #tpu.memory_space<vmem>>
    tpu.wait_dma2 semaphore(%dma_wait3A_567 : memref<!tpu.dma_semaphore, #tpu.memory_space<semaphore_mem>>) src(%dma_wait3A_573 : memref<512x64xf32, #tpu.memory_space<vmem>>) dst(%dma_wait3A_569 : memref<512x64xf32, #tpu.memory_space<hbm>>)
    %dma_wait3A_574 = arith.constant 6 : i32
    %dma_wait3A_575 = arith.constant 0 : i32
    %dma_wait3A_576 = arith.constant 0 : i32
    %dma_wait3A_577 = arith.constant 0 : i32
    %dma_wait3A_578 = tpu.memref_slice %arg5[%dma_wait3A_575, %dma_wait3A_577] : memref<2x512xi32, #tpu.memory_space<vmem>> -> memref<1x512xi32, #tpu.memory_space<vmem>>
    %dma_wait3A_579 = tpu.memref_squeeze %dma_wait3A_578 : memref<1x512xi32, #tpu.memory_space<vmem>> -> memref<512xi32, #tpu.memory_space<vmem>>
    %dma_wait3A_580 = tpu.memref_slice %arg2[%dma_wait3A_574, %mul3A_2] : memref<26x16384xi32, #tpu.memory_space<hbm>> -> memref<1x512xi32, #tpu.memory_space<hbm>>
    %dma_wait3A_581 = tpu.memref_squeeze %dma_wait3A_580 : memref<1x512xi32, #tpu.memory_space<hbm>> -> memref<512xi32, #tpu.memory_space<hbm>>
    %dma_wait3A_582 = tpu.memref_slice %arg7[%dma_wait3A_576] : memref<2x!tpu.dma_semaphore, #tpu.memory_space<semaphore_mem>> -> memref<1x!tpu.dma_semaphore, #tpu.memory_space<semaphore_mem>>
    %dma_wait3A_583 = tpu.memref_squeeze %dma_wait3A_582 : memref<1x!tpu.dma_semaphore, #tpu.memory_space<semaphore_mem>> -> memref<!tpu.dma_semaphore, #tpu.memory_space<semaphore_mem>>
    %dma_wait3A_584 = arith.constant 0 : i32
    %dma_wait3A_585 = tpu.memref_slice %arg5[%dma_wait3A_575, %dma_wait3A_584] : memref<2x512xi32, #tpu.memory_space<vmem>> -> memref<1x512xi32, #tpu.memory_space<vmem>>
    %dma_wait3A_586 = tpu.memref_squeeze %dma_wait3A_585 : memref<1x512xi32, #tpu.memory_space<vmem>> -> memref<512xi32, #tpu.memory_space<vmem>>
    %dma_wait3A_587 = tpu.memref_slice %arg2[%dma_wait3A_574, %mul3A_2] : memref<26x16384xi32, #tpu.memory_space<hbm>> -> memref<1x512xi32, #tpu.memory_space<hbm>>
    %dma_wait3A_588 = tpu.memref_squeeze %dma_wait3A_587 : memref<1x512xi32, #tpu.memory_space<hbm>> -> memref<512xi32, #tpu.memory_space<hbm>>
    tpu.wait_dma2 semaphore(%dma_wait3A_583 : memref<!tpu.dma_semaphore, #tpu.memory_space<semaphore_mem>>) src(%dma_wait3A_588 : memref<512xi32, #tpu.memory_space<hbm>>) dst(%dma_wait3A_586 : memref<512xi32, #tpu.memory_space<vmem>>)
    %dma_start3A_589 = arith.constant 0 : i32
    %dma_start3A_590 = arith.constant 0 : i32
    %dma_start3A_591 = arith.constant 0 : i32
    %dma_start3A_592 = arith.constant 0 : i32
    %dma_start3A_593 = arith.constant 0 : i32
    %dma_start3A_594 = tpu.memref_slice %arg6[%dma_start3A_590, %dma_start3A_592, %dma_start3A_593] : memref<2x512x64xf32, #tpu.memory_space<vmem>> -> memref<1x512x64xf32, #tpu.memory_space<vmem>>
    %dma_start3A_595 = tpu.memref_squeeze %dma_start3A_594 : memref<1x512x64xf32, #tpu.memory_space<vmem>> -> memref<512x64xf32, #tpu.memory_space<vmem>>
    %dma_start3A_596 = arith.constant 0 : i32
    %dma_start3A_597 = tpu.memref_slice %arg5[%dma_start3A_589, %dma_start3A_596] : memref<2x512xi32, #tpu.memory_space<vmem>> -> memref<1x512xi32, #tpu.memory_space<vmem>>
    %dma_start3A_598 = tpu.memref_squeeze %dma_start3A_597 : memref<1x512xi32, #tpu.memory_space<vmem>> -> memref<512xi32, #tpu.memory_space<vmem>>
    %dma_start3A_599 = arith.constant 0 : i32
    %dma_start3A_600 = arith.constant 0 : i32
    %dma_start3A_601 = tpu.memref_slice %arg3[%dma_start3A_599, %dma_start3A_600] : memref<1000000x64xf32, #tpu.memory_space<hbm>> -> memref<1000000x64xf32, #tpu.memory_space<hbm>>
    %dma_start3A_602 = tpu.memref_slice %arg8[%dma_start3A_591] : memref<2x!tpu.dma_semaphore, #tpu.memory_space<semaphore_mem>> -> memref<1x!tpu.dma_semaphore, #tpu.memory_space<semaphore_mem>>
    %dma_start3A_603 = tpu.memref_squeeze %dma_start3A_602 : memref<1x!tpu.dma_semaphore, #tpu.memory_space<semaphore_mem>> -> memref<!tpu.dma_semaphore, #tpu.memory_space<semaphore_mem>>
    tpu.enqueue_indirect_dma source(%dma_start3A_601 : memref<1000000x64xf32, #tpu.memory_space<hbm>>) target(%dma_start3A_595 : memref<512x64xf32, #tpu.memory_space<vmem>>) offsets(%dma_start3A_598 : memref<512xi32, #tpu.memory_space<vmem>>) semaphore(%dma_start3A_603 : memref<!tpu.dma_semaphore, #tpu.memory_space<semaphore_mem>>)
    %dma_start3A_604 = arith.constant 7 : i32
    %dma_start3A_605 = arith.constant 1 : i32
    %dma_start3A_606 = arith.constant 1 : i32
    %dma_start3A_607 = arith.constant 0 : i32
    %dma_start3A_608 = tpu.memref_slice %arg5[%dma_start3A_605, %dma_start3A_607] : memref<2x512xi32, #tpu.memory_space<vmem>> -> memref<1x512xi32, #tpu.memory_space<vmem>>
    %dma_start3A_609 = tpu.memref_squeeze %dma_start3A_608 : memref<1x512xi32, #tpu.memory_space<vmem>> -> memref<512xi32, #tpu.memory_space<vmem>>
    %dma_start3A_610 = tpu.memref_slice %arg2[%dma_start3A_604, %mul3A_2] : memref<26x16384xi32, #tpu.memory_space<hbm>> -> memref<1x512xi32, #tpu.memory_space<hbm>>
    %dma_start3A_611 = tpu.memref_squeeze %dma_start3A_610 : memref<1x512xi32, #tpu.memory_space<hbm>> -> memref<512xi32, #tpu.memory_space<hbm>>
    %dma_start3A_612 = tpu.memref_slice %arg7[%dma_start3A_606] : memref<2x!tpu.dma_semaphore, #tpu.memory_space<semaphore_mem>> -> memref<1x!tpu.dma_semaphore, #tpu.memory_space<semaphore_mem>>
    %dma_start3A_613 = tpu.memref_squeeze %dma_start3A_612 : memref<1x!tpu.dma_semaphore, #tpu.memory_space<semaphore_mem>> -> memref<!tpu.dma_semaphore, #tpu.memory_space<semaphore_mem>>
    %dma_start3A_614 = arith.constant 0 : i32
    %dma_start3A_615 = tpu.memref_slice %arg5[%dma_start3A_605, %dma_start3A_614] : memref<2x512xi32, #tpu.memory_space<vmem>> -> memref<1x512xi32, #tpu.memory_space<vmem>>
    %dma_start3A_616 = tpu.memref_squeeze %dma_start3A_615 : memref<1x512xi32, #tpu.memory_space<vmem>> -> memref<512xi32, #tpu.memory_space<vmem>>
    %dma_start3A_617 = tpu.memref_slice %arg2[%dma_start3A_604, %mul3A_2] : memref<26x16384xi32, #tpu.memory_space<hbm>> -> memref<1x512xi32, #tpu.memory_space<hbm>>
    %dma_start3A_618 = tpu.memref_squeeze %dma_start3A_617 : memref<1x512xi32, #tpu.memory_space<hbm>> -> memref<512xi32, #tpu.memory_space<hbm>>
    tpu.enqueue_dma source(%dma_start3A_618 : memref<512xi32, #tpu.memory_space<hbm>>) target(%dma_start3A_616 : memref<512xi32, #tpu.memory_space<vmem>>) target_semaphore(%dma_start3A_613 : memref<!tpu.dma_semaphore, #tpu.memory_space<semaphore_mem>>)
    %dma_wait3A_619 = arith.constant 0 : i32
    %dma_wait3A_620 = arith.constant 0 : i32
    %dma_wait3A_621 = arith.constant 0 : i32
    %dma_wait3A_622 = arith.constant 0 : i32
    %dma_wait3A_623 = arith.constant 0 : i32
    %dma_wait3A_624 = tpu.memref_slice %arg6[%dma_wait3A_620, %dma_wait3A_622, %dma_wait3A_623] : memref<2x512x64xf32, #tpu.memory_space<vmem>> -> memref<1x512x64xf32, #tpu.memory_space<vmem>>
    %dma_wait3A_625 = tpu.memref_squeeze %dma_wait3A_624 : memref<1x512x64xf32, #tpu.memory_space<vmem>> -> memref<512x64xf32, #tpu.memory_space<vmem>>
    %dma_wait3A_626 = arith.constant 0 : i32
    %dma_wait3A_627 = tpu.memref_slice %arg5[%dma_wait3A_619, %dma_wait3A_626] : memref<2x512xi32, #tpu.memory_space<vmem>> -> memref<1x512xi32, #tpu.memory_space<vmem>>
    %dma_wait3A_628 = tpu.memref_squeeze %dma_wait3A_627 : memref<1x512xi32, #tpu.memory_space<vmem>> -> memref<512xi32, #tpu.memory_space<vmem>>
    %dma_wait3A_629 = arith.constant 0 : i32
    %dma_wait3A_630 = arith.constant 0 : i32
    %dma_wait3A_631 = tpu.memref_slice %arg3[%dma_wait3A_629, %dma_wait3A_630] : memref<1000000x64xf32, #tpu.memory_space<hbm>> -> memref<1000000x64xf32, #tpu.memory_space<hbm>>
    %dma_wait3A_632 = tpu.memref_slice %arg8[%dma_wait3A_621] : memref<2x!tpu.dma_semaphore, #tpu.memory_space<semaphore_mem>> -> memref<1x!tpu.dma_semaphore, #tpu.memory_space<semaphore_mem>>
    %dma_wait3A_633 = tpu.memref_squeeze %dma_wait3A_632 : memref<1x!tpu.dma_semaphore, #tpu.memory_space<semaphore_mem>> -> memref<!tpu.dma_semaphore, #tpu.memory_space<semaphore_mem>>
    tpu.wait_indirect_dma semaphore(%dma_wait3A_633 : memref<!tpu.dma_semaphore, #tpu.memory_space<semaphore_mem>>) src(%dma_wait3A_631 : memref<1000000x64xf32, #tpu.memory_space<hbm>>) dst(%dma_wait3A_625 : memref<512x64xf32, #tpu.memory_space<vmem>>)
    %add3A_634 = arith.constant 98304 : i32
    %add3A_635 = arith.addi %add3A_634, %mul3A_2 : i32
    %dma_start3A_636 = arith.constant 0 : i32
    %dma_start3A_637 = arith.constant 0 : i32
    %dma_start3A_638 = arith.constant 0 : i32
    %dma_start3A_639 = arith.constant 0 : i32
    %dma_start3A_640 = tpu.memref_slice %arg6[%dma_start3A_636, %dma_start3A_638, %dma_start3A_639] : memref<2x512x64xf32, #tpu.memory_space<vmem>> -> memref<1x512x64xf32, #tpu.memory_space<vmem>>
    %dma_start3A_641 = tpu.memref_squeeze %dma_start3A_640 : memref<1x512x64xf32, #tpu.memory_space<vmem>> -> memref<512x64xf32, #tpu.memory_space<vmem>>
    %dma_start3A_642 = arith.constant 0 : i32
    %dma_start3A_643 = tpu.memref_slice %arg4[%add3A_635, %dma_start3A_642] : memref<425984x64xf32, #tpu.memory_space<hbm>> -> memref<512x64xf32, #tpu.memory_space<hbm>>
    %dma_start3A_644 = tpu.memref_slice %arg9[%dma_start3A_637] : memref<2x!tpu.dma_semaphore, #tpu.memory_space<semaphore_mem>> -> memref<1x!tpu.dma_semaphore, #tpu.memory_space<semaphore_mem>>
    %dma_start3A_645 = tpu.memref_squeeze %dma_start3A_644 : memref<1x!tpu.dma_semaphore, #tpu.memory_space<semaphore_mem>> -> memref<!tpu.dma_semaphore, #tpu.memory_space<semaphore_mem>>
    %dma_start3A_646 = arith.constant 0 : i32
    %dma_start3A_647 = tpu.memref_slice %arg4[%add3A_635, %dma_start3A_646] : memref<425984x64xf32, #tpu.memory_space<hbm>> -> memref<512x64xf32, #tpu.memory_space<hbm>>
    %dma_start3A_648 = arith.constant 0 : i32
    %dma_start3A_649 = arith.constant 0 : i32
    %dma_start3A_650 = tpu.memref_slice %arg6[%dma_start3A_636, %dma_start3A_648, %dma_start3A_649] : memref<2x512x64xf32, #tpu.memory_space<vmem>> -> memref<1x512x64xf32, #tpu.memory_space<vmem>>
    %dma_start3A_651 = tpu.memref_squeeze %dma_start3A_650 : memref<1x512x64xf32, #tpu.memory_space<vmem>> -> memref<512x64xf32, #tpu.memory_space<vmem>>
    tpu.enqueue_dma source(%dma_start3A_651 : memref<512x64xf32, #tpu.memory_space<vmem>>) target(%dma_start3A_647 : memref<512x64xf32, #tpu.memory_space<hbm>>) target_semaphore(%dma_start3A_645 : memref<!tpu.dma_semaphore, #tpu.memory_space<semaphore_mem>>)
    %add3A_652 = arith.constant 81920 : i32
    %add3A_653 = arith.addi %add3A_652, %mul3A_2 : i32
    %dma_wait3A_654 = arith.constant 1 : i32
    %dma_wait3A_655 = arith.constant 1 : i32
    %dma_wait3A_656 = arith.constant 0 : i32
    %dma_wait3A_657 = arith.constant 0 : i32
    %dma_wait3A_658 = tpu.memref_slice %arg6[%dma_wait3A_654, %dma_wait3A_656, %dma_wait3A_657] : memref<2x512x64xf32, #tpu.memory_space<vmem>> -> memref<1x512x64xf32, #tpu.memory_space<vmem>>
    %dma_wait3A_659 = tpu.memref_squeeze %dma_wait3A_658 : memref<1x512x64xf32, #tpu.memory_space<vmem>> -> memref<512x64xf32, #tpu.memory_space<vmem>>
    %dma_wait3A_660 = arith.constant 0 : i32
    %dma_wait3A_661 = tpu.memref_slice %arg4[%add3A_653, %dma_wait3A_660] : memref<425984x64xf32, #tpu.memory_space<hbm>> -> memref<512x64xf32, #tpu.memory_space<hbm>>
    %dma_wait3A_662 = tpu.memref_slice %arg9[%dma_wait3A_655] : memref<2x!tpu.dma_semaphore, #tpu.memory_space<semaphore_mem>> -> memref<1x!tpu.dma_semaphore, #tpu.memory_space<semaphore_mem>>
    %dma_wait3A_663 = tpu.memref_squeeze %dma_wait3A_662 : memref<1x!tpu.dma_semaphore, #tpu.memory_space<semaphore_mem>> -> memref<!tpu.dma_semaphore, #tpu.memory_space<semaphore_mem>>
    %dma_wait3A_664 = arith.constant 0 : i32
    %dma_wait3A_665 = tpu.memref_slice %arg4[%add3A_653, %dma_wait3A_664] : memref<425984x64xf32, #tpu.memory_space<hbm>> -> memref<512x64xf32, #tpu.memory_space<hbm>>
    %dma_wait3A_666 = arith.constant 0 : i32
    %dma_wait3A_667 = arith.constant 0 : i32
    %dma_wait3A_668 = tpu.memref_slice %arg6[%dma_wait3A_654, %dma_wait3A_666, %dma_wait3A_667] : memref<2x512x64xf32, #tpu.memory_space<vmem>> -> memref<1x512x64xf32, #tpu.memory_space<vmem>>
    %dma_wait3A_669 = tpu.memref_squeeze %dma_wait3A_668 : memref<1x512x64xf32, #tpu.memory_space<vmem>> -> memref<512x64xf32, #tpu.memory_space<vmem>>
    tpu.wait_dma2 semaphore(%dma_wait3A_663 : memref<!tpu.dma_semaphore, #tpu.memory_space<semaphore_mem>>) src(%dma_wait3A_669 : memref<512x64xf32, #tpu.memory_space<vmem>>) dst(%dma_wait3A_665 : memref<512x64xf32, #tpu.memory_space<hbm>>)
    %dma_wait3A_670 = arith.constant 7 : i32
    %dma_wait3A_671 = arith.constant 1 : i32
    %dma_wait3A_672 = arith.constant 1 : i32
    %dma_wait3A_673 = arith.constant 0 : i32
    %dma_wait3A_674 = tpu.memref_slice %arg5[%dma_wait3A_671, %dma_wait3A_673] : memref<2x512xi32, #tpu.memory_space<vmem>> -> memref<1x512xi32, #tpu.memory_space<vmem>>
    %dma_wait3A_675 = tpu.memref_squeeze %dma_wait3A_674 : memref<1x512xi32, #tpu.memory_space<vmem>> -> memref<512xi32, #tpu.memory_space<vmem>>
    %dma_wait3A_676 = tpu.memref_slice %arg2[%dma_wait3A_670, %mul3A_2] : memref<26x16384xi32, #tpu.memory_space<hbm>> -> memref<1x512xi32, #tpu.memory_space<hbm>>
    %dma_wait3A_677 = tpu.memref_squeeze %dma_wait3A_676 : memref<1x512xi32, #tpu.memory_space<hbm>> -> memref<512xi32, #tpu.memory_space<hbm>>
    %dma_wait3A_678 = tpu.memref_slice %arg7[%dma_wait3A_672] : memref<2x!tpu.dma_semaphore, #tpu.memory_space<semaphore_mem>> -> memref<1x!tpu.dma_semaphore, #tpu.memory_space<semaphore_mem>>
    %dma_wait3A_679 = tpu.memref_squeeze %dma_wait3A_678 : memref<1x!tpu.dma_semaphore, #tpu.memory_space<semaphore_mem>> -> memref<!tpu.dma_semaphore, #tpu.memory_space<semaphore_mem>>
    %dma_wait3A_680 = arith.constant 0 : i32
    %dma_wait3A_681 = tpu.memref_slice %arg5[%dma_wait3A_671, %dma_wait3A_680] : memref<2x512xi32, #tpu.memory_space<vmem>> -> memref<1x512xi32, #tpu.memory_space<vmem>>
    %dma_wait3A_682 = tpu.memref_squeeze %dma_wait3A_681 : memref<1x512xi32, #tpu.memory_space<vmem>> -> memref<512xi32, #tpu.memory_space<vmem>>
    %dma_wait3A_683 = tpu.memref_slice %arg2[%dma_wait3A_670, %mul3A_2] : memref<26x16384xi32, #tpu.memory_space<hbm>> -> memref<1x512xi32, #tpu.memory_space<hbm>>
    %dma_wait3A_684 = tpu.memref_squeeze %dma_wait3A_683 : memref<1x512xi32, #tpu.memory_space<hbm>> -> memref<512xi32, #tpu.memory_space<hbm>>
    tpu.wait_dma2 semaphore(%dma_wait3A_679 : memref<!tpu.dma_semaphore, #tpu.memory_space<semaphore_mem>>) src(%dma_wait3A_684 : memref<512xi32, #tpu.memory_space<hbm>>) dst(%dma_wait3A_682 : memref<512xi32, #tpu.memory_space<vmem>>)
    %dma_start3A_685 = arith.constant 1 : i32
    %dma_start3A_686 = arith.constant 1 : i32
    %dma_start3A_687 = arith.constant 1 : i32
    %dma_start3A_688 = arith.constant 0 : i32
    %dma_start3A_689 = arith.constant 0 : i32
    %dma_start3A_690 = tpu.memref_slice %arg6[%dma_start3A_686, %dma_start3A_688, %dma_start3A_689] : memref<2x512x64xf32, #tpu.memory_space<vmem>> -> memref<1x512x64xf32, #tpu.memory_space<vmem>>
    %dma_start3A_691 = tpu.memref_squeeze %dma_start3A_690 : memref<1x512x64xf32, #tpu.memory_space<vmem>> -> memref<512x64xf32, #tpu.memory_space<vmem>>
    %dma_start3A_692 = arith.constant 0 : i32
    %dma_start3A_693 = tpu.memref_slice %arg5[%dma_start3A_685, %dma_start3A_692] : memref<2x512xi32, #tpu.memory_space<vmem>> -> memref<1x512xi32, #tpu.memory_space<vmem>>
    %dma_start3A_694 = tpu.memref_squeeze %dma_start3A_693 : memref<1x512xi32, #tpu.memory_space<vmem>> -> memref<512xi32, #tpu.memory_space<vmem>>
    %dma_start3A_695 = arith.constant 0 : i32
    %dma_start3A_696 = arith.constant 0 : i32
    %dma_start3A_697 = tpu.memref_slice %arg3[%dma_start3A_695, %dma_start3A_696] : memref<1000000x64xf32, #tpu.memory_space<hbm>> -> memref<1000000x64xf32, #tpu.memory_space<hbm>>
    %dma_start3A_698 = tpu.memref_slice %arg8[%dma_start3A_687] : memref<2x!tpu.dma_semaphore, #tpu.memory_space<semaphore_mem>> -> memref<1x!tpu.dma_semaphore, #tpu.memory_space<semaphore_mem>>
    %dma_start3A_699 = tpu.memref_squeeze %dma_start3A_698 : memref<1x!tpu.dma_semaphore, #tpu.memory_space<semaphore_mem>> -> memref<!tpu.dma_semaphore, #tpu.memory_space<semaphore_mem>>
    tpu.enqueue_indirect_dma source(%dma_start3A_697 : memref<1000000x64xf32, #tpu.memory_space<hbm>>) target(%dma_start3A_691 : memref<512x64xf32, #tpu.memory_space<vmem>>) offsets(%dma_start3A_694 : memref<512xi32, #tpu.memory_space<vmem>>) semaphore(%dma_start3A_699 : memref<!tpu.dma_semaphore, #tpu.memory_space<semaphore_mem>>)
    %dma_start3A_700 = arith.constant 8 : i32
    %dma_start3A_701 = arith.constant 0 : i32
    %dma_start3A_702 = arith.constant 0 : i32
    %dma_start3A_703 = arith.constant 0 : i32
    %dma_start3A_704 = tpu.memref_slice %arg5[%dma_start3A_701, %dma_start3A_703] : memref<2x512xi32, #tpu.memory_space<vmem>> -> memref<1x512xi32, #tpu.memory_space<vmem>>
    %dma_start3A_705 = tpu.memref_squeeze %dma_start3A_704 : memref<1x512xi32, #tpu.memory_space<vmem>> -> memref<512xi32, #tpu.memory_space<vmem>>
    %dma_start3A_706 = tpu.memref_slice %arg2[%dma_start3A_700, %mul3A_2] : memref<26x16384xi32, #tpu.memory_space<hbm>> -> memref<1x512xi32, #tpu.memory_space<hbm>>
    %dma_start3A_707 = tpu.memref_squeeze %dma_start3A_706 : memref<1x512xi32, #tpu.memory_space<hbm>> -> memref<512xi32, #tpu.memory_space<hbm>>
    %dma_start3A_708 = tpu.memref_slice %arg7[%dma_start3A_702] : memref<2x!tpu.dma_semaphore, #tpu.memory_space<semaphore_mem>> -> memref<1x!tpu.dma_semaphore, #tpu.memory_space<semaphore_mem>>
    %dma_start3A_709 = tpu.memref_squeeze %dma_start3A_708 : memref<1x!tpu.dma_semaphore, #tpu.memory_space<semaphore_mem>> -> memref<!tpu.dma_semaphore, #tpu.memory_space<semaphore_mem>>
    %dma_start3A_710 = arith.constant 0 : i32
    %dma_start3A_711 = tpu.memref_slice %arg5[%dma_start3A_701, %dma_start3A_710] : memref<2x512xi32, #tpu.memory_space<vmem>> -> memref<1x512xi32, #tpu.memory_space<vmem>>
    %dma_start3A_712 = tpu.memref_squeeze %dma_start3A_711 : memref<1x512xi32, #tpu.memory_space<vmem>> -> memref<512xi32, #tpu.memory_space<vmem>>
    %dma_start3A_713 = tpu.memref_slice %arg2[%dma_start3A_700, %mul3A_2] : memref<26x16384xi32, #tpu.memory_space<hbm>> -> memref<1x512xi32, #tpu.memory_space<hbm>>
    %dma_start3A_714 = tpu.memref_squeeze %dma_start3A_713 : memref<1x512xi32, #tpu.memory_space<hbm>> -> memref<512xi32, #tpu.memory_space<hbm>>
    tpu.enqueue_dma source(%dma_start3A_714 : memref<512xi32, #tpu.memory_space<hbm>>) target(%dma_start3A_712 : memref<512xi32, #tpu.memory_space<vmem>>) target_semaphore(%dma_start3A_709 : memref<!tpu.dma_semaphore, #tpu.memory_space<semaphore_mem>>)
    %dma_wait3A_715 = arith.constant 1 : i32
    %dma_wait3A_716 = arith.constant 1 : i32
    %dma_wait3A_717 = arith.constant 1 : i32
    %dma_wait3A_718 = arith.constant 0 : i32
    %dma_wait3A_719 = arith.constant 0 : i32
    %dma_wait3A_720 = tpu.memref_slice %arg6[%dma_wait3A_716, %dma_wait3A_718, %dma_wait3A_719] : memref<2x512x64xf32, #tpu.memory_space<vmem>> -> memref<1x512x64xf32, #tpu.memory_space<vmem>>
    %dma_wait3A_721 = tpu.memref_squeeze %dma_wait3A_720 : memref<1x512x64xf32, #tpu.memory_space<vmem>> -> memref<512x64xf32, #tpu.memory_space<vmem>>
    %dma_wait3A_722 = arith.constant 0 : i32
    %dma_wait3A_723 = tpu.memref_slice %arg5[%dma_wait3A_715, %dma_wait3A_722] : memref<2x512xi32, #tpu.memory_space<vmem>> -> memref<1x512xi32, #tpu.memory_space<vmem>>
    %dma_wait3A_724 = tpu.memref_squeeze %dma_wait3A_723 : memref<1x512xi32, #tpu.memory_space<vmem>> -> memref<512xi32, #tpu.memory_space<vmem>>
    %dma_wait3A_725 = arith.constant 0 : i32
    %dma_wait3A_726 = arith.constant 0 : i32
    %dma_wait3A_727 = tpu.memref_slice %arg3[%dma_wait3A_725, %dma_wait3A_726] : memref<1000000x64xf32, #tpu.memory_space<hbm>> -> memref<1000000x64xf32, #tpu.memory_space<hbm>>
    %dma_wait3A_728 = tpu.memref_slice %arg8[%dma_wait3A_717] : memref<2x!tpu.dma_semaphore, #tpu.memory_space<semaphore_mem>> -> memref<1x!tpu.dma_semaphore, #tpu.memory_space<semaphore_mem>>
    %dma_wait3A_729 = tpu.memref_squeeze %dma_wait3A_728 : memref<1x!tpu.dma_semaphore, #tpu.memory_space<semaphore_mem>> -> memref<!tpu.dma_semaphore, #tpu.memory_space<semaphore_mem>>
    tpu.wait_indirect_dma semaphore(%dma_wait3A_729 : memref<!tpu.dma_semaphore, #tpu.memory_space<semaphore_mem>>) src(%dma_wait3A_727 : memref<1000000x64xf32, #tpu.memory_space<hbm>>) dst(%dma_wait3A_721 : memref<512x64xf32, #tpu.memory_space<vmem>>)
    %add3A_730 = arith.constant 114688 : i32
    %add3A_731 = arith.addi %add3A_730, %mul3A_2 : i32
    %dma_start3A_732 = arith.constant 1 : i32
    %dma_start3A_733 = arith.constant 1 : i32
    %dma_start3A_734 = arith.constant 0 : i32
    %dma_start3A_735 = arith.constant 0 : i32
    %dma_start3A_736 = tpu.memref_slice %arg6[%dma_start3A_732, %dma_start3A_734, %dma_start3A_735] : memref<2x512x64xf32, #tpu.memory_space<vmem>> -> memref<1x512x64xf32, #tpu.memory_space<vmem>>
    %dma_start3A_737 = tpu.memref_squeeze %dma_start3A_736 : memref<1x512x64xf32, #tpu.memory_space<vmem>> -> memref<512x64xf32, #tpu.memory_space<vmem>>
    %dma_start3A_738 = arith.constant 0 : i32
    %dma_start3A_739 = tpu.memref_slice %arg4[%add3A_731, %dma_start3A_738] : memref<425984x64xf32, #tpu.memory_space<hbm>> -> memref<512x64xf32, #tpu.memory_space<hbm>>
    %dma_start3A_740 = tpu.memref_slice %arg9[%dma_start3A_733] : memref<2x!tpu.dma_semaphore, #tpu.memory_space<semaphore_mem>> -> memref<1x!tpu.dma_semaphore, #tpu.memory_space<semaphore_mem>>
    %dma_start3A_741 = tpu.memref_squeeze %dma_start3A_740 : memref<1x!tpu.dma_semaphore, #tpu.memory_space<semaphore_mem>> -> memref<!tpu.dma_semaphore, #tpu.memory_space<semaphore_mem>>
    %dma_start3A_742 = arith.constant 0 : i32
    %dma_start3A_743 = tpu.memref_slice %arg4[%add3A_731, %dma_start3A_742] : memref<425984x64xf32, #tpu.memory_space<hbm>> -> memref<512x64xf32, #tpu.memory_space<hbm>>
    %dma_start3A_744 = arith.constant 0 : i32
    %dma_start3A_745 = arith.constant 0 : i32
    %dma_start3A_746 = tpu.memref_slice %arg6[%dma_start3A_732, %dma_start3A_744, %dma_start3A_745] : memref<2x512x64xf32, #tpu.memory_space<vmem>> -> memref<1x512x64xf32, #tpu.memory_space<vmem>>
    %dma_start3A_747 = tpu.memref_squeeze %dma_start3A_746 : memref<1x512x64xf32, #tpu.memory_space<vmem>> -> memref<512x64xf32, #tpu.memory_space<vmem>>
    tpu.enqueue_dma source(%dma_start3A_747 : memref<512x64xf32, #tpu.memory_space<vmem>>) target(%dma_start3A_743 : memref<512x64xf32, #tpu.memory_space<hbm>>) target_semaphore(%dma_start3A_741 : memref<!tpu.dma_semaphore, #tpu.memory_space<semaphore_mem>>)
    %add3A_748 = arith.constant 98304 : i32
    %add3A_749 = arith.addi %add3A_748, %mul3A_2 : i32
    %dma_wait3A_750 = arith.constant 0 : i32
    %dma_wait3A_751 = arith.constant 0 : i32
    %dma_wait3A_752 = arith.constant 0 : i32
    %dma_wait3A_753 = arith.constant 0 : i32
    %dma_wait3A_754 = tpu.memref_slice %arg6[%dma_wait3A_750, %dma_wait3A_752, %dma_wait3A_753] : memref<2x512x64xf32, #tpu.memory_space<vmem>> -> memref<1x512x64xf32, #tpu.memory_space<vmem>>
    %dma_wait3A_755 = tpu.memref_squeeze %dma_wait3A_754 : memref<1x512x64xf32, #tpu.memory_space<vmem>> -> memref<512x64xf32, #tpu.memory_space<vmem>>
    %dma_wait3A_756 = arith.constant 0 : i32
    %dma_wait3A_757 = tpu.memref_slice %arg4[%add3A_749, %dma_wait3A_756] : memref<425984x64xf32, #tpu.memory_space<hbm>> -> memref<512x64xf32, #tpu.memory_space<hbm>>
    %dma_wait3A_758 = tpu.memref_slice %arg9[%dma_wait3A_751] : memref<2x!tpu.dma_semaphore, #tpu.memory_space<semaphore_mem>> -> memref<1x!tpu.dma_semaphore, #tpu.memory_space<semaphore_mem>>
    %dma_wait3A_759 = tpu.memref_squeeze %dma_wait3A_758 : memref<1x!tpu.dma_semaphore, #tpu.memory_space<semaphore_mem>> -> memref<!tpu.dma_semaphore, #tpu.memory_space<semaphore_mem>>
    %dma_wait3A_760 = arith.constant 0 : i32
    %dma_wait3A_761 = tpu.memref_slice %arg4[%add3A_749, %dma_wait3A_760] : memref<425984x64xf32, #tpu.memory_space<hbm>> -> memref<512x64xf32, #tpu.memory_space<hbm>>
    %dma_wait3A_762 = arith.constant 0 : i32
    %dma_wait3A_763 = arith.constant 0 : i32
    %dma_wait3A_764 = tpu.memref_slice %arg6[%dma_wait3A_750, %dma_wait3A_762, %dma_wait3A_763] : memref<2x512x64xf32, #tpu.memory_space<vmem>> -> memref<1x512x64xf32, #tpu.memory_space<vmem>>
    %dma_wait3A_765 = tpu.memref_squeeze %dma_wait3A_764 : memref<1x512x64xf32, #tpu.memory_space<vmem>> -> memref<512x64xf32, #tpu.memory_space<vmem>>
    tpu.wait_dma2 semaphore(%dma_wait3A_759 : memref<!tpu.dma_semaphore, #tpu.memory_space<semaphore_mem>>) src(%dma_wait3A_765 : memref<512x64xf32, #tpu.memory_space<vmem>>) dst(%dma_wait3A_761 : memref<512x64xf32, #tpu.memory_space<hbm>>)
    %dma_wait3A_766 = arith.constant 8 : i32
    %dma_wait3A_767 = arith.constant 0 : i32
    %dma_wait3A_768 = arith.constant 0 : i32
    %dma_wait3A_769 = arith.constant 0 : i32
    %dma_wait3A_770 = tpu.memref_slice %arg5[%dma_wait3A_767, %dma_wait3A_769] : memref<2x512xi32, #tpu.memory_space<vmem>> -> memref<1x512xi32, #tpu.memory_space<vmem>>
    %dma_wait3A_771 = tpu.memref_squeeze %dma_wait3A_770 : memref<1x512xi32, #tpu.memory_space<vmem>> -> memref<512xi32, #tpu.memory_space<vmem>>
    %dma_wait3A_772 = tpu.memref_slice %arg2[%dma_wait3A_766, %mul3A_2] : memref<26x16384xi32, #tpu.memory_space<hbm>> -> memref<1x512xi32, #tpu.memory_space<hbm>>
    %dma_wait3A_773 = tpu.memref_squeeze %dma_wait3A_772 : memref<1x512xi32, #tpu.memory_space<hbm>> -> memref<512xi32, #tpu.memory_space<hbm>>
    %dma_wait3A_774 = tpu.memref_slice %arg7[%dma_wait3A_768] : memref<2x!tpu.dma_semaphore, #tpu.memory_space<semaphore_mem>> -> memref<1x!tpu.dma_semaphore, #tpu.memory_space<semaphore_mem>>
    %dma_wait3A_775 = tpu.memref_squeeze %dma_wait3A_774 : memref<1x!tpu.dma_semaphore, #tpu.memory_space<semaphore_mem>> -> memref<!tpu.dma_semaphore, #tpu.memory_space<semaphore_mem>>
    %dma_wait3A_776 = arith.constant 0 : i32
    %dma_wait3A_777 = tpu.memref_slice %arg5[%dma_wait3A_767, %dma_wait3A_776] : memref<2x512xi32, #tpu.memory_space<vmem>> -> memref<1x512xi32, #tpu.memory_space<vmem>>
    %dma_wait3A_778 = tpu.memref_squeeze %dma_wait3A_777 : memref<1x512xi32, #tpu.memory_space<vmem>> -> memref<512xi32, #tpu.memory_space<vmem>>
    %dma_wait3A_779 = tpu.memref_slice %arg2[%dma_wait3A_766, %mul3A_2] : memref<26x16384xi32, #tpu.memory_space<hbm>> -> memref<1x512xi32, #tpu.memory_space<hbm>>
    %dma_wait3A_780 = tpu.memref_squeeze %dma_wait3A_779 : memref<1x512xi32, #tpu.memory_space<hbm>> -> memref<512xi32, #tpu.memory_space<hbm>>
    tpu.wait_dma2 semaphore(%dma_wait3A_775 : memref<!tpu.dma_semaphore, #tpu.memory_space<semaphore_mem>>) src(%dma_wait3A_780 : memref<512xi32, #tpu.memory_space<hbm>>) dst(%dma_wait3A_778 : memref<512xi32, #tpu.memory_space<vmem>>)
    %dma_start3A_781 = arith.constant 0 : i32
    %dma_start3A_782 = arith.constant 0 : i32
    %dma_start3A_783 = arith.constant 0 : i32
    %dma_start3A_784 = arith.constant 0 : i32
    %dma_start3A_785 = arith.constant 0 : i32
    %dma_start3A_786 = tpu.memref_slice %arg6[%dma_start3A_782, %dma_start3A_784, %dma_start3A_785] : memref<2x512x64xf32, #tpu.memory_space<vmem>> -> memref<1x512x64xf32, #tpu.memory_space<vmem>>
    %dma_start3A_787 = tpu.memref_squeeze %dma_start3A_786 : memref<1x512x64xf32, #tpu.memory_space<vmem>> -> memref<512x64xf32, #tpu.memory_space<vmem>>
    %dma_start3A_788 = arith.constant 0 : i32
    %dma_start3A_789 = tpu.memref_slice %arg5[%dma_start3A_781, %dma_start3A_788] : memref<2x512xi32, #tpu.memory_space<vmem>> -> memref<1x512xi32, #tpu.memory_space<vmem>>
    %dma_start3A_790 = tpu.memref_squeeze %dma_start3A_789 : memref<1x512xi32, #tpu.memory_space<vmem>> -> memref<512xi32, #tpu.memory_space<vmem>>
    %dma_start3A_791 = arith.constant 0 : i32
    %dma_start3A_792 = arith.constant 0 : i32
    %dma_start3A_793 = tpu.memref_slice %arg3[%dma_start3A_791, %dma_start3A_792] : memref<1000000x64xf32, #tpu.memory_space<hbm>> -> memref<1000000x64xf32, #tpu.memory_space<hbm>>
    %dma_start3A_794 = tpu.memref_slice %arg8[%dma_start3A_783] : memref<2x!tpu.dma_semaphore, #tpu.memory_space<semaphore_mem>> -> memref<1x!tpu.dma_semaphore, #tpu.memory_space<semaphore_mem>>
    %dma_start3A_795 = tpu.memref_squeeze %dma_start3A_794 : memref<1x!tpu.dma_semaphore, #tpu.memory_space<semaphore_mem>> -> memref<!tpu.dma_semaphore, #tpu.memory_space<semaphore_mem>>
    tpu.enqueue_indirect_dma source(%dma_start3A_793 : memref<1000000x64xf32, #tpu.memory_space<hbm>>) target(%dma_start3A_787 : memref<512x64xf32, #tpu.memory_space<vmem>>) offsets(%dma_start3A_790 : memref<512xi32, #tpu.memory_space<vmem>>) semaphore(%dma_start3A_795 : memref<!tpu.dma_semaphore, #tpu.memory_space<semaphore_mem>>)
    %dma_start3A_796 = arith.constant 9 : i32
    %dma_start3A_797 = arith.constant 1 : i32
    %dma_start3A_798 = arith.constant 1 : i32
    %dma_start3A_799 = arith.constant 0 : i32
    %dma_start3A_800 = tpu.memref_slice %arg5[%dma_start3A_797, %dma_start3A_799] : memref<2x512xi32, #tpu.memory_space<vmem>> -> memref<1x512xi32, #tpu.memory_space<vmem>>
    %dma_start3A_801 = tpu.memref_squeeze %dma_start3A_800 : memref<1x512xi32, #tpu.memory_space<vmem>> -> memref<512xi32, #tpu.memory_space<vmem>>
    %dma_start3A_802 = tpu.memref_slice %arg2[%dma_start3A_796, %mul3A_2] : memref<26x16384xi32, #tpu.memory_space<hbm>> -> memref<1x512xi32, #tpu.memory_space<hbm>>
    %dma_start3A_803 = tpu.memref_squeeze %dma_start3A_802 : memref<1x512xi32, #tpu.memory_space<hbm>> -> memref<512xi32, #tpu.memory_space<hbm>>
    %dma_start3A_804 = tpu.memref_slice %arg7[%dma_start3A_798] : memref<2x!tpu.dma_semaphore, #tpu.memory_space<semaphore_mem>> -> memref<1x!tpu.dma_semaphore, #tpu.memory_space<semaphore_mem>>
    %dma_start3A_805 = tpu.memref_squeeze %dma_start3A_804 : memref<1x!tpu.dma_semaphore, #tpu.memory_space<semaphore_mem>> -> memref<!tpu.dma_semaphore, #tpu.memory_space<semaphore_mem>>
    %dma_start3A_806 = arith.constant 0 : i32
    %dma_start3A_807 = tpu.memref_slice %arg5[%dma_start3A_797, %dma_start3A_806] : memref<2x512xi32, #tpu.memory_space<vmem>> -> memref<1x512xi32, #tpu.memory_space<vmem>>
    %dma_start3A_808 = tpu.memref_squeeze %dma_start3A_807 : memref<1x512xi32, #tpu.memory_space<vmem>> -> memref<512xi32, #tpu.memory_space<vmem>>
    %dma_start3A_809 = tpu.memref_slice %arg2[%dma_start3A_796, %mul3A_2] : memref<26x16384xi32, #tpu.memory_space<hbm>> -> memref<1x512xi32, #tpu.memory_space<hbm>>
    %dma_start3A_810 = tpu.memref_squeeze %dma_start3A_809 : memref<1x512xi32, #tpu.memory_space<hbm>> -> memref<512xi32, #tpu.memory_space<hbm>>
    tpu.enqueue_dma source(%dma_start3A_810 : memref<512xi32, #tpu.memory_space<hbm>>) target(%dma_start3A_808 : memref<512xi32, #tpu.memory_space<vmem>>) target_semaphore(%dma_start3A_805 : memref<!tpu.dma_semaphore, #tpu.memory_space<semaphore_mem>>)
    %dma_wait3A_811 = arith.constant 0 : i32
    %dma_wait3A_812 = arith.constant 0 : i32
    %dma_wait3A_813 = arith.constant 0 : i32
    %dma_wait3A_814 = arith.constant 0 : i32
    %dma_wait3A_815 = arith.constant 0 : i32
    %dma_wait3A_816 = tpu.memref_slice %arg6[%dma_wait3A_812, %dma_wait3A_814, %dma_wait3A_815] : memref<2x512x64xf32, #tpu.memory_space<vmem>> -> memref<1x512x64xf32, #tpu.memory_space<vmem>>
    %dma_wait3A_817 = tpu.memref_squeeze %dma_wait3A_816 : memref<1x512x64xf32, #tpu.memory_space<vmem>> -> memref<512x64xf32, #tpu.memory_space<vmem>>
    %dma_wait3A_818 = arith.constant 0 : i32
    %dma_wait3A_819 = tpu.memref_slice %arg5[%dma_wait3A_811, %dma_wait3A_818] : memref<2x512xi32, #tpu.memory_space<vmem>> -> memref<1x512xi32, #tpu.memory_space<vmem>>
    %dma_wait3A_820 = tpu.memref_squeeze %dma_wait3A_819 : memref<1x512xi32, #tpu.memory_space<vmem>> -> memref<512xi32, #tpu.memory_space<vmem>>
    %dma_wait3A_821 = arith.constant 0 : i32
    %dma_wait3A_822 = arith.constant 0 : i32
    %dma_wait3A_823 = tpu.memref_slice %arg3[%dma_wait3A_821, %dma_wait3A_822] : memref<1000000x64xf32, #tpu.memory_space<hbm>> -> memref<1000000x64xf32, #tpu.memory_space<hbm>>
    %dma_wait3A_824 = tpu.memref_slice %arg8[%dma_wait3A_813] : memref<2x!tpu.dma_semaphore, #tpu.memory_space<semaphore_mem>> -> memref<1x!tpu.dma_semaphore, #tpu.memory_space<semaphore_mem>>
    %dma_wait3A_825 = tpu.memref_squeeze %dma_wait3A_824 : memref<1x!tpu.dma_semaphore, #tpu.memory_space<semaphore_mem>> -> memref<!tpu.dma_semaphore, #tpu.memory_space<semaphore_mem>>
    tpu.wait_indirect_dma semaphore(%dma_wait3A_825 : memref<!tpu.dma_semaphore, #tpu.memory_space<semaphore_mem>>) src(%dma_wait3A_823 : memref<1000000x64xf32, #tpu.memory_space<hbm>>) dst(%dma_wait3A_817 : memref<512x64xf32, #tpu.memory_space<vmem>>)
    %add3A_826 = arith.constant 131072 : i32
    %add3A_827 = arith.addi %add3A_826, %mul3A_2 : i32
    %dma_start3A_828 = arith.constant 0 : i32
    %dma_start3A_829 = arith.constant 0 : i32
    %dma_start3A_830 = arith.constant 0 : i32
    %dma_start3A_831 = arith.constant 0 : i32
    %dma_start3A_832 = tpu.memref_slice %arg6[%dma_start3A_828, %dma_start3A_830, %dma_start3A_831] : memref<2x512x64xf32, #tpu.memory_space<vmem>> -> memref<1x512x64xf32, #tpu.memory_space<vmem>>
    %dma_start3A_833 = tpu.memref_squeeze %dma_start3A_832 : memref<1x512x64xf32, #tpu.memory_space<vmem>> -> memref<512x64xf32, #tpu.memory_space<vmem>>
    %dma_start3A_834 = arith.constant 0 : i32
    %dma_start3A_835 = tpu.memref_slice %arg4[%add3A_827, %dma_start3A_834] : memref<425984x64xf32, #tpu.memory_space<hbm>> -> memref<512x64xf32, #tpu.memory_space<hbm>>
    %dma_start3A_836 = tpu.memref_slice %arg9[%dma_start3A_829] : memref<2x!tpu.dma_semaphore, #tpu.memory_space<semaphore_mem>> -> memref<1x!tpu.dma_semaphore, #tpu.memory_space<semaphore_mem>>
    %dma_start3A_837 = tpu.memref_squeeze %dma_start3A_836 : memref<1x!tpu.dma_semaphore, #tpu.memory_space<semaphore_mem>> -> memref<!tpu.dma_semaphore, #tpu.memory_space<semaphore_mem>>
    %dma_start3A_838 = arith.constant 0 : i32
    %dma_start3A_839 = tpu.memref_slice %arg4[%add3A_827, %dma_start3A_838] : memref<425984x64xf32, #tpu.memory_space<hbm>> -> memref<512x64xf32, #tpu.memory_space<hbm>>
    %dma_start3A_840 = arith.constant 0 : i32
    %dma_start3A_841 = arith.constant 0 : i32
    %dma_start3A_842 = tpu.memref_slice %arg6[%dma_start3A_828, %dma_start3A_840, %dma_start3A_841] : memref<2x512x64xf32, #tpu.memory_space<vmem>> -> memref<1x512x64xf32, #tpu.memory_space<vmem>>
    %dma_start3A_843 = tpu.memref_squeeze %dma_start3A_842 : memref<1x512x64xf32, #tpu.memory_space<vmem>> -> memref<512x64xf32, #tpu.memory_space<vmem>>
    tpu.enqueue_dma source(%dma_start3A_843 : memref<512x64xf32, #tpu.memory_space<vmem>>) target(%dma_start3A_839 : memref<512x64xf32, #tpu.memory_space<hbm>>) target_semaphore(%dma_start3A_837 : memref<!tpu.dma_semaphore, #tpu.memory_space<semaphore_mem>>)
    %add3A_844 = arith.constant 114688 : i32
    %add3A_845 = arith.addi %add3A_844, %mul3A_2 : i32
    %dma_wait3A_846 = arith.constant 1 : i32
    %dma_wait3A_847 = arith.constant 1 : i32
    %dma_wait3A_848 = arith.constant 0 : i32
    %dma_wait3A_849 = arith.constant 0 : i32
    %dma_wait3A_850 = tpu.memref_slice %arg6[%dma_wait3A_846, %dma_wait3A_848, %dma_wait3A_849] : memref<2x512x64xf32, #tpu.memory_space<vmem>> -> memref<1x512x64xf32, #tpu.memory_space<vmem>>
    %dma_wait3A_851 = tpu.memref_squeeze %dma_wait3A_850 : memref<1x512x64xf32, #tpu.memory_space<vmem>> -> memref<512x64xf32, #tpu.memory_space<vmem>>
    %dma_wait3A_852 = arith.constant 0 : i32
    %dma_wait3A_853 = tpu.memref_slice %arg4[%add3A_845, %dma_wait3A_852] : memref<425984x64xf32, #tpu.memory_space<hbm>> -> memref<512x64xf32, #tpu.memory_space<hbm>>
    %dma_wait3A_854 = tpu.memref_slice %arg9[%dma_wait3A_847] : memref<2x!tpu.dma_semaphore, #tpu.memory_space<semaphore_mem>> -> memref<1x!tpu.dma_semaphore, #tpu.memory_space<semaphore_mem>>
    %dma_wait3A_855 = tpu.memref_squeeze %dma_wait3A_854 : memref<1x!tpu.dma_semaphore, #tpu.memory_space<semaphore_mem>> -> memref<!tpu.dma_semaphore, #tpu.memory_space<semaphore_mem>>
    %dma_wait3A_856 = arith.constant 0 : i32
    %dma_wait3A_857 = tpu.memref_slice %arg4[%add3A_845, %dma_wait3A_856] : memref<425984x64xf32, #tpu.memory_space<hbm>> -> memref<512x64xf32, #tpu.memory_space<hbm>>
    %dma_wait3A_858 = arith.constant 0 : i32
    %dma_wait3A_859 = arith.constant 0 : i32
    %dma_wait3A_860 = tpu.memref_slice %arg6[%dma_wait3A_846, %dma_wait3A_858, %dma_wait3A_859] : memref<2x512x64xf32, #tpu.memory_space<vmem>> -> memref<1x512x64xf32, #tpu.memory_space<vmem>>
    %dma_wait3A_861 = tpu.memref_squeeze %dma_wait3A_860 : memref<1x512x64xf32, #tpu.memory_space<vmem>> -> memref<512x64xf32, #tpu.memory_space<vmem>>
    tpu.wait_dma2 semaphore(%dma_wait3A_855 : memref<!tpu.dma_semaphore, #tpu.memory_space<semaphore_mem>>) src(%dma_wait3A_861 : memref<512x64xf32, #tpu.memory_space<vmem>>) dst(%dma_wait3A_857 : memref<512x64xf32, #tpu.memory_space<hbm>>)
    %dma_wait3A_862 = arith.constant 9 : i32
    %dma_wait3A_863 = arith.constant 1 : i32
    %dma_wait3A_864 = arith.constant 1 : i32
    %dma_wait3A_865 = arith.constant 0 : i32
    %dma_wait3A_866 = tpu.memref_slice %arg5[%dma_wait3A_863, %dma_wait3A_865] : memref<2x512xi32, #tpu.memory_space<vmem>> -> memref<1x512xi32, #tpu.memory_space<vmem>>
    %dma_wait3A_867 = tpu.memref_squeeze %dma_wait3A_866 : memref<1x512xi32, #tpu.memory_space<vmem>> -> memref<512xi32, #tpu.memory_space<vmem>>
    %dma_wait3A_868 = tpu.memref_slice %arg2[%dma_wait3A_862, %mul3A_2] : memref<26x16384xi32, #tpu.memory_space<hbm>> -> memref<1x512xi32, #tpu.memory_space<hbm>>
    %dma_wait3A_869 = tpu.memref_squeeze %dma_wait3A_868 : memref<1x512xi32, #tpu.memory_space<hbm>> -> memref<512xi32, #tpu.memory_space<hbm>>
    %dma_wait3A_870 = tpu.memref_slice %arg7[%dma_wait3A_864] : memref<2x!tpu.dma_semaphore, #tpu.memory_space<semaphore_mem>> -> memref<1x!tpu.dma_semaphore, #tpu.memory_space<semaphore_mem>>
    %dma_wait3A_871 = tpu.memref_squeeze %dma_wait3A_870 : memref<1x!tpu.dma_semaphore, #tpu.memory_space<semaphore_mem>> -> memref<!tpu.dma_semaphore, #tpu.memory_space<semaphore_mem>>
    %dma_wait3A_872 = arith.constant 0 : i32
    %dma_wait3A_873 = tpu.memref_slice %arg5[%dma_wait3A_863, %dma_wait3A_872] : memref<2x512xi32, #tpu.memory_space<vmem>> -> memref<1x512xi32, #tpu.memory_space<vmem>>
    %dma_wait3A_874 = tpu.memref_squeeze %dma_wait3A_873 : memref<1x512xi32, #tpu.memory_space<vmem>> -> memref<512xi32, #tpu.memory_space<vmem>>
    %dma_wait3A_875 = tpu.memref_slice %arg2[%dma_wait3A_862, %mul3A_2] : memref<26x16384xi32, #tpu.memory_space<hbm>> -> memref<1x512xi32, #tpu.memory_space<hbm>>
    %dma_wait3A_876 = tpu.memref_squeeze %dma_wait3A_875 : memref<1x512xi32, #tpu.memory_space<hbm>> -> memref<512xi32, #tpu.memory_space<hbm>>
    tpu.wait_dma2 semaphore(%dma_wait3A_871 : memref<!tpu.dma_semaphore, #tpu.memory_space<semaphore_mem>>) src(%dma_wait3A_876 : memref<512xi32, #tpu.memory_space<hbm>>) dst(%dma_wait3A_874 : memref<512xi32, #tpu.memory_space<vmem>>)
    %dma_start3A_877 = arith.constant 1 : i32
    %dma_start3A_878 = arith.constant 1 : i32
    %dma_start3A_879 = arith.constant 1 : i32
    %dma_start3A_880 = arith.constant 0 : i32
    %dma_start3A_881 = arith.constant 0 : i32
    %dma_start3A_882 = tpu.memref_slice %arg6[%dma_start3A_878, %dma_start3A_880, %dma_start3A_881] : memref<2x512x64xf32, #tpu.memory_space<vmem>> -> memref<1x512x64xf32, #tpu.memory_space<vmem>>
    %dma_start3A_883 = tpu.memref_squeeze %dma_start3A_882 : memref<1x512x64xf32, #tpu.memory_space<vmem>> -> memref<512x64xf32, #tpu.memory_space<vmem>>
    %dma_start3A_884 = arith.constant 0 : i32
    %dma_start3A_885 = tpu.memref_slice %arg5[%dma_start3A_877, %dma_start3A_884] : memref<2x512xi32, #tpu.memory_space<vmem>> -> memref<1x512xi32, #tpu.memory_space<vmem>>
    %dma_start3A_886 = tpu.memref_squeeze %dma_start3A_885 : memref<1x512xi32, #tpu.memory_space<vmem>> -> memref<512xi32, #tpu.memory_space<vmem>>
    %dma_start3A_887 = arith.constant 0 : i32
    %dma_start3A_888 = arith.constant 0 : i32
    %dma_start3A_889 = tpu.memref_slice %arg3[%dma_start3A_887, %dma_start3A_888] : memref<1000000x64xf32, #tpu.memory_space<hbm>> -> memref<1000000x64xf32, #tpu.memory_space<hbm>>
    %dma_start3A_890 = tpu.memref_slice %arg8[%dma_start3A_879] : memref<2x!tpu.dma_semaphore, #tpu.memory_space<semaphore_mem>> -> memref<1x!tpu.dma_semaphore, #tpu.memory_space<semaphore_mem>>
    %dma_start3A_891 = tpu.memref_squeeze %dma_start3A_890 : memref<1x!tpu.dma_semaphore, #tpu.memory_space<semaphore_mem>> -> memref<!tpu.dma_semaphore, #tpu.memory_space<semaphore_mem>>
    tpu.enqueue_indirect_dma source(%dma_start3A_889 : memref<1000000x64xf32, #tpu.memory_space<hbm>>) target(%dma_start3A_883 : memref<512x64xf32, #tpu.memory_space<vmem>>) offsets(%dma_start3A_886 : memref<512xi32, #tpu.memory_space<vmem>>) semaphore(%dma_start3A_891 : memref<!tpu.dma_semaphore, #tpu.memory_space<semaphore_mem>>)
    %dma_start3A_892 = arith.constant 10 : i32
    %dma_start3A_893 = arith.constant 0 : i32
    %dma_start3A_894 = arith.constant 0 : i32
    %dma_start3A_895 = arith.constant 0 : i32
    %dma_start3A_896 = tpu.memref_slice %arg5[%dma_start3A_893, %dma_start3A_895] : memref<2x512xi32, #tpu.memory_space<vmem>> -> memref<1x512xi32, #tpu.memory_space<vmem>>
    %dma_start3A_897 = tpu.memref_squeeze %dma_start3A_896 : memref<1x512xi32, #tpu.memory_space<vmem>> -> memref<512xi32, #tpu.memory_space<vmem>>
    %dma_start3A_898 = tpu.memref_slice %arg2[%dma_start3A_892, %mul3A_2] : memref<26x16384xi32, #tpu.memory_space<hbm>> -> memref<1x512xi32, #tpu.memory_space<hbm>>
    %dma_start3A_899 = tpu.memref_squeeze %dma_start3A_898 : memref<1x512xi32, #tpu.memory_space<hbm>> -> memref<512xi32, #tpu.memory_space<hbm>>
    %dma_start3A_900 = tpu.memref_slice %arg7[%dma_start3A_894] : memref<2x!tpu.dma_semaphore, #tpu.memory_space<semaphore_mem>> -> memref<1x!tpu.dma_semaphore, #tpu.memory_space<semaphore_mem>>
    %dma_start3A_901 = tpu.memref_squeeze %dma_start3A_900 : memref<1x!tpu.dma_semaphore, #tpu.memory_space<semaphore_mem>> -> memref<!tpu.dma_semaphore, #tpu.memory_space<semaphore_mem>>
    %dma_start3A_902 = arith.constant 0 : i32
    %dma_start3A_903 = tpu.memref_slice %arg5[%dma_start3A_893, %dma_start3A_902] : memref<2x512xi32, #tpu.memory_space<vmem>> -> memref<1x512xi32, #tpu.memory_space<vmem>>
    %dma_start3A_904 = tpu.memref_squeeze %dma_start3A_903 : memref<1x512xi32, #tpu.memory_space<vmem>> -> memref<512xi32, #tpu.memory_space<vmem>>
    %dma_start3A_905 = tpu.memref_slice %arg2[%dma_start3A_892, %mul3A_2] : memref<26x16384xi32, #tpu.memory_space<hbm>> -> memref<1x512xi32, #tpu.memory_space<hbm>>
    %dma_start3A_906 = tpu.memref_squeeze %dma_start3A_905 : memref<1x512xi32, #tpu.memory_space<hbm>> -> memref<512xi32, #tpu.memory_space<hbm>>
    tpu.enqueue_dma source(%dma_start3A_906 : memref<512xi32, #tpu.memory_space<hbm>>) target(%dma_start3A_904 : memref<512xi32, #tpu.memory_space<vmem>>) target_semaphore(%dma_start3A_901 : memref<!tpu.dma_semaphore, #tpu.memory_space<semaphore_mem>>)
    %dma_wait3A_907 = arith.constant 1 : i32
    %dma_wait3A_908 = arith.constant 1 : i32
    %dma_wait3A_909 = arith.constant 1 : i32
    %dma_wait3A_910 = arith.constant 0 : i32
    %dma_wait3A_911 = arith.constant 0 : i32
    %dma_wait3A_912 = tpu.memref_slice %arg6[%dma_wait3A_908, %dma_wait3A_910, %dma_wait3A_911] : memref<2x512x64xf32, #tpu.memory_space<vmem>> -> memref<1x512x64xf32, #tpu.memory_space<vmem>>
    %dma_wait3A_913 = tpu.memref_squeeze %dma_wait3A_912 : memref<1x512x64xf32, #tpu.memory_space<vmem>> -> memref<512x64xf32, #tpu.memory_space<vmem>>
    %dma_wait3A_914 = arith.constant 0 : i32
    %dma_wait3A_915 = tpu.memref_slice %arg5[%dma_wait3A_907, %dma_wait3A_914] : memref<2x512xi32, #tpu.memory_space<vmem>> -> memref<1x512xi32, #tpu.memory_space<vmem>>
    %dma_wait3A_916 = tpu.memref_squeeze %dma_wait3A_915 : memref<1x512xi32, #tpu.memory_space<vmem>> -> memref<512xi32, #tpu.memory_space<vmem>>
    %dma_wait3A_917 = arith.constant 0 : i32
    %dma_wait3A_918 = arith.constant 0 : i32
    %dma_wait3A_919 = tpu.memref_slice %arg3[%dma_wait3A_917, %dma_wait3A_918] : memref<1000000x64xf32, #tpu.memory_space<hbm>> -> memref<1000000x64xf32, #tpu.memory_space<hbm>>
    %dma_wait3A_920 = tpu.memref_slice %arg8[%dma_wait3A_909] : memref<2x!tpu.dma_semaphore, #tpu.memory_space<semaphore_mem>> -> memref<1x!tpu.dma_semaphore, #tpu.memory_space<semaphore_mem>>
    %dma_wait3A_921 = tpu.memref_squeeze %dma_wait3A_920 : memref<1x!tpu.dma_semaphore, #tpu.memory_space<semaphore_mem>> -> memref<!tpu.dma_semaphore, #tpu.memory_space<semaphore_mem>>
    tpu.wait_indirect_dma semaphore(%dma_wait3A_921 : memref<!tpu.dma_semaphore, #tpu.memory_space<semaphore_mem>>) src(%dma_wait3A_919 : memref<1000000x64xf32, #tpu.memory_space<hbm>>) dst(%dma_wait3A_913 : memref<512x64xf32, #tpu.memory_space<vmem>>)
    %add3A_922 = arith.constant 147456 : i32
    %add3A_923 = arith.addi %add3A_922, %mul3A_2 : i32
    %dma_start3A_924 = arith.constant 1 : i32
    %dma_start3A_925 = arith.constant 1 : i32
    %dma_start3A_926 = arith.constant 0 : i32
    %dma_start3A_927 = arith.constant 0 : i32
    %dma_start3A_928 = tpu.memref_slice %arg6[%dma_start3A_924, %dma_start3A_926, %dma_start3A_927] : memref<2x512x64xf32, #tpu.memory_space<vmem>> -> memref<1x512x64xf32, #tpu.memory_space<vmem>>
    %dma_start3A_929 = tpu.memref_squeeze %dma_start3A_928 : memref<1x512x64xf32, #tpu.memory_space<vmem>> -> memref<512x64xf32, #tpu.memory_space<vmem>>
    %dma_start3A_930 = arith.constant 0 : i32
    %dma_start3A_931 = tpu.memref_slice %arg4[%add3A_923, %dma_start3A_930] : memref<425984x64xf32, #tpu.memory_space<hbm>> -> memref<512x64xf32, #tpu.memory_space<hbm>>
    %dma_start3A_932 = tpu.memref_slice %arg9[%dma_start3A_925] : memref<2x!tpu.dma_semaphore, #tpu.memory_space<semaphore_mem>> -> memref<1x!tpu.dma_semaphore, #tpu.memory_space<semaphore_mem>>
    %dma_start3A_933 = tpu.memref_squeeze %dma_start3A_932 : memref<1x!tpu.dma_semaphore, #tpu.memory_space<semaphore_mem>> -> memref<!tpu.dma_semaphore, #tpu.memory_space<semaphore_mem>>
    %dma_start3A_934 = arith.constant 0 : i32
    %dma_start3A_935 = tpu.memref_slice %arg4[%add3A_923, %dma_start3A_934] : memref<425984x64xf32, #tpu.memory_space<hbm>> -> memref<512x64xf32, #tpu.memory_space<hbm>>
    %dma_start3A_936 = arith.constant 0 : i32
    %dma_start3A_937 = arith.constant 0 : i32
    %dma_start3A_938 = tpu.memref_slice %arg6[%dma_start3A_924, %dma_start3A_936, %dma_start3A_937] : memref<2x512x64xf32, #tpu.memory_space<vmem>> -> memref<1x512x64xf32, #tpu.memory_space<vmem>>
    %dma_start3A_939 = tpu.memref_squeeze %dma_start3A_938 : memref<1x512x64xf32, #tpu.memory_space<vmem>> -> memref<512x64xf32, #tpu.memory_space<vmem>>
    tpu.enqueue_dma source(%dma_start3A_939 : memref<512x64xf32, #tpu.memory_space<vmem>>) target(%dma_start3A_935 : memref<512x64xf32, #tpu.memory_space<hbm>>) target_semaphore(%dma_start3A_933 : memref<!tpu.dma_semaphore, #tpu.memory_space<semaphore_mem>>)
    %add3A_940 = arith.constant 131072 : i32
    %add3A_941 = arith.addi %add3A_940, %mul3A_2 : i32
    %dma_wait3A_942 = arith.constant 0 : i32
    %dma_wait3A_943 = arith.constant 0 : i32
    %dma_wait3A_944 = arith.constant 0 : i32
    %dma_wait3A_945 = arith.constant 0 : i32
    %dma_wait3A_946 = tpu.memref_slice %arg6[%dma_wait3A_942, %dma_wait3A_944, %dma_wait3A_945] : memref<2x512x64xf32, #tpu.memory_space<vmem>> -> memref<1x512x64xf32, #tpu.memory_space<vmem>>
    %dma_wait3A_947 = tpu.memref_squeeze %dma_wait3A_946 : memref<1x512x64xf32, #tpu.memory_space<vmem>> -> memref<512x64xf32, #tpu.memory_space<vmem>>
    %dma_wait3A_948 = arith.constant 0 : i32
    %dma_wait3A_949 = tpu.memref_slice %arg4[%add3A_941, %dma_wait3A_948] : memref<425984x64xf32, #tpu.memory_space<hbm>> -> memref<512x64xf32, #tpu.memory_space<hbm>>
    %dma_wait3A_950 = tpu.memref_slice %arg9[%dma_wait3A_943] : memref<2x!tpu.dma_semaphore, #tpu.memory_space<semaphore_mem>> -> memref<1x!tpu.dma_semaphore, #tpu.memory_space<semaphore_mem>>
    %dma_wait3A_951 = tpu.memref_squeeze %dma_wait3A_950 : memref<1x!tpu.dma_semaphore, #tpu.memory_space<semaphore_mem>> -> memref<!tpu.dma_semaphore, #tpu.memory_space<semaphore_mem>>
    %dma_wait3A_952 = arith.constant 0 : i32
    %dma_wait3A_953 = tpu.memref_slice %arg4[%add3A_941, %dma_wait3A_952] : memref<425984x64xf32, #tpu.memory_space<hbm>> -> memref<512x64xf32, #tpu.memory_space<hbm>>
    %dma_wait3A_954 = arith.constant 0 : i32
    %dma_wait3A_955 = arith.constant 0 : i32
    %dma_wait3A_956 = tpu.memref_slice %arg6[%dma_wait3A_942, %dma_wait3A_954, %dma_wait3A_955] : memref<2x512x64xf32, #tpu.memory_space<vmem>> -> memref<1x512x64xf32, #tpu.memory_space<vmem>>
    %dma_wait3A_957 = tpu.memref_squeeze %dma_wait3A_956 : memref<1x512x64xf32, #tpu.memory_space<vmem>> -> memref<512x64xf32, #tpu.memory_space<vmem>>
    tpu.wait_dma2 semaphore(%dma_wait3A_951 : memref<!tpu.dma_semaphore, #tpu.memory_space<semaphore_mem>>) src(%dma_wait3A_957 : memref<512x64xf32, #tpu.memory_space<vmem>>) dst(%dma_wait3A_953 : memref<512x64xf32, #tpu.memory_space<hbm>>)
    %dma_wait3A_958 = arith.constant 10 : i32
    %dma_wait3A_959 = arith.constant 0 : i32
    %dma_wait3A_960 = arith.constant 0 : i32
    %dma_wait3A_961 = arith.constant 0 : i32
    %dma_wait3A_962 = tpu.memref_slice %arg5[%dma_wait3A_959, %dma_wait3A_961] : memref<2x512xi32, #tpu.memory_space<vmem>> -> memref<1x512xi32, #tpu.memory_space<vmem>>
    %dma_wait3A_963 = tpu.memref_squeeze %dma_wait3A_962 : memref<1x512xi32, #tpu.memory_space<vmem>> -> memref<512xi32, #tpu.memory_space<vmem>>
    %dma_wait3A_964 = tpu.memref_slice %arg2[%dma_wait3A_958, %mul3A_2] : memref<26x16384xi32, #tpu.memory_space<hbm>> -> memref<1x512xi32, #tpu.memory_space<hbm>>
    %dma_wait3A_965 = tpu.memref_squeeze %dma_wait3A_964 : memref<1x512xi32, #tpu.memory_space<hbm>> -> memref<512xi32, #tpu.memory_space<hbm>>
    %dma_wait3A_966 = tpu.memref_slice %arg7[%dma_wait3A_960] : memref<2x!tpu.dma_semaphore, #tpu.memory_space<semaphore_mem>> -> memref<1x!tpu.dma_semaphore, #tpu.memory_space<semaphore_mem>>
    %dma_wait3A_967 = tpu.memref_squeeze %dma_wait3A_966 : memref<1x!tpu.dma_semaphore, #tpu.memory_space<semaphore_mem>> -> memref<!tpu.dma_semaphore, #tpu.memory_space<semaphore_mem>>
    %dma_wait3A_968 = arith.constant 0 : i32
    %dma_wait3A_969 = tpu.memref_slice %arg5[%dma_wait3A_959, %dma_wait3A_968] : memref<2x512xi32, #tpu.memory_space<vmem>> -> memref<1x512xi32, #tpu.memory_space<vmem>>
    %dma_wait3A_970 = tpu.memref_squeeze %dma_wait3A_969 : memref<1x512xi32, #tpu.memory_space<vmem>> -> memref<512xi32, #tpu.memory_space<vmem>>
    %dma_wait3A_971 = tpu.memref_slice %arg2[%dma_wait3A_958, %mul3A_2] : memref<26x16384xi32, #tpu.memory_space<hbm>> -> memref<1x512xi32, #tpu.memory_space<hbm>>
    %dma_wait3A_972 = tpu.memref_squeeze %dma_wait3A_971 : memref<1x512xi32, #tpu.memory_space<hbm>> -> memref<512xi32, #tpu.memory_space<hbm>>
    tpu.wait_dma2 semaphore(%dma_wait3A_967 : memref<!tpu.dma_semaphore, #tpu.memory_space<semaphore_mem>>) src(%dma_wait3A_972 : memref<512xi32, #tpu.memory_space<hbm>>) dst(%dma_wait3A_970 : memref<512xi32, #tpu.memory_space<vmem>>)
    %dma_start3A_973 = arith.constant 0 : i32
    %dma_start3A_974 = arith.constant 0 : i32
    %dma_start3A_975 = arith.constant 0 : i32
    %dma_start3A_976 = arith.constant 0 : i32
    %dma_start3A_977 = arith.constant 0 : i32
    %dma_start3A_978 = tpu.memref_slice %arg6[%dma_start3A_974, %dma_start3A_976, %dma_start3A_977] : memref<2x512x64xf32, #tpu.memory_space<vmem>> -> memref<1x512x64xf32, #tpu.memory_space<vmem>>
    %dma_start3A_979 = tpu.memref_squeeze %dma_start3A_978 : memref<1x512x64xf32, #tpu.memory_space<vmem>> -> memref<512x64xf32, #tpu.memory_space<vmem>>
    %dma_start3A_980 = arith.constant 0 : i32
    %dma_start3A_981 = tpu.memref_slice %arg5[%dma_start3A_973, %dma_start3A_980] : memref<2x512xi32, #tpu.memory_space<vmem>> -> memref<1x512xi32, #tpu.memory_space<vmem>>
    %dma_start3A_982 = tpu.memref_squeeze %dma_start3A_981 : memref<1x512xi32, #tpu.memory_space<vmem>> -> memref<512xi32, #tpu.memory_space<vmem>>
    %dma_start3A_983 = arith.constant 0 : i32
    %dma_start3A_984 = arith.constant 0 : i32
    %dma_start3A_985 = tpu.memref_slice %arg3[%dma_start3A_983, %dma_start3A_984] : memref<1000000x64xf32, #tpu.memory_space<hbm>> -> memref<1000000x64xf32, #tpu.memory_space<hbm>>
    %dma_start3A_986 = tpu.memref_slice %arg8[%dma_start3A_975] : memref<2x!tpu.dma_semaphore, #tpu.memory_space<semaphore_mem>> -> memref<1x!tpu.dma_semaphore, #tpu.memory_space<semaphore_mem>>
    %dma_start3A_987 = tpu.memref_squeeze %dma_start3A_986 : memref<1x!tpu.dma_semaphore, #tpu.memory_space<semaphore_mem>> -> memref<!tpu.dma_semaphore, #tpu.memory_space<semaphore_mem>>
    tpu.enqueue_indirect_dma source(%dma_start3A_985 : memref<1000000x64xf32, #tpu.memory_space<hbm>>) target(%dma_start3A_979 : memref<512x64xf32, #tpu.memory_space<vmem>>) offsets(%dma_start3A_982 : memref<512xi32, #tpu.memory_space<vmem>>) semaphore(%dma_start3A_987 : memref<!tpu.dma_semaphore, #tpu.memory_space<semaphore_mem>>)
    %dma_start3A_988 = arith.constant 11 : i32
    %dma_start3A_989 = arith.constant 1 : i32
    %dma_start3A_990 = arith.constant 1 : i32
    %dma_start3A_991 = arith.constant 0 : i32
    %dma_start3A_992 = tpu.memref_slice %arg5[%dma_start3A_989, %dma_start3A_991] : memref<2x512xi32, #tpu.memory_space<vmem>> -> memref<1x512xi32, #tpu.memory_space<vmem>>
    %dma_start3A_993 = tpu.memref_squeeze %dma_start3A_992 : memref<1x512xi32, #tpu.memory_space<vmem>> -> memref<512xi32, #tpu.memory_space<vmem>>
    %dma_start3A_994 = tpu.memref_slice %arg2[%dma_start3A_988, %mul3A_2] : memref<26x16384xi32, #tpu.memory_space<hbm>> -> memref<1x512xi32, #tpu.memory_space<hbm>>
    %dma_start3A_995 = tpu.memref_squeeze %dma_start3A_994 : memref<1x512xi32, #tpu.memory_space<hbm>> -> memref<512xi32, #tpu.memory_space<hbm>>
    %dma_start3A_996 = tpu.memref_slice %arg7[%dma_start3A_990] : memref<2x!tpu.dma_semaphore, #tpu.memory_space<semaphore_mem>> -> memref<1x!tpu.dma_semaphore, #tpu.memory_space<semaphore_mem>>
    %dma_start3A_997 = tpu.memref_squeeze %dma_start3A_996 : memref<1x!tpu.dma_semaphore, #tpu.memory_space<semaphore_mem>> -> memref<!tpu.dma_semaphore, #tpu.memory_space<semaphore_mem>>
    %dma_start3A_998 = arith.constant 0 : i32
    %dma_start3A_999 = tpu.memref_slice %arg5[%dma_start3A_989, %dma_start3A_998] : memref<2x512xi32, #tpu.memory_space<vmem>> -> memref<1x512xi32, #tpu.memory_space<vmem>>
    %dma_start3A_1000 = tpu.memref_squeeze %dma_start3A_999 : memref<1x512xi32, #tpu.memory_space<vmem>> -> memref<512xi32, #tpu.memory_space<vmem>>
    %dma_start3A_1001 = tpu.memref_slice %arg2[%dma_start3A_988, %mul3A_2] : memref<26x16384xi32, #tpu.memory_space<hbm>> -> memref<1x512xi32, #tpu.memory_space<hbm>>
    %dma_start3A_1002 = tpu.memref_squeeze %dma_start3A_1001 : memref<1x512xi32, #tpu.memory_space<hbm>> -> memref<512xi32, #tpu.memory_space<hbm>>
    tpu.enqueue_dma source(%dma_start3A_1002 : memref<512xi32, #tpu.memory_space<hbm>>) target(%dma_start3A_1000 : memref<512xi32, #tpu.memory_space<vmem>>) target_semaphore(%dma_start3A_997 : memref<!tpu.dma_semaphore, #tpu.memory_space<semaphore_mem>>)
    %dma_wait3A_1003 = arith.constant 0 : i32
    %dma_wait3A_1004 = arith.constant 0 : i32
    %dma_wait3A_1005 = arith.constant 0 : i32
    %dma_wait3A_1006 = arith.constant 0 : i32
    %dma_wait3A_1007 = arith.constant 0 : i32
    %dma_wait3A_1008 = tpu.memref_slice %arg6[%dma_wait3A_1004, %dma_wait3A_1006, %dma_wait3A_1007] : memref<2x512x64xf32, #tpu.memory_space<vmem>> -> memref<1x512x64xf32, #tpu.memory_space<vmem>>
    %dma_wait3A_1009 = tpu.memref_squeeze %dma_wait3A_1008 : memref<1x512x64xf32, #tpu.memory_space<vmem>> -> memref<512x64xf32, #tpu.memory_space<vmem>>
    %dma_wait3A_1010 = arith.constant 0 : i32
    %dma_wait3A_1011 = tpu.memref_slice %arg5[%dma_wait3A_1003, %dma_wait3A_1010] : memref<2x512xi32, #tpu.memory_space<vmem>> -> memref<1x512xi32, #tpu.memory_space<vmem>>
    %dma_wait3A_1012 = tpu.memref_squeeze %dma_wait3A_1011 : memref<1x512xi32, #tpu.memory_space<vmem>> -> memref<512xi32, #tpu.memory_space<vmem>>
    %dma_wait3A_1013 = arith.constant 0 : i32
    %dma_wait3A_1014 = arith.constant 0 : i32
    %dma_wait3A_1015 = tpu.memref_slice %arg3[%dma_wait3A_1013, %dma_wait3A_1014] : memref<1000000x64xf32, #tpu.memory_space<hbm>> -> memref<1000000x64xf32, #tpu.memory_space<hbm>>
    %dma_wait3A_1016 = tpu.memref_slice %arg8[%dma_wait3A_1005] : memref<2x!tpu.dma_semaphore, #tpu.memory_space<semaphore_mem>> -> memref<1x!tpu.dma_semaphore, #tpu.memory_space<semaphore_mem>>
    %dma_wait3A_1017 = tpu.memref_squeeze %dma_wait3A_1016 : memref<1x!tpu.dma_semaphore, #tpu.memory_space<semaphore_mem>> -> memref<!tpu.dma_semaphore, #tpu.memory_space<semaphore_mem>>
    tpu.wait_indirect_dma semaphore(%dma_wait3A_1017 : memref<!tpu.dma_semaphore, #tpu.memory_space<semaphore_mem>>) src(%dma_wait3A_1015 : memref<1000000x64xf32, #tpu.memory_space<hbm>>) dst(%dma_wait3A_1009 : memref<512x64xf32, #tpu.memory_space<vmem>>)
    %add3A_1018 = arith.constant 163840 : i32
    %add3A_1019 = arith.addi %add3A_1018, %mul3A_2 : i32
    %dma_start3A_1020 = arith.constant 0 : i32
    %dma_start3A_1021 = arith.constant 0 : i32
    %dma_start3A_1022 = arith.constant 0 : i32
    %dma_start3A_1023 = arith.constant 0 : i32
    %dma_start3A_1024 = tpu.memref_slice %arg6[%dma_start3A_1020, %dma_start3A_1022, %dma_start3A_1023] : memref<2x512x64xf32, #tpu.memory_space<vmem>> -> memref<1x512x64xf32, #tpu.memory_space<vmem>>
    %dma_start3A_1025 = tpu.memref_squeeze %dma_start3A_1024 : memref<1x512x64xf32, #tpu.memory_space<vmem>> -> memref<512x64xf32, #tpu.memory_space<vmem>>
    %dma_start3A_1026 = arith.constant 0 : i32
    %dma_start3A_1027 = tpu.memref_slice %arg4[%add3A_1019, %dma_start3A_1026] : memref<425984x64xf32, #tpu.memory_space<hbm>> -> memref<512x64xf32, #tpu.memory_space<hbm>>
    %dma_start3A_1028 = tpu.memref_slice %arg9[%dma_start3A_1021] : memref<2x!tpu.dma_semaphore, #tpu.memory_space<semaphore_mem>> -> memref<1x!tpu.dma_semaphore, #tpu.memory_space<semaphore_mem>>
    %dma_start3A_1029 = tpu.memref_squeeze %dma_start3A_1028 : memref<1x!tpu.dma_semaphore, #tpu.memory_space<semaphore_mem>> -> memref<!tpu.dma_semaphore, #tpu.memory_space<semaphore_mem>>
    %dma_start3A_1030 = arith.constant 0 : i32
    %dma_start3A_1031 = tpu.memref_slice %arg4[%add3A_1019, %dma_start3A_1030] : memref<425984x64xf32, #tpu.memory_space<hbm>> -> memref<512x64xf32, #tpu.memory_space<hbm>>
    %dma_start3A_1032 = arith.constant 0 : i32
    %dma_start3A_1033 = arith.constant 0 : i32
    %dma_start3A_1034 = tpu.memref_slice %arg6[%dma_start3A_1020, %dma_start3A_1032, %dma_start3A_1033] : memref<2x512x64xf32, #tpu.memory_space<vmem>> -> memref<1x512x64xf32, #tpu.memory_space<vmem>>
    %dma_start3A_1035 = tpu.memref_squeeze %dma_start3A_1034 : memref<1x512x64xf32, #tpu.memory_space<vmem>> -> memref<512x64xf32, #tpu.memory_space<vmem>>
    tpu.enqueue_dma source(%dma_start3A_1035 : memref<512x64xf32, #tpu.memory_space<vmem>>) target(%dma_start3A_1031 : memref<512x64xf32, #tpu.memory_space<hbm>>) target_semaphore(%dma_start3A_1029 : memref<!tpu.dma_semaphore, #tpu.memory_space<semaphore_mem>>)
    %add3A_1036 = arith.constant 147456 : i32
    %add3A_1037 = arith.addi %add3A_1036, %mul3A_2 : i32
    %dma_wait3A_1038 = arith.constant 1 : i32
    %dma_wait3A_1039 = arith.constant 1 : i32
    %dma_wait3A_1040 = arith.constant 0 : i32
    %dma_wait3A_1041 = arith.constant 0 : i32
    %dma_wait3A_1042 = tpu.memref_slice %arg6[%dma_wait3A_1038, %dma_wait3A_1040, %dma_wait3A_1041] : memref<2x512x64xf32, #tpu.memory_space<vmem>> -> memref<1x512x64xf32, #tpu.memory_space<vmem>>
    %dma_wait3A_1043 = tpu.memref_squeeze %dma_wait3A_1042 : memref<1x512x64xf32, #tpu.memory_space<vmem>> -> memref<512x64xf32, #tpu.memory_space<vmem>>
    %dma_wait3A_1044 = arith.constant 0 : i32
    %dma_wait3A_1045 = tpu.memref_slice %arg4[%add3A_1037, %dma_wait3A_1044] : memref<425984x64xf32, #tpu.memory_space<hbm>> -> memref<512x64xf32, #tpu.memory_space<hbm>>
    %dma_wait3A_1046 = tpu.memref_slice %arg9[%dma_wait3A_1039] : memref<2x!tpu.dma_semaphore, #tpu.memory_space<semaphore_mem>> -> memref<1x!tpu.dma_semaphore, #tpu.memory_space<semaphore_mem>>
    %dma_wait3A_1047 = tpu.memref_squeeze %dma_wait3A_1046 : memref<1x!tpu.dma_semaphore, #tpu.memory_space<semaphore_mem>> -> memref<!tpu.dma_semaphore, #tpu.memory_space<semaphore_mem>>
    %dma_wait3A_1048 = arith.constant 0 : i32
    %dma_wait3A_1049 = tpu.memref_slice %arg4[%add3A_1037, %dma_wait3A_1048] : memref<425984x64xf32, #tpu.memory_space<hbm>> -> memref<512x64xf32, #tpu.memory_space<hbm>>
    %dma_wait3A_1050 = arith.constant 0 : i32
    %dma_wait3A_1051 = arith.constant 0 : i32
    %dma_wait3A_1052 = tpu.memref_slice %arg6[%dma_wait3A_1038, %dma_wait3A_1050, %dma_wait3A_1051] : memref<2x512x64xf32, #tpu.memory_space<vmem>> -> memref<1x512x64xf32, #tpu.memory_space<vmem>>
    %dma_wait3A_1053 = tpu.memref_squeeze %dma_wait3A_1052 : memref<1x512x64xf32, #tpu.memory_space<vmem>> -> memref<512x64xf32, #tpu.memory_space<vmem>>
    tpu.wait_dma2 semaphore(%dma_wait3A_1047 : memref<!tpu.dma_semaphore, #tpu.memory_space<semaphore_mem>>) src(%dma_wait3A_1053 : memref<512x64xf32, #tpu.memory_space<vmem>>) dst(%dma_wait3A_1049 : memref<512x64xf32, #tpu.memory_space<hbm>>)
    %dma_wait3A_1054 = arith.constant 11 : i32
    %dma_wait3A_1055 = arith.constant 1 : i32
    %dma_wait3A_1056 = arith.constant 1 : i32
    %dma_wait3A_1057 = arith.constant 0 : i32
    %dma_wait3A_1058 = tpu.memref_slice %arg5[%dma_wait3A_1055, %dma_wait3A_1057] : memref<2x512xi32, #tpu.memory_space<vmem>> -> memref<1x512xi32, #tpu.memory_space<vmem>>
    %dma_wait3A_1059 = tpu.memref_squeeze %dma_wait3A_1058 : memref<1x512xi32, #tpu.memory_space<vmem>> -> memref<512xi32, #tpu.memory_space<vmem>>
    %dma_wait3A_1060 = tpu.memref_slice %arg2[%dma_wait3A_1054, %mul3A_2] : memref<26x16384xi32, #tpu.memory_space<hbm>> -> memref<1x512xi32, #tpu.memory_space<hbm>>
    %dma_wait3A_1061 = tpu.memref_squeeze %dma_wait3A_1060 : memref<1x512xi32, #tpu.memory_space<hbm>> -> memref<512xi32, #tpu.memory_space<hbm>>
    %dma_wait3A_1062 = tpu.memref_slice %arg7[%dma_wait3A_1056] : memref<2x!tpu.dma_semaphore, #tpu.memory_space<semaphore_mem>> -> memref<1x!tpu.dma_semaphore, #tpu.memory_space<semaphore_mem>>
    %dma_wait3A_1063 = tpu.memref_squeeze %dma_wait3A_1062 : memref<1x!tpu.dma_semaphore, #tpu.memory_space<semaphore_mem>> -> memref<!tpu.dma_semaphore, #tpu.memory_space<semaphore_mem>>
    %dma_wait3A_1064 = arith.constant 0 : i32
    %dma_wait3A_1065 = tpu.memref_slice %arg5[%dma_wait3A_1055, %dma_wait3A_1064] : memref<2x512xi32, #tpu.memory_space<vmem>> -> memref<1x512xi32, #tpu.memory_space<vmem>>
    %dma_wait3A_1066 = tpu.memref_squeeze %dma_wait3A_1065 : memref<1x512xi32, #tpu.memory_space<vmem>> -> memref<512xi32, #tpu.memory_space<vmem>>
    %dma_wait3A_1067 = tpu.memref_slice %arg2[%dma_wait3A_1054, %mul3A_2] : memref<26x16384xi32, #tpu.memory_space<hbm>> -> memref<1x512xi32, #tpu.memory_space<hbm>>
    %dma_wait3A_1068 = tpu.memref_squeeze %dma_wait3A_1067 : memref<1x512xi32, #tpu.memory_space<hbm>> -> memref<512xi32, #tpu.memory_space<hbm>>
    tpu.wait_dma2 semaphore(%dma_wait3A_1063 : memref<!tpu.dma_semaphore, #tpu.memory_space<semaphore_mem>>) src(%dma_wait3A_1068 : memref<512xi32, #tpu.memory_space<hbm>>) dst(%dma_wait3A_1066 : memref<512xi32, #tpu.memory_space<vmem>>)
    %dma_start3A_1069 = arith.constant 1 : i32
    %dma_start3A_1070 = arith.constant 1 : i32
    %dma_start3A_1071 = arith.constant 1 : i32
    %dma_start3A_1072 = arith.constant 0 : i32
    %dma_start3A_1073 = arith.constant 0 : i32
    %dma_start3A_1074 = tpu.memref_slice %arg6[%dma_start3A_1070, %dma_start3A_1072, %dma_start3A_1073] : memref<2x512x64xf32, #tpu.memory_space<vmem>> -> memref<1x512x64xf32, #tpu.memory_space<vmem>>
    %dma_start3A_1075 = tpu.memref_squeeze %dma_start3A_1074 : memref<1x512x64xf32, #tpu.memory_space<vmem>> -> memref<512x64xf32, #tpu.memory_space<vmem>>
    %dma_start3A_1076 = arith.constant 0 : i32
    %dma_start3A_1077 = tpu.memref_slice %arg5[%dma_start3A_1069, %dma_start3A_1076] : memref<2x512xi32, #tpu.memory_space<vmem>> -> memref<1x512xi32, #tpu.memory_space<vmem>>
    %dma_start3A_1078 = tpu.memref_squeeze %dma_start3A_1077 : memref<1x512xi32, #tpu.memory_space<vmem>> -> memref<512xi32, #tpu.memory_space<vmem>>
    %dma_start3A_1079 = arith.constant 0 : i32
    %dma_start3A_1080 = arith.constant 0 : i32
    %dma_start3A_1081 = tpu.memref_slice %arg3[%dma_start3A_1079, %dma_start3A_1080] : memref<1000000x64xf32, #tpu.memory_space<hbm>> -> memref<1000000x64xf32, #tpu.memory_space<hbm>>
    %dma_start3A_1082 = tpu.memref_slice %arg8[%dma_start3A_1071] : memref<2x!tpu.dma_semaphore, #tpu.memory_space<semaphore_mem>> -> memref<1x!tpu.dma_semaphore, #tpu.memory_space<semaphore_mem>>
    %dma_start3A_1083 = tpu.memref_squeeze %dma_start3A_1082 : memref<1x!tpu.dma_semaphore, #tpu.memory_space<semaphore_mem>> -> memref<!tpu.dma_semaphore, #tpu.memory_space<semaphore_mem>>
    tpu.enqueue_indirect_dma source(%dma_start3A_1081 : memref<1000000x64xf32, #tpu.memory_space<hbm>>) target(%dma_start3A_1075 : memref<512x64xf32, #tpu.memory_space<vmem>>) offsets(%dma_start3A_1078 : memref<512xi32, #tpu.memory_space<vmem>>) semaphore(%dma_start3A_1083 : memref<!tpu.dma_semaphore, #tpu.memory_space<semaphore_mem>>)
    %dma_start3A_1084 = arith.constant 12 : i32
    %dma_start3A_1085 = arith.constant 0 : i32
    %dma_start3A_1086 = arith.constant 0 : i32
    %dma_start3A_1087 = arith.constant 0 : i32
    %dma_start3A_1088 = tpu.memref_slice %arg5[%dma_start3A_1085, %dma_start3A_1087] : memref<2x512xi32, #tpu.memory_space<vmem>> -> memref<1x512xi32, #tpu.memory_space<vmem>>
    %dma_start3A_1089 = tpu.memref_squeeze %dma_start3A_1088 : memref<1x512xi32, #tpu.memory_space<vmem>> -> memref<512xi32, #tpu.memory_space<vmem>>
    %dma_start3A_1090 = tpu.memref_slice %arg2[%dma_start3A_1084, %mul3A_2] : memref<26x16384xi32, #tpu.memory_space<hbm>> -> memref<1x512xi32, #tpu.memory_space<hbm>>
    %dma_start3A_1091 = tpu.memref_squeeze %dma_start3A_1090 : memref<1x512xi32, #tpu.memory_space<hbm>> -> memref<512xi32, #tpu.memory_space<hbm>>
    %dma_start3A_1092 = tpu.memref_slice %arg7[%dma_start3A_1086] : memref<2x!tpu.dma_semaphore, #tpu.memory_space<semaphore_mem>> -> memref<1x!tpu.dma_semaphore, #tpu.memory_space<semaphore_mem>>
    %dma_start3A_1093 = tpu.memref_squeeze %dma_start3A_1092 : memref<1x!tpu.dma_semaphore, #tpu.memory_space<semaphore_mem>> -> memref<!tpu.dma_semaphore, #tpu.memory_space<semaphore_mem>>
    %dma_start3A_1094 = arith.constant 0 : i32
    %dma_start3A_1095 = tpu.memref_slice %arg5[%dma_start3A_1085, %dma_start3A_1094] : memref<2x512xi32, #tpu.memory_space<vmem>> -> memref<1x512xi32, #tpu.memory_space<vmem>>
    %dma_start3A_1096 = tpu.memref_squeeze %dma_start3A_1095 : memref<1x512xi32, #tpu.memory_space<vmem>> -> memref<512xi32, #tpu.memory_space<vmem>>
    %dma_start3A_1097 = tpu.memref_slice %arg2[%dma_start3A_1084, %mul3A_2] : memref<26x16384xi32, #tpu.memory_space<hbm>> -> memref<1x512xi32, #tpu.memory_space<hbm>>
    %dma_start3A_1098 = tpu.memref_squeeze %dma_start3A_1097 : memref<1x512xi32, #tpu.memory_space<hbm>> -> memref<512xi32, #tpu.memory_space<hbm>>
    tpu.enqueue_dma source(%dma_start3A_1098 : memref<512xi32, #tpu.memory_space<hbm>>) target(%dma_start3A_1096 : memref<512xi32, #tpu.memory_space<vmem>>) target_semaphore(%dma_start3A_1093 : memref<!tpu.dma_semaphore, #tpu.memory_space<semaphore_mem>>)
    %dma_wait3A_1099 = arith.constant 1 : i32
    %dma_wait3A_1100 = arith.constant 1 : i32
    %dma_wait3A_1101 = arith.constant 1 : i32
    %dma_wait3A_1102 = arith.constant 0 : i32
    %dma_wait3A_1103 = arith.constant 0 : i32
    %dma_wait3A_1104 = tpu.memref_slice %arg6[%dma_wait3A_1100, %dma_wait3A_1102, %dma_wait3A_1103] : memref<2x512x64xf32, #tpu.memory_space<vmem>> -> memref<1x512x64xf32, #tpu.memory_space<vmem>>
    %dma_wait3A_1105 = tpu.memref_squeeze %dma_wait3A_1104 : memref<1x512x64xf32, #tpu.memory_space<vmem>> -> memref<512x64xf32, #tpu.memory_space<vmem>>
    %dma_wait3A_1106 = arith.constant 0 : i32
    %dma_wait3A_1107 = tpu.memref_slice %arg5[%dma_wait3A_1099, %dma_wait3A_1106] : memref<2x512xi32, #tpu.memory_space<vmem>> -> memref<1x512xi32, #tpu.memory_space<vmem>>
    %dma_wait3A_1108 = tpu.memref_squeeze %dma_wait3A_1107 : memref<1x512xi32, #tpu.memory_space<vmem>> -> memref<512xi32, #tpu.memory_space<vmem>>
    %dma_wait3A_1109 = arith.constant 0 : i32
    %dma_wait3A_1110 = arith.constant 0 : i32
    %dma_wait3A_1111 = tpu.memref_slice %arg3[%dma_wait3A_1109, %dma_wait3A_1110] : memref<1000000x64xf32, #tpu.memory_space<hbm>> -> memref<1000000x64xf32, #tpu.memory_space<hbm>>
    %dma_wait3A_1112 = tpu.memref_slice %arg8[%dma_wait3A_1101] : memref<2x!tpu.dma_semaphore, #tpu.memory_space<semaphore_mem>> -> memref<1x!tpu.dma_semaphore, #tpu.memory_space<semaphore_mem>>
    %dma_wait3A_1113 = tpu.memref_squeeze %dma_wait3A_1112 : memref<1x!tpu.dma_semaphore, #tpu.memory_space<semaphore_mem>> -> memref<!tpu.dma_semaphore, #tpu.memory_space<semaphore_mem>>
    tpu.wait_indirect_dma semaphore(%dma_wait3A_1113 : memref<!tpu.dma_semaphore, #tpu.memory_space<semaphore_mem>>) src(%dma_wait3A_1111 : memref<1000000x64xf32, #tpu.memory_space<hbm>>) dst(%dma_wait3A_1105 : memref<512x64xf32, #tpu.memory_space<vmem>>)
    %add3A_1114 = arith.constant 180224 : i32
    %add3A_1115 = arith.addi %add3A_1114, %mul3A_2 : i32
    %dma_start3A_1116 = arith.constant 1 : i32
    %dma_start3A_1117 = arith.constant 1 : i32
    %dma_start3A_1118 = arith.constant 0 : i32
    %dma_start3A_1119 = arith.constant 0 : i32
    %dma_start3A_1120 = tpu.memref_slice %arg6[%dma_start3A_1116, %dma_start3A_1118, %dma_start3A_1119] : memref<2x512x64xf32, #tpu.memory_space<vmem>> -> memref<1x512x64xf32, #tpu.memory_space<vmem>>
    %dma_start3A_1121 = tpu.memref_squeeze %dma_start3A_1120 : memref<1x512x64xf32, #tpu.memory_space<vmem>> -> memref<512x64xf32, #tpu.memory_space<vmem>>
    %dma_start3A_1122 = arith.constant 0 : i32
    %dma_start3A_1123 = tpu.memref_slice %arg4[%add3A_1115, %dma_start3A_1122] : memref<425984x64xf32, #tpu.memory_space<hbm>> -> memref<512x64xf32, #tpu.memory_space<hbm>>
    %dma_start3A_1124 = tpu.memref_slice %arg9[%dma_start3A_1117] : memref<2x!tpu.dma_semaphore, #tpu.memory_space<semaphore_mem>> -> memref<1x!tpu.dma_semaphore, #tpu.memory_space<semaphore_mem>>
    %dma_start3A_1125 = tpu.memref_squeeze %dma_start3A_1124 : memref<1x!tpu.dma_semaphore, #tpu.memory_space<semaphore_mem>> -> memref<!tpu.dma_semaphore, #tpu.memory_space<semaphore_mem>>
    %dma_start3A_1126 = arith.constant 0 : i32
    %dma_start3A_1127 = tpu.memref_slice %arg4[%add3A_1115, %dma_start3A_1126] : memref<425984x64xf32, #tpu.memory_space<hbm>> -> memref<512x64xf32, #tpu.memory_space<hbm>>
    %dma_start3A_1128 = arith.constant 0 : i32
    %dma_start3A_1129 = arith.constant 0 : i32
    %dma_start3A_1130 = tpu.memref_slice %arg6[%dma_start3A_1116, %dma_start3A_1128, %dma_start3A_1129] : memref<2x512x64xf32, #tpu.memory_space<vmem>> -> memref<1x512x64xf32, #tpu.memory_space<vmem>>
    %dma_start3A_1131 = tpu.memref_squeeze %dma_start3A_1130 : memref<1x512x64xf32, #tpu.memory_space<vmem>> -> memref<512x64xf32, #tpu.memory_space<vmem>>
    tpu.enqueue_dma source(%dma_start3A_1131 : memref<512x64xf32, #tpu.memory_space<vmem>>) target(%dma_start3A_1127 : memref<512x64xf32, #tpu.memory_space<hbm>>) target_semaphore(%dma_start3A_1125 : memref<!tpu.dma_semaphore, #tpu.memory_space<semaphore_mem>>)
    %add3A_1132 = arith.constant 163840 : i32
    %add3A_1133 = arith.addi %add3A_1132, %mul3A_2 : i32
    %dma_wait3A_1134 = arith.constant 0 : i32
    %dma_wait3A_1135 = arith.constant 0 : i32
    %dma_wait3A_1136 = arith.constant 0 : i32
    %dma_wait3A_1137 = arith.constant 0 : i32
    %dma_wait3A_1138 = tpu.memref_slice %arg6[%dma_wait3A_1134, %dma_wait3A_1136, %dma_wait3A_1137] : memref<2x512x64xf32, #tpu.memory_space<vmem>> -> memref<1x512x64xf32, #tpu.memory_space<vmem>>
    %dma_wait3A_1139 = tpu.memref_squeeze %dma_wait3A_1138 : memref<1x512x64xf32, #tpu.memory_space<vmem>> -> memref<512x64xf32, #tpu.memory_space<vmem>>
    %dma_wait3A_1140 = arith.constant 0 : i32
    %dma_wait3A_1141 = tpu.memref_slice %arg4[%add3A_1133, %dma_wait3A_1140] : memref<425984x64xf32, #tpu.memory_space<hbm>> -> memref<512x64xf32, #tpu.memory_space<hbm>>
    %dma_wait3A_1142 = tpu.memref_slice %arg9[%dma_wait3A_1135] : memref<2x!tpu.dma_semaphore, #tpu.memory_space<semaphore_mem>> -> memref<1x!tpu.dma_semaphore, #tpu.memory_space<semaphore_mem>>
    %dma_wait3A_1143 = tpu.memref_squeeze %dma_wait3A_1142 : memref<1x!tpu.dma_semaphore, #tpu.memory_space<semaphore_mem>> -> memref<!tpu.dma_semaphore, #tpu.memory_space<semaphore_mem>>
    %dma_wait3A_1144 = arith.constant 0 : i32
    %dma_wait3A_1145 = tpu.memref_slice %arg4[%add3A_1133, %dma_wait3A_1144] : memref<425984x64xf32, #tpu.memory_space<hbm>> -> memref<512x64xf32, #tpu.memory_space<hbm>>
    %dma_wait3A_1146 = arith.constant 0 : i32
    %dma_wait3A_1147 = arith.constant 0 : i32
    %dma_wait3A_1148 = tpu.memref_slice %arg6[%dma_wait3A_1134, %dma_wait3A_1146, %dma_wait3A_1147] : memref<2x512x64xf32, #tpu.memory_space<vmem>> -> memref<1x512x64xf32, #tpu.memory_space<vmem>>
    %dma_wait3A_1149 = tpu.memref_squeeze %dma_wait3A_1148 : memref<1x512x64xf32, #tpu.memory_space<vmem>> -> memref<512x64xf32, #tpu.memory_space<vmem>>
    tpu.wait_dma2 semaphore(%dma_wait3A_1143 : memref<!tpu.dma_semaphore, #tpu.memory_space<semaphore_mem>>) src(%dma_wait3A_1149 : memref<512x64xf32, #tpu.memory_space<vmem>>) dst(%dma_wait3A_1145 : memref<512x64xf32, #tpu.memory_space<hbm>>)
    %dma_wait3A_1150 = arith.constant 12 : i32
    %dma_wait3A_1151 = arith.constant 0 : i32
    %dma_wait3A_1152 = arith.constant 0 : i32
    %dma_wait3A_1153 = arith.constant 0 : i32
    %dma_wait3A_1154 = tpu.memref_slice %arg5[%dma_wait3A_1151, %dma_wait3A_1153] : memref<2x512xi32, #tpu.memory_space<vmem>> -> memref<1x512xi32, #tpu.memory_space<vmem>>
    %dma_wait3A_1155 = tpu.memref_squeeze %dma_wait3A_1154 : memref<1x512xi32, #tpu.memory_space<vmem>> -> memref<512xi32, #tpu.memory_space<vmem>>
    %dma_wait3A_1156 = tpu.memref_slice %arg2[%dma_wait3A_1150, %mul3A_2] : memref<26x16384xi32, #tpu.memory_space<hbm>> -> memref<1x512xi32, #tpu.memory_space<hbm>>
    %dma_wait3A_1157 = tpu.memref_squeeze %dma_wait3A_1156 : memref<1x512xi32, #tpu.memory_space<hbm>> -> memref<512xi32, #tpu.memory_space<hbm>>
    %dma_wait3A_1158 = tpu.memref_slice %arg7[%dma_wait3A_1152] : memref<2x!tpu.dma_semaphore, #tpu.memory_space<semaphore_mem>> -> memref<1x!tpu.dma_semaphore, #tpu.memory_space<semaphore_mem>>
    %dma_wait3A_1159 = tpu.memref_squeeze %dma_wait3A_1158 : memref<1x!tpu.dma_semaphore, #tpu.memory_space<semaphore_mem>> -> memref<!tpu.dma_semaphore, #tpu.memory_space<semaphore_mem>>
    %dma_wait3A_1160 = arith.constant 0 : i32
    %dma_wait3A_1161 = tpu.memref_slice %arg5[%dma_wait3A_1151, %dma_wait3A_1160] : memref<2x512xi32, #tpu.memory_space<vmem>> -> memref<1x512xi32, #tpu.memory_space<vmem>>
    %dma_wait3A_1162 = tpu.memref_squeeze %dma_wait3A_1161 : memref<1x512xi32, #tpu.memory_space<vmem>> -> memref<512xi32, #tpu.memory_space<vmem>>
    %dma_wait3A_1163 = tpu.memref_slice %arg2[%dma_wait3A_1150, %mul3A_2] : memref<26x16384xi32, #tpu.memory_space<hbm>> -> memref<1x512xi32, #tpu.memory_space<hbm>>
    %dma_wait3A_1164 = tpu.memref_squeeze %dma_wait3A_1163 : memref<1x512xi32, #tpu.memory_space<hbm>> -> memref<512xi32, #tpu.memory_space<hbm>>
    tpu.wait_dma2 semaphore(%dma_wait3A_1159 : memref<!tpu.dma_semaphore, #tpu.memory_space<semaphore_mem>>) src(%dma_wait3A_1164 : memref<512xi32, #tpu.memory_space<hbm>>) dst(%dma_wait3A_1162 : memref<512xi32, #tpu.memory_space<vmem>>)
    %dma_start3A_1165 = arith.constant 0 : i32
    %dma_start3A_1166 = arith.constant 0 : i32
    %dma_start3A_1167 = arith.constant 0 : i32
    %dma_start3A_1168 = arith.constant 0 : i32
    %dma_start3A_1169 = arith.constant 0 : i32
    %dma_start3A_1170 = tpu.memref_slice %arg6[%dma_start3A_1166, %dma_start3A_1168, %dma_start3A_1169] : memref<2x512x64xf32, #tpu.memory_space<vmem>> -> memref<1x512x64xf32, #tpu.memory_space<vmem>>
    %dma_start3A_1171 = tpu.memref_squeeze %dma_start3A_1170 : memref<1x512x64xf32, #tpu.memory_space<vmem>> -> memref<512x64xf32, #tpu.memory_space<vmem>>
    %dma_start3A_1172 = arith.constant 0 : i32
    %dma_start3A_1173 = tpu.memref_slice %arg5[%dma_start3A_1165, %dma_start3A_1172] : memref<2x512xi32, #tpu.memory_space<vmem>> -> memref<1x512xi32, #tpu.memory_space<vmem>>
    %dma_start3A_1174 = tpu.memref_squeeze %dma_start3A_1173 : memref<1x512xi32, #tpu.memory_space<vmem>> -> memref<512xi32, #tpu.memory_space<vmem>>
    %dma_start3A_1175 = arith.constant 0 : i32
    %dma_start3A_1176 = arith.constant 0 : i32
    %dma_start3A_1177 = tpu.memref_slice %arg3[%dma_start3A_1175, %dma_start3A_1176] : memref<1000000x64xf32, #tpu.memory_space<hbm>> -> memref<1000000x64xf32, #tpu.memory_space<hbm>>
    %dma_start3A_1178 = tpu.memref_slice %arg8[%dma_start3A_1167] : memref<2x!tpu.dma_semaphore, #tpu.memory_space<semaphore_mem>> -> memref<1x!tpu.dma_semaphore, #tpu.memory_space<semaphore_mem>>
    %dma_start3A_1179 = tpu.memref_squeeze %dma_start3A_1178 : memref<1x!tpu.dma_semaphore, #tpu.memory_space<semaphore_mem>> -> memref<!tpu.dma_semaphore, #tpu.memory_space<semaphore_mem>>
    tpu.enqueue_indirect_dma source(%dma_start3A_1177 : memref<1000000x64xf32, #tpu.memory_space<hbm>>) target(%dma_start3A_1171 : memref<512x64xf32, #tpu.memory_space<vmem>>) offsets(%dma_start3A_1174 : memref<512xi32, #tpu.memory_space<vmem>>) semaphore(%dma_start3A_1179 : memref<!tpu.dma_semaphore, #tpu.memory_space<semaphore_mem>>)
    %dma_start3A_1180 = arith.constant 13 : i32
    %dma_start3A_1181 = arith.constant 1 : i32
    %dma_start3A_1182 = arith.constant 1 : i32
    %dma_start3A_1183 = arith.constant 0 : i32
    %dma_start3A_1184 = tpu.memref_slice %arg5[%dma_start3A_1181, %dma_start3A_1183] : memref<2x512xi32, #tpu.memory_space<vmem>> -> memref<1x512xi32, #tpu.memory_space<vmem>>
    %dma_start3A_1185 = tpu.memref_squeeze %dma_start3A_1184 : memref<1x512xi32, #tpu.memory_space<vmem>> -> memref<512xi32, #tpu.memory_space<vmem>>
    %dma_start3A_1186 = tpu.memref_slice %arg2[%dma_start3A_1180, %mul3A_2] : memref<26x16384xi32, #tpu.memory_space<hbm>> -> memref<1x512xi32, #tpu.memory_space<hbm>>
    %dma_start3A_1187 = tpu.memref_squeeze %dma_start3A_1186 : memref<1x512xi32, #tpu.memory_space<hbm>> -> memref<512xi32, #tpu.memory_space<hbm>>
    %dma_start3A_1188 = tpu.memref_slice %arg7[%dma_start3A_1182] : memref<2x!tpu.dma_semaphore, #tpu.memory_space<semaphore_mem>> -> memref<1x!tpu.dma_semaphore, #tpu.memory_space<semaphore_mem>>
    %dma_start3A_1189 = tpu.memref_squeeze %dma_start3A_1188 : memref<1x!tpu.dma_semaphore, #tpu.memory_space<semaphore_mem>> -> memref<!tpu.dma_semaphore, #tpu.memory_space<semaphore_mem>>
    %dma_start3A_1190 = arith.constant 0 : i32
    %dma_start3A_1191 = tpu.memref_slice %arg5[%dma_start3A_1181, %dma_start3A_1190] : memref<2x512xi32, #tpu.memory_space<vmem>> -> memref<1x512xi32, #tpu.memory_space<vmem>>
    %dma_start3A_1192 = tpu.memref_squeeze %dma_start3A_1191 : memref<1x512xi32, #tpu.memory_space<vmem>> -> memref<512xi32, #tpu.memory_space<vmem>>
    %dma_start3A_1193 = tpu.memref_slice %arg2[%dma_start3A_1180, %mul3A_2] : memref<26x16384xi32, #tpu.memory_space<hbm>> -> memref<1x512xi32, #tpu.memory_space<hbm>>
    %dma_start3A_1194 = tpu.memref_squeeze %dma_start3A_1193 : memref<1x512xi32, #tpu.memory_space<hbm>> -> memref<512xi32, #tpu.memory_space<hbm>>
    tpu.enqueue_dma source(%dma_start3A_1194 : memref<512xi32, #tpu.memory_space<hbm>>) target(%dma_start3A_1192 : memref<512xi32, #tpu.memory_space<vmem>>) target_semaphore(%dma_start3A_1189 : memref<!tpu.dma_semaphore, #tpu.memory_space<semaphore_mem>>)
    %dma_wait3A_1195 = arith.constant 0 : i32
    %dma_wait3A_1196 = arith.constant 0 : i32
    %dma_wait3A_1197 = arith.constant 0 : i32
    %dma_wait3A_1198 = arith.constant 0 : i32
    %dma_wait3A_1199 = arith.constant 0 : i32
    %dma_wait3A_1200 = tpu.memref_slice %arg6[%dma_wait3A_1196, %dma_wait3A_1198, %dma_wait3A_1199] : memref<2x512x64xf32, #tpu.memory_space<vmem>> -> memref<1x512x64xf32, #tpu.memory_space<vmem>>
    %dma_wait3A_1201 = tpu.memref_squeeze %dma_wait3A_1200 : memref<1x512x64xf32, #tpu.memory_space<vmem>> -> memref<512x64xf32, #tpu.memory_space<vmem>>
    %dma_wait3A_1202 = arith.constant 0 : i32
    %dma_wait3A_1203 = tpu.memref_slice %arg5[%dma_wait3A_1195, %dma_wait3A_1202] : memref<2x512xi32, #tpu.memory_space<vmem>> -> memref<1x512xi32, #tpu.memory_space<vmem>>
    %dma_wait3A_1204 = tpu.memref_squeeze %dma_wait3A_1203 : memref<1x512xi32, #tpu.memory_space<vmem>> -> memref<512xi32, #tpu.memory_space<vmem>>
    %dma_wait3A_1205 = arith.constant 0 : i32
    %dma_wait3A_1206 = arith.constant 0 : i32
    %dma_wait3A_1207 = tpu.memref_slice %arg3[%dma_wait3A_1205, %dma_wait3A_1206] : memref<1000000x64xf32, #tpu.memory_space<hbm>> -> memref<1000000x64xf32, #tpu.memory_space<hbm>>
    %dma_wait3A_1208 = tpu.memref_slice %arg8[%dma_wait3A_1197] : memref<2x!tpu.dma_semaphore, #tpu.memory_space<semaphore_mem>> -> memref<1x!tpu.dma_semaphore, #tpu.memory_space<semaphore_mem>>
    %dma_wait3A_1209 = tpu.memref_squeeze %dma_wait3A_1208 : memref<1x!tpu.dma_semaphore, #tpu.memory_space<semaphore_mem>> -> memref<!tpu.dma_semaphore, #tpu.memory_space<semaphore_mem>>
    tpu.wait_indirect_dma semaphore(%dma_wait3A_1209 : memref<!tpu.dma_semaphore, #tpu.memory_space<semaphore_mem>>) src(%dma_wait3A_1207 : memref<1000000x64xf32, #tpu.memory_space<hbm>>) dst(%dma_wait3A_1201 : memref<512x64xf32, #tpu.memory_space<vmem>>)
    %add3A_1210 = arith.constant 196608 : i32
    %add3A_1211 = arith.addi %add3A_1210, %mul3A_2 : i32
    %dma_start3A_1212 = arith.constant 0 : i32
    %dma_start3A_1213 = arith.constant 0 : i32
    %dma_start3A_1214 = arith.constant 0 : i32
    %dma_start3A_1215 = arith.constant 0 : i32
    %dma_start3A_1216 = tpu.memref_slice %arg6[%dma_start3A_1212, %dma_start3A_1214, %dma_start3A_1215] : memref<2x512x64xf32, #tpu.memory_space<vmem>> -> memref<1x512x64xf32, #tpu.memory_space<vmem>>
    %dma_start3A_1217 = tpu.memref_squeeze %dma_start3A_1216 : memref<1x512x64xf32, #tpu.memory_space<vmem>> -> memref<512x64xf32, #tpu.memory_space<vmem>>
    %dma_start3A_1218 = arith.constant 0 : i32
    %dma_start3A_1219 = tpu.memref_slice %arg4[%add3A_1211, %dma_start3A_1218] : memref<425984x64xf32, #tpu.memory_space<hbm>> -> memref<512x64xf32, #tpu.memory_space<hbm>>
    %dma_start3A_1220 = tpu.memref_slice %arg9[%dma_start3A_1213] : memref<2x!tpu.dma_semaphore, #tpu.memory_space<semaphore_mem>> -> memref<1x!tpu.dma_semaphore, #tpu.memory_space<semaphore_mem>>
    %dma_start3A_1221 = tpu.memref_squeeze %dma_start3A_1220 : memref<1x!tpu.dma_semaphore, #tpu.memory_space<semaphore_mem>> -> memref<!tpu.dma_semaphore, #tpu.memory_space<semaphore_mem>>
    %dma_start3A_1222 = arith.constant 0 : i32
    %dma_start3A_1223 = tpu.memref_slice %arg4[%add3A_1211, %dma_start3A_1222] : memref<425984x64xf32, #tpu.memory_space<hbm>> -> memref<512x64xf32, #tpu.memory_space<hbm>>
    %dma_start3A_1224 = arith.constant 0 : i32
    %dma_start3A_1225 = arith.constant 0 : i32
    %dma_start3A_1226 = tpu.memref_slice %arg6[%dma_start3A_1212, %dma_start3A_1224, %dma_start3A_1225] : memref<2x512x64xf32, #tpu.memory_space<vmem>> -> memref<1x512x64xf32, #tpu.memory_space<vmem>>
    %dma_start3A_1227 = tpu.memref_squeeze %dma_start3A_1226 : memref<1x512x64xf32, #tpu.memory_space<vmem>> -> memref<512x64xf32, #tpu.memory_space<vmem>>
    tpu.enqueue_dma source(%dma_start3A_1227 : memref<512x64xf32, #tpu.memory_space<vmem>>) target(%dma_start3A_1223 : memref<512x64xf32, #tpu.memory_space<hbm>>) target_semaphore(%dma_start3A_1221 : memref<!tpu.dma_semaphore, #tpu.memory_space<semaphore_mem>>)
    %add3A_1228 = arith.constant 180224 : i32
    %add3A_1229 = arith.addi %add3A_1228, %mul3A_2 : i32
    %dma_wait3A_1230 = arith.constant 1 : i32
    %dma_wait3A_1231 = arith.constant 1 : i32
    %dma_wait3A_1232 = arith.constant 0 : i32
    %dma_wait3A_1233 = arith.constant 0 : i32
    %dma_wait3A_1234 = tpu.memref_slice %arg6[%dma_wait3A_1230, %dma_wait3A_1232, %dma_wait3A_1233] : memref<2x512x64xf32, #tpu.memory_space<vmem>> -> memref<1x512x64xf32, #tpu.memory_space<vmem>>
    %dma_wait3A_1235 = tpu.memref_squeeze %dma_wait3A_1234 : memref<1x512x64xf32, #tpu.memory_space<vmem>> -> memref<512x64xf32, #tpu.memory_space<vmem>>
    %dma_wait3A_1236 = arith.constant 0 : i32
    %dma_wait3A_1237 = tpu.memref_slice %arg4[%add3A_1229, %dma_wait3A_1236] : memref<425984x64xf32, #tpu.memory_space<hbm>> -> memref<512x64xf32, #tpu.memory_space<hbm>>
    %dma_wait3A_1238 = tpu.memref_slice %arg9[%dma_wait3A_1231] : memref<2x!tpu.dma_semaphore, #tpu.memory_space<semaphore_mem>> -> memref<1x!tpu.dma_semaphore, #tpu.memory_space<semaphore_mem>>
    %dma_wait3A_1239 = tpu.memref_squeeze %dma_wait3A_1238 : memref<1x!tpu.dma_semaphore, #tpu.memory_space<semaphore_mem>> -> memref<!tpu.dma_semaphore, #tpu.memory_space<semaphore_mem>>
    %dma_wait3A_1240 = arith.constant 0 : i32
    %dma_wait3A_1241 = tpu.memref_slice %arg4[%add3A_1229, %dma_wait3A_1240] : memref<425984x64xf32, #tpu.memory_space<hbm>> -> memref<512x64xf32, #tpu.memory_space<hbm>>
    %dma_wait3A_1242 = arith.constant 0 : i32
    %dma_wait3A_1243 = arith.constant 0 : i32
    %dma_wait3A_1244 = tpu.memref_slice %arg6[%dma_wait3A_1230, %dma_wait3A_1242, %dma_wait3A_1243] : memref<2x512x64xf32, #tpu.memory_space<vmem>> -> memref<1x512x64xf32, #tpu.memory_space<vmem>>
    %dma_wait3A_1245 = tpu.memref_squeeze %dma_wait3A_1244 : memref<1x512x64xf32, #tpu.memory_space<vmem>> -> memref<512x64xf32, #tpu.memory_space<vmem>>
    tpu.wait_dma2 semaphore(%dma_wait3A_1239 : memref<!tpu.dma_semaphore, #tpu.memory_space<semaphore_mem>>) src(%dma_wait3A_1245 : memref<512x64xf32, #tpu.memory_space<vmem>>) dst(%dma_wait3A_1241 : memref<512x64xf32, #tpu.memory_space<hbm>>)
    %dma_wait3A_1246 = arith.constant 13 : i32
    %dma_wait3A_1247 = arith.constant 1 : i32
    %dma_wait3A_1248 = arith.constant 1 : i32
    %dma_wait3A_1249 = arith.constant 0 : i32
    %dma_wait3A_1250 = tpu.memref_slice %arg5[%dma_wait3A_1247, %dma_wait3A_1249] : memref<2x512xi32, #tpu.memory_space<vmem>> -> memref<1x512xi32, #tpu.memory_space<vmem>>
    %dma_wait3A_1251 = tpu.memref_squeeze %dma_wait3A_1250 : memref<1x512xi32, #tpu.memory_space<vmem>> -> memref<512xi32, #tpu.memory_space<vmem>>
    %dma_wait3A_1252 = tpu.memref_slice %arg2[%dma_wait3A_1246, %mul3A_2] : memref<26x16384xi32, #tpu.memory_space<hbm>> -> memref<1x512xi32, #tpu.memory_space<hbm>>
    %dma_wait3A_1253 = tpu.memref_squeeze %dma_wait3A_1252 : memref<1x512xi32, #tpu.memory_space<hbm>> -> memref<512xi32, #tpu.memory_space<hbm>>
    %dma_wait3A_1254 = tpu.memref_slice %arg7[%dma_wait3A_1248] : memref<2x!tpu.dma_semaphore, #tpu.memory_space<semaphore_mem>> -> memref<1x!tpu.dma_semaphore, #tpu.memory_space<semaphore_mem>>
    %dma_wait3A_1255 = tpu.memref_squeeze %dma_wait3A_1254 : memref<1x!tpu.dma_semaphore, #tpu.memory_space<semaphore_mem>> -> memref<!tpu.dma_semaphore, #tpu.memory_space<semaphore_mem>>
    %dma_wait3A_1256 = arith.constant 0 : i32
    %dma_wait3A_1257 = tpu.memref_slice %arg5[%dma_wait3A_1247, %dma_wait3A_1256] : memref<2x512xi32, #tpu.memory_space<vmem>> -> memref<1x512xi32, #tpu.memory_space<vmem>>
    %dma_wait3A_1258 = tpu.memref_squeeze %dma_wait3A_1257 : memref<1x512xi32, #tpu.memory_space<vmem>> -> memref<512xi32, #tpu.memory_space<vmem>>
    %dma_wait3A_1259 = tpu.memref_slice %arg2[%dma_wait3A_1246, %mul3A_2] : memref<26x16384xi32, #tpu.memory_space<hbm>> -> memref<1x512xi32, #tpu.memory_space<hbm>>
    %dma_wait3A_1260 = tpu.memref_squeeze %dma_wait3A_1259 : memref<1x512xi32, #tpu.memory_space<hbm>> -> memref<512xi32, #tpu.memory_space<hbm>>
    tpu.wait_dma2 semaphore(%dma_wait3A_1255 : memref<!tpu.dma_semaphore, #tpu.memory_space<semaphore_mem>>) src(%dma_wait3A_1260 : memref<512xi32, #tpu.memory_space<hbm>>) dst(%dma_wait3A_1258 : memref<512xi32, #tpu.memory_space<vmem>>)
    %dma_start3A_1261 = arith.constant 1 : i32
    %dma_start3A_1262 = arith.constant 1 : i32
    %dma_start3A_1263 = arith.constant 1 : i32
    %dma_start3A_1264 = arith.constant 0 : i32
    %dma_start3A_1265 = arith.constant 0 : i32
    %dma_start3A_1266 = tpu.memref_slice %arg6[%dma_start3A_1262, %dma_start3A_1264, %dma_start3A_1265] : memref<2x512x64xf32, #tpu.memory_space<vmem>> -> memref<1x512x64xf32, #tpu.memory_space<vmem>>
    %dma_start3A_1267 = tpu.memref_squeeze %dma_start3A_1266 : memref<1x512x64xf32, #tpu.memory_space<vmem>> -> memref<512x64xf32, #tpu.memory_space<vmem>>
    %dma_start3A_1268 = arith.constant 0 : i32
    %dma_start3A_1269 = tpu.memref_slice %arg5[%dma_start3A_1261, %dma_start3A_1268] : memref<2x512xi32, #tpu.memory_space<vmem>> -> memref<1x512xi32, #tpu.memory_space<vmem>>
    %dma_start3A_1270 = tpu.memref_squeeze %dma_start3A_1269 : memref<1x512xi32, #tpu.memory_space<vmem>> -> memref<512xi32, #tpu.memory_space<vmem>>
    %dma_start3A_1271 = arith.constant 0 : i32
    %dma_start3A_1272 = arith.constant 0 : i32
    %dma_start3A_1273 = tpu.memref_slice %arg3[%dma_start3A_1271, %dma_start3A_1272] : memref<1000000x64xf32, #tpu.memory_space<hbm>> -> memref<1000000x64xf32, #tpu.memory_space<hbm>>
    %dma_start3A_1274 = tpu.memref_slice %arg8[%dma_start3A_1263] : memref<2x!tpu.dma_semaphore, #tpu.memory_space<semaphore_mem>> -> memref<1x!tpu.dma_semaphore, #tpu.memory_space<semaphore_mem>>
    %dma_start3A_1275 = tpu.memref_squeeze %dma_start3A_1274 : memref<1x!tpu.dma_semaphore, #tpu.memory_space<semaphore_mem>> -> memref<!tpu.dma_semaphore, #tpu.memory_space<semaphore_mem>>
    tpu.enqueue_indirect_dma source(%dma_start3A_1273 : memref<1000000x64xf32, #tpu.memory_space<hbm>>) target(%dma_start3A_1267 : memref<512x64xf32, #tpu.memory_space<vmem>>) offsets(%dma_start3A_1270 : memref<512xi32, #tpu.memory_space<vmem>>) semaphore(%dma_start3A_1275 : memref<!tpu.dma_semaphore, #tpu.memory_space<semaphore_mem>>)
    %dma_start3A_1276 = arith.constant 14 : i32
    %dma_start3A_1277 = arith.constant 0 : i32
    %dma_start3A_1278 = arith.constant 0 : i32
    %dma_start3A_1279 = arith.constant 0 : i32
    %dma_start3A_1280 = tpu.memref_slice %arg5[%dma_start3A_1277, %dma_start3A_1279] : memref<2x512xi32, #tpu.memory_space<vmem>> -> memref<1x512xi32, #tpu.memory_space<vmem>>
    %dma_start3A_1281 = tpu.memref_squeeze %dma_start3A_1280 : memref<1x512xi32, #tpu.memory_space<vmem>> -> memref<512xi32, #tpu.memory_space<vmem>>
    %dma_start3A_1282 = tpu.memref_slice %arg2[%dma_start3A_1276, %mul3A_2] : memref<26x16384xi32, #tpu.memory_space<hbm>> -> memref<1x512xi32, #tpu.memory_space<hbm>>
    %dma_start3A_1283 = tpu.memref_squeeze %dma_start3A_1282 : memref<1x512xi32, #tpu.memory_space<hbm>> -> memref<512xi32, #tpu.memory_space<hbm>>
    %dma_start3A_1284 = tpu.memref_slice %arg7[%dma_start3A_1278] : memref<2x!tpu.dma_semaphore, #tpu.memory_space<semaphore_mem>> -> memref<1x!tpu.dma_semaphore, #tpu.memory_space<semaphore_mem>>
    %dma_start3A_1285 = tpu.memref_squeeze %dma_start3A_1284 : memref<1x!tpu.dma_semaphore, #tpu.memory_space<semaphore_mem>> -> memref<!tpu.dma_semaphore, #tpu.memory_space<semaphore_mem>>
    %dma_start3A_1286 = arith.constant 0 : i32
    %dma_start3A_1287 = tpu.memref_slice %arg5[%dma_start3A_1277, %dma_start3A_1286] : memref<2x512xi32, #tpu.memory_space<vmem>> -> memref<1x512xi32, #tpu.memory_space<vmem>>
    %dma_start3A_1288 = tpu.memref_squeeze %dma_start3A_1287 : memref<1x512xi32, #tpu.memory_space<vmem>> -> memref<512xi32, #tpu.memory_space<vmem>>
    %dma_start3A_1289 = tpu.memref_slice %arg2[%dma_start3A_1276, %mul3A_2] : memref<26x16384xi32, #tpu.memory_space<hbm>> -> memref<1x512xi32, #tpu.memory_space<hbm>>
    %dma_start3A_1290 = tpu.memref_squeeze %dma_start3A_1289 : memref<1x512xi32, #tpu.memory_space<hbm>> -> memref<512xi32, #tpu.memory_space<hbm>>
    tpu.enqueue_dma source(%dma_start3A_1290 : memref<512xi32, #tpu.memory_space<hbm>>) target(%dma_start3A_1288 : memref<512xi32, #tpu.memory_space<vmem>>) target_semaphore(%dma_start3A_1285 : memref<!tpu.dma_semaphore, #tpu.memory_space<semaphore_mem>>)
    %dma_wait3A_1291 = arith.constant 1 : i32
    %dma_wait3A_1292 = arith.constant 1 : i32
    %dma_wait3A_1293 = arith.constant 1 : i32
    %dma_wait3A_1294 = arith.constant 0 : i32
    %dma_wait3A_1295 = arith.constant 0 : i32
    %dma_wait3A_1296 = tpu.memref_slice %arg6[%dma_wait3A_1292, %dma_wait3A_1294, %dma_wait3A_1295] : memref<2x512x64xf32, #tpu.memory_space<vmem>> -> memref<1x512x64xf32, #tpu.memory_space<vmem>>
    %dma_wait3A_1297 = tpu.memref_squeeze %dma_wait3A_1296 : memref<1x512x64xf32, #tpu.memory_space<vmem>> -> memref<512x64xf32, #tpu.memory_space<vmem>>
    %dma_wait3A_1298 = arith.constant 0 : i32
    %dma_wait3A_1299 = tpu.memref_slice %arg5[%dma_wait3A_1291, %dma_wait3A_1298] : memref<2x512xi32, #tpu.memory_space<vmem>> -> memref<1x512xi32, #tpu.memory_space<vmem>>
    %dma_wait3A_1300 = tpu.memref_squeeze %dma_wait3A_1299 : memref<1x512xi32, #tpu.memory_space<vmem>> -> memref<512xi32, #tpu.memory_space<vmem>>
    %dma_wait3A_1301 = arith.constant 0 : i32
    %dma_wait3A_1302 = arith.constant 0 : i32
    %dma_wait3A_1303 = tpu.memref_slice %arg3[%dma_wait3A_1301, %dma_wait3A_1302] : memref<1000000x64xf32, #tpu.memory_space<hbm>> -> memref<1000000x64xf32, #tpu.memory_space<hbm>>
    %dma_wait3A_1304 = tpu.memref_slice %arg8[%dma_wait3A_1293] : memref<2x!tpu.dma_semaphore, #tpu.memory_space<semaphore_mem>> -> memref<1x!tpu.dma_semaphore, #tpu.memory_space<semaphore_mem>>
    %dma_wait3A_1305 = tpu.memref_squeeze %dma_wait3A_1304 : memref<1x!tpu.dma_semaphore, #tpu.memory_space<semaphore_mem>> -> memref<!tpu.dma_semaphore, #tpu.memory_space<semaphore_mem>>
    tpu.wait_indirect_dma semaphore(%dma_wait3A_1305 : memref<!tpu.dma_semaphore, #tpu.memory_space<semaphore_mem>>) src(%dma_wait3A_1303 : memref<1000000x64xf32, #tpu.memory_space<hbm>>) dst(%dma_wait3A_1297 : memref<512x64xf32, #tpu.memory_space<vmem>>)
    %add3A_1306 = arith.constant 212992 : i32
    %add3A_1307 = arith.addi %add3A_1306, %mul3A_2 : i32
    %dma_start3A_1308 = arith.constant 1 : i32
    %dma_start3A_1309 = arith.constant 1 : i32
    %dma_start3A_1310 = arith.constant 0 : i32
    %dma_start3A_1311 = arith.constant 0 : i32
    %dma_start3A_1312 = tpu.memref_slice %arg6[%dma_start3A_1308, %dma_start3A_1310, %dma_start3A_1311] : memref<2x512x64xf32, #tpu.memory_space<vmem>> -> memref<1x512x64xf32, #tpu.memory_space<vmem>>
    %dma_start3A_1313 = tpu.memref_squeeze %dma_start3A_1312 : memref<1x512x64xf32, #tpu.memory_space<vmem>> -> memref<512x64xf32, #tpu.memory_space<vmem>>
    %dma_start3A_1314 = arith.constant 0 : i32
    %dma_start3A_1315 = tpu.memref_slice %arg4[%add3A_1307, %dma_start3A_1314] : memref<425984x64xf32, #tpu.memory_space<hbm>> -> memref<512x64xf32, #tpu.memory_space<hbm>>
    %dma_start3A_1316 = tpu.memref_slice %arg9[%dma_start3A_1309] : memref<2x!tpu.dma_semaphore, #tpu.memory_space<semaphore_mem>> -> memref<1x!tpu.dma_semaphore, #tpu.memory_space<semaphore_mem>>
    %dma_start3A_1317 = tpu.memref_squeeze %dma_start3A_1316 : memref<1x!tpu.dma_semaphore, #tpu.memory_space<semaphore_mem>> -> memref<!tpu.dma_semaphore, #tpu.memory_space<semaphore_mem>>
    %dma_start3A_1318 = arith.constant 0 : i32
    %dma_start3A_1319 = tpu.memref_slice %arg4[%add3A_1307, %dma_start3A_1318] : memref<425984x64xf32, #tpu.memory_space<hbm>> -> memref<512x64xf32, #tpu.memory_space<hbm>>
    %dma_start3A_1320 = arith.constant 0 : i32
    %dma_start3A_1321 = arith.constant 0 : i32
    %dma_start3A_1322 = tpu.memref_slice %arg6[%dma_start3A_1308, %dma_start3A_1320, %dma_start3A_1321] : memref<2x512x64xf32, #tpu.memory_space<vmem>> -> memref<1x512x64xf32, #tpu.memory_space<vmem>>
    %dma_start3A_1323 = tpu.memref_squeeze %dma_start3A_1322 : memref<1x512x64xf32, #tpu.memory_space<vmem>> -> memref<512x64xf32, #tpu.memory_space<vmem>>
    tpu.enqueue_dma source(%dma_start3A_1323 : memref<512x64xf32, #tpu.memory_space<vmem>>) target(%dma_start3A_1319 : memref<512x64xf32, #tpu.memory_space<hbm>>) target_semaphore(%dma_start3A_1317 : memref<!tpu.dma_semaphore, #tpu.memory_space<semaphore_mem>>)
    %add3A_1324 = arith.constant 196608 : i32
    %add3A_1325 = arith.addi %add3A_1324, %mul3A_2 : i32
    %dma_wait3A_1326 = arith.constant 0 : i32
    %dma_wait3A_1327 = arith.constant 0 : i32
    %dma_wait3A_1328 = arith.constant 0 : i32
    %dma_wait3A_1329 = arith.constant 0 : i32
    %dma_wait3A_1330 = tpu.memref_slice %arg6[%dma_wait3A_1326, %dma_wait3A_1328, %dma_wait3A_1329] : memref<2x512x64xf32, #tpu.memory_space<vmem>> -> memref<1x512x64xf32, #tpu.memory_space<vmem>>
    %dma_wait3A_1331 = tpu.memref_squeeze %dma_wait3A_1330 : memref<1x512x64xf32, #tpu.memory_space<vmem>> -> memref<512x64xf32, #tpu.memory_space<vmem>>
    %dma_wait3A_1332 = arith.constant 0 : i32
    %dma_wait3A_1333 = tpu.memref_slice %arg4[%add3A_1325, %dma_wait3A_1332] : memref<425984x64xf32, #tpu.memory_space<hbm>> -> memref<512x64xf32, #tpu.memory_space<hbm>>
    %dma_wait3A_1334 = tpu.memref_slice %arg9[%dma_wait3A_1327] : memref<2x!tpu.dma_semaphore, #tpu.memory_space<semaphore_mem>> -> memref<1x!tpu.dma_semaphore, #tpu.memory_space<semaphore_mem>>
    %dma_wait3A_1335 = tpu.memref_squeeze %dma_wait3A_1334 : memref<1x!tpu.dma_semaphore, #tpu.memory_space<semaphore_mem>> -> memref<!tpu.dma_semaphore, #tpu.memory_space<semaphore_mem>>
    %dma_wait3A_1336 = arith.constant 0 : i32
    %dma_wait3A_1337 = tpu.memref_slice %arg4[%add3A_1325, %dma_wait3A_1336] : memref<425984x64xf32, #tpu.memory_space<hbm>> -> memref<512x64xf32, #tpu.memory_space<hbm>>
    %dma_wait3A_1338 = arith.constant 0 : i32
    %dma_wait3A_1339 = arith.constant 0 : i32
    %dma_wait3A_1340 = tpu.memref_slice %arg6[%dma_wait3A_1326, %dma_wait3A_1338, %dma_wait3A_1339] : memref<2x512x64xf32, #tpu.memory_space<vmem>> -> memref<1x512x64xf32, #tpu.memory_space<vmem>>
    %dma_wait3A_1341 = tpu.memref_squeeze %dma_wait3A_1340 : memref<1x512x64xf32, #tpu.memory_space<vmem>> -> memref<512x64xf32, #tpu.memory_space<vmem>>
    tpu.wait_dma2 semaphore(%dma_wait3A_1335 : memref<!tpu.dma_semaphore, #tpu.memory_space<semaphore_mem>>) src(%dma_wait3A_1341 : memref<512x64xf32, #tpu.memory_space<vmem>>) dst(%dma_wait3A_1337 : memref<512x64xf32, #tpu.memory_space<hbm>>)
    %dma_wait3A_1342 = arith.constant 14 : i32
    %dma_wait3A_1343 = arith.constant 0 : i32
    %dma_wait3A_1344 = arith.constant 0 : i32
    %dma_wait3A_1345 = arith.constant 0 : i32
    %dma_wait3A_1346 = tpu.memref_slice %arg5[%dma_wait3A_1343, %dma_wait3A_1345] : memref<2x512xi32, #tpu.memory_space<vmem>> -> memref<1x512xi32, #tpu.memory_space<vmem>>
    %dma_wait3A_1347 = tpu.memref_squeeze %dma_wait3A_1346 : memref<1x512xi32, #tpu.memory_space<vmem>> -> memref<512xi32, #tpu.memory_space<vmem>>
    %dma_wait3A_1348 = tpu.memref_slice %arg2[%dma_wait3A_1342, %mul3A_2] : memref<26x16384xi32, #tpu.memory_space<hbm>> -> memref<1x512xi32, #tpu.memory_space<hbm>>
    %dma_wait3A_1349 = tpu.memref_squeeze %dma_wait3A_1348 : memref<1x512xi32, #tpu.memory_space<hbm>> -> memref<512xi32, #tpu.memory_space<hbm>>
    %dma_wait3A_1350 = tpu.memref_slice %arg7[%dma_wait3A_1344] : memref<2x!tpu.dma_semaphore, #tpu.memory_space<semaphore_mem>> -> memref<1x!tpu.dma_semaphore, #tpu.memory_space<semaphore_mem>>
    %dma_wait3A_1351 = tpu.memref_squeeze %dma_wait3A_1350 : memref<1x!tpu.dma_semaphore, #tpu.memory_space<semaphore_mem>> -> memref<!tpu.dma_semaphore, #tpu.memory_space<semaphore_mem>>
    %dma_wait3A_1352 = arith.constant 0 : i32
    %dma_wait3A_1353 = tpu.memref_slice %arg5[%dma_wait3A_1343, %dma_wait3A_1352] : memref<2x512xi32, #tpu.memory_space<vmem>> -> memref<1x512xi32, #tpu.memory_space<vmem>>
    %dma_wait3A_1354 = tpu.memref_squeeze %dma_wait3A_1353 : memref<1x512xi32, #tpu.memory_space<vmem>> -> memref<512xi32, #tpu.memory_space<vmem>>
    %dma_wait3A_1355 = tpu.memref_slice %arg2[%dma_wait3A_1342, %mul3A_2] : memref<26x16384xi32, #tpu.memory_space<hbm>> -> memref<1x512xi32, #tpu.memory_space<hbm>>
    %dma_wait3A_1356 = tpu.memref_squeeze %dma_wait3A_1355 : memref<1x512xi32, #tpu.memory_space<hbm>> -> memref<512xi32, #tpu.memory_space<hbm>>
    tpu.wait_dma2 semaphore(%dma_wait3A_1351 : memref<!tpu.dma_semaphore, #tpu.memory_space<semaphore_mem>>) src(%dma_wait3A_1356 : memref<512xi32, #tpu.memory_space<hbm>>) dst(%dma_wait3A_1354 : memref<512xi32, #tpu.memory_space<vmem>>)
    %dma_start3A_1357 = arith.constant 0 : i32
    %dma_start3A_1358 = arith.constant 0 : i32
    %dma_start3A_1359 = arith.constant 0 : i32
    %dma_start3A_1360 = arith.constant 0 : i32
    %dma_start3A_1361 = arith.constant 0 : i32
    %dma_start3A_1362 = tpu.memref_slice %arg6[%dma_start3A_1358, %dma_start3A_1360, %dma_start3A_1361] : memref<2x512x64xf32, #tpu.memory_space<vmem>> -> memref<1x512x64xf32, #tpu.memory_space<vmem>>
    %dma_start3A_1363 = tpu.memref_squeeze %dma_start3A_1362 : memref<1x512x64xf32, #tpu.memory_space<vmem>> -> memref<512x64xf32, #tpu.memory_space<vmem>>
    %dma_start3A_1364 = arith.constant 0 : i32
    %dma_start3A_1365 = tpu.memref_slice %arg5[%dma_start3A_1357, %dma_start3A_1364] : memref<2x512xi32, #tpu.memory_space<vmem>> -> memref<1x512xi32, #tpu.memory_space<vmem>>
    %dma_start3A_1366 = tpu.memref_squeeze %dma_start3A_1365 : memref<1x512xi32, #tpu.memory_space<vmem>> -> memref<512xi32, #tpu.memory_space<vmem>>
    %dma_start3A_1367 = arith.constant 0 : i32
    %dma_start3A_1368 = arith.constant 0 : i32
    %dma_start3A_1369 = tpu.memref_slice %arg3[%dma_start3A_1367, %dma_start3A_1368] : memref<1000000x64xf32, #tpu.memory_space<hbm>> -> memref<1000000x64xf32, #tpu.memory_space<hbm>>
    %dma_start3A_1370 = tpu.memref_slice %arg8[%dma_start3A_1359] : memref<2x!tpu.dma_semaphore, #tpu.memory_space<semaphore_mem>> -> memref<1x!tpu.dma_semaphore, #tpu.memory_space<semaphore_mem>>
    %dma_start3A_1371 = tpu.memref_squeeze %dma_start3A_1370 : memref<1x!tpu.dma_semaphore, #tpu.memory_space<semaphore_mem>> -> memref<!tpu.dma_semaphore, #tpu.memory_space<semaphore_mem>>
    tpu.enqueue_indirect_dma source(%dma_start3A_1369 : memref<1000000x64xf32, #tpu.memory_space<hbm>>) target(%dma_start3A_1363 : memref<512x64xf32, #tpu.memory_space<vmem>>) offsets(%dma_start3A_1366 : memref<512xi32, #tpu.memory_space<vmem>>) semaphore(%dma_start3A_1371 : memref<!tpu.dma_semaphore, #tpu.memory_space<semaphore_mem>>)
    %dma_start3A_1372 = arith.constant 15 : i32
    %dma_start3A_1373 = arith.constant 1 : i32
    %dma_start3A_1374 = arith.constant 1 : i32
    %dma_start3A_1375 = arith.constant 0 : i32
    %dma_start3A_1376 = tpu.memref_slice %arg5[%dma_start3A_1373, %dma_start3A_1375] : memref<2x512xi32, #tpu.memory_space<vmem>> -> memref<1x512xi32, #tpu.memory_space<vmem>>
    %dma_start3A_1377 = tpu.memref_squeeze %dma_start3A_1376 : memref<1x512xi32, #tpu.memory_space<vmem>> -> memref<512xi32, #tpu.memory_space<vmem>>
    %dma_start3A_1378 = tpu.memref_slice %arg2[%dma_start3A_1372, %mul3A_2] : memref<26x16384xi32, #tpu.memory_space<hbm>> -> memref<1x512xi32, #tpu.memory_space<hbm>>
    %dma_start3A_1379 = tpu.memref_squeeze %dma_start3A_1378 : memref<1x512xi32, #tpu.memory_space<hbm>> -> memref<512xi32, #tpu.memory_space<hbm>>
    %dma_start3A_1380 = tpu.memref_slice %arg7[%dma_start3A_1374] : memref<2x!tpu.dma_semaphore, #tpu.memory_space<semaphore_mem>> -> memref<1x!tpu.dma_semaphore, #tpu.memory_space<semaphore_mem>>
    %dma_start3A_1381 = tpu.memref_squeeze %dma_start3A_1380 : memref<1x!tpu.dma_semaphore, #tpu.memory_space<semaphore_mem>> -> memref<!tpu.dma_semaphore, #tpu.memory_space<semaphore_mem>>
    %dma_start3A_1382 = arith.constant 0 : i32
    %dma_start3A_1383 = tpu.memref_slice %arg5[%dma_start3A_1373, %dma_start3A_1382] : memref<2x512xi32, #tpu.memory_space<vmem>> -> memref<1x512xi32, #tpu.memory_space<vmem>>
    %dma_start3A_1384 = tpu.memref_squeeze %dma_start3A_1383 : memref<1x512xi32, #tpu.memory_space<vmem>> -> memref<512xi32, #tpu.memory_space<vmem>>
    %dma_start3A_1385 = tpu.memref_slice %arg2[%dma_start3A_1372, %mul3A_2] : memref<26x16384xi32, #tpu.memory_space<hbm>> -> memref<1x512xi32, #tpu.memory_space<hbm>>
    %dma_start3A_1386 = tpu.memref_squeeze %dma_start3A_1385 : memref<1x512xi32, #tpu.memory_space<hbm>> -> memref<512xi32, #tpu.memory_space<hbm>>
    tpu.enqueue_dma source(%dma_start3A_1386 : memref<512xi32, #tpu.memory_space<hbm>>) target(%dma_start3A_1384 : memref<512xi32, #tpu.memory_space<vmem>>) target_semaphore(%dma_start3A_1381 : memref<!tpu.dma_semaphore, #tpu.memory_space<semaphore_mem>>)
    %dma_wait3A_1387 = arith.constant 0 : i32
    %dma_wait3A_1388 = arith.constant 0 : i32
    %dma_wait3A_1389 = arith.constant 0 : i32
    %dma_wait3A_1390 = arith.constant 0 : i32
    %dma_wait3A_1391 = arith.constant 0 : i32
    %dma_wait3A_1392 = tpu.memref_slice %arg6[%dma_wait3A_1388, %dma_wait3A_1390, %dma_wait3A_1391] : memref<2x512x64xf32, #tpu.memory_space<vmem>> -> memref<1x512x64xf32, #tpu.memory_space<vmem>>
    %dma_wait3A_1393 = tpu.memref_squeeze %dma_wait3A_1392 : memref<1x512x64xf32, #tpu.memory_space<vmem>> -> memref<512x64xf32, #tpu.memory_space<vmem>>
    %dma_wait3A_1394 = arith.constant 0 : i32
    %dma_wait3A_1395 = tpu.memref_slice %arg5[%dma_wait3A_1387, %dma_wait3A_1394] : memref<2x512xi32, #tpu.memory_space<vmem>> -> memref<1x512xi32, #tpu.memory_space<vmem>>
    %dma_wait3A_1396 = tpu.memref_squeeze %dma_wait3A_1395 : memref<1x512xi32, #tpu.memory_space<vmem>> -> memref<512xi32, #tpu.memory_space<vmem>>
    %dma_wait3A_1397 = arith.constant 0 : i32
    %dma_wait3A_1398 = arith.constant 0 : i32
    %dma_wait3A_1399 = tpu.memref_slice %arg3[%dma_wait3A_1397, %dma_wait3A_1398] : memref<1000000x64xf32, #tpu.memory_space<hbm>> -> memref<1000000x64xf32, #tpu.memory_space<hbm>>
    %dma_wait3A_1400 = tpu.memref_slice %arg8[%dma_wait3A_1389] : memref<2x!tpu.dma_semaphore, #tpu.memory_space<semaphore_mem>> -> memref<1x!tpu.dma_semaphore, #tpu.memory_space<semaphore_mem>>
    %dma_wait3A_1401 = tpu.memref_squeeze %dma_wait3A_1400 : memref<1x!tpu.dma_semaphore, #tpu.memory_space<semaphore_mem>> -> memref<!tpu.dma_semaphore, #tpu.memory_space<semaphore_mem>>
    tpu.wait_indirect_dma semaphore(%dma_wait3A_1401 : memref<!tpu.dma_semaphore, #tpu.memory_space<semaphore_mem>>) src(%dma_wait3A_1399 : memref<1000000x64xf32, #tpu.memory_space<hbm>>) dst(%dma_wait3A_1393 : memref<512x64xf32, #tpu.memory_space<vmem>>)
    %add3A_1402 = arith.constant 229376 : i32
    %add3A_1403 = arith.addi %add3A_1402, %mul3A_2 : i32
    %dma_start3A_1404 = arith.constant 0 : i32
    %dma_start3A_1405 = arith.constant 0 : i32
    %dma_start3A_1406 = arith.constant 0 : i32
    %dma_start3A_1407 = arith.constant 0 : i32
    %dma_start3A_1408 = tpu.memref_slice %arg6[%dma_start3A_1404, %dma_start3A_1406, %dma_start3A_1407] : memref<2x512x64xf32, #tpu.memory_space<vmem>> -> memref<1x512x64xf32, #tpu.memory_space<vmem>>
    %dma_start3A_1409 = tpu.memref_squeeze %dma_start3A_1408 : memref<1x512x64xf32, #tpu.memory_space<vmem>> -> memref<512x64xf32, #tpu.memory_space<vmem>>
    %dma_start3A_1410 = arith.constant 0 : i32
    %dma_start3A_1411 = tpu.memref_slice %arg4[%add3A_1403, %dma_start3A_1410] : memref<425984x64xf32, #tpu.memory_space<hbm>> -> memref<512x64xf32, #tpu.memory_space<hbm>>
    %dma_start3A_1412 = tpu.memref_slice %arg9[%dma_start3A_1405] : memref<2x!tpu.dma_semaphore, #tpu.memory_space<semaphore_mem>> -> memref<1x!tpu.dma_semaphore, #tpu.memory_space<semaphore_mem>>
    %dma_start3A_1413 = tpu.memref_squeeze %dma_start3A_1412 : memref<1x!tpu.dma_semaphore, #tpu.memory_space<semaphore_mem>> -> memref<!tpu.dma_semaphore, #tpu.memory_space<semaphore_mem>>
    %dma_start3A_1414 = arith.constant 0 : i32
    %dma_start3A_1415 = tpu.memref_slice %arg4[%add3A_1403, %dma_start3A_1414] : memref<425984x64xf32, #tpu.memory_space<hbm>> -> memref<512x64xf32, #tpu.memory_space<hbm>>
    %dma_start3A_1416 = arith.constant 0 : i32
    %dma_start3A_1417 = arith.constant 0 : i32
    %dma_start3A_1418 = tpu.memref_slice %arg6[%dma_start3A_1404, %dma_start3A_1416, %dma_start3A_1417] : memref<2x512x64xf32, #tpu.memory_space<vmem>> -> memref<1x512x64xf32, #tpu.memory_space<vmem>>
    %dma_start3A_1419 = tpu.memref_squeeze %dma_start3A_1418 : memref<1x512x64xf32, #tpu.memory_space<vmem>> -> memref<512x64xf32, #tpu.memory_space<vmem>>
    tpu.enqueue_dma source(%dma_start3A_1419 : memref<512x64xf32, #tpu.memory_space<vmem>>) target(%dma_start3A_1415 : memref<512x64xf32, #tpu.memory_space<hbm>>) target_semaphore(%dma_start3A_1413 : memref<!tpu.dma_semaphore, #tpu.memory_space<semaphore_mem>>)
    %add3A_1420 = arith.constant 212992 : i32
    %add3A_1421 = arith.addi %add3A_1420, %mul3A_2 : i32
    %dma_wait3A_1422 = arith.constant 1 : i32
    %dma_wait3A_1423 = arith.constant 1 : i32
    %dma_wait3A_1424 = arith.constant 0 : i32
    %dma_wait3A_1425 = arith.constant 0 : i32
    %dma_wait3A_1426 = tpu.memref_slice %arg6[%dma_wait3A_1422, %dma_wait3A_1424, %dma_wait3A_1425] : memref<2x512x64xf32, #tpu.memory_space<vmem>> -> memref<1x512x64xf32, #tpu.memory_space<vmem>>
    %dma_wait3A_1427 = tpu.memref_squeeze %dma_wait3A_1426 : memref<1x512x64xf32, #tpu.memory_space<vmem>> -> memref<512x64xf32, #tpu.memory_space<vmem>>
    %dma_wait3A_1428 = arith.constant 0 : i32
    %dma_wait3A_1429 = tpu.memref_slice %arg4[%add3A_1421, %dma_wait3A_1428] : memref<425984x64xf32, #tpu.memory_space<hbm>> -> memref<512x64xf32, #tpu.memory_space<hbm>>
    %dma_wait3A_1430 = tpu.memref_slice %arg9[%dma_wait3A_1423] : memref<2x!tpu.dma_semaphore, #tpu.memory_space<semaphore_mem>> -> memref<1x!tpu.dma_semaphore, #tpu.memory_space<semaphore_mem>>
    %dma_wait3A_1431 = tpu.memref_squeeze %dma_wait3A_1430 : memref<1x!tpu.dma_semaphore, #tpu.memory_space<semaphore_mem>> -> memref<!tpu.dma_semaphore, #tpu.memory_space<semaphore_mem>>
    %dma_wait3A_1432 = arith.constant 0 : i32
    %dma_wait3A_1433 = tpu.memref_slice %arg4[%add3A_1421, %dma_wait3A_1432] : memref<425984x64xf32, #tpu.memory_space<hbm>> -> memref<512x64xf32, #tpu.memory_space<hbm>>
    %dma_wait3A_1434 = arith.constant 0 : i32
    %dma_wait3A_1435 = arith.constant 0 : i32
    %dma_wait3A_1436 = tpu.memref_slice %arg6[%dma_wait3A_1422, %dma_wait3A_1434, %dma_wait3A_1435] : memref<2x512x64xf32, #tpu.memory_space<vmem>> -> memref<1x512x64xf32, #tpu.memory_space<vmem>>
    %dma_wait3A_1437 = tpu.memref_squeeze %dma_wait3A_1436 : memref<1x512x64xf32, #tpu.memory_space<vmem>> -> memref<512x64xf32, #tpu.memory_space<vmem>>
    tpu.wait_dma2 semaphore(%dma_wait3A_1431 : memref<!tpu.dma_semaphore, #tpu.memory_space<semaphore_mem>>) src(%dma_wait3A_1437 : memref<512x64xf32, #tpu.memory_space<vmem>>) dst(%dma_wait3A_1433 : memref<512x64xf32, #tpu.memory_space<hbm>>)
    %dma_wait3A_1438 = arith.constant 15 : i32
    %dma_wait3A_1439 = arith.constant 1 : i32
    %dma_wait3A_1440 = arith.constant 1 : i32
    %dma_wait3A_1441 = arith.constant 0 : i32
    %dma_wait3A_1442 = tpu.memref_slice %arg5[%dma_wait3A_1439, %dma_wait3A_1441] : memref<2x512xi32, #tpu.memory_space<vmem>> -> memref<1x512xi32, #tpu.memory_space<vmem>>
    %dma_wait3A_1443 = tpu.memref_squeeze %dma_wait3A_1442 : memref<1x512xi32, #tpu.memory_space<vmem>> -> memref<512xi32, #tpu.memory_space<vmem>>
    %dma_wait3A_1444 = tpu.memref_slice %arg2[%dma_wait3A_1438, %mul3A_2] : memref<26x16384xi32, #tpu.memory_space<hbm>> -> memref<1x512xi32, #tpu.memory_space<hbm>>
    %dma_wait3A_1445 = tpu.memref_squeeze %dma_wait3A_1444 : memref<1x512xi32, #tpu.memory_space<hbm>> -> memref<512xi32, #tpu.memory_space<hbm>>
    %dma_wait3A_1446 = tpu.memref_slice %arg7[%dma_wait3A_1440] : memref<2x!tpu.dma_semaphore, #tpu.memory_space<semaphore_mem>> -> memref<1x!tpu.dma_semaphore, #tpu.memory_space<semaphore_mem>>
    %dma_wait3A_1447 = tpu.memref_squeeze %dma_wait3A_1446 : memref<1x!tpu.dma_semaphore, #tpu.memory_space<semaphore_mem>> -> memref<!tpu.dma_semaphore, #tpu.memory_space<semaphore_mem>>
    %dma_wait3A_1448 = arith.constant 0 : i32
    %dma_wait3A_1449 = tpu.memref_slice %arg5[%dma_wait3A_1439, %dma_wait3A_1448] : memref<2x512xi32, #tpu.memory_space<vmem>> -> memref<1x512xi32, #tpu.memory_space<vmem>>
    %dma_wait3A_1450 = tpu.memref_squeeze %dma_wait3A_1449 : memref<1x512xi32, #tpu.memory_space<vmem>> -> memref<512xi32, #tpu.memory_space<vmem>>
    %dma_wait3A_1451 = tpu.memref_slice %arg2[%dma_wait3A_1438, %mul3A_2] : memref<26x16384xi32, #tpu.memory_space<hbm>> -> memref<1x512xi32, #tpu.memory_space<hbm>>
    %dma_wait3A_1452 = tpu.memref_squeeze %dma_wait3A_1451 : memref<1x512xi32, #tpu.memory_space<hbm>> -> memref<512xi32, #tpu.memory_space<hbm>>
    tpu.wait_dma2 semaphore(%dma_wait3A_1447 : memref<!tpu.dma_semaphore, #tpu.memory_space<semaphore_mem>>) src(%dma_wait3A_1452 : memref<512xi32, #tpu.memory_space<hbm>>) dst(%dma_wait3A_1450 : memref<512xi32, #tpu.memory_space<vmem>>)
    %dma_start3A_1453 = arith.constant 1 : i32
    %dma_start3A_1454 = arith.constant 1 : i32
    %dma_start3A_1455 = arith.constant 1 : i32
    %dma_start3A_1456 = arith.constant 0 : i32
    %dma_start3A_1457 = arith.constant 0 : i32
    %dma_start3A_1458 = tpu.memref_slice %arg6[%dma_start3A_1454, %dma_start3A_1456, %dma_start3A_1457] : memref<2x512x64xf32, #tpu.memory_space<vmem>> -> memref<1x512x64xf32, #tpu.memory_space<vmem>>
    %dma_start3A_1459 = tpu.memref_squeeze %dma_start3A_1458 : memref<1x512x64xf32, #tpu.memory_space<vmem>> -> memref<512x64xf32, #tpu.memory_space<vmem>>
    %dma_start3A_1460 = arith.constant 0 : i32
    %dma_start3A_1461 = tpu.memref_slice %arg5[%dma_start3A_1453, %dma_start3A_1460] : memref<2x512xi32, #tpu.memory_space<vmem>> -> memref<1x512xi32, #tpu.memory_space<vmem>>
    %dma_start3A_1462 = tpu.memref_squeeze %dma_start3A_1461 : memref<1x512xi32, #tpu.memory_space<vmem>> -> memref<512xi32, #tpu.memory_space<vmem>>
    %dma_start3A_1463 = arith.constant 0 : i32
    %dma_start3A_1464 = arith.constant 0 : i32
    %dma_start3A_1465 = tpu.memref_slice %arg3[%dma_start3A_1463, %dma_start3A_1464] : memref<1000000x64xf32, #tpu.memory_space<hbm>> -> memref<1000000x64xf32, #tpu.memory_space<hbm>>
    %dma_start3A_1466 = tpu.memref_slice %arg8[%dma_start3A_1455] : memref<2x!tpu.dma_semaphore, #tpu.memory_space<semaphore_mem>> -> memref<1x!tpu.dma_semaphore, #tpu.memory_space<semaphore_mem>>
    %dma_start3A_1467 = tpu.memref_squeeze %dma_start3A_1466 : memref<1x!tpu.dma_semaphore, #tpu.memory_space<semaphore_mem>> -> memref<!tpu.dma_semaphore, #tpu.memory_space<semaphore_mem>>
    tpu.enqueue_indirect_dma source(%dma_start3A_1465 : memref<1000000x64xf32, #tpu.memory_space<hbm>>) target(%dma_start3A_1459 : memref<512x64xf32, #tpu.memory_space<vmem>>) offsets(%dma_start3A_1462 : memref<512xi32, #tpu.memory_space<vmem>>) semaphore(%dma_start3A_1467 : memref<!tpu.dma_semaphore, #tpu.memory_space<semaphore_mem>>)
    %dma_start3A_1468 = arith.constant 16 : i32
    %dma_start3A_1469 = arith.constant 0 : i32
    %dma_start3A_1470 = arith.constant 0 : i32
    %dma_start3A_1471 = arith.constant 0 : i32
    %dma_start3A_1472 = tpu.memref_slice %arg5[%dma_start3A_1469, %dma_start3A_1471] : memref<2x512xi32, #tpu.memory_space<vmem>> -> memref<1x512xi32, #tpu.memory_space<vmem>>
    %dma_start3A_1473 = tpu.memref_squeeze %dma_start3A_1472 : memref<1x512xi32, #tpu.memory_space<vmem>> -> memref<512xi32, #tpu.memory_space<vmem>>
    %dma_start3A_1474 = tpu.memref_slice %arg2[%dma_start3A_1468, %mul3A_2] : memref<26x16384xi32, #tpu.memory_space<hbm>> -> memref<1x512xi32, #tpu.memory_space<hbm>>
    %dma_start3A_1475 = tpu.memref_squeeze %dma_start3A_1474 : memref<1x512xi32, #tpu.memory_space<hbm>> -> memref<512xi32, #tpu.memory_space<hbm>>
    %dma_start3A_1476 = tpu.memref_slice %arg7[%dma_start3A_1470] : memref<2x!tpu.dma_semaphore, #tpu.memory_space<semaphore_mem>> -> memref<1x!tpu.dma_semaphore, #tpu.memory_space<semaphore_mem>>
    %dma_start3A_1477 = tpu.memref_squeeze %dma_start3A_1476 : memref<1x!tpu.dma_semaphore, #tpu.memory_space<semaphore_mem>> -> memref<!tpu.dma_semaphore, #tpu.memory_space<semaphore_mem>>
    %dma_start3A_1478 = arith.constant 0 : i32
    %dma_start3A_1479 = tpu.memref_slice %arg5[%dma_start3A_1469, %dma_start3A_1478] : memref<2x512xi32, #tpu.memory_space<vmem>> -> memref<1x512xi32, #tpu.memory_space<vmem>>
    %dma_start3A_1480 = tpu.memref_squeeze %dma_start3A_1479 : memref<1x512xi32, #tpu.memory_space<vmem>> -> memref<512xi32, #tpu.memory_space<vmem>>
    %dma_start3A_1481 = tpu.memref_slice %arg2[%dma_start3A_1468, %mul3A_2] : memref<26x16384xi32, #tpu.memory_space<hbm>> -> memref<1x512xi32, #tpu.memory_space<hbm>>
    %dma_start3A_1482 = tpu.memref_squeeze %dma_start3A_1481 : memref<1x512xi32, #tpu.memory_space<hbm>> -> memref<512xi32, #tpu.memory_space<hbm>>
    tpu.enqueue_dma source(%dma_start3A_1482 : memref<512xi32, #tpu.memory_space<hbm>>) target(%dma_start3A_1480 : memref<512xi32, #tpu.memory_space<vmem>>) target_semaphore(%dma_start3A_1477 : memref<!tpu.dma_semaphore, #tpu.memory_space<semaphore_mem>>)
    %dma_wait3A_1483 = arith.constant 1 : i32
    %dma_wait3A_1484 = arith.constant 1 : i32
    %dma_wait3A_1485 = arith.constant 1 : i32
    %dma_wait3A_1486 = arith.constant 0 : i32
    %dma_wait3A_1487 = arith.constant 0 : i32
    %dma_wait3A_1488 = tpu.memref_slice %arg6[%dma_wait3A_1484, %dma_wait3A_1486, %dma_wait3A_1487] : memref<2x512x64xf32, #tpu.memory_space<vmem>> -> memref<1x512x64xf32, #tpu.memory_space<vmem>>
    %dma_wait3A_1489 = tpu.memref_squeeze %dma_wait3A_1488 : memref<1x512x64xf32, #tpu.memory_space<vmem>> -> memref<512x64xf32, #tpu.memory_space<vmem>>
    %dma_wait3A_1490 = arith.constant 0 : i32
    %dma_wait3A_1491 = tpu.memref_slice %arg5[%dma_wait3A_1483, %dma_wait3A_1490] : memref<2x512xi32, #tpu.memory_space<vmem>> -> memref<1x512xi32, #tpu.memory_space<vmem>>
    %dma_wait3A_1492 = tpu.memref_squeeze %dma_wait3A_1491 : memref<1x512xi32, #tpu.memory_space<vmem>> -> memref<512xi32, #tpu.memory_space<vmem>>
    %dma_wait3A_1493 = arith.constant 0 : i32
    %dma_wait3A_1494 = arith.constant 0 : i32
    %dma_wait3A_1495 = tpu.memref_slice %arg3[%dma_wait3A_1493, %dma_wait3A_1494] : memref<1000000x64xf32, #tpu.memory_space<hbm>> -> memref<1000000x64xf32, #tpu.memory_space<hbm>>
    %dma_wait3A_1496 = tpu.memref_slice %arg8[%dma_wait3A_1485] : memref<2x!tpu.dma_semaphore, #tpu.memory_space<semaphore_mem>> -> memref<1x!tpu.dma_semaphore, #tpu.memory_space<semaphore_mem>>
    %dma_wait3A_1497 = tpu.memref_squeeze %dma_wait3A_1496 : memref<1x!tpu.dma_semaphore, #tpu.memory_space<semaphore_mem>> -> memref<!tpu.dma_semaphore, #tpu.memory_space<semaphore_mem>>
    tpu.wait_indirect_dma semaphore(%dma_wait3A_1497 : memref<!tpu.dma_semaphore, #tpu.memory_space<semaphore_mem>>) src(%dma_wait3A_1495 : memref<1000000x64xf32, #tpu.memory_space<hbm>>) dst(%dma_wait3A_1489 : memref<512x64xf32, #tpu.memory_space<vmem>>)
    %add3A_1498 = arith.constant 245760 : i32
    %add3A_1499 = arith.addi %add3A_1498, %mul3A_2 : i32
    %dma_start3A_1500 = arith.constant 1 : i32
    %dma_start3A_1501 = arith.constant 1 : i32
    %dma_start3A_1502 = arith.constant 0 : i32
    %dma_start3A_1503 = arith.constant 0 : i32
    %dma_start3A_1504 = tpu.memref_slice %arg6[%dma_start3A_1500, %dma_start3A_1502, %dma_start3A_1503] : memref<2x512x64xf32, #tpu.memory_space<vmem>> -> memref<1x512x64xf32, #tpu.memory_space<vmem>>
    %dma_start3A_1505 = tpu.memref_squeeze %dma_start3A_1504 : memref<1x512x64xf32, #tpu.memory_space<vmem>> -> memref<512x64xf32, #tpu.memory_space<vmem>>
    %dma_start3A_1506 = arith.constant 0 : i32
    %dma_start3A_1507 = tpu.memref_slice %arg4[%add3A_1499, %dma_start3A_1506] : memref<425984x64xf32, #tpu.memory_space<hbm>> -> memref<512x64xf32, #tpu.memory_space<hbm>>
    %dma_start3A_1508 = tpu.memref_slice %arg9[%dma_start3A_1501] : memref<2x!tpu.dma_semaphore, #tpu.memory_space<semaphore_mem>> -> memref<1x!tpu.dma_semaphore, #tpu.memory_space<semaphore_mem>>
    %dma_start3A_1509 = tpu.memref_squeeze %dma_start3A_1508 : memref<1x!tpu.dma_semaphore, #tpu.memory_space<semaphore_mem>> -> memref<!tpu.dma_semaphore, #tpu.memory_space<semaphore_mem>>
    %dma_start3A_1510 = arith.constant 0 : i32
    %dma_start3A_1511 = tpu.memref_slice %arg4[%add3A_1499, %dma_start3A_1510] : memref<425984x64xf32, #tpu.memory_space<hbm>> -> memref<512x64xf32, #tpu.memory_space<hbm>>
    %dma_start3A_1512 = arith.constant 0 : i32
    %dma_start3A_1513 = arith.constant 0 : i32
    %dma_start3A_1514 = tpu.memref_slice %arg6[%dma_start3A_1500, %dma_start3A_1512, %dma_start3A_1513] : memref<2x512x64xf32, #tpu.memory_space<vmem>> -> memref<1x512x64xf32, #tpu.memory_space<vmem>>
    %dma_start3A_1515 = tpu.memref_squeeze %dma_start3A_1514 : memref<1x512x64xf32, #tpu.memory_space<vmem>> -> memref<512x64xf32, #tpu.memory_space<vmem>>
    tpu.enqueue_dma source(%dma_start3A_1515 : memref<512x64xf32, #tpu.memory_space<vmem>>) target(%dma_start3A_1511 : memref<512x64xf32, #tpu.memory_space<hbm>>) target_semaphore(%dma_start3A_1509 : memref<!tpu.dma_semaphore, #tpu.memory_space<semaphore_mem>>)
    %add3A_1516 = arith.constant 229376 : i32
    %add3A_1517 = arith.addi %add3A_1516, %mul3A_2 : i32
    %dma_wait3A_1518 = arith.constant 0 : i32
    %dma_wait3A_1519 = arith.constant 0 : i32
    %dma_wait3A_1520 = arith.constant 0 : i32
    %dma_wait3A_1521 = arith.constant 0 : i32
    %dma_wait3A_1522 = tpu.memref_slice %arg6[%dma_wait3A_1518, %dma_wait3A_1520, %dma_wait3A_1521] : memref<2x512x64xf32, #tpu.memory_space<vmem>> -> memref<1x512x64xf32, #tpu.memory_space<vmem>>
    %dma_wait3A_1523 = tpu.memref_squeeze %dma_wait3A_1522 : memref<1x512x64xf32, #tpu.memory_space<vmem>> -> memref<512x64xf32, #tpu.memory_space<vmem>>
    %dma_wait3A_1524 = arith.constant 0 : i32
    %dma_wait3A_1525 = tpu.memref_slice %arg4[%add3A_1517, %dma_wait3A_1524] : memref<425984x64xf32, #tpu.memory_space<hbm>> -> memref<512x64xf32, #tpu.memory_space<hbm>>
    %dma_wait3A_1526 = tpu.memref_slice %arg9[%dma_wait3A_1519] : memref<2x!tpu.dma_semaphore, #tpu.memory_space<semaphore_mem>> -> memref<1x!tpu.dma_semaphore, #tpu.memory_space<semaphore_mem>>
    %dma_wait3A_1527 = tpu.memref_squeeze %dma_wait3A_1526 : memref<1x!tpu.dma_semaphore, #tpu.memory_space<semaphore_mem>> -> memref<!tpu.dma_semaphore, #tpu.memory_space<semaphore_mem>>
    %dma_wait3A_1528 = arith.constant 0 : i32
    %dma_wait3A_1529 = tpu.memref_slice %arg4[%add3A_1517, %dma_wait3A_1528] : memref<425984x64xf32, #tpu.memory_space<hbm>> -> memref<512x64xf32, #tpu.memory_space<hbm>>
    %dma_wait3A_1530 = arith.constant 0 : i32
    %dma_wait3A_1531 = arith.constant 0 : i32
    %dma_wait3A_1532 = tpu.memref_slice %arg6[%dma_wait3A_1518, %dma_wait3A_1530, %dma_wait3A_1531] : memref<2x512x64xf32, #tpu.memory_space<vmem>> -> memref<1x512x64xf32, #tpu.memory_space<vmem>>
    %dma_wait3A_1533 = tpu.memref_squeeze %dma_wait3A_1532 : memref<1x512x64xf32, #tpu.memory_space<vmem>> -> memref<512x64xf32, #tpu.memory_space<vmem>>
    tpu.wait_dma2 semaphore(%dma_wait3A_1527 : memref<!tpu.dma_semaphore, #tpu.memory_space<semaphore_mem>>) src(%dma_wait3A_1533 : memref<512x64xf32, #tpu.memory_space<vmem>>) dst(%dma_wait3A_1529 : memref<512x64xf32, #tpu.memory_space<hbm>>)
    %dma_wait3A_1534 = arith.constant 16 : i32
    %dma_wait3A_1535 = arith.constant 0 : i32
    %dma_wait3A_1536 = arith.constant 0 : i32
    %dma_wait3A_1537 = arith.constant 0 : i32
    %dma_wait3A_1538 = tpu.memref_slice %arg5[%dma_wait3A_1535, %dma_wait3A_1537] : memref<2x512xi32, #tpu.memory_space<vmem>> -> memref<1x512xi32, #tpu.memory_space<vmem>>
    %dma_wait3A_1539 = tpu.memref_squeeze %dma_wait3A_1538 : memref<1x512xi32, #tpu.memory_space<vmem>> -> memref<512xi32, #tpu.memory_space<vmem>>
    %dma_wait3A_1540 = tpu.memref_slice %arg2[%dma_wait3A_1534, %mul3A_2] : memref<26x16384xi32, #tpu.memory_space<hbm>> -> memref<1x512xi32, #tpu.memory_space<hbm>>
    %dma_wait3A_1541 = tpu.memref_squeeze %dma_wait3A_1540 : memref<1x512xi32, #tpu.memory_space<hbm>> -> memref<512xi32, #tpu.memory_space<hbm>>
    %dma_wait3A_1542 = tpu.memref_slice %arg7[%dma_wait3A_1536] : memref<2x!tpu.dma_semaphore, #tpu.memory_space<semaphore_mem>> -> memref<1x!tpu.dma_semaphore, #tpu.memory_space<semaphore_mem>>
    %dma_wait3A_1543 = tpu.memref_squeeze %dma_wait3A_1542 : memref<1x!tpu.dma_semaphore, #tpu.memory_space<semaphore_mem>> -> memref<!tpu.dma_semaphore, #tpu.memory_space<semaphore_mem>>
    %dma_wait3A_1544 = arith.constant 0 : i32
    %dma_wait3A_1545 = tpu.memref_slice %arg5[%dma_wait3A_1535, %dma_wait3A_1544] : memref<2x512xi32, #tpu.memory_space<vmem>> -> memref<1x512xi32, #tpu.memory_space<vmem>>
    %dma_wait3A_1546 = tpu.memref_squeeze %dma_wait3A_1545 : memref<1x512xi32, #tpu.memory_space<vmem>> -> memref<512xi32, #tpu.memory_space<vmem>>
    %dma_wait3A_1547 = tpu.memref_slice %arg2[%dma_wait3A_1534, %mul3A_2] : memref<26x16384xi32, #tpu.memory_space<hbm>> -> memref<1x512xi32, #tpu.memory_space<hbm>>
    %dma_wait3A_1548 = tpu.memref_squeeze %dma_wait3A_1547 : memref<1x512xi32, #tpu.memory_space<hbm>> -> memref<512xi32, #tpu.memory_space<hbm>>
    tpu.wait_dma2 semaphore(%dma_wait3A_1543 : memref<!tpu.dma_semaphore, #tpu.memory_space<semaphore_mem>>) src(%dma_wait3A_1548 : memref<512xi32, #tpu.memory_space<hbm>>) dst(%dma_wait3A_1546 : memref<512xi32, #tpu.memory_space<vmem>>)
    %dma_start3A_1549 = arith.constant 0 : i32
    %dma_start3A_1550 = arith.constant 0 : i32
    %dma_start3A_1551 = arith.constant 0 : i32
    %dma_start3A_1552 = arith.constant 0 : i32
    %dma_start3A_1553 = arith.constant 0 : i32
    %dma_start3A_1554 = tpu.memref_slice %arg6[%dma_start3A_1550, %dma_start3A_1552, %dma_start3A_1553] : memref<2x512x64xf32, #tpu.memory_space<vmem>> -> memref<1x512x64xf32, #tpu.memory_space<vmem>>
    %dma_start3A_1555 = tpu.memref_squeeze %dma_start3A_1554 : memref<1x512x64xf32, #tpu.memory_space<vmem>> -> memref<512x64xf32, #tpu.memory_space<vmem>>
    %dma_start3A_1556 = arith.constant 0 : i32
    %dma_start3A_1557 = tpu.memref_slice %arg5[%dma_start3A_1549, %dma_start3A_1556] : memref<2x512xi32, #tpu.memory_space<vmem>> -> memref<1x512xi32, #tpu.memory_space<vmem>>
    %dma_start3A_1558 = tpu.memref_squeeze %dma_start3A_1557 : memref<1x512xi32, #tpu.memory_space<vmem>> -> memref<512xi32, #tpu.memory_space<vmem>>
    %dma_start3A_1559 = arith.constant 0 : i32
    %dma_start3A_1560 = arith.constant 0 : i32
    %dma_start3A_1561 = tpu.memref_slice %arg3[%dma_start3A_1559, %dma_start3A_1560] : memref<1000000x64xf32, #tpu.memory_space<hbm>> -> memref<1000000x64xf32, #tpu.memory_space<hbm>>
    %dma_start3A_1562 = tpu.memref_slice %arg8[%dma_start3A_1551] : memref<2x!tpu.dma_semaphore, #tpu.memory_space<semaphore_mem>> -> memref<1x!tpu.dma_semaphore, #tpu.memory_space<semaphore_mem>>
    %dma_start3A_1563 = tpu.memref_squeeze %dma_start3A_1562 : memref<1x!tpu.dma_semaphore, #tpu.memory_space<semaphore_mem>> -> memref<!tpu.dma_semaphore, #tpu.memory_space<semaphore_mem>>
    tpu.enqueue_indirect_dma source(%dma_start3A_1561 : memref<1000000x64xf32, #tpu.memory_space<hbm>>) target(%dma_start3A_1555 : memref<512x64xf32, #tpu.memory_space<vmem>>) offsets(%dma_start3A_1558 : memref<512xi32, #tpu.memory_space<vmem>>) semaphore(%dma_start3A_1563 : memref<!tpu.dma_semaphore, #tpu.memory_space<semaphore_mem>>)
    %dma_start3A_1564 = arith.constant 17 : i32
    %dma_start3A_1565 = arith.constant 1 : i32
    %dma_start3A_1566 = arith.constant 1 : i32
    %dma_start3A_1567 = arith.constant 0 : i32
    %dma_start3A_1568 = tpu.memref_slice %arg5[%dma_start3A_1565, %dma_start3A_1567] : memref<2x512xi32, #tpu.memory_space<vmem>> -> memref<1x512xi32, #tpu.memory_space<vmem>>
    %dma_start3A_1569 = tpu.memref_squeeze %dma_start3A_1568 : memref<1x512xi32, #tpu.memory_space<vmem>> -> memref<512xi32, #tpu.memory_space<vmem>>
    %dma_start3A_1570 = tpu.memref_slice %arg2[%dma_start3A_1564, %mul3A_2] : memref<26x16384xi32, #tpu.memory_space<hbm>> -> memref<1x512xi32, #tpu.memory_space<hbm>>
    %dma_start3A_1571 = tpu.memref_squeeze %dma_start3A_1570 : memref<1x512xi32, #tpu.memory_space<hbm>> -> memref<512xi32, #tpu.memory_space<hbm>>
    %dma_start3A_1572 = tpu.memref_slice %arg7[%dma_start3A_1566] : memref<2x!tpu.dma_semaphore, #tpu.memory_space<semaphore_mem>> -> memref<1x!tpu.dma_semaphore, #tpu.memory_space<semaphore_mem>>
    %dma_start3A_1573 = tpu.memref_squeeze %dma_start3A_1572 : memref<1x!tpu.dma_semaphore, #tpu.memory_space<semaphore_mem>> -> memref<!tpu.dma_semaphore, #tpu.memory_space<semaphore_mem>>
    %dma_start3A_1574 = arith.constant 0 : i32
    %dma_start3A_1575 = tpu.memref_slice %arg5[%dma_start3A_1565, %dma_start3A_1574] : memref<2x512xi32, #tpu.memory_space<vmem>> -> memref<1x512xi32, #tpu.memory_space<vmem>>
    %dma_start3A_1576 = tpu.memref_squeeze %dma_start3A_1575 : memref<1x512xi32, #tpu.memory_space<vmem>> -> memref<512xi32, #tpu.memory_space<vmem>>
    %dma_start3A_1577 = tpu.memref_slice %arg2[%dma_start3A_1564, %mul3A_2] : memref<26x16384xi32, #tpu.memory_space<hbm>> -> memref<1x512xi32, #tpu.memory_space<hbm>>
    %dma_start3A_1578 = tpu.memref_squeeze %dma_start3A_1577 : memref<1x512xi32, #tpu.memory_space<hbm>> -> memref<512xi32, #tpu.memory_space<hbm>>
    tpu.enqueue_dma source(%dma_start3A_1578 : memref<512xi32, #tpu.memory_space<hbm>>) target(%dma_start3A_1576 : memref<512xi32, #tpu.memory_space<vmem>>) target_semaphore(%dma_start3A_1573 : memref<!tpu.dma_semaphore, #tpu.memory_space<semaphore_mem>>)
    %dma_wait3A_1579 = arith.constant 0 : i32
    %dma_wait3A_1580 = arith.constant 0 : i32
    %dma_wait3A_1581 = arith.constant 0 : i32
    %dma_wait3A_1582 = arith.constant 0 : i32
    %dma_wait3A_1583 = arith.constant 0 : i32
    %dma_wait3A_1584 = tpu.memref_slice %arg6[%dma_wait3A_1580, %dma_wait3A_1582, %dma_wait3A_1583] : memref<2x512x64xf32, #tpu.memory_space<vmem>> -> memref<1x512x64xf32, #tpu.memory_space<vmem>>
    %dma_wait3A_1585 = tpu.memref_squeeze %dma_wait3A_1584 : memref<1x512x64xf32, #tpu.memory_space<vmem>> -> memref<512x64xf32, #tpu.memory_space<vmem>>
    %dma_wait3A_1586 = arith.constant 0 : i32
    %dma_wait3A_1587 = tpu.memref_slice %arg5[%dma_wait3A_1579, %dma_wait3A_1586] : memref<2x512xi32, #tpu.memory_space<vmem>> -> memref<1x512xi32, #tpu.memory_space<vmem>>
    %dma_wait3A_1588 = tpu.memref_squeeze %dma_wait3A_1587 : memref<1x512xi32, #tpu.memory_space<vmem>> -> memref<512xi32, #tpu.memory_space<vmem>>
    %dma_wait3A_1589 = arith.constant 0 : i32
    %dma_wait3A_1590 = arith.constant 0 : i32
    %dma_wait3A_1591 = tpu.memref_slice %arg3[%dma_wait3A_1589, %dma_wait3A_1590] : memref<1000000x64xf32, #tpu.memory_space<hbm>> -> memref<1000000x64xf32, #tpu.memory_space<hbm>>
    %dma_wait3A_1592 = tpu.memref_slice %arg8[%dma_wait3A_1581] : memref<2x!tpu.dma_semaphore, #tpu.memory_space<semaphore_mem>> -> memref<1x!tpu.dma_semaphore, #tpu.memory_space<semaphore_mem>>
    %dma_wait3A_1593 = tpu.memref_squeeze %dma_wait3A_1592 : memref<1x!tpu.dma_semaphore, #tpu.memory_space<semaphore_mem>> -> memref<!tpu.dma_semaphore, #tpu.memory_space<semaphore_mem>>
    tpu.wait_indirect_dma semaphore(%dma_wait3A_1593 : memref<!tpu.dma_semaphore, #tpu.memory_space<semaphore_mem>>) src(%dma_wait3A_1591 : memref<1000000x64xf32, #tpu.memory_space<hbm>>) dst(%dma_wait3A_1585 : memref<512x64xf32, #tpu.memory_space<vmem>>)
    %add3A_1594 = arith.constant 262144 : i32
    %add3A_1595 = arith.addi %add3A_1594, %mul3A_2 : i32
    %dma_start3A_1596 = arith.constant 0 : i32
    %dma_start3A_1597 = arith.constant 0 : i32
    %dma_start3A_1598 = arith.constant 0 : i32
    %dma_start3A_1599 = arith.constant 0 : i32
    %dma_start3A_1600 = tpu.memref_slice %arg6[%dma_start3A_1596, %dma_start3A_1598, %dma_start3A_1599] : memref<2x512x64xf32, #tpu.memory_space<vmem>> -> memref<1x512x64xf32, #tpu.memory_space<vmem>>
    %dma_start3A_1601 = tpu.memref_squeeze %dma_start3A_1600 : memref<1x512x64xf32, #tpu.memory_space<vmem>> -> memref<512x64xf32, #tpu.memory_space<vmem>>
    %dma_start3A_1602 = arith.constant 0 : i32
    %dma_start3A_1603 = tpu.memref_slice %arg4[%add3A_1595, %dma_start3A_1602] : memref<425984x64xf32, #tpu.memory_space<hbm>> -> memref<512x64xf32, #tpu.memory_space<hbm>>
    %dma_start3A_1604 = tpu.memref_slice %arg9[%dma_start3A_1597] : memref<2x!tpu.dma_semaphore, #tpu.memory_space<semaphore_mem>> -> memref<1x!tpu.dma_semaphore, #tpu.memory_space<semaphore_mem>>
    %dma_start3A_1605 = tpu.memref_squeeze %dma_start3A_1604 : memref<1x!tpu.dma_semaphore, #tpu.memory_space<semaphore_mem>> -> memref<!tpu.dma_semaphore, #tpu.memory_space<semaphore_mem>>
    %dma_start3A_1606 = arith.constant 0 : i32
    %dma_start3A_1607 = tpu.memref_slice %arg4[%add3A_1595, %dma_start3A_1606] : memref<425984x64xf32, #tpu.memory_space<hbm>> -> memref<512x64xf32, #tpu.memory_space<hbm>>
    %dma_start3A_1608 = arith.constant 0 : i32
    %dma_start3A_1609 = arith.constant 0 : i32
    %dma_start3A_1610 = tpu.memref_slice %arg6[%dma_start3A_1596, %dma_start3A_1608, %dma_start3A_1609] : memref<2x512x64xf32, #tpu.memory_space<vmem>> -> memref<1x512x64xf32, #tpu.memory_space<vmem>>
    %dma_start3A_1611 = tpu.memref_squeeze %dma_start3A_1610 : memref<1x512x64xf32, #tpu.memory_space<vmem>> -> memref<512x64xf32, #tpu.memory_space<vmem>>
    tpu.enqueue_dma source(%dma_start3A_1611 : memref<512x64xf32, #tpu.memory_space<vmem>>) target(%dma_start3A_1607 : memref<512x64xf32, #tpu.memory_space<hbm>>) target_semaphore(%dma_start3A_1605 : memref<!tpu.dma_semaphore, #tpu.memory_space<semaphore_mem>>)
    %add3A_1612 = arith.constant 245760 : i32
    %add3A_1613 = arith.addi %add3A_1612, %mul3A_2 : i32
    %dma_wait3A_1614 = arith.constant 1 : i32
    %dma_wait3A_1615 = arith.constant 1 : i32
    %dma_wait3A_1616 = arith.constant 0 : i32
    %dma_wait3A_1617 = arith.constant 0 : i32
    %dma_wait3A_1618 = tpu.memref_slice %arg6[%dma_wait3A_1614, %dma_wait3A_1616, %dma_wait3A_1617] : memref<2x512x64xf32, #tpu.memory_space<vmem>> -> memref<1x512x64xf32, #tpu.memory_space<vmem>>
    %dma_wait3A_1619 = tpu.memref_squeeze %dma_wait3A_1618 : memref<1x512x64xf32, #tpu.memory_space<vmem>> -> memref<512x64xf32, #tpu.memory_space<vmem>>
    %dma_wait3A_1620 = arith.constant 0 : i32
    %dma_wait3A_1621 = tpu.memref_slice %arg4[%add3A_1613, %dma_wait3A_1620] : memref<425984x64xf32, #tpu.memory_space<hbm>> -> memref<512x64xf32, #tpu.memory_space<hbm>>
    %dma_wait3A_1622 = tpu.memref_slice %arg9[%dma_wait3A_1615] : memref<2x!tpu.dma_semaphore, #tpu.memory_space<semaphore_mem>> -> memref<1x!tpu.dma_semaphore, #tpu.memory_space<semaphore_mem>>
    %dma_wait3A_1623 = tpu.memref_squeeze %dma_wait3A_1622 : memref<1x!tpu.dma_semaphore, #tpu.memory_space<semaphore_mem>> -> memref<!tpu.dma_semaphore, #tpu.memory_space<semaphore_mem>>
    %dma_wait3A_1624 = arith.constant 0 : i32
    %dma_wait3A_1625 = tpu.memref_slice %arg4[%add3A_1613, %dma_wait3A_1624] : memref<425984x64xf32, #tpu.memory_space<hbm>> -> memref<512x64xf32, #tpu.memory_space<hbm>>
    %dma_wait3A_1626 = arith.constant 0 : i32
    %dma_wait3A_1627 = arith.constant 0 : i32
    %dma_wait3A_1628 = tpu.memref_slice %arg6[%dma_wait3A_1614, %dma_wait3A_1626, %dma_wait3A_1627] : memref<2x512x64xf32, #tpu.memory_space<vmem>> -> memref<1x512x64xf32, #tpu.memory_space<vmem>>
    %dma_wait3A_1629 = tpu.memref_squeeze %dma_wait3A_1628 : memref<1x512x64xf32, #tpu.memory_space<vmem>> -> memref<512x64xf32, #tpu.memory_space<vmem>>
    tpu.wait_dma2 semaphore(%dma_wait3A_1623 : memref<!tpu.dma_semaphore, #tpu.memory_space<semaphore_mem>>) src(%dma_wait3A_1629 : memref<512x64xf32, #tpu.memory_space<vmem>>) dst(%dma_wait3A_1625 : memref<512x64xf32, #tpu.memory_space<hbm>>)
    %dma_wait3A_1630 = arith.constant 17 : i32
    %dma_wait3A_1631 = arith.constant 1 : i32
    %dma_wait3A_1632 = arith.constant 1 : i32
    %dma_wait3A_1633 = arith.constant 0 : i32
    %dma_wait3A_1634 = tpu.memref_slice %arg5[%dma_wait3A_1631, %dma_wait3A_1633] : memref<2x512xi32, #tpu.memory_space<vmem>> -> memref<1x512xi32, #tpu.memory_space<vmem>>
    %dma_wait3A_1635 = tpu.memref_squeeze %dma_wait3A_1634 : memref<1x512xi32, #tpu.memory_space<vmem>> -> memref<512xi32, #tpu.memory_space<vmem>>
    %dma_wait3A_1636 = tpu.memref_slice %arg2[%dma_wait3A_1630, %mul3A_2] : memref<26x16384xi32, #tpu.memory_space<hbm>> -> memref<1x512xi32, #tpu.memory_space<hbm>>
    %dma_wait3A_1637 = tpu.memref_squeeze %dma_wait3A_1636 : memref<1x512xi32, #tpu.memory_space<hbm>> -> memref<512xi32, #tpu.memory_space<hbm>>
    %dma_wait3A_1638 = tpu.memref_slice %arg7[%dma_wait3A_1632] : memref<2x!tpu.dma_semaphore, #tpu.memory_space<semaphore_mem>> -> memref<1x!tpu.dma_semaphore, #tpu.memory_space<semaphore_mem>>
    %dma_wait3A_1639 = tpu.memref_squeeze %dma_wait3A_1638 : memref<1x!tpu.dma_semaphore, #tpu.memory_space<semaphore_mem>> -> memref<!tpu.dma_semaphore, #tpu.memory_space<semaphore_mem>>
    %dma_wait3A_1640 = arith.constant 0 : i32
    %dma_wait3A_1641 = tpu.memref_slice %arg5[%dma_wait3A_1631, %dma_wait3A_1640] : memref<2x512xi32, #tpu.memory_space<vmem>> -> memref<1x512xi32, #tpu.memory_space<vmem>>
    %dma_wait3A_1642 = tpu.memref_squeeze %dma_wait3A_1641 : memref<1x512xi32, #tpu.memory_space<vmem>> -> memref<512xi32, #tpu.memory_space<vmem>>
    %dma_wait3A_1643 = tpu.memref_slice %arg2[%dma_wait3A_1630, %mul3A_2] : memref<26x16384xi32, #tpu.memory_space<hbm>> -> memref<1x512xi32, #tpu.memory_space<hbm>>
    %dma_wait3A_1644 = tpu.memref_squeeze %dma_wait3A_1643 : memref<1x512xi32, #tpu.memory_space<hbm>> -> memref<512xi32, #tpu.memory_space<hbm>>
    tpu.wait_dma2 semaphore(%dma_wait3A_1639 : memref<!tpu.dma_semaphore, #tpu.memory_space<semaphore_mem>>) src(%dma_wait3A_1644 : memref<512xi32, #tpu.memory_space<hbm>>) dst(%dma_wait3A_1642 : memref<512xi32, #tpu.memory_space<vmem>>)
    %dma_start3A_1645 = arith.constant 1 : i32
    %dma_start3A_1646 = arith.constant 1 : i32
    %dma_start3A_1647 = arith.constant 1 : i32
    %dma_start3A_1648 = arith.constant 0 : i32
    %dma_start3A_1649 = arith.constant 0 : i32
    %dma_start3A_1650 = tpu.memref_slice %arg6[%dma_start3A_1646, %dma_start3A_1648, %dma_start3A_1649] : memref<2x512x64xf32, #tpu.memory_space<vmem>> -> memref<1x512x64xf32, #tpu.memory_space<vmem>>
    %dma_start3A_1651 = tpu.memref_squeeze %dma_start3A_1650 : memref<1x512x64xf32, #tpu.memory_space<vmem>> -> memref<512x64xf32, #tpu.memory_space<vmem>>
    %dma_start3A_1652 = arith.constant 0 : i32
    %dma_start3A_1653 = tpu.memref_slice %arg5[%dma_start3A_1645, %dma_start3A_1652] : memref<2x512xi32, #tpu.memory_space<vmem>> -> memref<1x512xi32, #tpu.memory_space<vmem>>
    %dma_start3A_1654 = tpu.memref_squeeze %dma_start3A_1653 : memref<1x512xi32, #tpu.memory_space<vmem>> -> memref<512xi32, #tpu.memory_space<vmem>>
    %dma_start3A_1655 = arith.constant 0 : i32
    %dma_start3A_1656 = arith.constant 0 : i32
    %dma_start3A_1657 = tpu.memref_slice %arg3[%dma_start3A_1655, %dma_start3A_1656] : memref<1000000x64xf32, #tpu.memory_space<hbm>> -> memref<1000000x64xf32, #tpu.memory_space<hbm>>
    %dma_start3A_1658 = tpu.memref_slice %arg8[%dma_start3A_1647] : memref<2x!tpu.dma_semaphore, #tpu.memory_space<semaphore_mem>> -> memref<1x!tpu.dma_semaphore, #tpu.memory_space<semaphore_mem>>
    %dma_start3A_1659 = tpu.memref_squeeze %dma_start3A_1658 : memref<1x!tpu.dma_semaphore, #tpu.memory_space<semaphore_mem>> -> memref<!tpu.dma_semaphore, #tpu.memory_space<semaphore_mem>>
    tpu.enqueue_indirect_dma source(%dma_start3A_1657 : memref<1000000x64xf32, #tpu.memory_space<hbm>>) target(%dma_start3A_1651 : memref<512x64xf32, #tpu.memory_space<vmem>>) offsets(%dma_start3A_1654 : memref<512xi32, #tpu.memory_space<vmem>>) semaphore(%dma_start3A_1659 : memref<!tpu.dma_semaphore, #tpu.memory_space<semaphore_mem>>)
    %dma_start3A_1660 = arith.constant 18 : i32
    %dma_start3A_1661 = arith.constant 0 : i32
    %dma_start3A_1662 = arith.constant 0 : i32
    %dma_start3A_1663 = arith.constant 0 : i32
    %dma_start3A_1664 = tpu.memref_slice %arg5[%dma_start3A_1661, %dma_start3A_1663] : memref<2x512xi32, #tpu.memory_space<vmem>> -> memref<1x512xi32, #tpu.memory_space<vmem>>
    %dma_start3A_1665 = tpu.memref_squeeze %dma_start3A_1664 : memref<1x512xi32, #tpu.memory_space<vmem>> -> memref<512xi32, #tpu.memory_space<vmem>>
    %dma_start3A_1666 = tpu.memref_slice %arg2[%dma_start3A_1660, %mul3A_2] : memref<26x16384xi32, #tpu.memory_space<hbm>> -> memref<1x512xi32, #tpu.memory_space<hbm>>
    %dma_start3A_1667 = tpu.memref_squeeze %dma_start3A_1666 : memref<1x512xi32, #tpu.memory_space<hbm>> -> memref<512xi32, #tpu.memory_space<hbm>>
    %dma_start3A_1668 = tpu.memref_slice %arg7[%dma_start3A_1662] : memref<2x!tpu.dma_semaphore, #tpu.memory_space<semaphore_mem>> -> memref<1x!tpu.dma_semaphore, #tpu.memory_space<semaphore_mem>>
    %dma_start3A_1669 = tpu.memref_squeeze %dma_start3A_1668 : memref<1x!tpu.dma_semaphore, #tpu.memory_space<semaphore_mem>> -> memref<!tpu.dma_semaphore, #tpu.memory_space<semaphore_mem>>
    %dma_start3A_1670 = arith.constant 0 : i32
    %dma_start3A_1671 = tpu.memref_slice %arg5[%dma_start3A_1661, %dma_start3A_1670] : memref<2x512xi32, #tpu.memory_space<vmem>> -> memref<1x512xi32, #tpu.memory_space<vmem>>
    %dma_start3A_1672 = tpu.memref_squeeze %dma_start3A_1671 : memref<1x512xi32, #tpu.memory_space<vmem>> -> memref<512xi32, #tpu.memory_space<vmem>>
    %dma_start3A_1673 = tpu.memref_slice %arg2[%dma_start3A_1660, %mul3A_2] : memref<26x16384xi32, #tpu.memory_space<hbm>> -> memref<1x512xi32, #tpu.memory_space<hbm>>
    %dma_start3A_1674 = tpu.memref_squeeze %dma_start3A_1673 : memref<1x512xi32, #tpu.memory_space<hbm>> -> memref<512xi32, #tpu.memory_space<hbm>>
    tpu.enqueue_dma source(%dma_start3A_1674 : memref<512xi32, #tpu.memory_space<hbm>>) target(%dma_start3A_1672 : memref<512xi32, #tpu.memory_space<vmem>>) target_semaphore(%dma_start3A_1669 : memref<!tpu.dma_semaphore, #tpu.memory_space<semaphore_mem>>)
    %dma_wait3A_1675 = arith.constant 1 : i32
    %dma_wait3A_1676 = arith.constant 1 : i32
    %dma_wait3A_1677 = arith.constant 1 : i32
    %dma_wait3A_1678 = arith.constant 0 : i32
    %dma_wait3A_1679 = arith.constant 0 : i32
    %dma_wait3A_1680 = tpu.memref_slice %arg6[%dma_wait3A_1676, %dma_wait3A_1678, %dma_wait3A_1679] : memref<2x512x64xf32, #tpu.memory_space<vmem>> -> memref<1x512x64xf32, #tpu.memory_space<vmem>>
    %dma_wait3A_1681 = tpu.memref_squeeze %dma_wait3A_1680 : memref<1x512x64xf32, #tpu.memory_space<vmem>> -> memref<512x64xf32, #tpu.memory_space<vmem>>
    %dma_wait3A_1682 = arith.constant 0 : i32
    %dma_wait3A_1683 = tpu.memref_slice %arg5[%dma_wait3A_1675, %dma_wait3A_1682] : memref<2x512xi32, #tpu.memory_space<vmem>> -> memref<1x512xi32, #tpu.memory_space<vmem>>
    %dma_wait3A_1684 = tpu.memref_squeeze %dma_wait3A_1683 : memref<1x512xi32, #tpu.memory_space<vmem>> -> memref<512xi32, #tpu.memory_space<vmem>>
    %dma_wait3A_1685 = arith.constant 0 : i32
    %dma_wait3A_1686 = arith.constant 0 : i32
    %dma_wait3A_1687 = tpu.memref_slice %arg3[%dma_wait3A_1685, %dma_wait3A_1686] : memref<1000000x64xf32, #tpu.memory_space<hbm>> -> memref<1000000x64xf32, #tpu.memory_space<hbm>>
    %dma_wait3A_1688 = tpu.memref_slice %arg8[%dma_wait3A_1677] : memref<2x!tpu.dma_semaphore, #tpu.memory_space<semaphore_mem>> -> memref<1x!tpu.dma_semaphore, #tpu.memory_space<semaphore_mem>>
    %dma_wait3A_1689 = tpu.memref_squeeze %dma_wait3A_1688 : memref<1x!tpu.dma_semaphore, #tpu.memory_space<semaphore_mem>> -> memref<!tpu.dma_semaphore, #tpu.memory_space<semaphore_mem>>
    tpu.wait_indirect_dma semaphore(%dma_wait3A_1689 : memref<!tpu.dma_semaphore, #tpu.memory_space<semaphore_mem>>) src(%dma_wait3A_1687 : memref<1000000x64xf32, #tpu.memory_space<hbm>>) dst(%dma_wait3A_1681 : memref<512x64xf32, #tpu.memory_space<vmem>>)
    %add3A_1690 = arith.constant 278528 : i32
    %add3A_1691 = arith.addi %add3A_1690, %mul3A_2 : i32
    %dma_start3A_1692 = arith.constant 1 : i32
    %dma_start3A_1693 = arith.constant 1 : i32
    %dma_start3A_1694 = arith.constant 0 : i32
    %dma_start3A_1695 = arith.constant 0 : i32
    %dma_start3A_1696 = tpu.memref_slice %arg6[%dma_start3A_1692, %dma_start3A_1694, %dma_start3A_1695] : memref<2x512x64xf32, #tpu.memory_space<vmem>> -> memref<1x512x64xf32, #tpu.memory_space<vmem>>
    %dma_start3A_1697 = tpu.memref_squeeze %dma_start3A_1696 : memref<1x512x64xf32, #tpu.memory_space<vmem>> -> memref<512x64xf32, #tpu.memory_space<vmem>>
    %dma_start3A_1698 = arith.constant 0 : i32
    %dma_start3A_1699 = tpu.memref_slice %arg4[%add3A_1691, %dma_start3A_1698] : memref<425984x64xf32, #tpu.memory_space<hbm>> -> memref<512x64xf32, #tpu.memory_space<hbm>>
    %dma_start3A_1700 = tpu.memref_slice %arg9[%dma_start3A_1693] : memref<2x!tpu.dma_semaphore, #tpu.memory_space<semaphore_mem>> -> memref<1x!tpu.dma_semaphore, #tpu.memory_space<semaphore_mem>>
    %dma_start3A_1701 = tpu.memref_squeeze %dma_start3A_1700 : memref<1x!tpu.dma_semaphore, #tpu.memory_space<semaphore_mem>> -> memref<!tpu.dma_semaphore, #tpu.memory_space<semaphore_mem>>
    %dma_start3A_1702 = arith.constant 0 : i32
    %dma_start3A_1703 = tpu.memref_slice %arg4[%add3A_1691, %dma_start3A_1702] : memref<425984x64xf32, #tpu.memory_space<hbm>> -> memref<512x64xf32, #tpu.memory_space<hbm>>
    %dma_start3A_1704 = arith.constant 0 : i32
    %dma_start3A_1705 = arith.constant 0 : i32
    %dma_start3A_1706 = tpu.memref_slice %arg6[%dma_start3A_1692, %dma_start3A_1704, %dma_start3A_1705] : memref<2x512x64xf32, #tpu.memory_space<vmem>> -> memref<1x512x64xf32, #tpu.memory_space<vmem>>
    %dma_start3A_1707 = tpu.memref_squeeze %dma_start3A_1706 : memref<1x512x64xf32, #tpu.memory_space<vmem>> -> memref<512x64xf32, #tpu.memory_space<vmem>>
    tpu.enqueue_dma source(%dma_start3A_1707 : memref<512x64xf32, #tpu.memory_space<vmem>>) target(%dma_start3A_1703 : memref<512x64xf32, #tpu.memory_space<hbm>>) target_semaphore(%dma_start3A_1701 : memref<!tpu.dma_semaphore, #tpu.memory_space<semaphore_mem>>)
    %add3A_1708 = arith.constant 262144 : i32
    %add3A_1709 = arith.addi %add3A_1708, %mul3A_2 : i32
    %dma_wait3A_1710 = arith.constant 0 : i32
    %dma_wait3A_1711 = arith.constant 0 : i32
    %dma_wait3A_1712 = arith.constant 0 : i32
    %dma_wait3A_1713 = arith.constant 0 : i32
    %dma_wait3A_1714 = tpu.memref_slice %arg6[%dma_wait3A_1710, %dma_wait3A_1712, %dma_wait3A_1713] : memref<2x512x64xf32, #tpu.memory_space<vmem>> -> memref<1x512x64xf32, #tpu.memory_space<vmem>>
    %dma_wait3A_1715 = tpu.memref_squeeze %dma_wait3A_1714 : memref<1x512x64xf32, #tpu.memory_space<vmem>> -> memref<512x64xf32, #tpu.memory_space<vmem>>
    %dma_wait3A_1716 = arith.constant 0 : i32
    %dma_wait3A_1717 = tpu.memref_slice %arg4[%add3A_1709, %dma_wait3A_1716] : memref<425984x64xf32, #tpu.memory_space<hbm>> -> memref<512x64xf32, #tpu.memory_space<hbm>>
    %dma_wait3A_1718 = tpu.memref_slice %arg9[%dma_wait3A_1711] : memref<2x!tpu.dma_semaphore, #tpu.memory_space<semaphore_mem>> -> memref<1x!tpu.dma_semaphore, #tpu.memory_space<semaphore_mem>>
    %dma_wait3A_1719 = tpu.memref_squeeze %dma_wait3A_1718 : memref<1x!tpu.dma_semaphore, #tpu.memory_space<semaphore_mem>> -> memref<!tpu.dma_semaphore, #tpu.memory_space<semaphore_mem>>
    %dma_wait3A_1720 = arith.constant 0 : i32
    %dma_wait3A_1721 = tpu.memref_slice %arg4[%add3A_1709, %dma_wait3A_1720] : memref<425984x64xf32, #tpu.memory_space<hbm>> -> memref<512x64xf32, #tpu.memory_space<hbm>>
    %dma_wait3A_1722 = arith.constant 0 : i32
    %dma_wait3A_1723 = arith.constant 0 : i32
    %dma_wait3A_1724 = tpu.memref_slice %arg6[%dma_wait3A_1710, %dma_wait3A_1722, %dma_wait3A_1723] : memref<2x512x64xf32, #tpu.memory_space<vmem>> -> memref<1x512x64xf32, #tpu.memory_space<vmem>>
    %dma_wait3A_1725 = tpu.memref_squeeze %dma_wait3A_1724 : memref<1x512x64xf32, #tpu.memory_space<vmem>> -> memref<512x64xf32, #tpu.memory_space<vmem>>
    tpu.wait_dma2 semaphore(%dma_wait3A_1719 : memref<!tpu.dma_semaphore, #tpu.memory_space<semaphore_mem>>) src(%dma_wait3A_1725 : memref<512x64xf32, #tpu.memory_space<vmem>>) dst(%dma_wait3A_1721 : memref<512x64xf32, #tpu.memory_space<hbm>>)
    %dma_wait3A_1726 = arith.constant 18 : i32
    %dma_wait3A_1727 = arith.constant 0 : i32
    %dma_wait3A_1728 = arith.constant 0 : i32
    %dma_wait3A_1729 = arith.constant 0 : i32
    %dma_wait3A_1730 = tpu.memref_slice %arg5[%dma_wait3A_1727, %dma_wait3A_1729] : memref<2x512xi32, #tpu.memory_space<vmem>> -> memref<1x512xi32, #tpu.memory_space<vmem>>
    %dma_wait3A_1731 = tpu.memref_squeeze %dma_wait3A_1730 : memref<1x512xi32, #tpu.memory_space<vmem>> -> memref<512xi32, #tpu.memory_space<vmem>>
    %dma_wait3A_1732 = tpu.memref_slice %arg2[%dma_wait3A_1726, %mul3A_2] : memref<26x16384xi32, #tpu.memory_space<hbm>> -> memref<1x512xi32, #tpu.memory_space<hbm>>
    %dma_wait3A_1733 = tpu.memref_squeeze %dma_wait3A_1732 : memref<1x512xi32, #tpu.memory_space<hbm>> -> memref<512xi32, #tpu.memory_space<hbm>>
    %dma_wait3A_1734 = tpu.memref_slice %arg7[%dma_wait3A_1728] : memref<2x!tpu.dma_semaphore, #tpu.memory_space<semaphore_mem>> -> memref<1x!tpu.dma_semaphore, #tpu.memory_space<semaphore_mem>>
    %dma_wait3A_1735 = tpu.memref_squeeze %dma_wait3A_1734 : memref<1x!tpu.dma_semaphore, #tpu.memory_space<semaphore_mem>> -> memref<!tpu.dma_semaphore, #tpu.memory_space<semaphore_mem>>
    %dma_wait3A_1736 = arith.constant 0 : i32
    %dma_wait3A_1737 = tpu.memref_slice %arg5[%dma_wait3A_1727, %dma_wait3A_1736] : memref<2x512xi32, #tpu.memory_space<vmem>> -> memref<1x512xi32, #tpu.memory_space<vmem>>
    %dma_wait3A_1738 = tpu.memref_squeeze %dma_wait3A_1737 : memref<1x512xi32, #tpu.memory_space<vmem>> -> memref<512xi32, #tpu.memory_space<vmem>>
    %dma_wait3A_1739 = tpu.memref_slice %arg2[%dma_wait3A_1726, %mul3A_2] : memref<26x16384xi32, #tpu.memory_space<hbm>> -> memref<1x512xi32, #tpu.memory_space<hbm>>
    %dma_wait3A_1740 = tpu.memref_squeeze %dma_wait3A_1739 : memref<1x512xi32, #tpu.memory_space<hbm>> -> memref<512xi32, #tpu.memory_space<hbm>>
    tpu.wait_dma2 semaphore(%dma_wait3A_1735 : memref<!tpu.dma_semaphore, #tpu.memory_space<semaphore_mem>>) src(%dma_wait3A_1740 : memref<512xi32, #tpu.memory_space<hbm>>) dst(%dma_wait3A_1738 : memref<512xi32, #tpu.memory_space<vmem>>)
    %dma_start3A_1741 = arith.constant 0 : i32
    %dma_start3A_1742 = arith.constant 0 : i32
    %dma_start3A_1743 = arith.constant 0 : i32
    %dma_start3A_1744 = arith.constant 0 : i32
    %dma_start3A_1745 = arith.constant 0 : i32
    %dma_start3A_1746 = tpu.memref_slice %arg6[%dma_start3A_1742, %dma_start3A_1744, %dma_start3A_1745] : memref<2x512x64xf32, #tpu.memory_space<vmem>> -> memref<1x512x64xf32, #tpu.memory_space<vmem>>
    %dma_start3A_1747 = tpu.memref_squeeze %dma_start3A_1746 : memref<1x512x64xf32, #tpu.memory_space<vmem>> -> memref<512x64xf32, #tpu.memory_space<vmem>>
    %dma_start3A_1748 = arith.constant 0 : i32
    %dma_start3A_1749 = tpu.memref_slice %arg5[%dma_start3A_1741, %dma_start3A_1748] : memref<2x512xi32, #tpu.memory_space<vmem>> -> memref<1x512xi32, #tpu.memory_space<vmem>>
    %dma_start3A_1750 = tpu.memref_squeeze %dma_start3A_1749 : memref<1x512xi32, #tpu.memory_space<vmem>> -> memref<512xi32, #tpu.memory_space<vmem>>
    %dma_start3A_1751 = arith.constant 0 : i32
    %dma_start3A_1752 = arith.constant 0 : i32
    %dma_start3A_1753 = tpu.memref_slice %arg3[%dma_start3A_1751, %dma_start3A_1752] : memref<1000000x64xf32, #tpu.memory_space<hbm>> -> memref<1000000x64xf32, #tpu.memory_space<hbm>>
    %dma_start3A_1754 = tpu.memref_slice %arg8[%dma_start3A_1743] : memref<2x!tpu.dma_semaphore, #tpu.memory_space<semaphore_mem>> -> memref<1x!tpu.dma_semaphore, #tpu.memory_space<semaphore_mem>>
    %dma_start3A_1755 = tpu.memref_squeeze %dma_start3A_1754 : memref<1x!tpu.dma_semaphore, #tpu.memory_space<semaphore_mem>> -> memref<!tpu.dma_semaphore, #tpu.memory_space<semaphore_mem>>
    tpu.enqueue_indirect_dma source(%dma_start3A_1753 : memref<1000000x64xf32, #tpu.memory_space<hbm>>) target(%dma_start3A_1747 : memref<512x64xf32, #tpu.memory_space<vmem>>) offsets(%dma_start3A_1750 : memref<512xi32, #tpu.memory_space<vmem>>) semaphore(%dma_start3A_1755 : memref<!tpu.dma_semaphore, #tpu.memory_space<semaphore_mem>>)
    %dma_start3A_1756 = arith.constant 19 : i32
    %dma_start3A_1757 = arith.constant 1 : i32
    %dma_start3A_1758 = arith.constant 1 : i32
    %dma_start3A_1759 = arith.constant 0 : i32
    %dma_start3A_1760 = tpu.memref_slice %arg5[%dma_start3A_1757, %dma_start3A_1759] : memref<2x512xi32, #tpu.memory_space<vmem>> -> memref<1x512xi32, #tpu.memory_space<vmem>>
    %dma_start3A_1761 = tpu.memref_squeeze %dma_start3A_1760 : memref<1x512xi32, #tpu.memory_space<vmem>> -> memref<512xi32, #tpu.memory_space<vmem>>
    %dma_start3A_1762 = tpu.memref_slice %arg2[%dma_start3A_1756, %mul3A_2] : memref<26x16384xi32, #tpu.memory_space<hbm>> -> memref<1x512xi32, #tpu.memory_space<hbm>>
    %dma_start3A_1763 = tpu.memref_squeeze %dma_start3A_1762 : memref<1x512xi32, #tpu.memory_space<hbm>> -> memref<512xi32, #tpu.memory_space<hbm>>
    %dma_start3A_1764 = tpu.memref_slice %arg7[%dma_start3A_1758] : memref<2x!tpu.dma_semaphore, #tpu.memory_space<semaphore_mem>> -> memref<1x!tpu.dma_semaphore, #tpu.memory_space<semaphore_mem>>
    %dma_start3A_1765 = tpu.memref_squeeze %dma_start3A_1764 : memref<1x!tpu.dma_semaphore, #tpu.memory_space<semaphore_mem>> -> memref<!tpu.dma_semaphore, #tpu.memory_space<semaphore_mem>>
    %dma_start3A_1766 = arith.constant 0 : i32
    %dma_start3A_1767 = tpu.memref_slice %arg5[%dma_start3A_1757, %dma_start3A_1766] : memref<2x512xi32, #tpu.memory_space<vmem>> -> memref<1x512xi32, #tpu.memory_space<vmem>>
    %dma_start3A_1768 = tpu.memref_squeeze %dma_start3A_1767 : memref<1x512xi32, #tpu.memory_space<vmem>> -> memref<512xi32, #tpu.memory_space<vmem>>
    %dma_start3A_1769 = tpu.memref_slice %arg2[%dma_start3A_1756, %mul3A_2] : memref<26x16384xi32, #tpu.memory_space<hbm>> -> memref<1x512xi32, #tpu.memory_space<hbm>>
    %dma_start3A_1770 = tpu.memref_squeeze %dma_start3A_1769 : memref<1x512xi32, #tpu.memory_space<hbm>> -> memref<512xi32, #tpu.memory_space<hbm>>
    tpu.enqueue_dma source(%dma_start3A_1770 : memref<512xi32, #tpu.memory_space<hbm>>) target(%dma_start3A_1768 : memref<512xi32, #tpu.memory_space<vmem>>) target_semaphore(%dma_start3A_1765 : memref<!tpu.dma_semaphore, #tpu.memory_space<semaphore_mem>>)
    %dma_wait3A_1771 = arith.constant 0 : i32
    %dma_wait3A_1772 = arith.constant 0 : i32
    %dma_wait3A_1773 = arith.constant 0 : i32
    %dma_wait3A_1774 = arith.constant 0 : i32
    %dma_wait3A_1775 = arith.constant 0 : i32
    %dma_wait3A_1776 = tpu.memref_slice %arg6[%dma_wait3A_1772, %dma_wait3A_1774, %dma_wait3A_1775] : memref<2x512x64xf32, #tpu.memory_space<vmem>> -> memref<1x512x64xf32, #tpu.memory_space<vmem>>
    %dma_wait3A_1777 = tpu.memref_squeeze %dma_wait3A_1776 : memref<1x512x64xf32, #tpu.memory_space<vmem>> -> memref<512x64xf32, #tpu.memory_space<vmem>>
    %dma_wait3A_1778 = arith.constant 0 : i32
    %dma_wait3A_1779 = tpu.memref_slice %arg5[%dma_wait3A_1771, %dma_wait3A_1778] : memref<2x512xi32, #tpu.memory_space<vmem>> -> memref<1x512xi32, #tpu.memory_space<vmem>>
    %dma_wait3A_1780 = tpu.memref_squeeze %dma_wait3A_1779 : memref<1x512xi32, #tpu.memory_space<vmem>> -> memref<512xi32, #tpu.memory_space<vmem>>
    %dma_wait3A_1781 = arith.constant 0 : i32
    %dma_wait3A_1782 = arith.constant 0 : i32
    %dma_wait3A_1783 = tpu.memref_slice %arg3[%dma_wait3A_1781, %dma_wait3A_1782] : memref<1000000x64xf32, #tpu.memory_space<hbm>> -> memref<1000000x64xf32, #tpu.memory_space<hbm>>
    %dma_wait3A_1784 = tpu.memref_slice %arg8[%dma_wait3A_1773] : memref<2x!tpu.dma_semaphore, #tpu.memory_space<semaphore_mem>> -> memref<1x!tpu.dma_semaphore, #tpu.memory_space<semaphore_mem>>
    %dma_wait3A_1785 = tpu.memref_squeeze %dma_wait3A_1784 : memref<1x!tpu.dma_semaphore, #tpu.memory_space<semaphore_mem>> -> memref<!tpu.dma_semaphore, #tpu.memory_space<semaphore_mem>>
    tpu.wait_indirect_dma semaphore(%dma_wait3A_1785 : memref<!tpu.dma_semaphore, #tpu.memory_space<semaphore_mem>>) src(%dma_wait3A_1783 : memref<1000000x64xf32, #tpu.memory_space<hbm>>) dst(%dma_wait3A_1777 : memref<512x64xf32, #tpu.memory_space<vmem>>)
    %add3A_1786 = arith.constant 294912 : i32
    %add3A_1787 = arith.addi %add3A_1786, %mul3A_2 : i32
    %dma_start3A_1788 = arith.constant 0 : i32
    %dma_start3A_1789 = arith.constant 0 : i32
    %dma_start3A_1790 = arith.constant 0 : i32
    %dma_start3A_1791 = arith.constant 0 : i32
    %dma_start3A_1792 = tpu.memref_slice %arg6[%dma_start3A_1788, %dma_start3A_1790, %dma_start3A_1791] : memref<2x512x64xf32, #tpu.memory_space<vmem>> -> memref<1x512x64xf32, #tpu.memory_space<vmem>>
    %dma_start3A_1793 = tpu.memref_squeeze %dma_start3A_1792 : memref<1x512x64xf32, #tpu.memory_space<vmem>> -> memref<512x64xf32, #tpu.memory_space<vmem>>
    %dma_start3A_1794 = arith.constant 0 : i32
    %dma_start3A_1795 = tpu.memref_slice %arg4[%add3A_1787, %dma_start3A_1794] : memref<425984x64xf32, #tpu.memory_space<hbm>> -> memref<512x64xf32, #tpu.memory_space<hbm>>
    %dma_start3A_1796 = tpu.memref_slice %arg9[%dma_start3A_1789] : memref<2x!tpu.dma_semaphore, #tpu.memory_space<semaphore_mem>> -> memref<1x!tpu.dma_semaphore, #tpu.memory_space<semaphore_mem>>
    %dma_start3A_1797 = tpu.memref_squeeze %dma_start3A_1796 : memref<1x!tpu.dma_semaphore, #tpu.memory_space<semaphore_mem>> -> memref<!tpu.dma_semaphore, #tpu.memory_space<semaphore_mem>>
    %dma_start3A_1798 = arith.constant 0 : i32
    %dma_start3A_1799 = tpu.memref_slice %arg4[%add3A_1787, %dma_start3A_1798] : memref<425984x64xf32, #tpu.memory_space<hbm>> -> memref<512x64xf32, #tpu.memory_space<hbm>>
    %dma_start3A_1800 = arith.constant 0 : i32
    %dma_start3A_1801 = arith.constant 0 : i32
    %dma_start3A_1802 = tpu.memref_slice %arg6[%dma_start3A_1788, %dma_start3A_1800, %dma_start3A_1801] : memref<2x512x64xf32, #tpu.memory_space<vmem>> -> memref<1x512x64xf32, #tpu.memory_space<vmem>>
    %dma_start3A_1803 = tpu.memref_squeeze %dma_start3A_1802 : memref<1x512x64xf32, #tpu.memory_space<vmem>> -> memref<512x64xf32, #tpu.memory_space<vmem>>
    tpu.enqueue_dma source(%dma_start3A_1803 : memref<512x64xf32, #tpu.memory_space<vmem>>) target(%dma_start3A_1799 : memref<512x64xf32, #tpu.memory_space<hbm>>) target_semaphore(%dma_start3A_1797 : memref<!tpu.dma_semaphore, #tpu.memory_space<semaphore_mem>>)
    %add3A_1804 = arith.constant 278528 : i32
    %add3A_1805 = arith.addi %add3A_1804, %mul3A_2 : i32
    %dma_wait3A_1806 = arith.constant 1 : i32
    %dma_wait3A_1807 = arith.constant 1 : i32
    %dma_wait3A_1808 = arith.constant 0 : i32
    %dma_wait3A_1809 = arith.constant 0 : i32
    %dma_wait3A_1810 = tpu.memref_slice %arg6[%dma_wait3A_1806, %dma_wait3A_1808, %dma_wait3A_1809] : memref<2x512x64xf32, #tpu.memory_space<vmem>> -> memref<1x512x64xf32, #tpu.memory_space<vmem>>
    %dma_wait3A_1811 = tpu.memref_squeeze %dma_wait3A_1810 : memref<1x512x64xf32, #tpu.memory_space<vmem>> -> memref<512x64xf32, #tpu.memory_space<vmem>>
    %dma_wait3A_1812 = arith.constant 0 : i32
    %dma_wait3A_1813 = tpu.memref_slice %arg4[%add3A_1805, %dma_wait3A_1812] : memref<425984x64xf32, #tpu.memory_space<hbm>> -> memref<512x64xf32, #tpu.memory_space<hbm>>
    %dma_wait3A_1814 = tpu.memref_slice %arg9[%dma_wait3A_1807] : memref<2x!tpu.dma_semaphore, #tpu.memory_space<semaphore_mem>> -> memref<1x!tpu.dma_semaphore, #tpu.memory_space<semaphore_mem>>
    %dma_wait3A_1815 = tpu.memref_squeeze %dma_wait3A_1814 : memref<1x!tpu.dma_semaphore, #tpu.memory_space<semaphore_mem>> -> memref<!tpu.dma_semaphore, #tpu.memory_space<semaphore_mem>>
    %dma_wait3A_1816 = arith.constant 0 : i32
    %dma_wait3A_1817 = tpu.memref_slice %arg4[%add3A_1805, %dma_wait3A_1816] : memref<425984x64xf32, #tpu.memory_space<hbm>> -> memref<512x64xf32, #tpu.memory_space<hbm>>
    %dma_wait3A_1818 = arith.constant 0 : i32
    %dma_wait3A_1819 = arith.constant 0 : i32
    %dma_wait3A_1820 = tpu.memref_slice %arg6[%dma_wait3A_1806, %dma_wait3A_1818, %dma_wait3A_1819] : memref<2x512x64xf32, #tpu.memory_space<vmem>> -> memref<1x512x64xf32, #tpu.memory_space<vmem>>
    %dma_wait3A_1821 = tpu.memref_squeeze %dma_wait3A_1820 : memref<1x512x64xf32, #tpu.memory_space<vmem>> -> memref<512x64xf32, #tpu.memory_space<vmem>>
    tpu.wait_dma2 semaphore(%dma_wait3A_1815 : memref<!tpu.dma_semaphore, #tpu.memory_space<semaphore_mem>>) src(%dma_wait3A_1821 : memref<512x64xf32, #tpu.memory_space<vmem>>) dst(%dma_wait3A_1817 : memref<512x64xf32, #tpu.memory_space<hbm>>)
    %dma_wait3A_1822 = arith.constant 19 : i32
    %dma_wait3A_1823 = arith.constant 1 : i32
    %dma_wait3A_1824 = arith.constant 1 : i32
    %dma_wait3A_1825 = arith.constant 0 : i32
    %dma_wait3A_1826 = tpu.memref_slice %arg5[%dma_wait3A_1823, %dma_wait3A_1825] : memref<2x512xi32, #tpu.memory_space<vmem>> -> memref<1x512xi32, #tpu.memory_space<vmem>>
    %dma_wait3A_1827 = tpu.memref_squeeze %dma_wait3A_1826 : memref<1x512xi32, #tpu.memory_space<vmem>> -> memref<512xi32, #tpu.memory_space<vmem>>
    %dma_wait3A_1828 = tpu.memref_slice %arg2[%dma_wait3A_1822, %mul3A_2] : memref<26x16384xi32, #tpu.memory_space<hbm>> -> memref<1x512xi32, #tpu.memory_space<hbm>>
    %dma_wait3A_1829 = tpu.memref_squeeze %dma_wait3A_1828 : memref<1x512xi32, #tpu.memory_space<hbm>> -> memref<512xi32, #tpu.memory_space<hbm>>
    %dma_wait3A_1830 = tpu.memref_slice %arg7[%dma_wait3A_1824] : memref<2x!tpu.dma_semaphore, #tpu.memory_space<semaphore_mem>> -> memref<1x!tpu.dma_semaphore, #tpu.memory_space<semaphore_mem>>
    %dma_wait3A_1831 = tpu.memref_squeeze %dma_wait3A_1830 : memref<1x!tpu.dma_semaphore, #tpu.memory_space<semaphore_mem>> -> memref<!tpu.dma_semaphore, #tpu.memory_space<semaphore_mem>>
    %dma_wait3A_1832 = arith.constant 0 : i32
    %dma_wait3A_1833 = tpu.memref_slice %arg5[%dma_wait3A_1823, %dma_wait3A_1832] : memref<2x512xi32, #tpu.memory_space<vmem>> -> memref<1x512xi32, #tpu.memory_space<vmem>>
    %dma_wait3A_1834 = tpu.memref_squeeze %dma_wait3A_1833 : memref<1x512xi32, #tpu.memory_space<vmem>> -> memref<512xi32, #tpu.memory_space<vmem>>
    %dma_wait3A_1835 = tpu.memref_slice %arg2[%dma_wait3A_1822, %mul3A_2] : memref<26x16384xi32, #tpu.memory_space<hbm>> -> memref<1x512xi32, #tpu.memory_space<hbm>>
    %dma_wait3A_1836 = tpu.memref_squeeze %dma_wait3A_1835 : memref<1x512xi32, #tpu.memory_space<hbm>> -> memref<512xi32, #tpu.memory_space<hbm>>
    tpu.wait_dma2 semaphore(%dma_wait3A_1831 : memref<!tpu.dma_semaphore, #tpu.memory_space<semaphore_mem>>) src(%dma_wait3A_1836 : memref<512xi32, #tpu.memory_space<hbm>>) dst(%dma_wait3A_1834 : memref<512xi32, #tpu.memory_space<vmem>>)
    %dma_start3A_1837 = arith.constant 1 : i32
    %dma_start3A_1838 = arith.constant 1 : i32
    %dma_start3A_1839 = arith.constant 1 : i32
    %dma_start3A_1840 = arith.constant 0 : i32
    %dma_start3A_1841 = arith.constant 0 : i32
    %dma_start3A_1842 = tpu.memref_slice %arg6[%dma_start3A_1838, %dma_start3A_1840, %dma_start3A_1841] : memref<2x512x64xf32, #tpu.memory_space<vmem>> -> memref<1x512x64xf32, #tpu.memory_space<vmem>>
    %dma_start3A_1843 = tpu.memref_squeeze %dma_start3A_1842 : memref<1x512x64xf32, #tpu.memory_space<vmem>> -> memref<512x64xf32, #tpu.memory_space<vmem>>
    %dma_start3A_1844 = arith.constant 0 : i32
    %dma_start3A_1845 = tpu.memref_slice %arg5[%dma_start3A_1837, %dma_start3A_1844] : memref<2x512xi32, #tpu.memory_space<vmem>> -> memref<1x512xi32, #tpu.memory_space<vmem>>
    %dma_start3A_1846 = tpu.memref_squeeze %dma_start3A_1845 : memref<1x512xi32, #tpu.memory_space<vmem>> -> memref<512xi32, #tpu.memory_space<vmem>>
    %dma_start3A_1847 = arith.constant 0 : i32
    %dma_start3A_1848 = arith.constant 0 : i32
    %dma_start3A_1849 = tpu.memref_slice %arg3[%dma_start3A_1847, %dma_start3A_1848] : memref<1000000x64xf32, #tpu.memory_space<hbm>> -> memref<1000000x64xf32, #tpu.memory_space<hbm>>
    %dma_start3A_1850 = tpu.memref_slice %arg8[%dma_start3A_1839] : memref<2x!tpu.dma_semaphore, #tpu.memory_space<semaphore_mem>> -> memref<1x!tpu.dma_semaphore, #tpu.memory_space<semaphore_mem>>
    %dma_start3A_1851 = tpu.memref_squeeze %dma_start3A_1850 : memref<1x!tpu.dma_semaphore, #tpu.memory_space<semaphore_mem>> -> memref<!tpu.dma_semaphore, #tpu.memory_space<semaphore_mem>>
    tpu.enqueue_indirect_dma source(%dma_start3A_1849 : memref<1000000x64xf32, #tpu.memory_space<hbm>>) target(%dma_start3A_1843 : memref<512x64xf32, #tpu.memory_space<vmem>>) offsets(%dma_start3A_1846 : memref<512xi32, #tpu.memory_space<vmem>>) semaphore(%dma_start3A_1851 : memref<!tpu.dma_semaphore, #tpu.memory_space<semaphore_mem>>)
    %dma_start3A_1852 = arith.constant 20 : i32
    %dma_start3A_1853 = arith.constant 0 : i32
    %dma_start3A_1854 = arith.constant 0 : i32
    %dma_start3A_1855 = arith.constant 0 : i32
    %dma_start3A_1856 = tpu.memref_slice %arg5[%dma_start3A_1853, %dma_start3A_1855] : memref<2x512xi32, #tpu.memory_space<vmem>> -> memref<1x512xi32, #tpu.memory_space<vmem>>
    %dma_start3A_1857 = tpu.memref_squeeze %dma_start3A_1856 : memref<1x512xi32, #tpu.memory_space<vmem>> -> memref<512xi32, #tpu.memory_space<vmem>>
    %dma_start3A_1858 = tpu.memref_slice %arg2[%dma_start3A_1852, %mul3A_2] : memref<26x16384xi32, #tpu.memory_space<hbm>> -> memref<1x512xi32, #tpu.memory_space<hbm>>
    %dma_start3A_1859 = tpu.memref_squeeze %dma_start3A_1858 : memref<1x512xi32, #tpu.memory_space<hbm>> -> memref<512xi32, #tpu.memory_space<hbm>>
    %dma_start3A_1860 = tpu.memref_slice %arg7[%dma_start3A_1854] : memref<2x!tpu.dma_semaphore, #tpu.memory_space<semaphore_mem>> -> memref<1x!tpu.dma_semaphore, #tpu.memory_space<semaphore_mem>>
    %dma_start3A_1861 = tpu.memref_squeeze %dma_start3A_1860 : memref<1x!tpu.dma_semaphore, #tpu.memory_space<semaphore_mem>> -> memref<!tpu.dma_semaphore, #tpu.memory_space<semaphore_mem>>
    %dma_start3A_1862 = arith.constant 0 : i32
    %dma_start3A_1863 = tpu.memref_slice %arg5[%dma_start3A_1853, %dma_start3A_1862] : memref<2x512xi32, #tpu.memory_space<vmem>> -> memref<1x512xi32, #tpu.memory_space<vmem>>
    %dma_start3A_1864 = tpu.memref_squeeze %dma_start3A_1863 : memref<1x512xi32, #tpu.memory_space<vmem>> -> memref<512xi32, #tpu.memory_space<vmem>>
    %dma_start3A_1865 = tpu.memref_slice %arg2[%dma_start3A_1852, %mul3A_2] : memref<26x16384xi32, #tpu.memory_space<hbm>> -> memref<1x512xi32, #tpu.memory_space<hbm>>
    %dma_start3A_1866 = tpu.memref_squeeze %dma_start3A_1865 : memref<1x512xi32, #tpu.memory_space<hbm>> -> memref<512xi32, #tpu.memory_space<hbm>>
    tpu.enqueue_dma source(%dma_start3A_1866 : memref<512xi32, #tpu.memory_space<hbm>>) target(%dma_start3A_1864 : memref<512xi32, #tpu.memory_space<vmem>>) target_semaphore(%dma_start3A_1861 : memref<!tpu.dma_semaphore, #tpu.memory_space<semaphore_mem>>)
    %dma_wait3A_1867 = arith.constant 1 : i32
    %dma_wait3A_1868 = arith.constant 1 : i32
    %dma_wait3A_1869 = arith.constant 1 : i32
    %dma_wait3A_1870 = arith.constant 0 : i32
    %dma_wait3A_1871 = arith.constant 0 : i32
    %dma_wait3A_1872 = tpu.memref_slice %arg6[%dma_wait3A_1868, %dma_wait3A_1870, %dma_wait3A_1871] : memref<2x512x64xf32, #tpu.memory_space<vmem>> -> memref<1x512x64xf32, #tpu.memory_space<vmem>>
    %dma_wait3A_1873 = tpu.memref_squeeze %dma_wait3A_1872 : memref<1x512x64xf32, #tpu.memory_space<vmem>> -> memref<512x64xf32, #tpu.memory_space<vmem>>
    %dma_wait3A_1874 = arith.constant 0 : i32
    %dma_wait3A_1875 = tpu.memref_slice %arg5[%dma_wait3A_1867, %dma_wait3A_1874] : memref<2x512xi32, #tpu.memory_space<vmem>> -> memref<1x512xi32, #tpu.memory_space<vmem>>
    %dma_wait3A_1876 = tpu.memref_squeeze %dma_wait3A_1875 : memref<1x512xi32, #tpu.memory_space<vmem>> -> memref<512xi32, #tpu.memory_space<vmem>>
    %dma_wait3A_1877 = arith.constant 0 : i32
    %dma_wait3A_1878 = arith.constant 0 : i32
    %dma_wait3A_1879 = tpu.memref_slice %arg3[%dma_wait3A_1877, %dma_wait3A_1878] : memref<1000000x64xf32, #tpu.memory_space<hbm>> -> memref<1000000x64xf32, #tpu.memory_space<hbm>>
    %dma_wait3A_1880 = tpu.memref_slice %arg8[%dma_wait3A_1869] : memref<2x!tpu.dma_semaphore, #tpu.memory_space<semaphore_mem>> -> memref<1x!tpu.dma_semaphore, #tpu.memory_space<semaphore_mem>>
    %dma_wait3A_1881 = tpu.memref_squeeze %dma_wait3A_1880 : memref<1x!tpu.dma_semaphore, #tpu.memory_space<semaphore_mem>> -> memref<!tpu.dma_semaphore, #tpu.memory_space<semaphore_mem>>
    tpu.wait_indirect_dma semaphore(%dma_wait3A_1881 : memref<!tpu.dma_semaphore, #tpu.memory_space<semaphore_mem>>) src(%dma_wait3A_1879 : memref<1000000x64xf32, #tpu.memory_space<hbm>>) dst(%dma_wait3A_1873 : memref<512x64xf32, #tpu.memory_space<vmem>>)
    %add3A_1882 = arith.constant 311296 : i32
    %add3A_1883 = arith.addi %add3A_1882, %mul3A_2 : i32
    %dma_start3A_1884 = arith.constant 1 : i32
    %dma_start3A_1885 = arith.constant 1 : i32
    %dma_start3A_1886 = arith.constant 0 : i32
    %dma_start3A_1887 = arith.constant 0 : i32
    %dma_start3A_1888 = tpu.memref_slice %arg6[%dma_start3A_1884, %dma_start3A_1886, %dma_start3A_1887] : memref<2x512x64xf32, #tpu.memory_space<vmem>> -> memref<1x512x64xf32, #tpu.memory_space<vmem>>
    %dma_start3A_1889 = tpu.memref_squeeze %dma_start3A_1888 : memref<1x512x64xf32, #tpu.memory_space<vmem>> -> memref<512x64xf32, #tpu.memory_space<vmem>>
    %dma_start3A_1890 = arith.constant 0 : i32
    %dma_start3A_1891 = tpu.memref_slice %arg4[%add3A_1883, %dma_start3A_1890] : memref<425984x64xf32, #tpu.memory_space<hbm>> -> memref<512x64xf32, #tpu.memory_space<hbm>>
    %dma_start3A_1892 = tpu.memref_slice %arg9[%dma_start3A_1885] : memref<2x!tpu.dma_semaphore, #tpu.memory_space<semaphore_mem>> -> memref<1x!tpu.dma_semaphore, #tpu.memory_space<semaphore_mem>>
    %dma_start3A_1893 = tpu.memref_squeeze %dma_start3A_1892 : memref<1x!tpu.dma_semaphore, #tpu.memory_space<semaphore_mem>> -> memref<!tpu.dma_semaphore, #tpu.memory_space<semaphore_mem>>
    %dma_start3A_1894 = arith.constant 0 : i32
    %dma_start3A_1895 = tpu.memref_slice %arg4[%add3A_1883, %dma_start3A_1894] : memref<425984x64xf32, #tpu.memory_space<hbm>> -> memref<512x64xf32, #tpu.memory_space<hbm>>
    %dma_start3A_1896 = arith.constant 0 : i32
    %dma_start3A_1897 = arith.constant 0 : i32
    %dma_start3A_1898 = tpu.memref_slice %arg6[%dma_start3A_1884, %dma_start3A_1896, %dma_start3A_1897] : memref<2x512x64xf32, #tpu.memory_space<vmem>> -> memref<1x512x64xf32, #tpu.memory_space<vmem>>
    %dma_start3A_1899 = tpu.memref_squeeze %dma_start3A_1898 : memref<1x512x64xf32, #tpu.memory_space<vmem>> -> memref<512x64xf32, #tpu.memory_space<vmem>>
    tpu.enqueue_dma source(%dma_start3A_1899 : memref<512x64xf32, #tpu.memory_space<vmem>>) target(%dma_start3A_1895 : memref<512x64xf32, #tpu.memory_space<hbm>>) target_semaphore(%dma_start3A_1893 : memref<!tpu.dma_semaphore, #tpu.memory_space<semaphore_mem>>)
    %add3A_1900 = arith.constant 294912 : i32
    %add3A_1901 = arith.addi %add3A_1900, %mul3A_2 : i32
    %dma_wait3A_1902 = arith.constant 0 : i32
    %dma_wait3A_1903 = arith.constant 0 : i32
    %dma_wait3A_1904 = arith.constant 0 : i32
    %dma_wait3A_1905 = arith.constant 0 : i32
    %dma_wait3A_1906 = tpu.memref_slice %arg6[%dma_wait3A_1902, %dma_wait3A_1904, %dma_wait3A_1905] : memref<2x512x64xf32, #tpu.memory_space<vmem>> -> memref<1x512x64xf32, #tpu.memory_space<vmem>>
    %dma_wait3A_1907 = tpu.memref_squeeze %dma_wait3A_1906 : memref<1x512x64xf32, #tpu.memory_space<vmem>> -> memref<512x64xf32, #tpu.memory_space<vmem>>
    %dma_wait3A_1908 = arith.constant 0 : i32
    %dma_wait3A_1909 = tpu.memref_slice %arg4[%add3A_1901, %dma_wait3A_1908] : memref<425984x64xf32, #tpu.memory_space<hbm>> -> memref<512x64xf32, #tpu.memory_space<hbm>>
    %dma_wait3A_1910 = tpu.memref_slice %arg9[%dma_wait3A_1903] : memref<2x!tpu.dma_semaphore, #tpu.memory_space<semaphore_mem>> -> memref<1x!tpu.dma_semaphore, #tpu.memory_space<semaphore_mem>>
    %dma_wait3A_1911 = tpu.memref_squeeze %dma_wait3A_1910 : memref<1x!tpu.dma_semaphore, #tpu.memory_space<semaphore_mem>> -> memref<!tpu.dma_semaphore, #tpu.memory_space<semaphore_mem>>
    %dma_wait3A_1912 = arith.constant 0 : i32
    %dma_wait3A_1913 = tpu.memref_slice %arg4[%add3A_1901, %dma_wait3A_1912] : memref<425984x64xf32, #tpu.memory_space<hbm>> -> memref<512x64xf32, #tpu.memory_space<hbm>>
    %dma_wait3A_1914 = arith.constant 0 : i32
    %dma_wait3A_1915 = arith.constant 0 : i32
    %dma_wait3A_1916 = tpu.memref_slice %arg6[%dma_wait3A_1902, %dma_wait3A_1914, %dma_wait3A_1915] : memref<2x512x64xf32, #tpu.memory_space<vmem>> -> memref<1x512x64xf32, #tpu.memory_space<vmem>>
    %dma_wait3A_1917 = tpu.memref_squeeze %dma_wait3A_1916 : memref<1x512x64xf32, #tpu.memory_space<vmem>> -> memref<512x64xf32, #tpu.memory_space<vmem>>
    tpu.wait_dma2 semaphore(%dma_wait3A_1911 : memref<!tpu.dma_semaphore, #tpu.memory_space<semaphore_mem>>) src(%dma_wait3A_1917 : memref<512x64xf32, #tpu.memory_space<vmem>>) dst(%dma_wait3A_1913 : memref<512x64xf32, #tpu.memory_space<hbm>>)
    %dma_wait3A_1918 = arith.constant 20 : i32
    %dma_wait3A_1919 = arith.constant 0 : i32
    %dma_wait3A_1920 = arith.constant 0 : i32
    %dma_wait3A_1921 = arith.constant 0 : i32
    %dma_wait3A_1922 = tpu.memref_slice %arg5[%dma_wait3A_1919, %dma_wait3A_1921] : memref<2x512xi32, #tpu.memory_space<vmem>> -> memref<1x512xi32, #tpu.memory_space<vmem>>
    %dma_wait3A_1923 = tpu.memref_squeeze %dma_wait3A_1922 : memref<1x512xi32, #tpu.memory_space<vmem>> -> memref<512xi32, #tpu.memory_space<vmem>>
    %dma_wait3A_1924 = tpu.memref_slice %arg2[%dma_wait3A_1918, %mul3A_2] : memref<26x16384xi32, #tpu.memory_space<hbm>> -> memref<1x512xi32, #tpu.memory_space<hbm>>
    %dma_wait3A_1925 = tpu.memref_squeeze %dma_wait3A_1924 : memref<1x512xi32, #tpu.memory_space<hbm>> -> memref<512xi32, #tpu.memory_space<hbm>>
    %dma_wait3A_1926 = tpu.memref_slice %arg7[%dma_wait3A_1920] : memref<2x!tpu.dma_semaphore, #tpu.memory_space<semaphore_mem>> -> memref<1x!tpu.dma_semaphore, #tpu.memory_space<semaphore_mem>>
    %dma_wait3A_1927 = tpu.memref_squeeze %dma_wait3A_1926 : memref<1x!tpu.dma_semaphore, #tpu.memory_space<semaphore_mem>> -> memref<!tpu.dma_semaphore, #tpu.memory_space<semaphore_mem>>
    %dma_wait3A_1928 = arith.constant 0 : i32
    %dma_wait3A_1929 = tpu.memref_slice %arg5[%dma_wait3A_1919, %dma_wait3A_1928] : memref<2x512xi32, #tpu.memory_space<vmem>> -> memref<1x512xi32, #tpu.memory_space<vmem>>
    %dma_wait3A_1930 = tpu.memref_squeeze %dma_wait3A_1929 : memref<1x512xi32, #tpu.memory_space<vmem>> -> memref<512xi32, #tpu.memory_space<vmem>>
    %dma_wait3A_1931 = tpu.memref_slice %arg2[%dma_wait3A_1918, %mul3A_2] : memref<26x16384xi32, #tpu.memory_space<hbm>> -> memref<1x512xi32, #tpu.memory_space<hbm>>
    %dma_wait3A_1932 = tpu.memref_squeeze %dma_wait3A_1931 : memref<1x512xi32, #tpu.memory_space<hbm>> -> memref<512xi32, #tpu.memory_space<hbm>>
    tpu.wait_dma2 semaphore(%dma_wait3A_1927 : memref<!tpu.dma_semaphore, #tpu.memory_space<semaphore_mem>>) src(%dma_wait3A_1932 : memref<512xi32, #tpu.memory_space<hbm>>) dst(%dma_wait3A_1930 : memref<512xi32, #tpu.memory_space<vmem>>)
    %dma_start3A_1933 = arith.constant 0 : i32
    %dma_start3A_1934 = arith.constant 0 : i32
    %dma_start3A_1935 = arith.constant 0 : i32
    %dma_start3A_1936 = arith.constant 0 : i32
    %dma_start3A_1937 = arith.constant 0 : i32
    %dma_start3A_1938 = tpu.memref_slice %arg6[%dma_start3A_1934, %dma_start3A_1936, %dma_start3A_1937] : memref<2x512x64xf32, #tpu.memory_space<vmem>> -> memref<1x512x64xf32, #tpu.memory_space<vmem>>
    %dma_start3A_1939 = tpu.memref_squeeze %dma_start3A_1938 : memref<1x512x64xf32, #tpu.memory_space<vmem>> -> memref<512x64xf32, #tpu.memory_space<vmem>>
    %dma_start3A_1940 = arith.constant 0 : i32
    %dma_start3A_1941 = tpu.memref_slice %arg5[%dma_start3A_1933, %dma_start3A_1940] : memref<2x512xi32, #tpu.memory_space<vmem>> -> memref<1x512xi32, #tpu.memory_space<vmem>>
    %dma_start3A_1942 = tpu.memref_squeeze %dma_start3A_1941 : memref<1x512xi32, #tpu.memory_space<vmem>> -> memref<512xi32, #tpu.memory_space<vmem>>
    %dma_start3A_1943 = arith.constant 0 : i32
    %dma_start3A_1944 = arith.constant 0 : i32
    %dma_start3A_1945 = tpu.memref_slice %arg3[%dma_start3A_1943, %dma_start3A_1944] : memref<1000000x64xf32, #tpu.memory_space<hbm>> -> memref<1000000x64xf32, #tpu.memory_space<hbm>>
    %dma_start3A_1946 = tpu.memref_slice %arg8[%dma_start3A_1935] : memref<2x!tpu.dma_semaphore, #tpu.memory_space<semaphore_mem>> -> memref<1x!tpu.dma_semaphore, #tpu.memory_space<semaphore_mem>>
    %dma_start3A_1947 = tpu.memref_squeeze %dma_start3A_1946 : memref<1x!tpu.dma_semaphore, #tpu.memory_space<semaphore_mem>> -> memref<!tpu.dma_semaphore, #tpu.memory_space<semaphore_mem>>
    tpu.enqueue_indirect_dma source(%dma_start3A_1945 : memref<1000000x64xf32, #tpu.memory_space<hbm>>) target(%dma_start3A_1939 : memref<512x64xf32, #tpu.memory_space<vmem>>) offsets(%dma_start3A_1942 : memref<512xi32, #tpu.memory_space<vmem>>) semaphore(%dma_start3A_1947 : memref<!tpu.dma_semaphore, #tpu.memory_space<semaphore_mem>>)
    %dma_start3A_1948 = arith.constant 21 : i32
    %dma_start3A_1949 = arith.constant 1 : i32
    %dma_start3A_1950 = arith.constant 1 : i32
    %dma_start3A_1951 = arith.constant 0 : i32
    %dma_start3A_1952 = tpu.memref_slice %arg5[%dma_start3A_1949, %dma_start3A_1951] : memref<2x512xi32, #tpu.memory_space<vmem>> -> memref<1x512xi32, #tpu.memory_space<vmem>>
    %dma_start3A_1953 = tpu.memref_squeeze %dma_start3A_1952 : memref<1x512xi32, #tpu.memory_space<vmem>> -> memref<512xi32, #tpu.memory_space<vmem>>
    %dma_start3A_1954 = tpu.memref_slice %arg2[%dma_start3A_1948, %mul3A_2] : memref<26x16384xi32, #tpu.memory_space<hbm>> -> memref<1x512xi32, #tpu.memory_space<hbm>>
    %dma_start3A_1955 = tpu.memref_squeeze %dma_start3A_1954 : memref<1x512xi32, #tpu.memory_space<hbm>> -> memref<512xi32, #tpu.memory_space<hbm>>
    %dma_start3A_1956 = tpu.memref_slice %arg7[%dma_start3A_1950] : memref<2x!tpu.dma_semaphore, #tpu.memory_space<semaphore_mem>> -> memref<1x!tpu.dma_semaphore, #tpu.memory_space<semaphore_mem>>
    %dma_start3A_1957 = tpu.memref_squeeze %dma_start3A_1956 : memref<1x!tpu.dma_semaphore, #tpu.memory_space<semaphore_mem>> -> memref<!tpu.dma_semaphore, #tpu.memory_space<semaphore_mem>>
    %dma_start3A_1958 = arith.constant 0 : i32
    %dma_start3A_1959 = tpu.memref_slice %arg5[%dma_start3A_1949, %dma_start3A_1958] : memref<2x512xi32, #tpu.memory_space<vmem>> -> memref<1x512xi32, #tpu.memory_space<vmem>>
    %dma_start3A_1960 = tpu.memref_squeeze %dma_start3A_1959 : memref<1x512xi32, #tpu.memory_space<vmem>> -> memref<512xi32, #tpu.memory_space<vmem>>
    %dma_start3A_1961 = tpu.memref_slice %arg2[%dma_start3A_1948, %mul3A_2] : memref<26x16384xi32, #tpu.memory_space<hbm>> -> memref<1x512xi32, #tpu.memory_space<hbm>>
    %dma_start3A_1962 = tpu.memref_squeeze %dma_start3A_1961 : memref<1x512xi32, #tpu.memory_space<hbm>> -> memref<512xi32, #tpu.memory_space<hbm>>
    tpu.enqueue_dma source(%dma_start3A_1962 : memref<512xi32, #tpu.memory_space<hbm>>) target(%dma_start3A_1960 : memref<512xi32, #tpu.memory_space<vmem>>) target_semaphore(%dma_start3A_1957 : memref<!tpu.dma_semaphore, #tpu.memory_space<semaphore_mem>>)
    %dma_wait3A_1963 = arith.constant 0 : i32
    %dma_wait3A_1964 = arith.constant 0 : i32
    %dma_wait3A_1965 = arith.constant 0 : i32
    %dma_wait3A_1966 = arith.constant 0 : i32
    %dma_wait3A_1967 = arith.constant 0 : i32
    %dma_wait3A_1968 = tpu.memref_slice %arg6[%dma_wait3A_1964, %dma_wait3A_1966, %dma_wait3A_1967] : memref<2x512x64xf32, #tpu.memory_space<vmem>> -> memref<1x512x64xf32, #tpu.memory_space<vmem>>
    %dma_wait3A_1969 = tpu.memref_squeeze %dma_wait3A_1968 : memref<1x512x64xf32, #tpu.memory_space<vmem>> -> memref<512x64xf32, #tpu.memory_space<vmem>>
    %dma_wait3A_1970 = arith.constant 0 : i32
    %dma_wait3A_1971 = tpu.memref_slice %arg5[%dma_wait3A_1963, %dma_wait3A_1970] : memref<2x512xi32, #tpu.memory_space<vmem>> -> memref<1x512xi32, #tpu.memory_space<vmem>>
    %dma_wait3A_1972 = tpu.memref_squeeze %dma_wait3A_1971 : memref<1x512xi32, #tpu.memory_space<vmem>> -> memref<512xi32, #tpu.memory_space<vmem>>
    %dma_wait3A_1973 = arith.constant 0 : i32
    %dma_wait3A_1974 = arith.constant 0 : i32
    %dma_wait3A_1975 = tpu.memref_slice %arg3[%dma_wait3A_1973, %dma_wait3A_1974] : memref<1000000x64xf32, #tpu.memory_space<hbm>> -> memref<1000000x64xf32, #tpu.memory_space<hbm>>
    %dma_wait3A_1976 = tpu.memref_slice %arg8[%dma_wait3A_1965] : memref<2x!tpu.dma_semaphore, #tpu.memory_space<semaphore_mem>> -> memref<1x!tpu.dma_semaphore, #tpu.memory_space<semaphore_mem>>
    %dma_wait3A_1977 = tpu.memref_squeeze %dma_wait3A_1976 : memref<1x!tpu.dma_semaphore, #tpu.memory_space<semaphore_mem>> -> memref<!tpu.dma_semaphore, #tpu.memory_space<semaphore_mem>>
    tpu.wait_indirect_dma semaphore(%dma_wait3A_1977 : memref<!tpu.dma_semaphore, #tpu.memory_space<semaphore_mem>>) src(%dma_wait3A_1975 : memref<1000000x64xf32, #tpu.memory_space<hbm>>) dst(%dma_wait3A_1969 : memref<512x64xf32, #tpu.memory_space<vmem>>)
    %add3A_1978 = arith.constant 327680 : i32
    %add3A_1979 = arith.addi %add3A_1978, %mul3A_2 : i32
    %dma_start3A_1980 = arith.constant 0 : i32
    %dma_start3A_1981 = arith.constant 0 : i32
    %dma_start3A_1982 = arith.constant 0 : i32
    %dma_start3A_1983 = arith.constant 0 : i32
    %dma_start3A_1984 = tpu.memref_slice %arg6[%dma_start3A_1980, %dma_start3A_1982, %dma_start3A_1983] : memref<2x512x64xf32, #tpu.memory_space<vmem>> -> memref<1x512x64xf32, #tpu.memory_space<vmem>>
    %dma_start3A_1985 = tpu.memref_squeeze %dma_start3A_1984 : memref<1x512x64xf32, #tpu.memory_space<vmem>> -> memref<512x64xf32, #tpu.memory_space<vmem>>
    %dma_start3A_1986 = arith.constant 0 : i32
    %dma_start3A_1987 = tpu.memref_slice %arg4[%add3A_1979, %dma_start3A_1986] : memref<425984x64xf32, #tpu.memory_space<hbm>> -> memref<512x64xf32, #tpu.memory_space<hbm>>
    %dma_start3A_1988 = tpu.memref_slice %arg9[%dma_start3A_1981] : memref<2x!tpu.dma_semaphore, #tpu.memory_space<semaphore_mem>> -> memref<1x!tpu.dma_semaphore, #tpu.memory_space<semaphore_mem>>
    %dma_start3A_1989 = tpu.memref_squeeze %dma_start3A_1988 : memref<1x!tpu.dma_semaphore, #tpu.memory_space<semaphore_mem>> -> memref<!tpu.dma_semaphore, #tpu.memory_space<semaphore_mem>>
    %dma_start3A_1990 = arith.constant 0 : i32
    %dma_start3A_1991 = tpu.memref_slice %arg4[%add3A_1979, %dma_start3A_1990] : memref<425984x64xf32, #tpu.memory_space<hbm>> -> memref<512x64xf32, #tpu.memory_space<hbm>>
    %dma_start3A_1992 = arith.constant 0 : i32
    %dma_start3A_1993 = arith.constant 0 : i32
    %dma_start3A_1994 = tpu.memref_slice %arg6[%dma_start3A_1980, %dma_start3A_1992, %dma_start3A_1993] : memref<2x512x64xf32, #tpu.memory_space<vmem>> -> memref<1x512x64xf32, #tpu.memory_space<vmem>>
    %dma_start3A_1995 = tpu.memref_squeeze %dma_start3A_1994 : memref<1x512x64xf32, #tpu.memory_space<vmem>> -> memref<512x64xf32, #tpu.memory_space<vmem>>
    tpu.enqueue_dma source(%dma_start3A_1995 : memref<512x64xf32, #tpu.memory_space<vmem>>) target(%dma_start3A_1991 : memref<512x64xf32, #tpu.memory_space<hbm>>) target_semaphore(%dma_start3A_1989 : memref<!tpu.dma_semaphore, #tpu.memory_space<semaphore_mem>>)
    %add3A_1996 = arith.constant 311296 : i32
    %add3A_1997 = arith.addi %add3A_1996, %mul3A_2 : i32
    %dma_wait3A_1998 = arith.constant 1 : i32
    %dma_wait3A_1999 = arith.constant 1 : i32
    %dma_wait3A_2000 = arith.constant 0 : i32
    %dma_wait3A_2001 = arith.constant 0 : i32
    %dma_wait3A_2002 = tpu.memref_slice %arg6[%dma_wait3A_1998, %dma_wait3A_2000, %dma_wait3A_2001] : memref<2x512x64xf32, #tpu.memory_space<vmem>> -> memref<1x512x64xf32, #tpu.memory_space<vmem>>
    %dma_wait3A_2003 = tpu.memref_squeeze %dma_wait3A_2002 : memref<1x512x64xf32, #tpu.memory_space<vmem>> -> memref<512x64xf32, #tpu.memory_space<vmem>>
    %dma_wait3A_2004 = arith.constant 0 : i32
    %dma_wait3A_2005 = tpu.memref_slice %arg4[%add3A_1997, %dma_wait3A_2004] : memref<425984x64xf32, #tpu.memory_space<hbm>> -> memref<512x64xf32, #tpu.memory_space<hbm>>
    %dma_wait3A_2006 = tpu.memref_slice %arg9[%dma_wait3A_1999] : memref<2x!tpu.dma_semaphore, #tpu.memory_space<semaphore_mem>> -> memref<1x!tpu.dma_semaphore, #tpu.memory_space<semaphore_mem>>
    %dma_wait3A_2007 = tpu.memref_squeeze %dma_wait3A_2006 : memref<1x!tpu.dma_semaphore, #tpu.memory_space<semaphore_mem>> -> memref<!tpu.dma_semaphore, #tpu.memory_space<semaphore_mem>>
    %dma_wait3A_2008 = arith.constant 0 : i32
    %dma_wait3A_2009 = tpu.memref_slice %arg4[%add3A_1997, %dma_wait3A_2008] : memref<425984x64xf32, #tpu.memory_space<hbm>> -> memref<512x64xf32, #tpu.memory_space<hbm>>
    %dma_wait3A_2010 = arith.constant 0 : i32
    %dma_wait3A_2011 = arith.constant 0 : i32
    %dma_wait3A_2012 = tpu.memref_slice %arg6[%dma_wait3A_1998, %dma_wait3A_2010, %dma_wait3A_2011] : memref<2x512x64xf32, #tpu.memory_space<vmem>> -> memref<1x512x64xf32, #tpu.memory_space<vmem>>
    %dma_wait3A_2013 = tpu.memref_squeeze %dma_wait3A_2012 : memref<1x512x64xf32, #tpu.memory_space<vmem>> -> memref<512x64xf32, #tpu.memory_space<vmem>>
    tpu.wait_dma2 semaphore(%dma_wait3A_2007 : memref<!tpu.dma_semaphore, #tpu.memory_space<semaphore_mem>>) src(%dma_wait3A_2013 : memref<512x64xf32, #tpu.memory_space<vmem>>) dst(%dma_wait3A_2009 : memref<512x64xf32, #tpu.memory_space<hbm>>)
    %dma_wait3A_2014 = arith.constant 21 : i32
    %dma_wait3A_2015 = arith.constant 1 : i32
    %dma_wait3A_2016 = arith.constant 1 : i32
    %dma_wait3A_2017 = arith.constant 0 : i32
    %dma_wait3A_2018 = tpu.memref_slice %arg5[%dma_wait3A_2015, %dma_wait3A_2017] : memref<2x512xi32, #tpu.memory_space<vmem>> -> memref<1x512xi32, #tpu.memory_space<vmem>>
    %dma_wait3A_2019 = tpu.memref_squeeze %dma_wait3A_2018 : memref<1x512xi32, #tpu.memory_space<vmem>> -> memref<512xi32, #tpu.memory_space<vmem>>
    %dma_wait3A_2020 = tpu.memref_slice %arg2[%dma_wait3A_2014, %mul3A_2] : memref<26x16384xi32, #tpu.memory_space<hbm>> -> memref<1x512xi32, #tpu.memory_space<hbm>>
    %dma_wait3A_2021 = tpu.memref_squeeze %dma_wait3A_2020 : memref<1x512xi32, #tpu.memory_space<hbm>> -> memref<512xi32, #tpu.memory_space<hbm>>
    %dma_wait3A_2022 = tpu.memref_slice %arg7[%dma_wait3A_2016] : memref<2x!tpu.dma_semaphore, #tpu.memory_space<semaphore_mem>> -> memref<1x!tpu.dma_semaphore, #tpu.memory_space<semaphore_mem>>
    %dma_wait3A_2023 = tpu.memref_squeeze %dma_wait3A_2022 : memref<1x!tpu.dma_semaphore, #tpu.memory_space<semaphore_mem>> -> memref<!tpu.dma_semaphore, #tpu.memory_space<semaphore_mem>>
    %dma_wait3A_2024 = arith.constant 0 : i32
    %dma_wait3A_2025 = tpu.memref_slice %arg5[%dma_wait3A_2015, %dma_wait3A_2024] : memref<2x512xi32, #tpu.memory_space<vmem>> -> memref<1x512xi32, #tpu.memory_space<vmem>>
    %dma_wait3A_2026 = tpu.memref_squeeze %dma_wait3A_2025 : memref<1x512xi32, #tpu.memory_space<vmem>> -> memref<512xi32, #tpu.memory_space<vmem>>
    %dma_wait3A_2027 = tpu.memref_slice %arg2[%dma_wait3A_2014, %mul3A_2] : memref<26x16384xi32, #tpu.memory_space<hbm>> -> memref<1x512xi32, #tpu.memory_space<hbm>>
    %dma_wait3A_2028 = tpu.memref_squeeze %dma_wait3A_2027 : memref<1x512xi32, #tpu.memory_space<hbm>> -> memref<512xi32, #tpu.memory_space<hbm>>
    tpu.wait_dma2 semaphore(%dma_wait3A_2023 : memref<!tpu.dma_semaphore, #tpu.memory_space<semaphore_mem>>) src(%dma_wait3A_2028 : memref<512xi32, #tpu.memory_space<hbm>>) dst(%dma_wait3A_2026 : memref<512xi32, #tpu.memory_space<vmem>>)
    %dma_start3A_2029 = arith.constant 1 : i32
    %dma_start3A_2030 = arith.constant 1 : i32
    %dma_start3A_2031 = arith.constant 1 : i32
    %dma_start3A_2032 = arith.constant 0 : i32
    %dma_start3A_2033 = arith.constant 0 : i32
    %dma_start3A_2034 = tpu.memref_slice %arg6[%dma_start3A_2030, %dma_start3A_2032, %dma_start3A_2033] : memref<2x512x64xf32, #tpu.memory_space<vmem>> -> memref<1x512x64xf32, #tpu.memory_space<vmem>>
    %dma_start3A_2035 = tpu.memref_squeeze %dma_start3A_2034 : memref<1x512x64xf32, #tpu.memory_space<vmem>> -> memref<512x64xf32, #tpu.memory_space<vmem>>
    %dma_start3A_2036 = arith.constant 0 : i32
    %dma_start3A_2037 = tpu.memref_slice %arg5[%dma_start3A_2029, %dma_start3A_2036] : memref<2x512xi32, #tpu.memory_space<vmem>> -> memref<1x512xi32, #tpu.memory_space<vmem>>
    %dma_start3A_2038 = tpu.memref_squeeze %dma_start3A_2037 : memref<1x512xi32, #tpu.memory_space<vmem>> -> memref<512xi32, #tpu.memory_space<vmem>>
    %dma_start3A_2039 = arith.constant 0 : i32
    %dma_start3A_2040 = arith.constant 0 : i32
    %dma_start3A_2041 = tpu.memref_slice %arg3[%dma_start3A_2039, %dma_start3A_2040] : memref<1000000x64xf32, #tpu.memory_space<hbm>> -> memref<1000000x64xf32, #tpu.memory_space<hbm>>
    %dma_start3A_2042 = tpu.memref_slice %arg8[%dma_start3A_2031] : memref<2x!tpu.dma_semaphore, #tpu.memory_space<semaphore_mem>> -> memref<1x!tpu.dma_semaphore, #tpu.memory_space<semaphore_mem>>
    %dma_start3A_2043 = tpu.memref_squeeze %dma_start3A_2042 : memref<1x!tpu.dma_semaphore, #tpu.memory_space<semaphore_mem>> -> memref<!tpu.dma_semaphore, #tpu.memory_space<semaphore_mem>>
    tpu.enqueue_indirect_dma source(%dma_start3A_2041 : memref<1000000x64xf32, #tpu.memory_space<hbm>>) target(%dma_start3A_2035 : memref<512x64xf32, #tpu.memory_space<vmem>>) offsets(%dma_start3A_2038 : memref<512xi32, #tpu.memory_space<vmem>>) semaphore(%dma_start3A_2043 : memref<!tpu.dma_semaphore, #tpu.memory_space<semaphore_mem>>)
    %dma_start3A_2044 = arith.constant 22 : i32
    %dma_start3A_2045 = arith.constant 0 : i32
    %dma_start3A_2046 = arith.constant 0 : i32
    %dma_start3A_2047 = arith.constant 0 : i32
    %dma_start3A_2048 = tpu.memref_slice %arg5[%dma_start3A_2045, %dma_start3A_2047] : memref<2x512xi32, #tpu.memory_space<vmem>> -> memref<1x512xi32, #tpu.memory_space<vmem>>
    %dma_start3A_2049 = tpu.memref_squeeze %dma_start3A_2048 : memref<1x512xi32, #tpu.memory_space<vmem>> -> memref<512xi32, #tpu.memory_space<vmem>>
    %dma_start3A_2050 = tpu.memref_slice %arg2[%dma_start3A_2044, %mul3A_2] : memref<26x16384xi32, #tpu.memory_space<hbm>> -> memref<1x512xi32, #tpu.memory_space<hbm>>
    %dma_start3A_2051 = tpu.memref_squeeze %dma_start3A_2050 : memref<1x512xi32, #tpu.memory_space<hbm>> -> memref<512xi32, #tpu.memory_space<hbm>>
    %dma_start3A_2052 = tpu.memref_slice %arg7[%dma_start3A_2046] : memref<2x!tpu.dma_semaphore, #tpu.memory_space<semaphore_mem>> -> memref<1x!tpu.dma_semaphore, #tpu.memory_space<semaphore_mem>>
    %dma_start3A_2053 = tpu.memref_squeeze %dma_start3A_2052 : memref<1x!tpu.dma_semaphore, #tpu.memory_space<semaphore_mem>> -> memref<!tpu.dma_semaphore, #tpu.memory_space<semaphore_mem>>
    %dma_start3A_2054 = arith.constant 0 : i32
    %dma_start3A_2055 = tpu.memref_slice %arg5[%dma_start3A_2045, %dma_start3A_2054] : memref<2x512xi32, #tpu.memory_space<vmem>> -> memref<1x512xi32, #tpu.memory_space<vmem>>
    %dma_start3A_2056 = tpu.memref_squeeze %dma_start3A_2055 : memref<1x512xi32, #tpu.memory_space<vmem>> -> memref<512xi32, #tpu.memory_space<vmem>>
    %dma_start3A_2057 = tpu.memref_slice %arg2[%dma_start3A_2044, %mul3A_2] : memref<26x16384xi32, #tpu.memory_space<hbm>> -> memref<1x512xi32, #tpu.memory_space<hbm>>
    %dma_start3A_2058 = tpu.memref_squeeze %dma_start3A_2057 : memref<1x512xi32, #tpu.memory_space<hbm>> -> memref<512xi32, #tpu.memory_space<hbm>>
    tpu.enqueue_dma source(%dma_start3A_2058 : memref<512xi32, #tpu.memory_space<hbm>>) target(%dma_start3A_2056 : memref<512xi32, #tpu.memory_space<vmem>>) target_semaphore(%dma_start3A_2053 : memref<!tpu.dma_semaphore, #tpu.memory_space<semaphore_mem>>)
    %dma_wait3A_2059 = arith.constant 1 : i32
    %dma_wait3A_2060 = arith.constant 1 : i32
    %dma_wait3A_2061 = arith.constant 1 : i32
    %dma_wait3A_2062 = arith.constant 0 : i32
    %dma_wait3A_2063 = arith.constant 0 : i32
    %dma_wait3A_2064 = tpu.memref_slice %arg6[%dma_wait3A_2060, %dma_wait3A_2062, %dma_wait3A_2063] : memref<2x512x64xf32, #tpu.memory_space<vmem>> -> memref<1x512x64xf32, #tpu.memory_space<vmem>>
    %dma_wait3A_2065 = tpu.memref_squeeze %dma_wait3A_2064 : memref<1x512x64xf32, #tpu.memory_space<vmem>> -> memref<512x64xf32, #tpu.memory_space<vmem>>
    %dma_wait3A_2066 = arith.constant 0 : i32
    %dma_wait3A_2067 = tpu.memref_slice %arg5[%dma_wait3A_2059, %dma_wait3A_2066] : memref<2x512xi32, #tpu.memory_space<vmem>> -> memref<1x512xi32, #tpu.memory_space<vmem>>
    %dma_wait3A_2068 = tpu.memref_squeeze %dma_wait3A_2067 : memref<1x512xi32, #tpu.memory_space<vmem>> -> memref<512xi32, #tpu.memory_space<vmem>>
    %dma_wait3A_2069 = arith.constant 0 : i32
    %dma_wait3A_2070 = arith.constant 0 : i32
    %dma_wait3A_2071 = tpu.memref_slice %arg3[%dma_wait3A_2069, %dma_wait3A_2070] : memref<1000000x64xf32, #tpu.memory_space<hbm>> -> memref<1000000x64xf32, #tpu.memory_space<hbm>>
    %dma_wait3A_2072 = tpu.memref_slice %arg8[%dma_wait3A_2061] : memref<2x!tpu.dma_semaphore, #tpu.memory_space<semaphore_mem>> -> memref<1x!tpu.dma_semaphore, #tpu.memory_space<semaphore_mem>>
    %dma_wait3A_2073 = tpu.memref_squeeze %dma_wait3A_2072 : memref<1x!tpu.dma_semaphore, #tpu.memory_space<semaphore_mem>> -> memref<!tpu.dma_semaphore, #tpu.memory_space<semaphore_mem>>
    tpu.wait_indirect_dma semaphore(%dma_wait3A_2073 : memref<!tpu.dma_semaphore, #tpu.memory_space<semaphore_mem>>) src(%dma_wait3A_2071 : memref<1000000x64xf32, #tpu.memory_space<hbm>>) dst(%dma_wait3A_2065 : memref<512x64xf32, #tpu.memory_space<vmem>>)
    %add3A_2074 = arith.constant 344064 : i32
    %add3A_2075 = arith.addi %add3A_2074, %mul3A_2 : i32
    %dma_start3A_2076 = arith.constant 1 : i32
    %dma_start3A_2077 = arith.constant 1 : i32
    %dma_start3A_2078 = arith.constant 0 : i32
    %dma_start3A_2079 = arith.constant 0 : i32
    %dma_start3A_2080 = tpu.memref_slice %arg6[%dma_start3A_2076, %dma_start3A_2078, %dma_start3A_2079] : memref<2x512x64xf32, #tpu.memory_space<vmem>> -> memref<1x512x64xf32, #tpu.memory_space<vmem>>
    %dma_start3A_2081 = tpu.memref_squeeze %dma_start3A_2080 : memref<1x512x64xf32, #tpu.memory_space<vmem>> -> memref<512x64xf32, #tpu.memory_space<vmem>>
    %dma_start3A_2082 = arith.constant 0 : i32
    %dma_start3A_2083 = tpu.memref_slice %arg4[%add3A_2075, %dma_start3A_2082] : memref<425984x64xf32, #tpu.memory_space<hbm>> -> memref<512x64xf32, #tpu.memory_space<hbm>>
    %dma_start3A_2084 = tpu.memref_slice %arg9[%dma_start3A_2077] : memref<2x!tpu.dma_semaphore, #tpu.memory_space<semaphore_mem>> -> memref<1x!tpu.dma_semaphore, #tpu.memory_space<semaphore_mem>>
    %dma_start3A_2085 = tpu.memref_squeeze %dma_start3A_2084 : memref<1x!tpu.dma_semaphore, #tpu.memory_space<semaphore_mem>> -> memref<!tpu.dma_semaphore, #tpu.memory_space<semaphore_mem>>
    %dma_start3A_2086 = arith.constant 0 : i32
    %dma_start3A_2087 = tpu.memref_slice %arg4[%add3A_2075, %dma_start3A_2086] : memref<425984x64xf32, #tpu.memory_space<hbm>> -> memref<512x64xf32, #tpu.memory_space<hbm>>
    %dma_start3A_2088 = arith.constant 0 : i32
    %dma_start3A_2089 = arith.constant 0 : i32
    %dma_start3A_2090 = tpu.memref_slice %arg6[%dma_start3A_2076, %dma_start3A_2088, %dma_start3A_2089] : memref<2x512x64xf32, #tpu.memory_space<vmem>> -> memref<1x512x64xf32, #tpu.memory_space<vmem>>
    %dma_start3A_2091 = tpu.memref_squeeze %dma_start3A_2090 : memref<1x512x64xf32, #tpu.memory_space<vmem>> -> memref<512x64xf32, #tpu.memory_space<vmem>>
    tpu.enqueue_dma source(%dma_start3A_2091 : memref<512x64xf32, #tpu.memory_space<vmem>>) target(%dma_start3A_2087 : memref<512x64xf32, #tpu.memory_space<hbm>>) target_semaphore(%dma_start3A_2085 : memref<!tpu.dma_semaphore, #tpu.memory_space<semaphore_mem>>)
    %add3A_2092 = arith.constant 327680 : i32
    %add3A_2093 = arith.addi %add3A_2092, %mul3A_2 : i32
    %dma_wait3A_2094 = arith.constant 0 : i32
    %dma_wait3A_2095 = arith.constant 0 : i32
    %dma_wait3A_2096 = arith.constant 0 : i32
    %dma_wait3A_2097 = arith.constant 0 : i32
    %dma_wait3A_2098 = tpu.memref_slice %arg6[%dma_wait3A_2094, %dma_wait3A_2096, %dma_wait3A_2097] : memref<2x512x64xf32, #tpu.memory_space<vmem>> -> memref<1x512x64xf32, #tpu.memory_space<vmem>>
    %dma_wait3A_2099 = tpu.memref_squeeze %dma_wait3A_2098 : memref<1x512x64xf32, #tpu.memory_space<vmem>> -> memref<512x64xf32, #tpu.memory_space<vmem>>
    %dma_wait3A_2100 = arith.constant 0 : i32
    %dma_wait3A_2101 = tpu.memref_slice %arg4[%add3A_2093, %dma_wait3A_2100] : memref<425984x64xf32, #tpu.memory_space<hbm>> -> memref<512x64xf32, #tpu.memory_space<hbm>>
    %dma_wait3A_2102 = tpu.memref_slice %arg9[%dma_wait3A_2095] : memref<2x!tpu.dma_semaphore, #tpu.memory_space<semaphore_mem>> -> memref<1x!tpu.dma_semaphore, #tpu.memory_space<semaphore_mem>>
    %dma_wait3A_2103 = tpu.memref_squeeze %dma_wait3A_2102 : memref<1x!tpu.dma_semaphore, #tpu.memory_space<semaphore_mem>> -> memref<!tpu.dma_semaphore, #tpu.memory_space<semaphore_mem>>
    %dma_wait3A_2104 = arith.constant 0 : i32
    %dma_wait3A_2105 = tpu.memref_slice %arg4[%add3A_2093, %dma_wait3A_2104] : memref<425984x64xf32, #tpu.memory_space<hbm>> -> memref<512x64xf32, #tpu.memory_space<hbm>>
    %dma_wait3A_2106 = arith.constant 0 : i32
    %dma_wait3A_2107 = arith.constant 0 : i32
    %dma_wait3A_2108 = tpu.memref_slice %arg6[%dma_wait3A_2094, %dma_wait3A_2106, %dma_wait3A_2107] : memref<2x512x64xf32, #tpu.memory_space<vmem>> -> memref<1x512x64xf32, #tpu.memory_space<vmem>>
    %dma_wait3A_2109 = tpu.memref_squeeze %dma_wait3A_2108 : memref<1x512x64xf32, #tpu.memory_space<vmem>> -> memref<512x64xf32, #tpu.memory_space<vmem>>
    tpu.wait_dma2 semaphore(%dma_wait3A_2103 : memref<!tpu.dma_semaphore, #tpu.memory_space<semaphore_mem>>) src(%dma_wait3A_2109 : memref<512x64xf32, #tpu.memory_space<vmem>>) dst(%dma_wait3A_2105 : memref<512x64xf32, #tpu.memory_space<hbm>>)
    %dma_wait3A_2110 = arith.constant 22 : i32
    %dma_wait3A_2111 = arith.constant 0 : i32
    %dma_wait3A_2112 = arith.constant 0 : i32
    %dma_wait3A_2113 = arith.constant 0 : i32
    %dma_wait3A_2114 = tpu.memref_slice %arg5[%dma_wait3A_2111, %dma_wait3A_2113] : memref<2x512xi32, #tpu.memory_space<vmem>> -> memref<1x512xi32, #tpu.memory_space<vmem>>
    %dma_wait3A_2115 = tpu.memref_squeeze %dma_wait3A_2114 : memref<1x512xi32, #tpu.memory_space<vmem>> -> memref<512xi32, #tpu.memory_space<vmem>>
    %dma_wait3A_2116 = tpu.memref_slice %arg2[%dma_wait3A_2110, %mul3A_2] : memref<26x16384xi32, #tpu.memory_space<hbm>> -> memref<1x512xi32, #tpu.memory_space<hbm>>
    %dma_wait3A_2117 = tpu.memref_squeeze %dma_wait3A_2116 : memref<1x512xi32, #tpu.memory_space<hbm>> -> memref<512xi32, #tpu.memory_space<hbm>>
    %dma_wait3A_2118 = tpu.memref_slice %arg7[%dma_wait3A_2112] : memref<2x!tpu.dma_semaphore, #tpu.memory_space<semaphore_mem>> -> memref<1x!tpu.dma_semaphore, #tpu.memory_space<semaphore_mem>>
    %dma_wait3A_2119 = tpu.memref_squeeze %dma_wait3A_2118 : memref<1x!tpu.dma_semaphore, #tpu.memory_space<semaphore_mem>> -> memref<!tpu.dma_semaphore, #tpu.memory_space<semaphore_mem>>
    %dma_wait3A_2120 = arith.constant 0 : i32
    %dma_wait3A_2121 = tpu.memref_slice %arg5[%dma_wait3A_2111, %dma_wait3A_2120] : memref<2x512xi32, #tpu.memory_space<vmem>> -> memref<1x512xi32, #tpu.memory_space<vmem>>
    %dma_wait3A_2122 = tpu.memref_squeeze %dma_wait3A_2121 : memref<1x512xi32, #tpu.memory_space<vmem>> -> memref<512xi32, #tpu.memory_space<vmem>>
    %dma_wait3A_2123 = tpu.memref_slice %arg2[%dma_wait3A_2110, %mul3A_2] : memref<26x16384xi32, #tpu.memory_space<hbm>> -> memref<1x512xi32, #tpu.memory_space<hbm>>
    %dma_wait3A_2124 = tpu.memref_squeeze %dma_wait3A_2123 : memref<1x512xi32, #tpu.memory_space<hbm>> -> memref<512xi32, #tpu.memory_space<hbm>>
    tpu.wait_dma2 semaphore(%dma_wait3A_2119 : memref<!tpu.dma_semaphore, #tpu.memory_space<semaphore_mem>>) src(%dma_wait3A_2124 : memref<512xi32, #tpu.memory_space<hbm>>) dst(%dma_wait3A_2122 : memref<512xi32, #tpu.memory_space<vmem>>)
    %dma_start3A_2125 = arith.constant 0 : i32
    %dma_start3A_2126 = arith.constant 0 : i32
    %dma_start3A_2127 = arith.constant 0 : i32
    %dma_start3A_2128 = arith.constant 0 : i32
    %dma_start3A_2129 = arith.constant 0 : i32
    %dma_start3A_2130 = tpu.memref_slice %arg6[%dma_start3A_2126, %dma_start3A_2128, %dma_start3A_2129] : memref<2x512x64xf32, #tpu.memory_space<vmem>> -> memref<1x512x64xf32, #tpu.memory_space<vmem>>
    %dma_start3A_2131 = tpu.memref_squeeze %dma_start3A_2130 : memref<1x512x64xf32, #tpu.memory_space<vmem>> -> memref<512x64xf32, #tpu.memory_space<vmem>>
    %dma_start3A_2132 = arith.constant 0 : i32
    %dma_start3A_2133 = tpu.memref_slice %arg5[%dma_start3A_2125, %dma_start3A_2132] : memref<2x512xi32, #tpu.memory_space<vmem>> -> memref<1x512xi32, #tpu.memory_space<vmem>>
    %dma_start3A_2134 = tpu.memref_squeeze %dma_start3A_2133 : memref<1x512xi32, #tpu.memory_space<vmem>> -> memref<512xi32, #tpu.memory_space<vmem>>
    %dma_start3A_2135 = arith.constant 0 : i32
    %dma_start3A_2136 = arith.constant 0 : i32
    %dma_start3A_2137 = tpu.memref_slice %arg3[%dma_start3A_2135, %dma_start3A_2136] : memref<1000000x64xf32, #tpu.memory_space<hbm>> -> memref<1000000x64xf32, #tpu.memory_space<hbm>>
    %dma_start3A_2138 = tpu.memref_slice %arg8[%dma_start3A_2127] : memref<2x!tpu.dma_semaphore, #tpu.memory_space<semaphore_mem>> -> memref<1x!tpu.dma_semaphore, #tpu.memory_space<semaphore_mem>>
    %dma_start3A_2139 = tpu.memref_squeeze %dma_start3A_2138 : memref<1x!tpu.dma_semaphore, #tpu.memory_space<semaphore_mem>> -> memref<!tpu.dma_semaphore, #tpu.memory_space<semaphore_mem>>
    tpu.enqueue_indirect_dma source(%dma_start3A_2137 : memref<1000000x64xf32, #tpu.memory_space<hbm>>) target(%dma_start3A_2131 : memref<512x64xf32, #tpu.memory_space<vmem>>) offsets(%dma_start3A_2134 : memref<512xi32, #tpu.memory_space<vmem>>) semaphore(%dma_start3A_2139 : memref<!tpu.dma_semaphore, #tpu.memory_space<semaphore_mem>>)
    %dma_start3A_2140 = arith.constant 23 : i32
    %dma_start3A_2141 = arith.constant 1 : i32
    %dma_start3A_2142 = arith.constant 1 : i32
    %dma_start3A_2143 = arith.constant 0 : i32
    %dma_start3A_2144 = tpu.memref_slice %arg5[%dma_start3A_2141, %dma_start3A_2143] : memref<2x512xi32, #tpu.memory_space<vmem>> -> memref<1x512xi32, #tpu.memory_space<vmem>>
    %dma_start3A_2145 = tpu.memref_squeeze %dma_start3A_2144 : memref<1x512xi32, #tpu.memory_space<vmem>> -> memref<512xi32, #tpu.memory_space<vmem>>
    %dma_start3A_2146 = tpu.memref_slice %arg2[%dma_start3A_2140, %mul3A_2] : memref<26x16384xi32, #tpu.memory_space<hbm>> -> memref<1x512xi32, #tpu.memory_space<hbm>>
    %dma_start3A_2147 = tpu.memref_squeeze %dma_start3A_2146 : memref<1x512xi32, #tpu.memory_space<hbm>> -> memref<512xi32, #tpu.memory_space<hbm>>
    %dma_start3A_2148 = tpu.memref_slice %arg7[%dma_start3A_2142] : memref<2x!tpu.dma_semaphore, #tpu.memory_space<semaphore_mem>> -> memref<1x!tpu.dma_semaphore, #tpu.memory_space<semaphore_mem>>
    %dma_start3A_2149 = tpu.memref_squeeze %dma_start3A_2148 : memref<1x!tpu.dma_semaphore, #tpu.memory_space<semaphore_mem>> -> memref<!tpu.dma_semaphore, #tpu.memory_space<semaphore_mem>>
    %dma_start3A_2150 = arith.constant 0 : i32
    %dma_start3A_2151 = tpu.memref_slice %arg5[%dma_start3A_2141, %dma_start3A_2150] : memref<2x512xi32, #tpu.memory_space<vmem>> -> memref<1x512xi32, #tpu.memory_space<vmem>>
    %dma_start3A_2152 = tpu.memref_squeeze %dma_start3A_2151 : memref<1x512xi32, #tpu.memory_space<vmem>> -> memref<512xi32, #tpu.memory_space<vmem>>
    %dma_start3A_2153 = tpu.memref_slice %arg2[%dma_start3A_2140, %mul3A_2] : memref<26x16384xi32, #tpu.memory_space<hbm>> -> memref<1x512xi32, #tpu.memory_space<hbm>>
    %dma_start3A_2154 = tpu.memref_squeeze %dma_start3A_2153 : memref<1x512xi32, #tpu.memory_space<hbm>> -> memref<512xi32, #tpu.memory_space<hbm>>
    tpu.enqueue_dma source(%dma_start3A_2154 : memref<512xi32, #tpu.memory_space<hbm>>) target(%dma_start3A_2152 : memref<512xi32, #tpu.memory_space<vmem>>) target_semaphore(%dma_start3A_2149 : memref<!tpu.dma_semaphore, #tpu.memory_space<semaphore_mem>>)
    %dma_wait3A_2155 = arith.constant 0 : i32
    %dma_wait3A_2156 = arith.constant 0 : i32
    %dma_wait3A_2157 = arith.constant 0 : i32
    %dma_wait3A_2158 = arith.constant 0 : i32
    %dma_wait3A_2159 = arith.constant 0 : i32
    %dma_wait3A_2160 = tpu.memref_slice %arg6[%dma_wait3A_2156, %dma_wait3A_2158, %dma_wait3A_2159] : memref<2x512x64xf32, #tpu.memory_space<vmem>> -> memref<1x512x64xf32, #tpu.memory_space<vmem>>
    %dma_wait3A_2161 = tpu.memref_squeeze %dma_wait3A_2160 : memref<1x512x64xf32, #tpu.memory_space<vmem>> -> memref<512x64xf32, #tpu.memory_space<vmem>>
    %dma_wait3A_2162 = arith.constant 0 : i32
    %dma_wait3A_2163 = tpu.memref_slice %arg5[%dma_wait3A_2155, %dma_wait3A_2162] : memref<2x512xi32, #tpu.memory_space<vmem>> -> memref<1x512xi32, #tpu.memory_space<vmem>>
    %dma_wait3A_2164 = tpu.memref_squeeze %dma_wait3A_2163 : memref<1x512xi32, #tpu.memory_space<vmem>> -> memref<512xi32, #tpu.memory_space<vmem>>
    %dma_wait3A_2165 = arith.constant 0 : i32
    %dma_wait3A_2166 = arith.constant 0 : i32
    %dma_wait3A_2167 = tpu.memref_slice %arg3[%dma_wait3A_2165, %dma_wait3A_2166] : memref<1000000x64xf32, #tpu.memory_space<hbm>> -> memref<1000000x64xf32, #tpu.memory_space<hbm>>
    %dma_wait3A_2168 = tpu.memref_slice %arg8[%dma_wait3A_2157] : memref<2x!tpu.dma_semaphore, #tpu.memory_space<semaphore_mem>> -> memref<1x!tpu.dma_semaphore, #tpu.memory_space<semaphore_mem>>
    %dma_wait3A_2169 = tpu.memref_squeeze %dma_wait3A_2168 : memref<1x!tpu.dma_semaphore, #tpu.memory_space<semaphore_mem>> -> memref<!tpu.dma_semaphore, #tpu.memory_space<semaphore_mem>>
    tpu.wait_indirect_dma semaphore(%dma_wait3A_2169 : memref<!tpu.dma_semaphore, #tpu.memory_space<semaphore_mem>>) src(%dma_wait3A_2167 : memref<1000000x64xf32, #tpu.memory_space<hbm>>) dst(%dma_wait3A_2161 : memref<512x64xf32, #tpu.memory_space<vmem>>)
    %add3A_2170 = arith.constant 360448 : i32
    %add3A_2171 = arith.addi %add3A_2170, %mul3A_2 : i32
    %dma_start3A_2172 = arith.constant 0 : i32
    %dma_start3A_2173 = arith.constant 0 : i32
    %dma_start3A_2174 = arith.constant 0 : i32
    %dma_start3A_2175 = arith.constant 0 : i32
    %dma_start3A_2176 = tpu.memref_slice %arg6[%dma_start3A_2172, %dma_start3A_2174, %dma_start3A_2175] : memref<2x512x64xf32, #tpu.memory_space<vmem>> -> memref<1x512x64xf32, #tpu.memory_space<vmem>>
    %dma_start3A_2177 = tpu.memref_squeeze %dma_start3A_2176 : memref<1x512x64xf32, #tpu.memory_space<vmem>> -> memref<512x64xf32, #tpu.memory_space<vmem>>
    %dma_start3A_2178 = arith.constant 0 : i32
    %dma_start3A_2179 = tpu.memref_slice %arg4[%add3A_2171, %dma_start3A_2178] : memref<425984x64xf32, #tpu.memory_space<hbm>> -> memref<512x64xf32, #tpu.memory_space<hbm>>
    %dma_start3A_2180 = tpu.memref_slice %arg9[%dma_start3A_2173] : memref<2x!tpu.dma_semaphore, #tpu.memory_space<semaphore_mem>> -> memref<1x!tpu.dma_semaphore, #tpu.memory_space<semaphore_mem>>
    %dma_start3A_2181 = tpu.memref_squeeze %dma_start3A_2180 : memref<1x!tpu.dma_semaphore, #tpu.memory_space<semaphore_mem>> -> memref<!tpu.dma_semaphore, #tpu.memory_space<semaphore_mem>>
    %dma_start3A_2182 = arith.constant 0 : i32
    %dma_start3A_2183 = tpu.memref_slice %arg4[%add3A_2171, %dma_start3A_2182] : memref<425984x64xf32, #tpu.memory_space<hbm>> -> memref<512x64xf32, #tpu.memory_space<hbm>>
    %dma_start3A_2184 = arith.constant 0 : i32
    %dma_start3A_2185 = arith.constant 0 : i32
    %dma_start3A_2186 = tpu.memref_slice %arg6[%dma_start3A_2172, %dma_start3A_2184, %dma_start3A_2185] : memref<2x512x64xf32, #tpu.memory_space<vmem>> -> memref<1x512x64xf32, #tpu.memory_space<vmem>>
    %dma_start3A_2187 = tpu.memref_squeeze %dma_start3A_2186 : memref<1x512x64xf32, #tpu.memory_space<vmem>> -> memref<512x64xf32, #tpu.memory_space<vmem>>
    tpu.enqueue_dma source(%dma_start3A_2187 : memref<512x64xf32, #tpu.memory_space<vmem>>) target(%dma_start3A_2183 : memref<512x64xf32, #tpu.memory_space<hbm>>) target_semaphore(%dma_start3A_2181 : memref<!tpu.dma_semaphore, #tpu.memory_space<semaphore_mem>>)
    %add3A_2188 = arith.constant 344064 : i32
    %add3A_2189 = arith.addi %add3A_2188, %mul3A_2 : i32
    %dma_wait3A_2190 = arith.constant 1 : i32
    %dma_wait3A_2191 = arith.constant 1 : i32
    %dma_wait3A_2192 = arith.constant 0 : i32
    %dma_wait3A_2193 = arith.constant 0 : i32
    %dma_wait3A_2194 = tpu.memref_slice %arg6[%dma_wait3A_2190, %dma_wait3A_2192, %dma_wait3A_2193] : memref<2x512x64xf32, #tpu.memory_space<vmem>> -> memref<1x512x64xf32, #tpu.memory_space<vmem>>
    %dma_wait3A_2195 = tpu.memref_squeeze %dma_wait3A_2194 : memref<1x512x64xf32, #tpu.memory_space<vmem>> -> memref<512x64xf32, #tpu.memory_space<vmem>>
    %dma_wait3A_2196 = arith.constant 0 : i32
    %dma_wait3A_2197 = tpu.memref_slice %arg4[%add3A_2189, %dma_wait3A_2196] : memref<425984x64xf32, #tpu.memory_space<hbm>> -> memref<512x64xf32, #tpu.memory_space<hbm>>
    %dma_wait3A_2198 = tpu.memref_slice %arg9[%dma_wait3A_2191] : memref<2x!tpu.dma_semaphore, #tpu.memory_space<semaphore_mem>> -> memref<1x!tpu.dma_semaphore, #tpu.memory_space<semaphore_mem>>
    %dma_wait3A_2199 = tpu.memref_squeeze %dma_wait3A_2198 : memref<1x!tpu.dma_semaphore, #tpu.memory_space<semaphore_mem>> -> memref<!tpu.dma_semaphore, #tpu.memory_space<semaphore_mem>>
    %dma_wait3A_2200 = arith.constant 0 : i32
    %dma_wait3A_2201 = tpu.memref_slice %arg4[%add3A_2189, %dma_wait3A_2200] : memref<425984x64xf32, #tpu.memory_space<hbm>> -> memref<512x64xf32, #tpu.memory_space<hbm>>
    %dma_wait3A_2202 = arith.constant 0 : i32
    %dma_wait3A_2203 = arith.constant 0 : i32
    %dma_wait3A_2204 = tpu.memref_slice %arg6[%dma_wait3A_2190, %dma_wait3A_2202, %dma_wait3A_2203] : memref<2x512x64xf32, #tpu.memory_space<vmem>> -> memref<1x512x64xf32, #tpu.memory_space<vmem>>
    %dma_wait3A_2205 = tpu.memref_squeeze %dma_wait3A_2204 : memref<1x512x64xf32, #tpu.memory_space<vmem>> -> memref<512x64xf32, #tpu.memory_space<vmem>>
    tpu.wait_dma2 semaphore(%dma_wait3A_2199 : memref<!tpu.dma_semaphore, #tpu.memory_space<semaphore_mem>>) src(%dma_wait3A_2205 : memref<512x64xf32, #tpu.memory_space<vmem>>) dst(%dma_wait3A_2201 : memref<512x64xf32, #tpu.memory_space<hbm>>)
    %dma_wait3A_2206 = arith.constant 23 : i32
    %dma_wait3A_2207 = arith.constant 1 : i32
    %dma_wait3A_2208 = arith.constant 1 : i32
    %dma_wait3A_2209 = arith.constant 0 : i32
    %dma_wait3A_2210 = tpu.memref_slice %arg5[%dma_wait3A_2207, %dma_wait3A_2209] : memref<2x512xi32, #tpu.memory_space<vmem>> -> memref<1x512xi32, #tpu.memory_space<vmem>>
    %dma_wait3A_2211 = tpu.memref_squeeze %dma_wait3A_2210 : memref<1x512xi32, #tpu.memory_space<vmem>> -> memref<512xi32, #tpu.memory_space<vmem>>
    %dma_wait3A_2212 = tpu.memref_slice %arg2[%dma_wait3A_2206, %mul3A_2] : memref<26x16384xi32, #tpu.memory_space<hbm>> -> memref<1x512xi32, #tpu.memory_space<hbm>>
    %dma_wait3A_2213 = tpu.memref_squeeze %dma_wait3A_2212 : memref<1x512xi32, #tpu.memory_space<hbm>> -> memref<512xi32, #tpu.memory_space<hbm>>
    %dma_wait3A_2214 = tpu.memref_slice %arg7[%dma_wait3A_2208] : memref<2x!tpu.dma_semaphore, #tpu.memory_space<semaphore_mem>> -> memref<1x!tpu.dma_semaphore, #tpu.memory_space<semaphore_mem>>
    %dma_wait3A_2215 = tpu.memref_squeeze %dma_wait3A_2214 : memref<1x!tpu.dma_semaphore, #tpu.memory_space<semaphore_mem>> -> memref<!tpu.dma_semaphore, #tpu.memory_space<semaphore_mem>>
    %dma_wait3A_2216 = arith.constant 0 : i32
    %dma_wait3A_2217 = tpu.memref_slice %arg5[%dma_wait3A_2207, %dma_wait3A_2216] : memref<2x512xi32, #tpu.memory_space<vmem>> -> memref<1x512xi32, #tpu.memory_space<vmem>>
    %dma_wait3A_2218 = tpu.memref_squeeze %dma_wait3A_2217 : memref<1x512xi32, #tpu.memory_space<vmem>> -> memref<512xi32, #tpu.memory_space<vmem>>
    %dma_wait3A_2219 = tpu.memref_slice %arg2[%dma_wait3A_2206, %mul3A_2] : memref<26x16384xi32, #tpu.memory_space<hbm>> -> memref<1x512xi32, #tpu.memory_space<hbm>>
    %dma_wait3A_2220 = tpu.memref_squeeze %dma_wait3A_2219 : memref<1x512xi32, #tpu.memory_space<hbm>> -> memref<512xi32, #tpu.memory_space<hbm>>
    tpu.wait_dma2 semaphore(%dma_wait3A_2215 : memref<!tpu.dma_semaphore, #tpu.memory_space<semaphore_mem>>) src(%dma_wait3A_2220 : memref<512xi32, #tpu.memory_space<hbm>>) dst(%dma_wait3A_2218 : memref<512xi32, #tpu.memory_space<vmem>>)
    %dma_start3A_2221 = arith.constant 1 : i32
    %dma_start3A_2222 = arith.constant 1 : i32
    %dma_start3A_2223 = arith.constant 1 : i32
    %dma_start3A_2224 = arith.constant 0 : i32
    %dma_start3A_2225 = arith.constant 0 : i32
    %dma_start3A_2226 = tpu.memref_slice %arg6[%dma_start3A_2222, %dma_start3A_2224, %dma_start3A_2225] : memref<2x512x64xf32, #tpu.memory_space<vmem>> -> memref<1x512x64xf32, #tpu.memory_space<vmem>>
    %dma_start3A_2227 = tpu.memref_squeeze %dma_start3A_2226 : memref<1x512x64xf32, #tpu.memory_space<vmem>> -> memref<512x64xf32, #tpu.memory_space<vmem>>
    %dma_start3A_2228 = arith.constant 0 : i32
    %dma_start3A_2229 = tpu.memref_slice %arg5[%dma_start3A_2221, %dma_start3A_2228] : memref<2x512xi32, #tpu.memory_space<vmem>> -> memref<1x512xi32, #tpu.memory_space<vmem>>
    %dma_start3A_2230 = tpu.memref_squeeze %dma_start3A_2229 : memref<1x512xi32, #tpu.memory_space<vmem>> -> memref<512xi32, #tpu.memory_space<vmem>>
    %dma_start3A_2231 = arith.constant 0 : i32
    %dma_start3A_2232 = arith.constant 0 : i32
    %dma_start3A_2233 = tpu.memref_slice %arg3[%dma_start3A_2231, %dma_start3A_2232] : memref<1000000x64xf32, #tpu.memory_space<hbm>> -> memref<1000000x64xf32, #tpu.memory_space<hbm>>
    %dma_start3A_2234 = tpu.memref_slice %arg8[%dma_start3A_2223] : memref<2x!tpu.dma_semaphore, #tpu.memory_space<semaphore_mem>> -> memref<1x!tpu.dma_semaphore, #tpu.memory_space<semaphore_mem>>
    %dma_start3A_2235 = tpu.memref_squeeze %dma_start3A_2234 : memref<1x!tpu.dma_semaphore, #tpu.memory_space<semaphore_mem>> -> memref<!tpu.dma_semaphore, #tpu.memory_space<semaphore_mem>>
    tpu.enqueue_indirect_dma source(%dma_start3A_2233 : memref<1000000x64xf32, #tpu.memory_space<hbm>>) target(%dma_start3A_2227 : memref<512x64xf32, #tpu.memory_space<vmem>>) offsets(%dma_start3A_2230 : memref<512xi32, #tpu.memory_space<vmem>>) semaphore(%dma_start3A_2235 : memref<!tpu.dma_semaphore, #tpu.memory_space<semaphore_mem>>)
    %dma_start3A_2236 = arith.constant 24 : i32
    %dma_start3A_2237 = arith.constant 0 : i32
    %dma_start3A_2238 = arith.constant 0 : i32
    %dma_start3A_2239 = arith.constant 0 : i32
    %dma_start3A_2240 = tpu.memref_slice %arg5[%dma_start3A_2237, %dma_start3A_2239] : memref<2x512xi32, #tpu.memory_space<vmem>> -> memref<1x512xi32, #tpu.memory_space<vmem>>
    %dma_start3A_2241 = tpu.memref_squeeze %dma_start3A_2240 : memref<1x512xi32, #tpu.memory_space<vmem>> -> memref<512xi32, #tpu.memory_space<vmem>>
    %dma_start3A_2242 = tpu.memref_slice %arg2[%dma_start3A_2236, %mul3A_2] : memref<26x16384xi32, #tpu.memory_space<hbm>> -> memref<1x512xi32, #tpu.memory_space<hbm>>
    %dma_start3A_2243 = tpu.memref_squeeze %dma_start3A_2242 : memref<1x512xi32, #tpu.memory_space<hbm>> -> memref<512xi32, #tpu.memory_space<hbm>>
    %dma_start3A_2244 = tpu.memref_slice %arg7[%dma_start3A_2238] : memref<2x!tpu.dma_semaphore, #tpu.memory_space<semaphore_mem>> -> memref<1x!tpu.dma_semaphore, #tpu.memory_space<semaphore_mem>>
    %dma_start3A_2245 = tpu.memref_squeeze %dma_start3A_2244 : memref<1x!tpu.dma_semaphore, #tpu.memory_space<semaphore_mem>> -> memref<!tpu.dma_semaphore, #tpu.memory_space<semaphore_mem>>
    %dma_start3A_2246 = arith.constant 0 : i32
    %dma_start3A_2247 = tpu.memref_slice %arg5[%dma_start3A_2237, %dma_start3A_2246] : memref<2x512xi32, #tpu.memory_space<vmem>> -> memref<1x512xi32, #tpu.memory_space<vmem>>
    %dma_start3A_2248 = tpu.memref_squeeze %dma_start3A_2247 : memref<1x512xi32, #tpu.memory_space<vmem>> -> memref<512xi32, #tpu.memory_space<vmem>>
    %dma_start3A_2249 = tpu.memref_slice %arg2[%dma_start3A_2236, %mul3A_2] : memref<26x16384xi32, #tpu.memory_space<hbm>> -> memref<1x512xi32, #tpu.memory_space<hbm>>
    %dma_start3A_2250 = tpu.memref_squeeze %dma_start3A_2249 : memref<1x512xi32, #tpu.memory_space<hbm>> -> memref<512xi32, #tpu.memory_space<hbm>>
    tpu.enqueue_dma source(%dma_start3A_2250 : memref<512xi32, #tpu.memory_space<hbm>>) target(%dma_start3A_2248 : memref<512xi32, #tpu.memory_space<vmem>>) target_semaphore(%dma_start3A_2245 : memref<!tpu.dma_semaphore, #tpu.memory_space<semaphore_mem>>)
    %dma_wait3A_2251 = arith.constant 1 : i32
    %dma_wait3A_2252 = arith.constant 1 : i32
    %dma_wait3A_2253 = arith.constant 1 : i32
    %dma_wait3A_2254 = arith.constant 0 : i32
    %dma_wait3A_2255 = arith.constant 0 : i32
    %dma_wait3A_2256 = tpu.memref_slice %arg6[%dma_wait3A_2252, %dma_wait3A_2254, %dma_wait3A_2255] : memref<2x512x64xf32, #tpu.memory_space<vmem>> -> memref<1x512x64xf32, #tpu.memory_space<vmem>>
    %dma_wait3A_2257 = tpu.memref_squeeze %dma_wait3A_2256 : memref<1x512x64xf32, #tpu.memory_space<vmem>> -> memref<512x64xf32, #tpu.memory_space<vmem>>
    %dma_wait3A_2258 = arith.constant 0 : i32
    %dma_wait3A_2259 = tpu.memref_slice %arg5[%dma_wait3A_2251, %dma_wait3A_2258] : memref<2x512xi32, #tpu.memory_space<vmem>> -> memref<1x512xi32, #tpu.memory_space<vmem>>
    %dma_wait3A_2260 = tpu.memref_squeeze %dma_wait3A_2259 : memref<1x512xi32, #tpu.memory_space<vmem>> -> memref<512xi32, #tpu.memory_space<vmem>>
    %dma_wait3A_2261 = arith.constant 0 : i32
    %dma_wait3A_2262 = arith.constant 0 : i32
    %dma_wait3A_2263 = tpu.memref_slice %arg3[%dma_wait3A_2261, %dma_wait3A_2262] : memref<1000000x64xf32, #tpu.memory_space<hbm>> -> memref<1000000x64xf32, #tpu.memory_space<hbm>>
    %dma_wait3A_2264 = tpu.memref_slice %arg8[%dma_wait3A_2253] : memref<2x!tpu.dma_semaphore, #tpu.memory_space<semaphore_mem>> -> memref<1x!tpu.dma_semaphore, #tpu.memory_space<semaphore_mem>>
    %dma_wait3A_2265 = tpu.memref_squeeze %dma_wait3A_2264 : memref<1x!tpu.dma_semaphore, #tpu.memory_space<semaphore_mem>> -> memref<!tpu.dma_semaphore, #tpu.memory_space<semaphore_mem>>
    tpu.wait_indirect_dma semaphore(%dma_wait3A_2265 : memref<!tpu.dma_semaphore, #tpu.memory_space<semaphore_mem>>) src(%dma_wait3A_2263 : memref<1000000x64xf32, #tpu.memory_space<hbm>>) dst(%dma_wait3A_2257 : memref<512x64xf32, #tpu.memory_space<vmem>>)
    %add3A_2266 = arith.constant 376832 : i32
    %add3A_2267 = arith.addi %add3A_2266, %mul3A_2 : i32
    %dma_start3A_2268 = arith.constant 1 : i32
    %dma_start3A_2269 = arith.constant 1 : i32
    %dma_start3A_2270 = arith.constant 0 : i32
    %dma_start3A_2271 = arith.constant 0 : i32
    %dma_start3A_2272 = tpu.memref_slice %arg6[%dma_start3A_2268, %dma_start3A_2270, %dma_start3A_2271] : memref<2x512x64xf32, #tpu.memory_space<vmem>> -> memref<1x512x64xf32, #tpu.memory_space<vmem>>
    %dma_start3A_2273 = tpu.memref_squeeze %dma_start3A_2272 : memref<1x512x64xf32, #tpu.memory_space<vmem>> -> memref<512x64xf32, #tpu.memory_space<vmem>>
    %dma_start3A_2274 = arith.constant 0 : i32
    %dma_start3A_2275 = tpu.memref_slice %arg4[%add3A_2267, %dma_start3A_2274] : memref<425984x64xf32, #tpu.memory_space<hbm>> -> memref<512x64xf32, #tpu.memory_space<hbm>>
    %dma_start3A_2276 = tpu.memref_slice %arg9[%dma_start3A_2269] : memref<2x!tpu.dma_semaphore, #tpu.memory_space<semaphore_mem>> -> memref<1x!tpu.dma_semaphore, #tpu.memory_space<semaphore_mem>>
    %dma_start3A_2277 = tpu.memref_squeeze %dma_start3A_2276 : memref<1x!tpu.dma_semaphore, #tpu.memory_space<semaphore_mem>> -> memref<!tpu.dma_semaphore, #tpu.memory_space<semaphore_mem>>
    %dma_start3A_2278 = arith.constant 0 : i32
    %dma_start3A_2279 = tpu.memref_slice %arg4[%add3A_2267, %dma_start3A_2278] : memref<425984x64xf32, #tpu.memory_space<hbm>> -> memref<512x64xf32, #tpu.memory_space<hbm>>
    %dma_start3A_2280 = arith.constant 0 : i32
    %dma_start3A_2281 = arith.constant 0 : i32
    %dma_start3A_2282 = tpu.memref_slice %arg6[%dma_start3A_2268, %dma_start3A_2280, %dma_start3A_2281] : memref<2x512x64xf32, #tpu.memory_space<vmem>> -> memref<1x512x64xf32, #tpu.memory_space<vmem>>
    %dma_start3A_2283 = tpu.memref_squeeze %dma_start3A_2282 : memref<1x512x64xf32, #tpu.memory_space<vmem>> -> memref<512x64xf32, #tpu.memory_space<vmem>>
    tpu.enqueue_dma source(%dma_start3A_2283 : memref<512x64xf32, #tpu.memory_space<vmem>>) target(%dma_start3A_2279 : memref<512x64xf32, #tpu.memory_space<hbm>>) target_semaphore(%dma_start3A_2277 : memref<!tpu.dma_semaphore, #tpu.memory_space<semaphore_mem>>)
    %add3A_2284 = arith.constant 360448 : i32
    %add3A_2285 = arith.addi %add3A_2284, %mul3A_2 : i32
    %dma_wait3A_2286 = arith.constant 0 : i32
    %dma_wait3A_2287 = arith.constant 0 : i32
    %dma_wait3A_2288 = arith.constant 0 : i32
    %dma_wait3A_2289 = arith.constant 0 : i32
    %dma_wait3A_2290 = tpu.memref_slice %arg6[%dma_wait3A_2286, %dma_wait3A_2288, %dma_wait3A_2289] : memref<2x512x64xf32, #tpu.memory_space<vmem>> -> memref<1x512x64xf32, #tpu.memory_space<vmem>>
    %dma_wait3A_2291 = tpu.memref_squeeze %dma_wait3A_2290 : memref<1x512x64xf32, #tpu.memory_space<vmem>> -> memref<512x64xf32, #tpu.memory_space<vmem>>
    %dma_wait3A_2292 = arith.constant 0 : i32
    %dma_wait3A_2293 = tpu.memref_slice %arg4[%add3A_2285, %dma_wait3A_2292] : memref<425984x64xf32, #tpu.memory_space<hbm>> -> memref<512x64xf32, #tpu.memory_space<hbm>>
    %dma_wait3A_2294 = tpu.memref_slice %arg9[%dma_wait3A_2287] : memref<2x!tpu.dma_semaphore, #tpu.memory_space<semaphore_mem>> -> memref<1x!tpu.dma_semaphore, #tpu.memory_space<semaphore_mem>>
    %dma_wait3A_2295 = tpu.memref_squeeze %dma_wait3A_2294 : memref<1x!tpu.dma_semaphore, #tpu.memory_space<semaphore_mem>> -> memref<!tpu.dma_semaphore, #tpu.memory_space<semaphore_mem>>
    %dma_wait3A_2296 = arith.constant 0 : i32
    %dma_wait3A_2297 = tpu.memref_slice %arg4[%add3A_2285, %dma_wait3A_2296] : memref<425984x64xf32, #tpu.memory_space<hbm>> -> memref<512x64xf32, #tpu.memory_space<hbm>>
    %dma_wait3A_2298 = arith.constant 0 : i32
    %dma_wait3A_2299 = arith.constant 0 : i32
    %dma_wait3A_2300 = tpu.memref_slice %arg6[%dma_wait3A_2286, %dma_wait3A_2298, %dma_wait3A_2299] : memref<2x512x64xf32, #tpu.memory_space<vmem>> -> memref<1x512x64xf32, #tpu.memory_space<vmem>>
    %dma_wait3A_2301 = tpu.memref_squeeze %dma_wait3A_2300 : memref<1x512x64xf32, #tpu.memory_space<vmem>> -> memref<512x64xf32, #tpu.memory_space<vmem>>
    tpu.wait_dma2 semaphore(%dma_wait3A_2295 : memref<!tpu.dma_semaphore, #tpu.memory_space<semaphore_mem>>) src(%dma_wait3A_2301 : memref<512x64xf32, #tpu.memory_space<vmem>>) dst(%dma_wait3A_2297 : memref<512x64xf32, #tpu.memory_space<hbm>>)
    %dma_wait3A_2302 = arith.constant 24 : i32
    %dma_wait3A_2303 = arith.constant 0 : i32
    %dma_wait3A_2304 = arith.constant 0 : i32
    %dma_wait3A_2305 = arith.constant 0 : i32
    %dma_wait3A_2306 = tpu.memref_slice %arg5[%dma_wait3A_2303, %dma_wait3A_2305] : memref<2x512xi32, #tpu.memory_space<vmem>> -> memref<1x512xi32, #tpu.memory_space<vmem>>
    %dma_wait3A_2307 = tpu.memref_squeeze %dma_wait3A_2306 : memref<1x512xi32, #tpu.memory_space<vmem>> -> memref<512xi32, #tpu.memory_space<vmem>>
    %dma_wait3A_2308 = tpu.memref_slice %arg2[%dma_wait3A_2302, %mul3A_2] : memref<26x16384xi32, #tpu.memory_space<hbm>> -> memref<1x512xi32, #tpu.memory_space<hbm>>
    %dma_wait3A_2309 = tpu.memref_squeeze %dma_wait3A_2308 : memref<1x512xi32, #tpu.memory_space<hbm>> -> memref<512xi32, #tpu.memory_space<hbm>>
    %dma_wait3A_2310 = tpu.memref_slice %arg7[%dma_wait3A_2304] : memref<2x!tpu.dma_semaphore, #tpu.memory_space<semaphore_mem>> -> memref<1x!tpu.dma_semaphore, #tpu.memory_space<semaphore_mem>>
    %dma_wait3A_2311 = tpu.memref_squeeze %dma_wait3A_2310 : memref<1x!tpu.dma_semaphore, #tpu.memory_space<semaphore_mem>> -> memref<!tpu.dma_semaphore, #tpu.memory_space<semaphore_mem>>
    %dma_wait3A_2312 = arith.constant 0 : i32
    %dma_wait3A_2313 = tpu.memref_slice %arg5[%dma_wait3A_2303, %dma_wait3A_2312] : memref<2x512xi32, #tpu.memory_space<vmem>> -> memref<1x512xi32, #tpu.memory_space<vmem>>
    %dma_wait3A_2314 = tpu.memref_squeeze %dma_wait3A_2313 : memref<1x512xi32, #tpu.memory_space<vmem>> -> memref<512xi32, #tpu.memory_space<vmem>>
    %dma_wait3A_2315 = tpu.memref_slice %arg2[%dma_wait3A_2302, %mul3A_2] : memref<26x16384xi32, #tpu.memory_space<hbm>> -> memref<1x512xi32, #tpu.memory_space<hbm>>
    %dma_wait3A_2316 = tpu.memref_squeeze %dma_wait3A_2315 : memref<1x512xi32, #tpu.memory_space<hbm>> -> memref<512xi32, #tpu.memory_space<hbm>>
    tpu.wait_dma2 semaphore(%dma_wait3A_2311 : memref<!tpu.dma_semaphore, #tpu.memory_space<semaphore_mem>>) src(%dma_wait3A_2316 : memref<512xi32, #tpu.memory_space<hbm>>) dst(%dma_wait3A_2314 : memref<512xi32, #tpu.memory_space<vmem>>)
    %dma_start3A_2317 = arith.constant 0 : i32
    %dma_start3A_2318 = arith.constant 0 : i32
    %dma_start3A_2319 = arith.constant 0 : i32
    %dma_start3A_2320 = arith.constant 0 : i32
    %dma_start3A_2321 = arith.constant 0 : i32
    %dma_start3A_2322 = tpu.memref_slice %arg6[%dma_start3A_2318, %dma_start3A_2320, %dma_start3A_2321] : memref<2x512x64xf32, #tpu.memory_space<vmem>> -> memref<1x512x64xf32, #tpu.memory_space<vmem>>
    %dma_start3A_2323 = tpu.memref_squeeze %dma_start3A_2322 : memref<1x512x64xf32, #tpu.memory_space<vmem>> -> memref<512x64xf32, #tpu.memory_space<vmem>>
    %dma_start3A_2324 = arith.constant 0 : i32
    %dma_start3A_2325 = tpu.memref_slice %arg5[%dma_start3A_2317, %dma_start3A_2324] : memref<2x512xi32, #tpu.memory_space<vmem>> -> memref<1x512xi32, #tpu.memory_space<vmem>>
    %dma_start3A_2326 = tpu.memref_squeeze %dma_start3A_2325 : memref<1x512xi32, #tpu.memory_space<vmem>> -> memref<512xi32, #tpu.memory_space<vmem>>
    %dma_start3A_2327 = arith.constant 0 : i32
    %dma_start3A_2328 = arith.constant 0 : i32
    %dma_start3A_2329 = tpu.memref_slice %arg3[%dma_start3A_2327, %dma_start3A_2328] : memref<1000000x64xf32, #tpu.memory_space<hbm>> -> memref<1000000x64xf32, #tpu.memory_space<hbm>>
    %dma_start3A_2330 = tpu.memref_slice %arg8[%dma_start3A_2319] : memref<2x!tpu.dma_semaphore, #tpu.memory_space<semaphore_mem>> -> memref<1x!tpu.dma_semaphore, #tpu.memory_space<semaphore_mem>>
    %dma_start3A_2331 = tpu.memref_squeeze %dma_start3A_2330 : memref<1x!tpu.dma_semaphore, #tpu.memory_space<semaphore_mem>> -> memref<!tpu.dma_semaphore, #tpu.memory_space<semaphore_mem>>
    tpu.enqueue_indirect_dma source(%dma_start3A_2329 : memref<1000000x64xf32, #tpu.memory_space<hbm>>) target(%dma_start3A_2323 : memref<512x64xf32, #tpu.memory_space<vmem>>) offsets(%dma_start3A_2326 : memref<512xi32, #tpu.memory_space<vmem>>) semaphore(%dma_start3A_2331 : memref<!tpu.dma_semaphore, #tpu.memory_space<semaphore_mem>>)
    %dma_start3A_2332 = arith.constant 25 : i32
    %dma_start3A_2333 = arith.constant 1 : i32
    %dma_start3A_2334 = arith.constant 1 : i32
    %dma_start3A_2335 = arith.constant 0 : i32
    %dma_start3A_2336 = tpu.memref_slice %arg5[%dma_start3A_2333, %dma_start3A_2335] : memref<2x512xi32, #tpu.memory_space<vmem>> -> memref<1x512xi32, #tpu.memory_space<vmem>>
    %dma_start3A_2337 = tpu.memref_squeeze %dma_start3A_2336 : memref<1x512xi32, #tpu.memory_space<vmem>> -> memref<512xi32, #tpu.memory_space<vmem>>
    %dma_start3A_2338 = tpu.memref_slice %arg2[%dma_start3A_2332, %mul3A_2] : memref<26x16384xi32, #tpu.memory_space<hbm>> -> memref<1x512xi32, #tpu.memory_space<hbm>>
    %dma_start3A_2339 = tpu.memref_squeeze %dma_start3A_2338 : memref<1x512xi32, #tpu.memory_space<hbm>> -> memref<512xi32, #tpu.memory_space<hbm>>
    %dma_start3A_2340 = tpu.memref_slice %arg7[%dma_start3A_2334] : memref<2x!tpu.dma_semaphore, #tpu.memory_space<semaphore_mem>> -> memref<1x!tpu.dma_semaphore, #tpu.memory_space<semaphore_mem>>
    %dma_start3A_2341 = tpu.memref_squeeze %dma_start3A_2340 : memref<1x!tpu.dma_semaphore, #tpu.memory_space<semaphore_mem>> -> memref<!tpu.dma_semaphore, #tpu.memory_space<semaphore_mem>>
    %dma_start3A_2342 = arith.constant 0 : i32
    %dma_start3A_2343 = tpu.memref_slice %arg5[%dma_start3A_2333, %dma_start3A_2342] : memref<2x512xi32, #tpu.memory_space<vmem>> -> memref<1x512xi32, #tpu.memory_space<vmem>>
    %dma_start3A_2344 = tpu.memref_squeeze %dma_start3A_2343 : memref<1x512xi32, #tpu.memory_space<vmem>> -> memref<512xi32, #tpu.memory_space<vmem>>
    %dma_start3A_2345 = tpu.memref_slice %arg2[%dma_start3A_2332, %mul3A_2] : memref<26x16384xi32, #tpu.memory_space<hbm>> -> memref<1x512xi32, #tpu.memory_space<hbm>>
    %dma_start3A_2346 = tpu.memref_squeeze %dma_start3A_2345 : memref<1x512xi32, #tpu.memory_space<hbm>> -> memref<512xi32, #tpu.memory_space<hbm>>
    tpu.enqueue_dma source(%dma_start3A_2346 : memref<512xi32, #tpu.memory_space<hbm>>) target(%dma_start3A_2344 : memref<512xi32, #tpu.memory_space<vmem>>) target_semaphore(%dma_start3A_2341 : memref<!tpu.dma_semaphore, #tpu.memory_space<semaphore_mem>>)
    %dma_wait3A_2347 = arith.constant 0 : i32
    %dma_wait3A_2348 = arith.constant 0 : i32
    %dma_wait3A_2349 = arith.constant 0 : i32
    %dma_wait3A_2350 = arith.constant 0 : i32
    %dma_wait3A_2351 = arith.constant 0 : i32
    %dma_wait3A_2352 = tpu.memref_slice %arg6[%dma_wait3A_2348, %dma_wait3A_2350, %dma_wait3A_2351] : memref<2x512x64xf32, #tpu.memory_space<vmem>> -> memref<1x512x64xf32, #tpu.memory_space<vmem>>
    %dma_wait3A_2353 = tpu.memref_squeeze %dma_wait3A_2352 : memref<1x512x64xf32, #tpu.memory_space<vmem>> -> memref<512x64xf32, #tpu.memory_space<vmem>>
    %dma_wait3A_2354 = arith.constant 0 : i32
    %dma_wait3A_2355 = tpu.memref_slice %arg5[%dma_wait3A_2347, %dma_wait3A_2354] : memref<2x512xi32, #tpu.memory_space<vmem>> -> memref<1x512xi32, #tpu.memory_space<vmem>>
    %dma_wait3A_2356 = tpu.memref_squeeze %dma_wait3A_2355 : memref<1x512xi32, #tpu.memory_space<vmem>> -> memref<512xi32, #tpu.memory_space<vmem>>
    %dma_wait3A_2357 = arith.constant 0 : i32
    %dma_wait3A_2358 = arith.constant 0 : i32
    %dma_wait3A_2359 = tpu.memref_slice %arg3[%dma_wait3A_2357, %dma_wait3A_2358] : memref<1000000x64xf32, #tpu.memory_space<hbm>> -> memref<1000000x64xf32, #tpu.memory_space<hbm>>
    %dma_wait3A_2360 = tpu.memref_slice %arg8[%dma_wait3A_2349] : memref<2x!tpu.dma_semaphore, #tpu.memory_space<semaphore_mem>> -> memref<1x!tpu.dma_semaphore, #tpu.memory_space<semaphore_mem>>
    %dma_wait3A_2361 = tpu.memref_squeeze %dma_wait3A_2360 : memref<1x!tpu.dma_semaphore, #tpu.memory_space<semaphore_mem>> -> memref<!tpu.dma_semaphore, #tpu.memory_space<semaphore_mem>>
    tpu.wait_indirect_dma semaphore(%dma_wait3A_2361 : memref<!tpu.dma_semaphore, #tpu.memory_space<semaphore_mem>>) src(%dma_wait3A_2359 : memref<1000000x64xf32, #tpu.memory_space<hbm>>) dst(%dma_wait3A_2353 : memref<512x64xf32, #tpu.memory_space<vmem>>)
    %add3A_2362 = arith.constant 393216 : i32
    %add3A_2363 = arith.addi %add3A_2362, %mul3A_2 : i32
    %dma_start3A_2364 = arith.constant 0 : i32
    %dma_start3A_2365 = arith.constant 0 : i32
    %dma_start3A_2366 = arith.constant 0 : i32
    %dma_start3A_2367 = arith.constant 0 : i32
    %dma_start3A_2368 = tpu.memref_slice %arg6[%dma_start3A_2364, %dma_start3A_2366, %dma_start3A_2367] : memref<2x512x64xf32, #tpu.memory_space<vmem>> -> memref<1x512x64xf32, #tpu.memory_space<vmem>>
    %dma_start3A_2369 = tpu.memref_squeeze %dma_start3A_2368 : memref<1x512x64xf32, #tpu.memory_space<vmem>> -> memref<512x64xf32, #tpu.memory_space<vmem>>
    %dma_start3A_2370 = arith.constant 0 : i32
    %dma_start3A_2371 = tpu.memref_slice %arg4[%add3A_2363, %dma_start3A_2370] : memref<425984x64xf32, #tpu.memory_space<hbm>> -> memref<512x64xf32, #tpu.memory_space<hbm>>
    %dma_start3A_2372 = tpu.memref_slice %arg9[%dma_start3A_2365] : memref<2x!tpu.dma_semaphore, #tpu.memory_space<semaphore_mem>> -> memref<1x!tpu.dma_semaphore, #tpu.memory_space<semaphore_mem>>
    %dma_start3A_2373 = tpu.memref_squeeze %dma_start3A_2372 : memref<1x!tpu.dma_semaphore, #tpu.memory_space<semaphore_mem>> -> memref<!tpu.dma_semaphore, #tpu.memory_space<semaphore_mem>>
    %dma_start3A_2374 = arith.constant 0 : i32
    %dma_start3A_2375 = tpu.memref_slice %arg4[%add3A_2363, %dma_start3A_2374] : memref<425984x64xf32, #tpu.memory_space<hbm>> -> memref<512x64xf32, #tpu.memory_space<hbm>>
    %dma_start3A_2376 = arith.constant 0 : i32
    %dma_start3A_2377 = arith.constant 0 : i32
    %dma_start3A_2378 = tpu.memref_slice %arg6[%dma_start3A_2364, %dma_start3A_2376, %dma_start3A_2377] : memref<2x512x64xf32, #tpu.memory_space<vmem>> -> memref<1x512x64xf32, #tpu.memory_space<vmem>>
    %dma_start3A_2379 = tpu.memref_squeeze %dma_start3A_2378 : memref<1x512x64xf32, #tpu.memory_space<vmem>> -> memref<512x64xf32, #tpu.memory_space<vmem>>
    tpu.enqueue_dma source(%dma_start3A_2379 : memref<512x64xf32, #tpu.memory_space<vmem>>) target(%dma_start3A_2375 : memref<512x64xf32, #tpu.memory_space<hbm>>) target_semaphore(%dma_start3A_2373 : memref<!tpu.dma_semaphore, #tpu.memory_space<semaphore_mem>>)
    %add3A_2380 = arith.constant 376832 : i32
    %add3A_2381 = arith.addi %add3A_2380, %mul3A_2 : i32
    %dma_wait3A_2382 = arith.constant 1 : i32
    %dma_wait3A_2383 = arith.constant 1 : i32
    %dma_wait3A_2384 = arith.constant 0 : i32
    %dma_wait3A_2385 = arith.constant 0 : i32
    %dma_wait3A_2386 = tpu.memref_slice %arg6[%dma_wait3A_2382, %dma_wait3A_2384, %dma_wait3A_2385] : memref<2x512x64xf32, #tpu.memory_space<vmem>> -> memref<1x512x64xf32, #tpu.memory_space<vmem>>
    %dma_wait3A_2387 = tpu.memref_squeeze %dma_wait3A_2386 : memref<1x512x64xf32, #tpu.memory_space<vmem>> -> memref<512x64xf32, #tpu.memory_space<vmem>>
    %dma_wait3A_2388 = arith.constant 0 : i32
    %dma_wait3A_2389 = tpu.memref_slice %arg4[%add3A_2381, %dma_wait3A_2388] : memref<425984x64xf32, #tpu.memory_space<hbm>> -> memref<512x64xf32, #tpu.memory_space<hbm>>
    %dma_wait3A_2390 = tpu.memref_slice %arg9[%dma_wait3A_2383] : memref<2x!tpu.dma_semaphore, #tpu.memory_space<semaphore_mem>> -> memref<1x!tpu.dma_semaphore, #tpu.memory_space<semaphore_mem>>
    %dma_wait3A_2391 = tpu.memref_squeeze %dma_wait3A_2390 : memref<1x!tpu.dma_semaphore, #tpu.memory_space<semaphore_mem>> -> memref<!tpu.dma_semaphore, #tpu.memory_space<semaphore_mem>>
    %dma_wait3A_2392 = arith.constant 0 : i32
    %dma_wait3A_2393 = tpu.memref_slice %arg4[%add3A_2381, %dma_wait3A_2392] : memref<425984x64xf32, #tpu.memory_space<hbm>> -> memref<512x64xf32, #tpu.memory_space<hbm>>
    %dma_wait3A_2394 = arith.constant 0 : i32
    %dma_wait3A_2395 = arith.constant 0 : i32
    %dma_wait3A_2396 = tpu.memref_slice %arg6[%dma_wait3A_2382, %dma_wait3A_2394, %dma_wait3A_2395] : memref<2x512x64xf32, #tpu.memory_space<vmem>> -> memref<1x512x64xf32, #tpu.memory_space<vmem>>
    %dma_wait3A_2397 = tpu.memref_squeeze %dma_wait3A_2396 : memref<1x512x64xf32, #tpu.memory_space<vmem>> -> memref<512x64xf32, #tpu.memory_space<vmem>>
    tpu.wait_dma2 semaphore(%dma_wait3A_2391 : memref<!tpu.dma_semaphore, #tpu.memory_space<semaphore_mem>>) src(%dma_wait3A_2397 : memref<512x64xf32, #tpu.memory_space<vmem>>) dst(%dma_wait3A_2393 : memref<512x64xf32, #tpu.memory_space<hbm>>)
    %dma_wait3A_2398 = arith.constant 25 : i32
    %dma_wait3A_2399 = arith.constant 1 : i32
    %dma_wait3A_2400 = arith.constant 1 : i32
    %dma_wait3A_2401 = arith.constant 0 : i32
    %dma_wait3A_2402 = tpu.memref_slice %arg5[%dma_wait3A_2399, %dma_wait3A_2401] : memref<2x512xi32, #tpu.memory_space<vmem>> -> memref<1x512xi32, #tpu.memory_space<vmem>>
    %dma_wait3A_2403 = tpu.memref_squeeze %dma_wait3A_2402 : memref<1x512xi32, #tpu.memory_space<vmem>> -> memref<512xi32, #tpu.memory_space<vmem>>
    %dma_wait3A_2404 = tpu.memref_slice %arg2[%dma_wait3A_2398, %mul3A_2] : memref<26x16384xi32, #tpu.memory_space<hbm>> -> memref<1x512xi32, #tpu.memory_space<hbm>>
    %dma_wait3A_2405 = tpu.memref_squeeze %dma_wait3A_2404 : memref<1x512xi32, #tpu.memory_space<hbm>> -> memref<512xi32, #tpu.memory_space<hbm>>
    %dma_wait3A_2406 = tpu.memref_slice %arg7[%dma_wait3A_2400] : memref<2x!tpu.dma_semaphore, #tpu.memory_space<semaphore_mem>> -> memref<1x!tpu.dma_semaphore, #tpu.memory_space<semaphore_mem>>
    %dma_wait3A_2407 = tpu.memref_squeeze %dma_wait3A_2406 : memref<1x!tpu.dma_semaphore, #tpu.memory_space<semaphore_mem>> -> memref<!tpu.dma_semaphore, #tpu.memory_space<semaphore_mem>>
    %dma_wait3A_2408 = arith.constant 0 : i32
    %dma_wait3A_2409 = tpu.memref_slice %arg5[%dma_wait3A_2399, %dma_wait3A_2408] : memref<2x512xi32, #tpu.memory_space<vmem>> -> memref<1x512xi32, #tpu.memory_space<vmem>>
    %dma_wait3A_2410 = tpu.memref_squeeze %dma_wait3A_2409 : memref<1x512xi32, #tpu.memory_space<vmem>> -> memref<512xi32, #tpu.memory_space<vmem>>
    %dma_wait3A_2411 = tpu.memref_slice %arg2[%dma_wait3A_2398, %mul3A_2] : memref<26x16384xi32, #tpu.memory_space<hbm>> -> memref<1x512xi32, #tpu.memory_space<hbm>>
    %dma_wait3A_2412 = tpu.memref_squeeze %dma_wait3A_2411 : memref<1x512xi32, #tpu.memory_space<hbm>> -> memref<512xi32, #tpu.memory_space<hbm>>
    tpu.wait_dma2 semaphore(%dma_wait3A_2407 : memref<!tpu.dma_semaphore, #tpu.memory_space<semaphore_mem>>) src(%dma_wait3A_2412 : memref<512xi32, #tpu.memory_space<hbm>>) dst(%dma_wait3A_2410 : memref<512xi32, #tpu.memory_space<vmem>>)
    %dma_start3A_2413 = arith.constant 1 : i32
    %dma_start3A_2414 = arith.constant 1 : i32
    %dma_start3A_2415 = arith.constant 1 : i32
    %dma_start3A_2416 = arith.constant 0 : i32
    %dma_start3A_2417 = arith.constant 0 : i32
    %dma_start3A_2418 = tpu.memref_slice %arg6[%dma_start3A_2414, %dma_start3A_2416, %dma_start3A_2417] : memref<2x512x64xf32, #tpu.memory_space<vmem>> -> memref<1x512x64xf32, #tpu.memory_space<vmem>>
    %dma_start3A_2419 = tpu.memref_squeeze %dma_start3A_2418 : memref<1x512x64xf32, #tpu.memory_space<vmem>> -> memref<512x64xf32, #tpu.memory_space<vmem>>
    %dma_start3A_2420 = arith.constant 0 : i32
    %dma_start3A_2421 = tpu.memref_slice %arg5[%dma_start3A_2413, %dma_start3A_2420] : memref<2x512xi32, #tpu.memory_space<vmem>> -> memref<1x512xi32, #tpu.memory_space<vmem>>
    %dma_start3A_2422 = tpu.memref_squeeze %dma_start3A_2421 : memref<1x512xi32, #tpu.memory_space<vmem>> -> memref<512xi32, #tpu.memory_space<vmem>>
    %dma_start3A_2423 = arith.constant 0 : i32
    %dma_start3A_2424 = arith.constant 0 : i32
    %dma_start3A_2425 = tpu.memref_slice %arg3[%dma_start3A_2423, %dma_start3A_2424] : memref<1000000x64xf32, #tpu.memory_space<hbm>> -> memref<1000000x64xf32, #tpu.memory_space<hbm>>
    %dma_start3A_2426 = tpu.memref_slice %arg8[%dma_start3A_2415] : memref<2x!tpu.dma_semaphore, #tpu.memory_space<semaphore_mem>> -> memref<1x!tpu.dma_semaphore, #tpu.memory_space<semaphore_mem>>
    %dma_start3A_2427 = tpu.memref_squeeze %dma_start3A_2426 : memref<1x!tpu.dma_semaphore, #tpu.memory_space<semaphore_mem>> -> memref<!tpu.dma_semaphore, #tpu.memory_space<semaphore_mem>>
    tpu.enqueue_indirect_dma source(%dma_start3A_2425 : memref<1000000x64xf32, #tpu.memory_space<hbm>>) target(%dma_start3A_2419 : memref<512x64xf32, #tpu.memory_space<vmem>>) offsets(%dma_start3A_2422 : memref<512xi32, #tpu.memory_space<vmem>>) semaphore(%dma_start3A_2427 : memref<!tpu.dma_semaphore, #tpu.memory_space<semaphore_mem>>)
    %dma_wait3A_2428 = arith.constant 1 : i32
    %dma_wait3A_2429 = arith.constant 1 : i32
    %dma_wait3A_2430 = arith.constant 1 : i32
    %dma_wait3A_2431 = arith.constant 0 : i32
    %dma_wait3A_2432 = arith.constant 0 : i32
    %dma_wait3A_2433 = tpu.memref_slice %arg6[%dma_wait3A_2429, %dma_wait3A_2431, %dma_wait3A_2432] : memref<2x512x64xf32, #tpu.memory_space<vmem>> -> memref<1x512x64xf32, #tpu.memory_space<vmem>>
    %dma_wait3A_2434 = tpu.memref_squeeze %dma_wait3A_2433 : memref<1x512x64xf32, #tpu.memory_space<vmem>> -> memref<512x64xf32, #tpu.memory_space<vmem>>
    %dma_wait3A_2435 = arith.constant 0 : i32
    %dma_wait3A_2436 = tpu.memref_slice %arg5[%dma_wait3A_2428, %dma_wait3A_2435] : memref<2x512xi32, #tpu.memory_space<vmem>> -> memref<1x512xi32, #tpu.memory_space<vmem>>
    %dma_wait3A_2437 = tpu.memref_squeeze %dma_wait3A_2436 : memref<1x512xi32, #tpu.memory_space<vmem>> -> memref<512xi32, #tpu.memory_space<vmem>>
    %dma_wait3A_2438 = arith.constant 0 : i32
    %dma_wait3A_2439 = arith.constant 0 : i32
    %dma_wait3A_2440 = tpu.memref_slice %arg3[%dma_wait3A_2438, %dma_wait3A_2439] : memref<1000000x64xf32, #tpu.memory_space<hbm>> -> memref<1000000x64xf32, #tpu.memory_space<hbm>>
    %dma_wait3A_2441 = tpu.memref_slice %arg8[%dma_wait3A_2430] : memref<2x!tpu.dma_semaphore, #tpu.memory_space<semaphore_mem>> -> memref<1x!tpu.dma_semaphore, #tpu.memory_space<semaphore_mem>>
    %dma_wait3A_2442 = tpu.memref_squeeze %dma_wait3A_2441 : memref<1x!tpu.dma_semaphore, #tpu.memory_space<semaphore_mem>> -> memref<!tpu.dma_semaphore, #tpu.memory_space<semaphore_mem>>
    tpu.wait_indirect_dma semaphore(%dma_wait3A_2442 : memref<!tpu.dma_semaphore, #tpu.memory_space<semaphore_mem>>) src(%dma_wait3A_2440 : memref<1000000x64xf32, #tpu.memory_space<hbm>>) dst(%dma_wait3A_2434 : memref<512x64xf32, #tpu.memory_space<vmem>>)
    %add3A_2443 = arith.constant 409600 : i32
    %add3A_2444 = arith.addi %add3A_2443, %mul3A_2 : i32
    %dma_start3A_2445 = arith.constant 1 : i32
    %dma_start3A_2446 = arith.constant 1 : i32
    %dma_start3A_2447 = arith.constant 0 : i32
    %dma_start3A_2448 = arith.constant 0 : i32
    %dma_start3A_2449 = tpu.memref_slice %arg6[%dma_start3A_2445, %dma_start3A_2447, %dma_start3A_2448] : memref<2x512x64xf32, #tpu.memory_space<vmem>> -> memref<1x512x64xf32, #tpu.memory_space<vmem>>
    %dma_start3A_2450 = tpu.memref_squeeze %dma_start3A_2449 : memref<1x512x64xf32, #tpu.memory_space<vmem>> -> memref<512x64xf32, #tpu.memory_space<vmem>>
    %dma_start3A_2451 = arith.constant 0 : i32
    %dma_start3A_2452 = tpu.memref_slice %arg4[%add3A_2444, %dma_start3A_2451] : memref<425984x64xf32, #tpu.memory_space<hbm>> -> memref<512x64xf32, #tpu.memory_space<hbm>>
    %dma_start3A_2453 = tpu.memref_slice %arg9[%dma_start3A_2446] : memref<2x!tpu.dma_semaphore, #tpu.memory_space<semaphore_mem>> -> memref<1x!tpu.dma_semaphore, #tpu.memory_space<semaphore_mem>>
    %dma_start3A_2454 = tpu.memref_squeeze %dma_start3A_2453 : memref<1x!tpu.dma_semaphore, #tpu.memory_space<semaphore_mem>> -> memref<!tpu.dma_semaphore, #tpu.memory_space<semaphore_mem>>
    %dma_start3A_2455 = arith.constant 0 : i32
    %dma_start3A_2456 = tpu.memref_slice %arg4[%add3A_2444, %dma_start3A_2455] : memref<425984x64xf32, #tpu.memory_space<hbm>> -> memref<512x64xf32, #tpu.memory_space<hbm>>
    %dma_start3A_2457 = arith.constant 0 : i32
    %dma_start3A_2458 = arith.constant 0 : i32
    %dma_start3A_2459 = tpu.memref_slice %arg6[%dma_start3A_2445, %dma_start3A_2457, %dma_start3A_2458] : memref<2x512x64xf32, #tpu.memory_space<vmem>> -> memref<1x512x64xf32, #tpu.memory_space<vmem>>
    %dma_start3A_2460 = tpu.memref_squeeze %dma_start3A_2459 : memref<1x512x64xf32, #tpu.memory_space<vmem>> -> memref<512x64xf32, #tpu.memory_space<vmem>>
    tpu.enqueue_dma source(%dma_start3A_2460 : memref<512x64xf32, #tpu.memory_space<vmem>>) target(%dma_start3A_2456 : memref<512x64xf32, #tpu.memory_space<hbm>>) target_semaphore(%dma_start3A_2454 : memref<!tpu.dma_semaphore, #tpu.memory_space<semaphore_mem>>)
    %add3A_2461 = arith.constant 393216 : i32
    %add3A_2462 = arith.addi %add3A_2461, %mul3A_2 : i32
    %dma_wait3A_2463 = arith.constant 0 : i32
    %dma_wait3A_2464 = arith.constant 0 : i32
    %dma_wait3A_2465 = arith.constant 0 : i32
    %dma_wait3A_2466 = arith.constant 0 : i32
    %dma_wait3A_2467 = tpu.memref_slice %arg6[%dma_wait3A_2463, %dma_wait3A_2465, %dma_wait3A_2466] : memref<2x512x64xf32, #tpu.memory_space<vmem>> -> memref<1x512x64xf32, #tpu.memory_space<vmem>>
    %dma_wait3A_2468 = tpu.memref_squeeze %dma_wait3A_2467 : memref<1x512x64xf32, #tpu.memory_space<vmem>> -> memref<512x64xf32, #tpu.memory_space<vmem>>
    %dma_wait3A_2469 = arith.constant 0 : i32
    %dma_wait3A_2470 = tpu.memref_slice %arg4[%add3A_2462, %dma_wait3A_2469] : memref<425984x64xf32, #tpu.memory_space<hbm>> -> memref<512x64xf32, #tpu.memory_space<hbm>>
    %dma_wait3A_2471 = tpu.memref_slice %arg9[%dma_wait3A_2464] : memref<2x!tpu.dma_semaphore, #tpu.memory_space<semaphore_mem>> -> memref<1x!tpu.dma_semaphore, #tpu.memory_space<semaphore_mem>>
    %dma_wait3A_2472 = tpu.memref_squeeze %dma_wait3A_2471 : memref<1x!tpu.dma_semaphore, #tpu.memory_space<semaphore_mem>> -> memref<!tpu.dma_semaphore, #tpu.memory_space<semaphore_mem>>
    %dma_wait3A_2473 = arith.constant 0 : i32
    %dma_wait3A_2474 = tpu.memref_slice %arg4[%add3A_2462, %dma_wait3A_2473] : memref<425984x64xf32, #tpu.memory_space<hbm>> -> memref<512x64xf32, #tpu.memory_space<hbm>>
    %dma_wait3A_2475 = arith.constant 0 : i32
    %dma_wait3A_2476 = arith.constant 0 : i32
    %dma_wait3A_2477 = tpu.memref_slice %arg6[%dma_wait3A_2463, %dma_wait3A_2475, %dma_wait3A_2476] : memref<2x512x64xf32, #tpu.memory_space<vmem>> -> memref<1x512x64xf32, #tpu.memory_space<vmem>>
    %dma_wait3A_2478 = tpu.memref_squeeze %dma_wait3A_2477 : memref<1x512x64xf32, #tpu.memory_space<vmem>> -> memref<512x64xf32, #tpu.memory_space<vmem>>
    tpu.wait_dma2 semaphore(%dma_wait3A_2472 : memref<!tpu.dma_semaphore, #tpu.memory_space<semaphore_mem>>) src(%dma_wait3A_2478 : memref<512x64xf32, #tpu.memory_space<vmem>>) dst(%dma_wait3A_2474 : memref<512x64xf32, #tpu.memory_space<hbm>>)
    %add3A_2479 = arith.constant 409600 : i32
    %add3A_2480 = arith.addi %add3A_2479, %mul3A_2 : i32
    %dma_wait3A_2481 = arith.constant 1 : i32
    %dma_wait3A_2482 = arith.constant 1 : i32
    %dma_wait3A_2483 = arith.constant 0 : i32
    %dma_wait3A_2484 = arith.constant 0 : i32
    %dma_wait3A_2485 = tpu.memref_slice %arg6[%dma_wait3A_2481, %dma_wait3A_2483, %dma_wait3A_2484] : memref<2x512x64xf32, #tpu.memory_space<vmem>> -> memref<1x512x64xf32, #tpu.memory_space<vmem>>
    %dma_wait3A_2486 = tpu.memref_squeeze %dma_wait3A_2485 : memref<1x512x64xf32, #tpu.memory_space<vmem>> -> memref<512x64xf32, #tpu.memory_space<vmem>>
    %dma_wait3A_2487 = arith.constant 0 : i32
    %dma_wait3A_2488 = tpu.memref_slice %arg4[%add3A_2480, %dma_wait3A_2487] : memref<425984x64xf32, #tpu.memory_space<hbm>> -> memref<512x64xf32, #tpu.memory_space<hbm>>
    %dma_wait3A_2489 = tpu.memref_slice %arg9[%dma_wait3A_2482] : memref<2x!tpu.dma_semaphore, #tpu.memory_space<semaphore_mem>> -> memref<1x!tpu.dma_semaphore, #tpu.memory_space<semaphore_mem>>
    %dma_wait3A_2490 = tpu.memref_squeeze %dma_wait3A_2489 : memref<1x!tpu.dma_semaphore, #tpu.memory_space<semaphore_mem>> -> memref<!tpu.dma_semaphore, #tpu.memory_space<semaphore_mem>>
    %dma_wait3A_2491 = arith.constant 0 : i32
    %dma_wait3A_2492 = tpu.memref_slice %arg4[%add3A_2480, %dma_wait3A_2491] : memref<425984x64xf32, #tpu.memory_space<hbm>> -> memref<512x64xf32, #tpu.memory_space<hbm>>
    %dma_wait3A_2493 = arith.constant 0 : i32
    %dma_wait3A_2494 = arith.constant 0 : i32
    %dma_wait3A_2495 = tpu.memref_slice %arg6[%dma_wait3A_2481, %dma_wait3A_2493, %dma_wait3A_2494] : memref<2x512x64xf32, #tpu.memory_space<vmem>> -> memref<1x512x64xf32, #tpu.memory_space<vmem>>
    %dma_wait3A_2496 = tpu.memref_squeeze %dma_wait3A_2495 : memref<1x512x64xf32, #tpu.memory_space<vmem>> -> memref<512x64xf32, #tpu.memory_space<vmem>>
    tpu.wait_dma2 semaphore(%dma_wait3A_2490 : memref<!tpu.dma_semaphore, #tpu.memory_space<semaphore_mem>>) src(%dma_wait3A_2496 : memref<512x64xf32, #tpu.memory_space<vmem>>) dst(%dma_wait3A_2492 : memref<512x64xf32, #tpu.memory_space<hbm>>)
    return
  }
}

</mosaic_0001>

<sc_bundles>
// kernel: kernel.3.cloned.1.call-start
scs
__scs_entry_jumppad:
0x0: {  	(pc) =	sbr.rel $0x88, $3  }
0x1: {  	(tag) =	ssettag $0x0;
	lr =	simm.s32 $0x1  }
0x2: {  	[smem:$0x3F9F] =	sst lr;
	_ =	strace $0xD0000000  }
0x3: {  	_ = 	snop  }
0x4: {  	_ = 	snop  }
0x5: {  	_ = 	snop  }
0x6: {  	_ = 	snop  }
0x7: {  	_ = 	snop  }
__scs_overlays_trampoline_lowered:
0x8: {  	[smem:$0x3FAE] =	sst s0  }
0x9: {  	[smem:$0x3FAF] =	sst s1  }
0xa: {  	[smem:$0x3FB0] =	sst s2  }
0xb: {  	[smem:$0x3FB1] =	sst s3  }
0xc: {  	[smem:$0x3FB2] =	sst s4  }
0xd: {  	[smem:$0x3FB3] =	sst s5  }
0xe: {  	[smem:$0x3FB4] =	sst s6  }
0xf: {  	[smem:$0x3FB5] =	sst s7  }
0x10: {  	[smem:$0x3FB6] =	sst s8  }
0x11: {  	[smem:$0x3FB7] =	sst s9;
	s0 =	simm.s32 @!p0 $0x0  }
0x12: {  	s1 =	sld [smem:$0x3F9D];
	s0 =	simm.s32 @p0 $0x1  }
0x13: {  	[smem:$0x3FB8] =	sst s0;
	s0 =	simm.s32 @!p1 $0x0  }
0x14: {  	s2 =	sld [smem:$0x3F9C];
	s0 =	simm.s32 @p1 $0x1  }
0x15: {  	[smem:$0x3FB9] =	sst s0;
	s0 =	simm.s32 @!p2 $0x0  }
0x16: {  	s3 =	sld [smem:$0x3FDB];
	s0 =	simm.s32 @p2 $0x1  }
0x17: {  	s4 =	simm.s32 $0x1BF5;
	[smem:$0x3FBB] =	sst s0  }
0x18: {  	s0 =	sld [smem:$0x3F9E];
	_ =	swait.ge [sflag:s4], $0x0  }
0x19: {  	s7 =	sld [smem:$0x3F9F]  }
0x1a: {  	s8 =	sadd.s32 $0xFFFFE003, lr  }
0x1b: {  	s9 =	sadd.s32 $0xFFFFFEF7, lr;
	s5 =	simm.s32 $0xFFFFFFFF;
	p2 =	slt.u32 s8, $0xFFFFF086  }
0x1c: {  	p1 =	slt.u32 s9, $0xF7A;
	s5 =	simm.s32 @!p2 $0x0  }
0x1d: {  	s5 =	simm.s32 @p1 $0x1;
	p0 =	seq.s32 s7, s2  }
0x1e: {  	s7 =	smul.u32 @!p0 $0xF7A, s2;
	p2 =	seq.s32 @!p0 s5, $0x0  }
0x1f: {  	s9 =	smul.u32 $0xF7A, s1;
	s8 =	simm.s32 @!p0 $0x1BF5;
	p2 =	por !p2, p0  }
0x20: {  	[sflag:s8] =	ssyncset.s32 @!p0 $0xFFFFF086;
	s6 =	sadd.s32 @!p0 s3, s7;
	s7 =	simm.s32 @!p0 $0x108  }
0x21: {  	s3 =	sadd.s32 s3, s9;
	s6 =	sadd.s32 @!p0 $0x88, s6;
	s7 =	simm.s32 @p2 $0x1082  }
0x22: {  	[simem:s7], [sflag:s8] =	dma.local @!p0 [hbm:s6], $0xF7A  }
0x23: {  	s9 =	sor.u32 $0xD0000000, s2;
	s6 =	simm.s32 $0x108;
	_ =	swait.ge @!p0 [sflag:s8], $0x0  }
0x24: {  	s3 =	sadd.s32 $0x88, s3;
	s6 =	simm.s32 @!p1 $0x1082;
	[sflag:s4] =	ssyncset.s32 $0xFFFFF086  }
0x25: {  	[simem:s6], [sflag:s4] =	dma.local [hbm:s3], $0xF7A  }
0x26: {  	[smem:$0x3F9F] =	sst s1;
	(tag) =	ssettag s2;
	_ =	strace s9  }
0x27: {  	s1 =	sld [smem:$0x3FAF]  }
0x28: {  	s2 =	sld [smem:$0x3FB0]  }
0x29: {  	s4 =	sld [smem:$0x3FB2]  }
0x2a: {  	p0 =	seq.s32 s5, $0x0;
	s5 =	sld [smem:$0x3FB3]  }
0x2b: {  	s6 =	sld [smem:$0x3FB4]  }
0x2c: {  	s7 =	sld [smem:$0x3FB5]  }
0x2d: {  	s3 =	simm.s32 $0x108;
	s8 =	sld [smem:$0x3FB6]  }
0x2e: {  	s3 =	simm.s32 @!p0 $0x1082;
	s9 =	sld [smem:$0x3FB7]  }
0x2f: {  	lr =	sadd.s32 s0, s3;
	s0 =	sld [smem:$0x3FAE]  }
0x30: {  	s3 =	sld [smem:$0x3FB1]  }
0x31: {  	[smem:$0x3FBA] =	sst s10  }
0x32: {  	s10 =	sld [smem:$0x3FB8];
	_ =	sdelay $0x3  }
0x33: {  	p0 =	seq.s32 s10, $0x1;
	s10 =	sld [smem:$0x3FBA];
	_ =	sdelay $0x3  }
0x34: {  	[smem:$0x3FBA] =	sst s10  }
0x35: {  	s10 =	sld [smem:$0x3FB9];
	_ =	sdelay $0x3  }
0x36: {  	p1 =	seq.s32 s10, $0x1;
	s10 =	sld [smem:$0x3FBA];
	_ =	sdelay $0x3  }
0x37: {  	[smem:$0x3FBA] =	sst s10  }
0x38: {  	s10 =	sld [smem:$0x3FBB]  }
0x39: {  	_ = 	snop;
	(pc) =	sbr.ind lr, $3  }
0x3a: {  	_ = 	snop  }
0x3b: {  	_ = 	snop  }
0x3c: {  	p2 =	seq.s32 s10, $0x1;
	s10 =	sld [smem:$0x3FBA]  }
0x3d: {  	_ =	shalt  }
0x3e: {  	_ =	shalt  }
0x3f: {  	_ =	shalt  }
0x40: {  	_ =	shalt  }
0x41: {  	_ =	shalt  }
0x42: {  	_ =	shalt  }
0x43: {  	_ =	shalt  }
0x44: {  	_ =	shalt  }
0x45: {  	_ =	shalt  }
0x46: {  	_ =	shalt  }
0x47: {  	_ =	shalt  }
0x48: {  	_ =	shalt  }
0x49: {  	_ =	shalt  }
0x4a: {  	_ =	shalt  }
0x4b: {  	_ =	shalt  }
0x4c: {  	_ =	shalt  }
0x4d: {  	_ =	shalt  }
0x4e: {  	_ =	shalt  }
0x4f: {  	_ =	shalt  }
0x50: {  	_ =	shalt  }
0x51: {  	_ =	shalt  }
0x52: {  	_ =	shalt  }
0x53: {  	_ =	shalt  }
0x54: {  	_ =	shalt  }
0x55: {  	_ =	shalt  }
0x56: {  	_ =	shalt  }
0x57: {  	_ =	shalt  }
0x58: {  	_ =	shalt  }
0x59: {  	_ =	shalt  }
0x5a: {  	_ =	shalt  }
0x5b: {  	_ =	shalt  }
0x5c: {  	_ =	shalt  }
0x5d: {  	_ =	shalt  }
0x5e: {  	_ =	shalt  }
0x5f: {  	_ =	shalt  }
0x60: {  	_ =	shalt  }
0x61: {  	_ =	shalt  }
0x62: {  	_ =	shalt  }
0x63: {  	_ =	shalt  }
0x64: {  	_ =	shalt  }
0x65: {  	_ =	shalt  }
0x66: {  	_ =	shalt  }
0x67: {  	_ =	shalt  }
0x68: {  	_ =	shalt  }
0x69: {  	_ =	shalt  }
0x6a: {  	_ =	shalt  }
0x6b: {  	_ =	shalt  }
0x6c: {  	_ =	shalt  }
0x6d: {  	_ =	shalt  }
0x6e: {  	_ =	shalt  }
0x6f: {  	_ =	shalt  }
0x70: {  	_ =	shalt  }
0x71: {  	_ =	shalt  }
0x72: {  	_ =	shalt  }
0x73: {  	_ =	shalt  }
0x74: {  	_ =	shalt  }
0x75: {  	_ =	shalt  }
0x76: {  	_ =	shalt  }
0x77: {  	_ =	shalt  }
0x78: {  	_ =	shalt  }
0x79: {  	_ =	shalt  }
0x7a: {  	_ =	shalt  }
0x7b: {  	_ =	shalt  }
0x7c: {  	_ =	shalt  }
0x7d: {  	_ =	shalt  }
0x7e: {  	_ =	shalt  }
0x7f: {  	_ =	shalt  }
0x80: {  	_ =	shalt  }
0x81: {  	_ =	shalt  }
0x82: {  	_ =	shalt  }
0x83: {  	_ =	shalt  }
0x84: {  	_ =	shalt  }
0x85: {  	_ =	shalt  }
0x86: {  	_ =	shalt  }
0x87: {  	_ =	shalt  }
.Lfunc_end0:
.L_simem_size_0:
called_computation.1_lowered:
.L_overlay_start_0:
0x88: {  	s2 =	sld [smem:$0x3FD9]  }
0x89: {  	s3 =	sld [smem:$0x3FFE];
	_ =	sdelay $0x1  }
0x8a: {  	s1 =	srdreg.scid  }
0x8b: {  	s0 =	sand.u32 $0x1, s1  }
0x8c: {  	s17 =	sshll.u32 s0, $0xA;
	s2 =	sadd.s32 s3, s2  }
0x8d: {  	s2 =	sadd.s32 s2, s17  }
0x8e: {  	[smem:$0x3FC6] =	sst s2  }
0x8f: {  	_ = 	snop  }
0x90: {  	s2 =	sld [smem:$0x3FD0];
	(tm) =	ssettm $0x1  }
0x91: {  	s18 =	sld [smem:$0x3FFB];
	_ =	sdelay $0x3  }
0x92: {  	_ =	strace s18  }
0x93: {  	s3 =	sld [smem:$0x3FFC];
	_ =	sdelay $0x3  }
0x94: {  	_ =	strace s3  }
0x95: {  	s3 =	sld [smem:$0x3FFD];
	_ =	sdelay $0x3  }
0x96: {  	_ =	strace s3  }
0x97: {  	_ =	strace $0x8FFFFFFF  }
0x98: {  	s19 =	sld [smem:$0x3FDB];
	_ =	sdelay $0x1  }
0x99: {  	s4 =	simm.s32 $_scs_section_size  }
0x9a: {  	s5 =	simm.s32 $_size__tile_overlayer_lowered;
	s6 =	simm.s32 $_tile_overlayer_lowered  }
0x9b: {  	s22 =	simm.s32 $0x1BFF;
	s21 =	sshll.u32 s6, $0x1;
	s3 =	sadd.s32 s4, s19  }
0x9c: {  	s7 =	simm.s32 $0x0;
	s20 =	sshll.u32 s5, $0x1;
	s5 =	sadd.s32 s21, s3  }
0x9d: {  	[timem:s7], [sflag:s22] =	dma.local [hbm:s5], s20  }
0x9e: {  	_ =	swait.ge [sflag:s22], s20  }
0x9f: {  	s4 =	ssub.s32 $0x0, s20;
	[sflag:s22] =	ssyncset.done $0x0  }
0xa0: {  	[sflag:s22] =	ssyncadd.s32 s4;
	_ =	sdelay $0x1  }
0xa1: {  	s23 =	simm.s32 $0x1B8B  }
0xa2: {  	_ =	swait.ge [sflag:s23], $0x1  }
0xa3: {  	[sflag:s23] =	ssyncset.done $0x0  }
0xa4: {  	s25 =	simm.s32 $0x1B8E;
	s24 =	sld [smem:$0x3FFE];
	[sflag:s23] =	ssyncadd.s32 $0xFFFFFFFF  }
0xa5: {  	s26 =	simm.s32 $execute0_lowered;
	[smem:$0x3FD2] =	sst s25  }
0xa6: {  	s5 =	sshll.u32 s26, $0x1;
	_ =	strace $0x80000046;
	[dreg:$0x1] =	wrdreg $0xFFFFFFFF  }
0xa7: {  	s28 =	simm.s32 $_size_execute0_lowered;
	s3 =	sadd.s32 s3, s5;
	[dreg:$0x0] =	wrdreg $0x0  }
0xa8: {  	s5 =	sshll.u32 s28, $0x1;
	[dreg:$0x2] =	wrdreg s3  }
0xa9: {  	[dreg:$0x3] =	wrdreg s5  }
0xaa: {  	[dreg:$0x4] =	wrdreg $0xC0  }
0xab: {  	_ =	task [dreg:s7], $0x5FFFF  }
0xac: {  	[dreg:$0x1] =	wrdreg $0xFFFFFFFF  }
0xad: {  	[dreg:$0x0] =	wrdreg $0x60  }
0xae: {  	[dreg:$0x2] =	wrdreg s24  }
0xaf: {  	[dreg:$0x3] =	wrdreg s2  }
0xb0: {  	[dreg:$0x4] =	wrdreg $0x9  }
0xb1: {  	_ =	task.clear_ibuf [dreg:s7], $0x5FFFF;
	_ =	strace $0x90000046  }
0xb2: {  	s29 =	simm.s32 $0x9;
	_ =	strace $0x80000048  }
0xb3: {  	_ =	swait.ge [sflag:s29], $0x1  }
0xb4: {  	[sflag:s29] =	ssyncadd.s32 $0xFFFFFFFF  }
0xb5: {  	_ =	strace $0x90000048  }
0xb6: {  	_ =	sfence  }
0xb7: {  	s30 =	sld [smem:$0x0];
	_ =	sdelay $0x2  }
0xb8: {  	s31 =	sshll.u32 s1, $0xD;
	s1 =	sshrl.u32 s1, $0x2  }
0xb9: {  	s3 =	sand.u32 $0x4000, s31;
	s1 =	sadd.s32 s1, s30  }
0xba: {  	s0 =	sor.u32 s3, s0;
	s1 =	sshll.u32 s1, $0x11  }
0xbb: {  	s0 =	sor.u32 s1, s0  }
0xbc: {  	s0 =	sadd.s32 $0x8F2B, s0  }
0xbd: {  	[sflag:s0] =	ssyncadd.remote.s32 $0x1  }
0xbe: {  	_ =	sfence.sel $0xFFFF  }
0xbf: {  	[dreg:$0x0] =	wrdreg $0xFFFFFFFF;
	(pc) =	sbr.abs _section_cstart, $3  }
0xc0: {  	[dreg:$0x1] =	wrdreg $0xFFFFFFFF  }
0xc1: {  	_ =	task.clear_ibuf [dreg:s7], $0x2FFFF;
	_ =	strace $0x9FFFFFFF  }
0xc2: {  	(tm) =	ssettm $0x7FFFFFFF  }
0xc3: {  	_ =	shalt  }
tec
execute0_lowered:
.L_overlay_start_1:
0x0: {  	(tag) =	ssettag $0x1  }
0x1: {  	s0 =	srdreg.scid  }
0x2: {  	s1 =	stileid.u32;
	s4 =	sand.u32 $0x1, s0  }
0x3: {  	s24 =	sshll.u32 s1, $0xA;
	s25 =	sshll.u32 s4, $0x9  }
0x4: {  	s0 =	sor.u32 s25, s24  }
0x5: {  	s3 =	rddreg [dreg:$0x0];
	s2 =	simm.s32 $0x0;
	s1 =	sshrl.u32 s0, $0x3  }
0x6: {  	[smem:$0x7FF] =	sst s2;
	s1 =	sadd.s32 s1, s3  }
0x7: {  	s5 =	rddreg [dreg:$0x1];
	_ =	strace $0x80000047;
	s6 =	sadd.s32 $0xA00, s1  }
0x8: {  	s0 =	sshll.u32 s0, $0x3;
	s26 =	sadd.s32 $0x1200, s1;
	[dreg:$0x3] =	wrdreg s6  }
0x9: {  	s31 =	sadd.s32 s5, s0;
	s5 =	sadd.s32 $0x1A00, s1;
	[dreg:$0x4] =	wrdreg s26  }
0xa: {  	s7 =	sadd.s32 $0x2200, s1;
	[dreg:$0x5] =	wrdreg s5  }
0xb: {  	s8 =	sadd.s32 $0x40000, s31;
	[dreg:$0x7] =	wrdreg s7  }
0xc: {  	s9 =	sadd.s32 $0x2A00, s1;
	[dreg:$0x8] =	wrdreg s8  }
0xd: {  	s10 =	sadd.s32 $0x60000, s31;
	[dreg:$0x9] =	wrdreg s9  }
0xe: {  	s11 =	sadd.s32 $0x3200, s1;
	[dreg:$0xa] =	wrdreg s10  }
0xf: {  	s12 =	sadd.s32 $0x80000, s31;
	[dreg:$0xb] =	wrdreg s11  }
0x10: {  	s13 =	sadd.s32 $0x3A00, s1;
	[dreg:$0xc] =	wrdreg s12  }
0x11: {  	s14 =	sadd.s32 $0xA0000, s31;
	[dreg:$0xd] =	wrdreg s13  }
0x12: {  	s15 =	sadd.s32 $0x4200, s1;
	[dreg:$0xe] =	wrdreg s14  }
0x13: {  	s16 =	sadd.s32 $0xC0000, s31;
	[dreg:$0xf] =	wrdreg s15  }
0x14: {  	s17 =	sadd.s32 $0x4A00, s1;
	[dreg:$0x10] =	wrdreg s16  }
0x15: {  	s18 =	sadd.s32 $0xE0000, s31;
	[dreg:$0x11] =	wrdreg s17  }
0x16: {  	p0 =	por $0x0, $0x0;
	s19 =	sadd.s32 $0x5200, s1;
	[dreg:$0x12] =	wrdreg s18  }
0x17: {  	s4 =	ssub.s32 $0x2, s4;
	s20 =	sadd.s32 $0x100000, s31;
	[dreg:$0x13] =	wrdreg s19  }
0x18: {  	s3 =	sadd.s32 $0xF42E00, s3;
	s21 =	sadd.s32 $0x5A00, s1;
	[dreg:$0x14] =	wrdreg s20  }
0x19: {  	s22 =	sadd.s32 $0x120000, s31;
	s23 =	sadd.s32 $0x6200, s1;
	[dreg:$0x15] =	wrdreg s21  }
0x1a: {  	s24 =	sadd.s32 $0x140000, s31;
	s25 =	sadd.s32 $0x6A00, s1;
	[dreg:$0x16] =	wrdreg s22  }
0x1b: {  	s30 =	sadd.s32 $0x9A00, s1;
	s29 =	sadd.s32 $0x220000, s31;
	[dreg:$0x17] =	wrdreg s23  }
0x1c: {  	s28 =	sadd.s32 $0xA200, s1;
	s6 =	sadd.s32 $0x20000, s31;
	[dreg:$0x18] =	wrdreg s24  }
0x1d: {  	[dreg:$0x19] =	wrdreg s25;
	s26 =	sadd.s32 $0x160000, s31;
	s5 =	sadd.s32 $0x7200, s1  }
0x1e: {  	s7 =	sadd.s32 $0x7A00, s1;
	s8 =	sadd.s32 $0x1A0000, s31;
	[dreg:$0x6] =	wrdreg s6  }
0x1f: {  	s9 =	sadd.s32 $0x8200, s1;
	s10 =	sadd.s32 $0x1C0000, s31;
	[dreg:$0x1a] =	wrdreg s26  }
0x20: {  	s11 =	sadd.s32 $0x8A00, s1;
	s12 =	sadd.s32 $0x1E0000, s31;
	[dreg:$0x1b] =	wrdreg s5  }
0x21: {  	s13 =	sadd.s32 $0x9200, s1;
	s14 =	sshrl.u32 s4, $0x1;
	[dreg:$0x1d] =	wrdreg s7  }
0x22: {  	s15 =	sadd.s32 $0x200000, s31;
	s25 =	sadd.s32 $0xAA00, s1;
	[dreg:$0x1e] =	wrdreg s8  }
0x23: {  	s24 =	sadd.s32 $0x260000, s31;
	s23 =	sadd.s32 $0xB200, s1;
	[dreg:$0x1f] =	wrdreg s9  }
0x24: {  	s22 =	sadd.s32 $0x280000, s31;
	s21 =	sadd.s32 $0xBA00, s1;
	[smem:$0x7F9] =	sst s10  }
0x25: {  	s20 =	sadd.s32 $0x2A0000, s31;
	s19 =	sadd.s32 $0xC200, s1;
	[smem:$0x7FA] =	sst s11  }
0x26: {  	s18 =	sadd.s32 $0x2C0000, s31;
	s17 =	sadd.s32 $0xCA00, s1;
	[smem:$0x7FB] =	sst s12  }
0x27: {  	s6 =	sadd.s32 $0x180000, s31;
	[smem:$0x7FC] =	sst s13;
	s5 =	ssub.s32 s4, s14  }
0x28: {  	[smem:$0x7FD] =	sst s15;
	s26 =	sadd.s32 $0x240000, s31;
	s16 =	smax.u32 s5, $0x1  }
0x29: {  	s15 =	sadd.s32 $0x2E0000, s31;
	s11 =	sadd.s32 $0xD200, s1;
	p1 =	sne.s32 s16, $0x1  }
.Ltmp0:
0x2a: {  	s8 =	sadd.s32 $0x300000, s31;
	s4 =	sadd.s32 $0x320000, s31;
	(pc) =	sbr.rel @!p1 .LBB2_3-.Ltmp0, $4  }
0x2b: {  	s14 =	simm.s32 $0x1;
	s13 =	simm.s32 $0x400;
	s12 =	simm.s32 $0x2  }
0x2c: {  	s9 =	simm.s32 $0x8400;
	s10 =	simm.s32 $0x4;
	s0 =	rddreg [dreg:$0x3]  }
0x2d: {  	s7 =	simm.s32 $0x5;
	[dreg:$0x1c] =	wrdreg s6;
	s5 =	simm.s32 $0x200  }
0x2e: {  	s6 =	simm.s32 $0x6;
	s1 =	sadd.s32 $0xFFFFFFFF, s16;
	s16 =	simm.s32 $0x3  }
0x2f: {  	[tilespmem:s2], [sflag:$0x1] =	stream.linear.gather [hbm4b:s0+s2], $0x200, $0x38;
	[tilespmem:$0x10400] =	vst v63  }
0x30: {  	_ =	swait.ge [sflag:s14], $0x200  }
0x31: {  	[sflag:s14] =	ssyncset.done $0x0  }
0x32: {  	[sflag:s14] =	ssyncadd.s32 $0xFFFFFE00  }
0x33: {  	[tilespmem:s13], [sflag:$0x3] =	stream.indirect.gather [hbm4b:s3+s5], $0x40, s2, s5, $0xb8;
	[tilespmem:$0x10400] =	vst v63  }
0x34: {  	s0 =	rddreg [dreg:$0x4]  }
0x35: {  	[tilespmem:s5], [sflag:$0x2] =	stream.linear.gather [hbm4b:s0+s2], $0x200, $0x38;
	[tilespmem:$0x10400] =	vst v63  }
0x36: {  	_ =	swait.ge [sflag:s16], $0x8000  }
0x37: {  	[sflag:s16] =	ssyncset.done $0x0  }
0x38: {  	[sflag:s16] =	ssyncadd.s32 $0xFFFF8000  }
0x39: {  	[hbm4b:s31+s2] =	stream.linear.scatter [tilespmem:s13], [sflag:$0x5], $0x8000, $0x38;
	[tilespmem:$0x10400] =	vst v63  }
0x3a: {  	_ =	swait.ge [sflag:s12], $0x200  }
0x3b: {  	[sflag:s12] =	ssyncset.done $0x0  }
0x3c: {  	[sflag:s12] =	ssyncadd.s32 $0xFFFFFE00  }
0x3d: {  	[tilespmem:s9], [sflag:$0x4] =	stream.indirect.gather [hbm4b:s3+s5], $0x40, s5, s5, $0xb8;
	[tilespmem:$0x10400] =	vst v63  }
0x3e: {  	s0 =	rddreg [dreg:$0x5]  }
0x3f: {  	[tilespmem:s2], [sflag:$0x1] =	stream.linear.gather [hbm4b:s0+s2], $0x200, $0x38;
	[tilespmem:$0x10400] =	vst v63  }
0x40: {  	_ =	swait.ge [sflag:s10], $0x8000  }
0x41: {  	[sflag:s10] =	ssyncset.done $0x0  }
0x42: {  	s0 =	rddreg [dreg:$0x6];
	[sflag:s10] =	ssyncadd.s32 $0xFFFF8000  }
0x43: {  	[hbm4b:s0+s2] =	stream.linear.scatter [tilespmem:s9], [sflag:$0x6], $0x8000, $0x38;
	[tilespmem:$0x10400] =	vst v63  }
0x44: {  	_ =	swait.ge [sflag:s7], $0x8000  }
0x45: {  	[sflag:s7] =	ssyncset.done $0x0  }
0x46: {  	[sflag:s7] =	ssyncadd.s32 $0xFFFF8000  }
0x47: {  	_ =	swait.ge [sflag:s14], $0x200  }
0x48: {  	[sflag:s14] =	ssyncset.done $0x0  }
0x49: {  	[sflag:s14] =	ssyncadd.s32 $0xFFFFFE00  }
0x4a: {  	[tilespmem:s13], [sflag:$0x3] =	stream.indirect.gather [hbm4b:s3+s5], $0x40, s2, s5, $0xb8;
	[tilespmem:$0x10400] =	vst v63  }
0x4b: {  	s0 =	rddreg [dreg:$0x7]  }
0x4c: {  	[tilespmem:s5], [sflag:$0x2] =	stream.linear.gather [hbm4b:s0+s2], $0x200, $0x38;
	[tilespmem:$0x10400] =	vst v63  }
0x4d: {  	_ =	swait.ge [sflag:s16], $0x8000  }
0x4e: {  	[sflag:s16] =	ssyncset.done $0x0  }
0x4f: {  	s0 =	rddreg [dreg:$0x8];
	[sflag:s16] =	ssyncadd.s32 $0xFFFF8000  }
0x50: {  	[hbm4b:s0+s2] =	stream.linear.scatter [tilespmem:s13], [sflag:$0x5], $0x8000, $0x38;
	[tilespmem:$0x10400] =	vst v63  }
0x51: {  	_ =	swait.ge [sflag:s6], $0x8000  }
0x52: {  	[sflag:s6] =	ssyncset.done $0x0  }
0x53: {  	[sflag:s6] =	ssyncadd.s32 $0xFFFF8000  }
0x54: {  	_ =	swait.ge [sflag:s12], $0x200  }
0x55: {  	[sflag:s12] =	ssyncset.done $0x0  }
0x56: {  	[sflag:s12] =	ssyncadd.s32 $0xFFFFFE00  }
0x57: {  	[tilespmem:s9], [sflag:$0x4] =	stream.indirect.gather [hbm4b:s3+s5], $0x40, s5, s5, $0xb8;
	[tilespmem:$0x10400] =	vst v63  }
0x58: {  	s0 =	rddreg [dreg:$0x9]  }
0x59: {  	[tilespmem:s2], [sflag:$0x1] =	stream.linear.gather [hbm4b:s0+s2], $0x200, $0x38;
	[tilespmem:$0x10400] =	vst v63  }
0x5a: {  	_ =	swait.ge [sflag:s10], $0x8000  }
0x5b: {  	[sflag:s10] =	ssyncset.done $0x0  }
0x5c: {  	s0 =	rddreg [dreg:$0xa];
	[sflag:s10] =	ssyncadd.s32 $0xFFFF8000  }
0x5d: {  	[hbm4b:s0+s2] =	stream.linear.scatter [tilespmem:s9], [sflag:$0x6], $0x8000, $0x38;
	[tilespmem:$0x10400] =	vst v63  }
0x5e: {  	_ =	swait.ge [sflag:s7], $0x8000  }
0x5f: {  	[sflag:s7] =	ssyncset.done $0x0  }
0x60: {  	[sflag:s7] =	ssyncadd.s32 $0xFFFF8000  }
0x61: {  	_ =	swait.ge [sflag:s14], $0x200  }
0x62: {  	[sflag:s14] =	ssyncset.done $0x0  }
0x63: {  	[sflag:s14] =	ssyncadd.s32 $0xFFFFFE00  }
0x64: {  	[tilespmem:s13], [sflag:$0x3] =	stream.indirect.gather [hbm4b:s3+s5], $0x40, s2, s5, $0xb8;
	[tilespmem:$0x10400] =	vst v63  }
0x65: {  	s0 =	rddreg [dreg:$0xb]  }
0x66: {  	[tilespmem:s5], [sflag:$0x2] =	stream.linear.gather [hbm4b:s0+s2], $0x200, $0x38;
	[tilespmem:$0x10400] =	vst v63  }
0x67: {  	_ =	swait.ge [sflag:s16], $0x8000  }
0x68: {  	[sflag:s16] =	ssyncset.done $0x0  }
0x69: {  	s0 =	rddreg [dreg:$0xc];
	[sflag:s16] =	ssyncadd.s32 $0xFFFF8000  }
0x6a: {  	[hbm4b:s0+s2] =	stream.linear.scatter [tilespmem:s13], [sflag:$0x5], $0x8000, $0x38;
	[tilespmem:$0x10400] =	vst v63  }
0x6b: {  	_ =	swait.ge [sflag:s6], $0x8000  }
0x6c: {  	[sflag:s6] =	ssyncset.done $0x0  }
0x6d: {  	[sflag:s6] =	ssyncadd.s32 $0xFFFF8000  }
0x6e: {  	_ =	swait.ge [sflag:s12], $0x200  }
0x6f: {  	[sflag:s12] =	ssyncset.done $0x0  }
0x70: {  	[sflag:s12] =	ssyncadd.s32 $0xFFFFFE00  }
0x71: {  	[tilespmem:s9], [sflag:$0x4] =	stream.indirect.gather [hbm4b:s3+s5], $0x40, s5, s5, $0xb8;
	[tilespmem:$0x10400] =	vst v63  }
0x72: {  	s0 =	rddreg [dreg:$0xd]  }
0x73: {  	[tilespmem:s2], [sflag:$0x1] =	stream.linear.gather [hbm4b:s0+s2], $0x200, $0x38;
	[tilespmem:$0x10400] =	vst v63  }
0x74: {  	_ =	swait.ge [sflag:s10], $0x8000  }
0x75: {  	[sflag:s10] =	ssyncset.done $0x0  }
0x76: {  	s0 =	rddreg [dreg:$0xe];
	[sflag:s10] =	ssyncadd.s32 $0xFFFF8000  }
0x77: {  	[hbm4b:s0+s2] =	stream.linear.scatter [tilespmem:s9], [sflag:$0x6], $0x8000, $0x38;
	[tilespmem:$0x10400] =	vst v63  }
0x78: {  	_ =	swait.ge [sflag:s7], $0x8000  }
0x79: {  	[sflag:s7] =	ssyncset.done $0x0  }
0x7a: {  	[sflag:s7] =	ssyncadd.s32 $0xFFFF8000  }
0x7b: {  	_ =	swait.ge [sflag:s14], $0x200  }
0x7c: {  	[sflag:s14] =	ssyncset.done $0x0  }
0x7d: {  	[sflag:s14] =	ssyncadd.s32 $0xFFFFFE00  }
0x7e: {  	[tilespmem:s13], [sflag:$0x3] =	stream.indirect.gather [hbm4b:s3+s5], $0x40, s2, s5, $0xb8;
	[tilespmem:$0x10400] =	vst v63  }
0x7f: {  	s0 =	rddreg [dreg:$0xf]  }
0x80: {  	[tilespmem:s5], [sflag:$0x2] =	stream.linear.gather [hbm4b:s0+s2], $0x200, $0x38;
	[tilespmem:$0x10400] =	vst v63  }
0x81: {  	_ =	swait.ge [sflag:s16], $0x8000  }
0x82: {  	[sflag:s16] =	ssyncset.done $0x0  }
0x83: {  	s0 =	rddreg [dreg:$0x10];
	[sflag:s16] =	ssyncadd.s32 $0xFFFF8000  }
0x84: {  	[hbm4b:s0+s2] =	stream.linear.scatter [tilespmem:s13], [sflag:$0x5], $0x8000, $0x38;
	[tilespmem:$0x10400] =	vst v63  }
0x85: {  	_ =	swait.ge [sflag:s6], $0x8000  }
0x86: {  	[sflag:s6] =	ssyncset.done $0x0  }
0x87: {  	[sflag:s6] =	ssyncadd.s32 $0xFFFF8000  }
0x88: {  	_ =	swait.ge [sflag:s12], $0x200  }
0x89: {  	[sflag:s12] =	ssyncset.done $0x0  }
0x8a: {  	[sflag:s12] =	ssyncadd.s32 $0xFFFFFE00  }
0x8b: {  	[tilespmem:s9], [sflag:$0x4] =	stream.indirect.gather [hbm4b:s3+s5], $0x40, s5, s5, $0xb8;
	[tilespmem:$0x10400] =	vst v63  }
0x8c: {  	s0 =	rddreg [dreg:$0x11]  }
0x8d: {  	[tilespmem:s2], [sflag:$0x1] =	stream.linear.gather [hbm4b:s0+s2], $0x200, $0x38;
	[tilespmem:$0x10400] =	vst v63  }
0x8e: {  	_ =	swait.ge [sflag:s10], $0x8000  }
0x8f: {  	[sflag:s10] =	ssyncset.done $0x0  }
0x90: {  	s0 =	rddreg [dreg:$0x12];
	[sflag:s10] =	ssyncadd.s32 $0xFFFF8000  }
0x91: {  	[hbm4b:s0+s2] =	stream.linear.scatter [tilespmem:s9], [sflag:$0x6], $0x8000, $0x38;
	[tilespmem:$0x10400] =	vst v63  }
0x92: {  	_ =	swait.ge [sflag:s7], $0x8000  }
0x93: {  	[sflag:s7] =	ssyncset.done $0x0  }
0x94: {  	[sflag:s7] =	ssyncadd.s32 $0xFFFF8000  }
0x95: {  	_ =	swait.ge [sflag:s14], $0x200  }
0x96: {  	[sflag:s14] =	ssyncset.done $0x0  }
0x97: {  	[sflag:s14] =	ssyncadd.s32 $0xFFFFFE00  }
0x98: {  	[tilespmem:s13], [sflag:$0x3] =	stream.indirect.gather [hbm4b:s3+s5], $0x40, s2, s5, $0xb8;
	[tilespmem:$0x10400] =	vst v63  }
0x99: {  	s0 =	rddreg [dreg:$0x13]  }
0x9a: {  	[tilespmem:s5], [sflag:$0x2] =	stream.linear.gather [hbm4b:s0+s2], $0x200, $0x38;
	[tilespmem:$0x10400] =	vst v63  }
0x9b: {  	_ =	swait.ge [sflag:s16], $0x8000  }
0x9c: {  	[sflag:s16] =	ssyncset.done $0x0  }
0x9d: {  	s0 =	rddreg [dreg:$0x14];
	[sflag:s16] =	ssyncadd.s32 $0xFFFF8000  }
0x9e: {  	[hbm4b:s0+s2] =	stream.linear.scatter [tilespmem:s13], [sflag:$0x5], $0x8000, $0x38;
	[tilespmem:$0x10400] =	vst v63  }
0x9f: {  	_ =	swait.ge [sflag:s6], $0x8000  }
0xa0: {  	[sflag:s6] =	ssyncset.done $0x0  }
0xa1: {  	[sflag:s6] =	ssyncadd.s32 $0xFFFF8000  }
0xa2: {  	_ =	swait.ge [sflag:s12], $0x200  }
0xa3: {  	[sflag:s12] =	ssyncset.done $0x0  }
0xa4: {  	[sflag:s12] =	ssyncadd.s32 $0xFFFFFE00  }
0xa5: {  	[tilespmem:s9], [sflag:$0x4] =	stream.indirect.gather [hbm4b:s3+s5], $0x40, s5, s5, $0xb8;
	[tilespmem:$0x10400] =	vst v63  }
0xa6: {  	s0 =	rddreg [dreg:$0x15]  }
0xa7: {  	[tilespmem:s2], [sflag:$0x1] =	stream.linear.gather [hbm4b:s0+s2], $0x200, $0x38;
	[tilespmem:$0x10400] =	vst v63  }
0xa8: {  	_ =	swait.ge [sflag:s10], $0x8000  }
0xa9: {  	[sflag:s10] =	ssyncset.done $0x0  }
0xaa: {  	s0 =	rddreg [dreg:$0x16];
	[sflag:s10] =	ssyncadd.s32 $0xFFFF8000  }
0xab: {  	[hbm4b:s0+s2] =	stream.linear.scatter [tilespmem:s9], [sflag:$0x6], $0x8000, $0x38;
	[tilespmem:$0x10400] =	vst v63  }
0xac: {  	_ =	swait.ge [sflag:s7], $0x8000  }
0xad: {  	[sflag:s7] =	ssyncset.done $0x0  }
0xae: {  	[sflag:s7] =	ssyncadd.s32 $0xFFFF8000  }
0xaf: {  	_ =	swait.ge [sflag:s14], $0x200  }
0xb0: {  	[sflag:s14] =	ssyncset.done $0x0  }
0xb1: {  	[sflag:s14] =	ssyncadd.s32 $0xFFFFFE00  }
0xb2: {  	[tilespmem:s13], [sflag:$0x3] =	stream.indirect.gather [hbm4b:s3+s5], $0x40, s2, s5, $0xb8;
	[tilespmem:$0x10400] =	vst v63  }
0xb3: {  	s0 =	rddreg [dreg:$0x17]  }
0xb4: {  	[tilespmem:s5], [sflag:$0x2] =	stream.linear.gather [hbm4b:s0+s2], $0x200, $0x38;
	[tilespmem:$0x10400] =	vst v63  }
0xb5: {  	_ =	swait.ge [sflag:s16], $0x8000  }
0xb6: {  	[sflag:s16] =	ssyncset.done $0x0  }
0xb7: {  	s0 =	rddreg [dreg:$0x18];
	[sflag:s16] =	ssyncadd.s32 $0xFFFF8000  }
0xb8: {  	[hbm4b:s0+s2] =	stream.linear.scatter [tilespmem:s13], [sflag:$0x5], $0x8000, $0x38;
	[tilespmem:$0x10400] =	vst v63  }
0xb9: {  	_ =	swait.ge [sflag:s6], $0x8000  }
0xba: {  	[sflag:s6] =	ssyncset.done $0x0  }
0xbb: {  	[sflag:s6] =	ssyncadd.s32 $0xFFFF8000  }
0xbc: {  	_ =	swait.ge [sflag:s12], $0x200  }
0xbd: {  	[sflag:s12] =	ssyncset.done $0x0  }
0xbe: {  	[sflag:s12] =	ssyncadd.s32 $0xFFFFFE00  }
0xbf: {  	[tilespmem:s9], [sflag:$0x4] =	stream.indirect.gather [hbm4b:s3+s5], $0x40, s5, s5, $0xb8;
	[tilespmem:$0x10400] =	vst v63  }
0xc0: {  	s0 =	rddreg [dreg:$0x19]  }
0xc1: {  	[tilespmem:s2], [sflag:$0x1] =	stream.linear.gather [hbm4b:s0+s2], $0x200, $0x38;
	[tilespmem:$0x10400] =	vst v63  }
0xc2: {  	_ =	swait.ge [sflag:s10], $0x8000  }
0xc3: {  	[sflag:s10] =	ssyncset.done $0x0  }
0xc4: {  	s0 =	rddreg [dreg:$0x1a];
	[sflag:s10] =	ssyncadd.s32 $0xFFFF8000  }
0xc5: {  	[hbm4b:s0+s2] =	stream.linear.scatter [tilespmem:s9], [sflag:$0x6], $0x8000, $0x38;
	[tilespmem:$0x10400] =	vst v63  }
0xc6: {  	_ =	swait.ge [sflag:s7], $0x8000  }
0xc7: {  	[sflag:s7] =	ssyncset.done $0x0  }
0xc8: {  	[sflag:s7] =	ssyncadd.s32 $0xFFFF8000  }
0xc9: {  	_ =	swait.ge [sflag:s14], $0x200  }
0xca: {  	[sflag:s14] =	ssyncset.done $0x0  }
0xcb: {  	[sflag:s14] =	ssyncadd.s32 $0xFFFFFE00  }
0xcc: {  	[tilespmem:s13], [sflag:$0x3] =	stream.indirect.gather [hbm4b:s3+s5], $0x40, s2, s5, $0xb8;
	[tilespmem:$0x10400] =	vst v63  }
0xcd: {  	s0 =	rddreg [dreg:$0x1b]  }
0xce: {  	[tilespmem:s5], [sflag:$0x2] =	stream.linear.gather [hbm4b:s0+s2], $0x200, $0x38;
	[tilespmem:$0x10400] =	vst v63  }
0xcf: {  	_ =	swait.ge [sflag:s16], $0x8000  }
0xd0: {  	[sflag:s16] =	ssyncset.done $0x0  }
0xd1: {  	s0 =	rddreg [dreg:$0x1c];
	[sflag:s16] =	ssyncadd.s32 $0xFFFF8000  }
0xd2: {  	[hbm4b:s0+s2] =	stream.linear.scatter [tilespmem:s13], [sflag:$0x5], $0x8000, $0x38;
	[tilespmem:$0x10400] =	vst v63  }
0xd3: {  	_ =	swait.ge [sflag:s6], $0x8000  }
0xd4: {  	[sflag:s6] =	ssyncset.done $0x0  }
0xd5: {  	[sflag:s6] =	ssyncadd.s32 $0xFFFF8000  }
0xd6: {  	_ =	swait.ge [sflag:s12], $0x200  }
0xd7: {  	[sflag:s12] =	ssyncset.done $0x0  }
0xd8: {  	[sflag:s12] =	ssyncadd.s32 $0xFFFFFE00  }
0xd9: {  	[tilespmem:s9], [sflag:$0x4] =	stream.indirect.gather [hbm4b:s3+s5], $0x40, s5, s5, $0xb8;
	[tilespmem:$0x10400] =	vst v63  }
0xda: {  	s0 =	rddreg [dreg:$0x1d]  }
0xdb: {  	[tilespmem:s2], [sflag:$0x1] =	stream.linear.gather [hbm4b:s0+s2], $0x200, $0x38;
	[tilespmem:$0x10400] =	vst v63  }
0xdc: {  	_ =	swait.ge [sflag:s10], $0x8000  }
0xdd: {  	[sflag:s10] =	ssyncset.done $0x0  }
0xde: {  	s0 =	rddreg [dreg:$0x1e];
	[sflag:s10] =	ssyncadd.s32 $0xFFFF8000  }
0xdf: {  	[hbm4b:s0+s2] =	stream.linear.scatter [tilespmem:s9], [sflag:$0x6], $0x8000, $0x38;
	[tilespmem:$0x10400] =	vst v63  }
0xe0: {  	_ =	swait.ge [sflag:s7], $0x8000  }
0xe1: {  	[sflag:s7] =	ssyncset.done $0x0  }
0xe2: {  	[sflag:s7] =	ssyncadd.s32 $0xFFFF8000  }
0xe3: {  	_ =	swait.ge [sflag:s14], $0x200  }
0xe4: {  	[sflag:s14] =	ssyncset.done $0x0  }
0xe5: {  	[sflag:s14] =	ssyncadd.s32 $0xFFFFFE00  }
0xe6: {  	[tilespmem:s13], [sflag:$0x3] =	stream.indirect.gather [hbm4b:s3+s5], $0x40, s2, s5, $0xb8;
	[tilespmem:$0x10400] =	vst v63  }
0xe7: {  	s0 =	rddreg [dreg:$0x1f]  }
0xe8: {  	[tilespmem:s5], [sflag:$0x2] =	stream.linear.gather [hbm4b:s0+s2], $0x200, $0x38;
	[tilespmem:$0x10400] =	vst v63  }
0xe9: {  	_ =	swait.ge [sflag:s16], $0x8000  }
0xea: {  	s0 =	sld [smem:$0x7F9]  }
0xeb: {  	[sflag:s16] =	ssyncset.done $0x0  }
0xec: {  	[sflag:s16] =	ssyncadd.s32 $0xFFFF8000  }
0xed: {  	[hbm4b:s0+s2] =	stream.linear.scatter [tilespmem:s13], [sflag:$0x5], $0x8000, $0x38;
	[tilespmem:$0x10400] =	vst v63  }
0xee: {  	_ =	swait.ge [sflag:s6], $0x8000  }
0xef: {  	[sflag:s6] =	ssyncset.done $0x0  }
0xf0: {  	[sflag:s6] =	ssyncadd.s32 $0xFFFF8000  }
0xf1: {  	_ =	swait.ge [sflag:s12], $0x200  }
0xf2: {  	[sflag:s12] =	ssyncset.done $0x0  }
0xf3: {  	s0 =	sld [smem:$0x7FA];
	[sflag:s12] =	ssyncadd.s32 $0xFFFFFE00  }
0xf4: {  	[tilespmem:s9], [sflag:$0x4] =	stream.indirect.gather [hbm4b:s3+s5], $0x40, s5, s5, $0xb8;
	[tilespmem:$0x10400] =	vst v63  }
0xf5: {  	_ = 	snop  }
0xf6: {  	[tilespmem:s2], [sflag:$0x1] =	stream.linear.gather [hbm4b:s0+s2], $0x200, $0x38;
	[tilespmem:$0x10400] =	vst v63  }
0xf7: {  	_ =	swait.ge [sflag:s10], $0x8000  }
0xf8: {  	s0 =	sld [smem:$0x7FB]  }
0xf9: {  	[sflag:s10] =	ssyncset.done $0x0  }
0xfa: {  	[sflag:s10] =	ssyncadd.s32 $0xFFFF8000  }
0xfb: {  	[hbm4b:s0+s2] =	stream.linear.scatter [tilespmem:s9], [sflag:$0x6], $0x8000, $0x38;
	[tilespmem:$0x10400] =	vst v63  }
0xfc: {  	_ =	swait.ge [sflag:s7], $0x8000  }
0xfd: {  	[sflag:s7] =	ssyncset.done $0x0  }
0xfe: {  	[sflag:s7] =	ssyncadd.s32 $0xFFFF8000  }
0xff: {  	_ =	swait.ge [sflag:s14], $0x200  }
0x100: {  	[sflag:s14] =	ssyncset.done $0x0  }
0x101: {  	s0 =	sld [smem:$0x7FC];
	[sflag:s14] =	ssyncadd.s32 $0xFFFFFE00  }
0x102: {  	[tilespmem:s13], [sflag:$0x3] =	stream.indirect.gather [hbm4b:s3+s5], $0x40, s2, s5, $0xb8;
	[tilespmem:$0x10400] =	vst v63  }
0x103: {  	_ = 	snop  }
0x104: {  	[tilespmem:s5], [sflag:$0x2] =	stream.linear.gather [hbm4b:s0+s2], $0x200, $0x38;
	[tilespmem:$0x10400] =	vst v63  }
0x105: {  	_ =	swait.ge [sflag:s16], $0x8000  }
0x106: {  	s0 =	sld [smem:$0x7FD]  }
0x107: {  	[sflag:s16] =	ssyncset.done $0x0  }
0x108: {  	[sflag:s16] =	ssyncadd.s32 $0xFFFF8000  }
0x109: {  	[hbm4b:s0+s2] =	stream.linear.scatter [tilespmem:s13], [sflag:$0x5], $0x8000, $0x38;
	[tilespmem:$0x10400] =	vst v63  }
0x10a: {  	_ =	swait.ge [sflag:s6], $0x8000  }
0x10b: {  	[sflag:s6] =	ssyncset.done $0x0  }
0x10c: {  	[sflag:s6] =	ssyncadd.s32 $0xFFFF8000  }
0x10d: {  	_ =	swait.ge [sflag:s12], $0x200  }
0x10e: {  	[sflag:s12] =	ssyncset.done $0x0  }
0x10f: {  	[sflag:s12] =	ssyncadd.s32 $0xFFFFFE00  }
0x110: {  	[tilespmem:s9], [sflag:$0x4] =	stream.indirect.gather [hbm4b:s3+s5], $0x40, s5, s5, $0xb8;
	[tilespmem:$0x10400] =	vst v63  }
0x111: {  	_ = 	snop  }
0x112: {  	[tilespmem:s2], [sflag:$0x1] =	stream.linear.gather [hbm4b:s30+s2], $0x200, $0x38;
	[tilespmem:$0x10400] =	vst v63  }
0x113: {  	_ =	swait.ge [sflag:s10], $0x8000  }
0x114: {  	[sflag:s10] =	ssyncset.done $0x0  }
0x115: {  	[sflag:s10] =	ssyncadd.s32 $0xFFFF8000  }
0x116: {  	[hbm4b:s29+s2] =	stream.linear.scatter [tilespmem:s9], [sflag:$0x6], $0x8000, $0x38;
	[tilespmem:$0x10400] =	vst v63  }
0x117: {  	_ =	swait.ge [sflag:s7], $0x8000  }
0x118: {  	[sflag:s7] =	ssyncset.done $0x0  }
0x119: {  	[sflag:s7] =	ssyncadd.s32 $0xFFFF8000  }
0x11a: {  	_ =	swait.ge [sflag:s14], $0x200  }
0x11b: {  	[sflag:s14] =	ssyncset.done $0x0  }
0x11c: {  	[sflag:s14] =	ssyncadd.s32 $0xFFFFFE00  }
0x11d: {  	[tilespmem:s13], [sflag:$0x3] =	stream.indirect.gather [hbm4b:s3+s5], $0x40, s2, s5, $0xb8;
	[tilespmem:$0x10400] =	vst v63  }
0x11e: {  	_ = 	snop  }
0x11f: {  	[tilespmem:s5], [sflag:$0x2] =	stream.linear.gather [hbm4b:s28+s2], $0x200, $0x38;
	[tilespmem:$0x10400] =	vst v63  }
0x120: {  	_ =	swait.ge [sflag:s16], $0x8000  }
0x121: {  	[sflag:s16] =	ssyncset.done $0x0  }
0x122: {  	[sflag:s16] =	ssyncadd.s32 $0xFFFF8000  }
0x123: {  	[hbm4b:s26+s2] =	stream.linear.scatter [tilespmem:s13], [sflag:$0x5], $0x8000, $0x38;
	[tilespmem:$0x10400] =	vst v63  }
0x124: {  	_ =	swait.ge [sflag:s6], $0x8000  }
0x125: {  	[sflag:s6] =	ssyncset.done $0x0  }
0x126: {  	[sflag:s6] =	ssyncadd.s32 $0xFFFF8000  }
0x127: {  	_ =	swait.ge [sflag:s12], $0x200  }
0x128: {  	[sflag:s12] =	ssyncset.done $0x0  }
0x129: {  	[sflag:s12] =	ssyncadd.s32 $0xFFFFFE00  }
0x12a: {  	[tilespmem:s9], [sflag:$0x4] =	stream.indirect.gather [hbm4b:s3+s5], $0x40, s5, s5, $0xb8;
	[tilespmem:$0x10400] =	vst v63  }
0x12b: {  	_ = 	snop  }
0x12c: {  	[tilespmem:s2], [sflag:$0x1] =	stream.linear.gather [hbm4b:s25+s2], $0x200, $0x38;
	[tilespmem:$0x10400] =	vst v63  }
0x12d: {  	_ =	swait.ge [sflag:s10], $0x8000  }
0x12e: {  	[sflag:s10] =	ssyncset.done $0x0  }
0x12f: {  	[sflag:s10] =	ssyncadd.s32 $0xFFFF8000  }
0x130: {  	[hbm4b:s24+s2] =	stream.linear.scatter [tilespmem:s9], [sflag:$0x6], $0x8000, $0x38;
	[tilespmem:$0x10400] =	vst v63  }
0x131: {  	_ =	swait.ge [sflag:s7], $0x8000  }
0x132: {  	[sflag:s7] =	ssyncset.done $0x0  }
0x133: {  	[sflag:s7] =	ssyncadd.s32 $0xFFFF8000  }
0x134: {  	_ =	swait.ge [sflag:s14], $0x200  }
0x135: {  	[sflag:s14] =	ssyncset.done $0x0  }
0x136: {  	[sflag:s14] =	ssyncadd.s32 $0xFFFFFE00  }
0x137: {  	[tilespmem:s13], [sflag:$0x3] =	stream.indirect.gather [hbm4b:s3+s5], $0x40, s2, s5, $0xb8;
	[tilespmem:$0x10400] =	vst v63  }
0x138: {  	_ = 	snop  }
0x139: {  	[tilespmem:s5], [sflag:$0x2] =	stream.linear.gather [hbm4b:s23+s2], $0x200, $0x38;
	[tilespmem:$0x10400] =	vst v63  }
0x13a: {  	_ =	swait.ge [sflag:s16], $0x8000  }
0x13b: {  	[sflag:s16] =	ssyncset.done $0x0  }
0x13c: {  	[sflag:s16] =	ssyncadd.s32 $0xFFFF8000  }
0x13d: {  	[hbm4b:s22+s2] =	stream.linear.scatter [tilespmem:s13], [sflag:$0x5], $0x8000, $0x38;
	[tilespmem:$0x10400] =	vst v63  }
0x13e: {  	_ =	swait.ge [sflag:s6], $0x8000  }
0x13f: {  	[sflag:s6] =	ssyncset.done $0x0  }
0x140: {  	[sflag:s6] =	ssyncadd.s32 $0xFFFF8000  }
0x141: {  	_ =	swait.ge [sflag:s12], $0x200  }
0x142: {  	[sflag:s12] =	ssyncset.done $0x0  }
0x143: {  	[sflag:s12] =	ssyncadd.s32 $0xFFFFFE00  }
0x144: {  	[tilespmem:s9], [sflag:$0x4] =	stream.indirect.gather [hbm4b:s3+s5], $0x40, s5, s5, $0xb8;
	[tilespmem:$0x10400] =	vst v63  }
0x145: {  	_ = 	snop  }
0x146: {  	[tilespmem:s2], [sflag:$0x1] =	stream.linear.gather [hbm4b:s21+s2], $0x200, $0x38;
	[tilespmem:$0x10400] =	vst v63  }
0x147: {  	_ =	swait.ge [sflag:s10], $0x8000  }
0x148: {  	[sflag:s10] =	ssyncset.done $0x0  }
0x149: {  	[sflag:s10] =	ssyncadd.s32 $0xFFFF8000  }
0x14a: {  	[hbm4b:s20+s2] =	stream.linear.scatter [tilespmem:s9], [sflag:$0x6], $0x8000, $0x38;
	[tilespmem:$0x10400] =	vst v63  }
0x14b: {  	_ =	swait.ge [sflag:s7], $0x8000  }
0x14c: {  	[sflag:s7] =	ssyncset.done $0x0  }
0x14d: {  	[sflag:s7] =	ssyncadd.s32 $0xFFFF8000  }
0x14e: {  	_ =	swait.ge [sflag:s14], $0x200  }
0x14f: {  	[sflag:s14] =	ssyncset.done $0x0  }
0x150: {  	[sflag:s14] =	ssyncadd.s32 $0xFFFFFE00  }
0x151: {  	[tilespmem:s13], [sflag:$0x3] =	stream.indirect.gather [hbm4b:s3+s5], $0x40, s2, s5, $0xb8;
	[tilespmem:$0x10400] =	vst v63  }
0x152: {  	_ = 	snop  }
0x153: {  	[tilespmem:s5], [sflag:$0x2] =	stream.linear.gather [hbm4b:s19+s2], $0x200, $0x38;
	[tilespmem:$0x10400] =	vst v63  }
0x154: {  	_ =	swait.ge [sflag:s16], $0x8000  }
0x155: {  	[sflag:s16] =	ssyncset.done $0x0  }
0x156: {  	[sflag:s16] =	ssyncadd.s32 $0xFFFF8000  }
0x157: {  	[hbm4b:s18+s2] =	stream.linear.scatter [tilespmem:s13], [sflag:$0x5], $0x8000, $0x38;
	[tilespmem:$0x10400] =	vst v63  }
0x158: {  	_ =	swait.ge [sflag:s6], $0x8000  }
0x159: {  	[sflag:s6] =	ssyncset.done $0x0  }
0x15a: {  	[sflag:s6] =	ssyncadd.s32 $0xFFFF8000  }
0x15b: {  	_ =	swait.ge [sflag:s12], $0x200  }
0x15c: {  	[sflag:s12] =	ssyncset.done $0x0  }
0x15d: {  	[sflag:s12] =	ssyncadd.s32 $0xFFFFFE00  }
0x15e: {  	[tilespmem:s9], [sflag:$0x4] =	stream.indirect.gather [hbm4b:s3+s5], $0x40, s5, s5, $0xb8;
	[tilespmem:$0x10400] =	vst v63  }
0x15f: {  	_ = 	snop  }
0x160: {  	[tilespmem:s2], [sflag:$0x1] =	stream.linear.gather [hbm4b:s17+s2], $0x200, $0x38;
	[tilespmem:$0x10400] =	vst v63  }
0x161: {  	_ =	swait.ge [sflag:s10], $0x8000  }
0x162: {  	[sflag:s10] =	ssyncset.done $0x0  }
0x163: {  	[sflag:s10] =	ssyncadd.s32 $0xFFFF8000  }
0x164: {  	[hbm4b:s15+s2] =	stream.linear.scatter [tilespmem:s9], [sflag:$0x6], $0x8000, $0x38;
	[tilespmem:$0x10400] =	vst v63  }
0x165: {  	_ =	swait.ge [sflag:s7], $0x8000  }
0x166: {  	[sflag:s7] =	ssyncset.done $0x0  }
0x167: {  	[sflag:s7] =	ssyncadd.s32 $0xFFFF8000  }
0x168: {  	_ =	swait.ge [sflag:s14], $0x200  }
0x169: {  	[sflag:s14] =	ssyncset.done $0x0  }
0x16a: {  	[sflag:s14] =	ssyncadd.s32 $0xFFFFFE00  }
0x16b: {  	[tilespmem:s13], [sflag:$0x3] =	stream.indirect.gather [hbm4b:s3+s5], $0x40, s2, s5, $0xb8;
	[tilespmem:$0x10400] =	vst v63  }
0x16c: {  	_ = 	snop  }
0x16d: {  	[tilespmem:s5], [sflag:$0x2] =	stream.linear.gather [hbm4b:s11+s2], $0x200, $0x38;
	[tilespmem:$0x10400] =	vst v63  }
0x16e: {  	_ =	swait.ge [sflag:s16], $0x8000  }
0x16f: {  	[sflag:s16] =	ssyncset.done $0x0  }
0x170: {  	[sflag:s16] =	ssyncadd.s32 $0xFFFF8000  }
0x171: {  	[hbm4b:s8+s2] =	stream.linear.scatter [tilespmem:s13], [sflag:$0x5], $0x8000, $0x38;
	[tilespmem:$0x10400] =	vst v63  }
0x172: {  	_ =	swait.ge [sflag:s6], $0x8000  }
0x173: {  	[sflag:s6] =	ssyncset.done $0x0  }
0x174: {  	[sflag:s6] =	ssyncadd.s32 $0xFFFF8000  }
0x175: {  	_ =	swait.ge [sflag:s12], $0x200  }
0x176: {  	[sflag:s12] =	ssyncset.done $0x0  }
0x177: {  	[sflag:s12] =	ssyncadd.s32 $0xFFFFFE00  }
0x178: {  	[tilespmem:s9], [sflag:$0x4] =	stream.indirect.gather [hbm4b:s3+s5], $0x40, s5, s5, $0xb8;
	[tilespmem:$0x10400] =	vst v63  }
0x179: {  	_ =	swait.ge [sflag:s10], $0x8000  }
0x17a: {  	[sflag:s10] =	ssyncset.done $0x0  }
0x17b: {  	p1 =	sne.s32 s1, $0x1;
	[sflag:s10] =	ssyncadd.s32 $0xFFFF8000  }
0x17c: {  	[hbm4b:s4+s2] =	stream.linear.scatter [tilespmem:s9], [sflag:$0x6], $0x8000, $0x38;
	[tilespmem:$0x10400] =	vst v63  }
.Ltmp1:
0x17d: {  	_ =	swait.ge [sflag:s7], $0x8000;
	(pc) =	sbr.rel @!p1 .LBB2_3-.Ltmp1, $4  }
0x17e: {  	[sflag:s7] =	ssyncset.done $0x0  }
0x17f: {  	[sflag:s7] =	ssyncadd.s32 $0xFFFF8000  }
0x180: {  	s1 =	sadd.s32 $0xFFFFFFFF, s1;
	_ =	swait.ge [sflag:s6], $0x8000  }
0x181: {  	p0 =	por $0x1, $0x1;
	s0 =	rddreg [dreg:$0x3];
	[sflag:s6] =	ssyncset.done $0x0  }
.LBB2_2:
0x182: {  	[sflag:s6] =	ssyncadd.s32 $0xFFFF8000  }
0x183: {  	[tilespmem:s2], [sflag:$0x1] =	stream.linear.gather [hbm4b:s0+s2], $0x200, $0x38;
	[tilespmem:$0x10400] =	vst v63  }
0x184: {  	_ =	swait.ge [sflag:s14], $0x200  }
0x185: {  	[sflag:s14] =	ssyncset.done $0x0  }
0x186: {  	[sflag:s14] =	ssyncadd.s32 $0xFFFFFE00  }
0x187: {  	[tilespmem:s13], [sflag:$0x3] =	stream.indirect.gather [hbm4b:s3+s5], $0x40, s2, s5, $0xb8;
	[tilespmem:$0x10400] =	vst v63  }
0x188: {  	s0 =	rddreg [dreg:$0x4]  }
0x189: {  	[tilespmem:s5], [sflag:$0x2] =	stream.linear.gather [hbm4b:s0+s2], $0x200, $0x38;
	[tilespmem:$0x10400] =	vst v63  }
0x18a: {  	_ =	swait.ge [sflag:s16], $0x8000  }
0x18b: {  	[sflag:s16] =	ssyncset.done $0x0  }
0x18c: {  	[sflag:s16] =	ssyncadd.s32 $0xFFFF8000  }
0x18d: {  	[hbm4b:s31+s2] =	stream.linear.scatter [tilespmem:s13], [sflag:$0x5], $0x8000, $0x38;
	[tilespmem:$0x10400] =	vst v63  }
0x18e: {  	_ =	swait.ge [sflag:s12], $0x200  }
0x18f: {  	[sflag:s12] =	ssyncset.done $0x0  }
0x190: {  	[sflag:s12] =	ssyncadd.s32 $0xFFFFFE00  }
0x191: {  	[tilespmem:s9], [sflag:$0x4] =	stream.indirect.gather [hbm4b:s3+s5], $0x40, s5, s5, $0xb8;
	[tilespmem:$0x10400] =	vst v63  }
0x192: {  	s0 =	rddreg [dreg:$0x5]  }
0x193: {  	[tilespmem:s2], [sflag:$0x1] =	stream.linear.gather [hbm4b:s0+s2], $0x200, $0x38;
	[tilespmem:$0x10400] =	vst v63  }
0x194: {  	_ =	swait.ge [sflag:s10], $0x8000  }
0x195: {  	[sflag:s10] =	ssyncset.done $0x0  }
0x196: {  	s0 =	rddreg [dreg:$0x6];
	[sflag:s10] =	ssyncadd.s32 $0xFFFF8000  }
0x197: {  	[hbm4b:s0+s2] =	stream.linear.scatter [tilespmem:s9], [sflag:$0x6], $0x8000, $0x38;
	[tilespmem:$0x10400] =	vst v63  }
0x198: {  	_ =	swait.ge [sflag:s7], $0x8000  }
0x199: {  	[sflag:s7] =	ssyncset.done $0x0  }
0x19a: {  	[sflag:s7] =	ssyncadd.s32 $0xFFFF8000  }
0x19b: {  	_ =	swait.ge [sflag:s14], $0x200  }
0x19c: {  	[sflag:s14] =	ssyncset.done $0x0  }
0x19d: {  	[sflag:s14] =	ssyncadd.s32 $0xFFFFFE00  }
0x19e: {  	[tilespmem:s13], [sflag:$0x3] =	stream.indirect.gather [hbm4b:s3+s5], $0x40, s2, s5, $0xb8;
	[tilespmem:$0x10400] =	vst v63  }
0x19f: {  	s0 =	rddreg [dreg:$0x7]  }
0x1a0: {  	[tilespmem:s5], [sflag:$0x2] =	stream.linear.gather [hbm4b:s0+s2], $0x200, $0x38;
	[tilespmem:$0x10400] =	vst v63  }
0x1a1: {  	_ =	swait.ge [sflag:s16], $0x8000  }
0x1a2: {  	[sflag:s16] =	ssyncset.done $0x0  }
0x1a3: {  	s0 =	rddreg [dreg:$0x8];
	[sflag:s16] =	ssyncadd.s32 $0xFFFF8000  }
0x1a4: {  	[hbm4b:s0+s2] =	stream.linear.scatter [tilespmem:s13], [sflag:$0x5], $0x8000, $0x38;
	[tilespmem:$0x10400] =	vst v63  }
0x1a5: {  	_ =	swait.ge [sflag:s6], $0x8000  }
0x1a6: {  	[sflag:s6] =	ssyncset.done $0x0  }
0x1a7: {  	[sflag:s6] =	ssyncadd.s32 $0xFFFF8000  }
0x1a8: {  	_ =	swait.ge [sflag:s12], $0x200  }
0x1a9: {  	[sflag:s12] =	ssyncset.done $0x0  }
0x1aa: {  	[sflag:s12] =	ssyncadd.s32 $0xFFFFFE00  }
0x1ab: {  	[tilespmem:s9], [sflag:$0x4] =	stream.indirect.gather [hbm4b:s3+s5], $0x40, s5, s5, $0xb8;
	[tilespmem:$0x10400] =	vst v63  }
0x1ac: {  	s0 =	rddreg [dreg:$0x9]  }
0x1ad: {  	[tilespmem:s2], [sflag:$0x1] =	stream.linear.gather [hbm4b:s0+s2], $0x200, $0x38;
	[tilespmem:$0x10400] =	vst v63  }
0x1ae: {  	_ =	swait.ge [sflag:s10], $0x8000  }
0x1af: {  	[sflag:s10] =	ssyncset.done $0x0  }
0x1b0: {  	s0 =	rddreg [dreg:$0xa];
	[sflag:s10] =	ssyncadd.s32 $0xFFFF8000  }
0x1b1: {  	[hbm4b:s0+s2] =	stream.linear.scatter [tilespmem:s9], [sflag:$0x6], $0x8000, $0x38;
	[tilespmem:$0x10400] =	vst v63  }
0x1b2: {  	_ =	swait.ge [sflag:s7], $0x8000  }
0x1b3: {  	[sflag:s7] =	ssyncset.done $0x0  }
0x1b4: {  	[sflag:s7] =	ssyncadd.s32 $0xFFFF8000  }
0x1b5: {  	_ =	swait.ge [sflag:s14], $0x200  }
0x1b6: {  	[sflag:s14] =	ssyncset.done $0x0  }
0x1b7: {  	[sflag:s14] =	ssyncadd.s32 $0xFFFFFE00  }
0x1b8: {  	[tilespmem:s13], [sflag:$0x3] =	stream.indirect.gather [hbm4b:s3+s5], $0x40, s2, s5, $0xb8;
	[tilespmem:$0x10400] =	vst v63  }
0x1b9: {  	s0 =	rddreg [dreg:$0xb]  }
0x1ba: {  	[tilespmem:s5], [sflag:$0x2] =	stream.linear.gather [hbm4b:s0+s2], $0x200, $0x38;
	[tilespmem:$0x10400] =	vst v63  }
0x1bb: {  	_ =	swait.ge [sflag:s16], $0x8000  }
0x1bc: {  	[sflag:s16] =	ssyncset.done $0x0  }
0x1bd: {  	s0 =	rddreg [dreg:$0xc];
	[sflag:s16] =	ssyncadd.s32 $0xFFFF8000  }
0x1be: {  	[hbm4b:s0+s2] =	stream.linear.scatter [tilespmem:s13], [sflag:$0x5], $0x8000, $0x38;
	[tilespmem:$0x10400] =	vst v63  }
0x1bf: {  	_ =	swait.ge [sflag:s6], $0x8000  }
0x1c0: {  	[sflag:s6] =	ssyncset.done $0x0  }
0x1c1: {  	[sflag:s6] =	ssyncadd.s32 $0xFFFF8000  }
0x1c2: {  	_ =	swait.ge [sflag:s12], $0x200  }
0x1c3: {  	[sflag:s12] =	ssyncset.done $0x0  }
0x1c4: {  	[sflag:s12] =	ssyncadd.s32 $0xFFFFFE00  }
0x1c5: {  	[tilespmem:s9], [sflag:$0x4] =	stream.indirect.gather [hbm4b:s3+s5], $0x40, s5, s5, $0xb8;
	[tilespmem:$0x10400] =	vst v63  }
0x1c6: {  	s0 =	rddreg [dreg:$0xd]  }
0x1c7: {  	[tilespmem:s2], [sflag:$0x1] =	stream.linear.gather [hbm4b:s0+s2], $0x200, $0x38;
	[tilespmem:$0x10400] =	vst v63  }
0x1c8: {  	_ =	swait.ge [sflag:s10], $0x8000  }
0x1c9: {  	[sflag:s10] =	ssyncset.done $0x0  }
0x1ca: {  	s0 =	rddreg [dreg:$0xe];
	[sflag:s10] =	ssyncadd.s32 $0xFFFF8000  }
0x1cb: {  	[hbm4b:s0+s2] =	stream.linear.scatter [tilespmem:s9], [sflag:$0x6], $0x8000, $0x38;
	[tilespmem:$0x10400] =	vst v63  }
0x1cc: {  	_ =	swait.ge [sflag:s7], $0x8000  }
0x1cd: {  	[sflag:s7] =	ssyncset.done $0x0  }
0x1ce: {  	[sflag:s7] =	ssyncadd.s32 $0xFFFF8000  }
0x1cf: {  	_ =	swait.ge [sflag:s14], $0x200  }
0x1d0: {  	[sflag:s14] =	ssyncset.done $0x0  }
0x1d1: {  	[sflag:s14] =	ssyncadd.s32 $0xFFFFFE00  }
0x1d2: {  	[tilespmem:s13], [sflag:$0x3] =	stream.indirect.gather [hbm4b:s3+s5], $0x40, s2, s5, $0xb8;
	[tilespmem:$0x10400] =	vst v63  }
0x1d3: {  	s0 =	rddreg [dreg:$0xf]  }
0x1d4: {  	[tilespmem:s5], [sflag:$0x2] =	stream.linear.gather [hbm4b:s0+s2], $0x200, $0x38;
	[tilespmem:$0x10400] =	vst v63  }
0x1d5: {  	_ =	swait.ge [sflag:s16], $0x8000  }
0x1d6: {  	[sflag:s16] =	ssyncset.done $0x0  }
0x1d7: {  	s0 =	rddreg [dreg:$0x10];
	[sflag:s16] =	ssyncadd.s32 $0xFFFF8000  }
0x1d8: {  	[hbm4b:s0+s2] =	stream.linear.scatter [tilespmem:s13], [sflag:$0x5], $0x8000, $0x38;
	[tilespmem:$0x10400] =	vst v63  }
0x1d9: {  	_ =	swait.ge [sflag:s6], $0x8000  }
0x1da: {  	[sflag:s6] =	ssyncset.done $0x0  }
0x1db: {  	[sflag:s6] =	ssyncadd.s32 $0xFFFF8000  }
0x1dc: {  	_ =	swait.ge [sflag:s12], $0x200  }
0x1dd: {  	[sflag:s12] =	ssyncset.done $0x0  }
0x1de: {  	[sflag:s12] =	ssyncadd.s32 $0xFFFFFE00  }
0x1df: {  	[tilespmem:s9], [sflag:$0x4] =	stream.indirect.gather [hbm4b:s3+s5], $0x40, s5, s5, $0xb8;
	[tilespmem:$0x10400] =	vst v63  }
0x1e0: {  	s0 =	rddreg [dreg:$0x11]  }
0x1e1: {  	[tilespmem:s2], [sflag:$0x1] =	stream.linear.gather [hbm4b:s0+s2], $0x200, $0x38;
	[tilespmem:$0x10400] =	vst v63  }
0x1e2: {  	_ =	swait.ge [sflag:s10], $0x8000  }
0x1e3: {  	[sflag:s10] =	ssyncset.done $0x0  }
0x1e4: {  	s0 =	rddreg [dreg:$0x12];
	[sflag:s10] =	ssyncadd.s32 $0xFFFF8000  }
0x1e5: {  	[hbm4b:s0+s2] =	stream.linear.scatter [tilespmem:s9], [sflag:$0x6], $0x8000, $0x38;
	[tilespmem:$0x10400] =	vst v63  }
0x1e6: {  	_ =	swait.ge [sflag:s7], $0x8000  }
0x1e7: {  	[sflag:s7] =	ssyncset.done $0x0  }
0x1e8: {  	[sflag:s7] =	ssyncadd.s32 $0xFFFF8000  }
0x1e9: {  	_ =	swait.ge [sflag:s14], $0x200  }
0x1ea: {  	[sflag:s14] =	ssyncset.done $0x0  }
0x1eb: {  	[sflag:s14] =	ssyncadd.s32 $0xFFFFFE00  }
0x1ec: {  	[tilespmem:s13], [sflag:$0x3] =	stream.indirect.gather [hbm4b:s3+s5], $0x40, s2, s5, $0xb8;
	[tilespmem:$0x10400] =	vst v63  }
0x1ed: {  	s0 =	rddreg [dreg:$0x13]  }
0x1ee: {  	[tilespmem:s5], [sflag:$0x2] =	stream.linear.gather [hbm4b:s0+s2], $0x200, $0x38;
	[tilespmem:$0x10400] =	vst v63  }
0x1ef: {  	_ =	swait.ge [sflag:s16], $0x8000  }
0x1f0: {  	[sflag:s16] =	ssyncset.done $0x0  }
0x1f1: {  	s0 =	rddreg [dreg:$0x14];
	[sflag:s16] =	ssyncadd.s32 $0xFFFF8000  }
0x1f2: {  	[hbm4b:s0+s2] =	stream.linear.scatter [tilespmem:s13], [sflag:$0x5], $0x8000, $0x38;
	[tilespmem:$0x10400] =	vst v63  }
0x1f3: {  	_ =	swait.ge [sflag:s6], $0x8000  }
0x1f4: {  	[sflag:s6] =	ssyncset.done $0x0  }
0x1f5: {  	[sflag:s6] =	ssyncadd.s32 $0xFFFF8000  }
0x1f6: {  	_ =	swait.ge [sflag:s12], $0x200  }
0x1f7: {  	[sflag:s12] =	ssyncset.done $0x0  }
0x1f8: {  	[sflag:s12] =	ssyncadd.s32 $0xFFFFFE00  }
0x1f9: {  	[tilespmem:s9], [sflag:$0x4] =	stream.indirect.gather [hbm4b:s3+s5], $0x40, s5, s5, $0xb8;
	[tilespmem:$0x10400] =	vst v63  }
0x1fa: {  	s0 =	rddreg [dreg:$0x15]  }
0x1fb: {  	[tilespmem:s2], [sflag:$0x1] =	stream.linear.gather [hbm4b:s0+s2], $0x200, $0x38;
	[tilespmem:$0x10400] =	vst v63  }
0x1fc: {  	_ =	swait.ge [sflag:s10], $0x8000  }
0x1fd: {  	[sflag:s10] =	ssyncset.done $0x0  }
0x1fe: {  	s0 =	rddreg [dreg:$0x16];
	[sflag:s10] =	ssyncadd.s32 $0xFFFF8000  }
0x1ff: {  	[hbm4b:s0+s2] =	stream.linear.scatter [tilespmem:s9], [sflag:$0x6], $0x8000, $0x38;
	[tilespmem:$0x10400] =	vst v63  }
0x200: {  	_ =	swait.ge [sflag:s7], $0x8000  }
0x201: {  	[sflag:s7] =	ssyncset.done $0x0  }
0x202: {  	[sflag:s7] =	ssyncadd.s32 $0xFFFF8000  }
0x203: {  	_ =	swait.ge [sflag:s14], $0x200  }
0x204: {  	[sflag:s14] =	ssyncset.done $0x0  }
0x205: {  	[sflag:s14] =	ssyncadd.s32 $0xFFFFFE00  }
0x206: {  	[tilespmem:s13], [sflag:$0x3] =	stream.indirect.gather [hbm4b:s3+s5], $0x40, s2, s5, $0xb8;
	[tilespmem:$0x10400] =	vst v63  }
0x207: {  	s0 =	rddreg [dreg:$0x17]  }
0x208: {  	[tilespmem:s5], [sflag:$0x2] =	stream.linear.gather [hbm4b:s0+s2], $0x200, $0x38;
	[tilespmem:$0x10400] =	vst v63  }
0x209: {  	_ =	swait.ge [sflag:s16], $0x8000  }
0x20a: {  	[sflag:s16] =	ssyncset.done $0x0  }
0x20b: {  	s0 =	rddreg [dreg:$0x18];
	[sflag:s16] =	ssyncadd.s32 $0xFFFF8000  }
0x20c: {  	[hbm4b:s0+s2] =	stream.linear.scatter [tilespmem:s13], [sflag:$0x5], $0x8000, $0x38;
	[tilespmem:$0x10400] =	vst v63  }
0x20d: {  	_ =	swait.ge [sflag:s6], $0x8000  }
0x20e: {  	[sflag:s6] =	ssyncset.done $0x0  }
0x20f: {  	[sflag:s6] =	ssyncadd.s32 $0xFFFF8000  }
0x210: {  	_ =	swait.ge [sflag:s12], $0x200  }
0x211: {  	[sflag:s12] =	ssyncset.done $0x0  }
0x212: {  	[sflag:s12] =	ssyncadd.s32 $0xFFFFFE00  }
0x213: {  	[tilespmem:s9], [sflag:$0x4] =	stream.indirect.gather [hbm4b:s3+s5], $0x40, s5, s5, $0xb8;
	[tilespmem:$0x10400] =	vst v63  }
0x214: {  	s0 =	rddreg [dreg:$0x19]  }
0x215: {  	[tilespmem:s2], [sflag:$0x1] =	stream.linear.gather [hbm4b:s0+s2], $0x200, $0x38;
	[tilespmem:$0x10400] =	vst v63  }
0x216: {  	_ =	swait.ge [sflag:s10], $0x8000  }
0x217: {  	[sflag:s10] =	ssyncset.done $0x0  }
0x218: {  	s0 =	rddreg [dreg:$0x1a];
	[sflag:s10] =	ssyncadd.s32 $0xFFFF8000  }
0x219: {  	[hbm4b:s0+s2] =	stream.linear.scatter [tilespmem:s9], [sflag:$0x6], $0x8000, $0x38;
	[tilespmem:$0x10400] =	vst v63  }
0x21a: {  	_ =	swait.ge [sflag:s7], $0x8000  }
0x21b: {  	[sflag:s7] =	ssyncset.done $0x0  }
0x21c: {  	[sflag:s7] =	ssyncadd.s32 $0xFFFF8000  }
0x21d: {  	_ =	swait.ge [sflag:s14], $0x200  }
0x21e: {  	[sflag:s14] =	ssyncset.done $0x0  }
0x21f: {  	[sflag:s14] =	ssyncadd.s32 $0xFFFFFE00  }
0x220: {  	[tilespmem:s13], [sflag:$0x3] =	stream.indirect.gather [hbm4b:s3+s5], $0x40, s2, s5, $0xb8;
	[tilespmem:$0x10400] =	vst v63  }
0x221: {  	s0 =	rddreg [dreg:$0x1b]  }
0x222: {  	[tilespmem:s5], [sflag:$0x2] =	stream.linear.gather [hbm4b:s0+s2], $0x200, $0x38;
	[tilespmem:$0x10400] =	vst v63  }
0x223: {  	_ =	swait.ge [sflag:s16], $0x8000  }
0x224: {  	[sflag:s16] =	ssyncset.done $0x0  }
0x225: {  	s0 =	rddreg [dreg:$0x1c];
	[sflag:s16] =	ssyncadd.s32 $0xFFFF8000  }
0x226: {  	[hbm4b:s0+s2] =	stream.linear.scatter [tilespmem:s13], [sflag:$0x5], $0x8000, $0x38;
	[tilespmem:$0x10400] =	vst v63  }
0x227: {  	_ =	swait.ge [sflag:s6], $0x8000  }
0x228: {  	[sflag:s6] =	ssyncset.done $0x0  }
0x229: {  	[sflag:s6] =	ssyncadd.s32 $0xFFFF8000  }
0x22a: {  	_ =	swait.ge [sflag:s12], $0x200  }
0x22b: {  	[sflag:s12] =	ssyncset.done $0x0  }
0x22c: {  	[sflag:s12] =	ssyncadd.s32 $0xFFFFFE00  }
0x22d: {  	[tilespmem:s9], [sflag:$0x4] =	stream.indirect.gather [hbm4b:s3+s5], $0x40, s5, s5, $0xb8;
	[tilespmem:$0x10400] =	vst v63  }
0x22e: {  	s0 =	rddreg [dreg:$0x1d]  }
0x22f: {  	[tilespmem:s2], [sflag:$0x1] =	stream.linear.gather [hbm4b:s0+s2], $0x200, $0x38;
	[tilespmem:$0x10400] =	vst v63  }
0x230: {  	_ =	swait.ge [sflag:s10], $0x8000  }
0x231: {  	[sflag:s10] =	ssyncset.done $0x0  }
0x232: {  	s0 =	rddreg [dreg:$0x1e];
	[sflag:s10] =	ssyncadd.s32 $0xFFFF8000  }
0x233: {  	[hbm4b:s0+s2] =	stream.linear.scatter [tilespmem:s9], [sflag:$0x6], $0x8000, $0x38;
	[tilespmem:$0x10400] =	vst v63  }
0x234: {  	_ =	swait.ge [sflag:s7], $0x8000  }
0x235: {  	[sflag:s7] =	ssyncset.done $0x0  }
0x236: {  	[sflag:s7] =	ssyncadd.s32 $0xFFFF8000  }
0x237: {  	_ =	swait.ge [sflag:s14], $0x200  }
0x238: {  	[sflag:s14] =	ssyncset.done $0x0  }
0x239: {  	[sflag:s14] =	ssyncadd.s32 $0xFFFFFE00  }
0x23a: {  	[tilespmem:s13], [sflag:$0x3] =	stream.indirect.gather [hbm4b:s3+s5], $0x40, s2, s5, $0xb8;
	[tilespmem:$0x10400] =	vst v63  }
0x23b: {  	s0 =	rddreg [dreg:$0x1f]  }
0x23c: {  	[tilespmem:s5], [sflag:$0x2] =	stream.linear.gather [hbm4b:s0+s2], $0x200, $0x38;
	[tilespmem:$0x10400] =	vst v63  }
0x23d: {  	_ =	swait.ge [sflag:s16], $0x8000  }
0x23e: {  	s0 =	sld [smem:$0x7F9]  }
0x23f: {  	[sflag:s16] =	ssyncset.done $0x0  }
0x240: {  	[sflag:s16] =	ssyncadd.s32 $0xFFFF8000  }
0x241: {  	[hbm4b:s0+s2] =	stream.linear.scatter [tilespmem:s13], [sflag:$0x5], $0x8000, $0x38;
	[tilespmem:$0x10400] =	vst v63  }
0x242: {  	_ =	swait.ge [sflag:s6], $0x8000  }
0x243: {  	[sflag:s6] =	ssyncset.done $0x0  }
0x244: {  	[sflag:s6] =	ssyncadd.s32 $0xFFFF8000  }
0x245: {  	_ =	swait.ge [sflag:s12], $0x200  }
0x246: {  	[sflag:s12] =	ssyncset.done $0x0  }
0x247: {  	s0 =	sld [smem:$0x7FA];
	[sflag:s12] =	ssyncadd.s32 $0xFFFFFE00  }
0x248: {  	[tilespmem:s9], [sflag:$0x4] =	stream.indirect.gather [hbm4b:s3+s5], $0x40, s5, s5, $0xb8;
	[tilespmem:$0x10400] =	vst v63  }
0x249: {  	_ = 	snop  }
0x24a: {  	[tilespmem:s2], [sflag:$0x1] =	stream.linear.gather [hbm4b:s0+s2], $0x200, $0x38;
	[tilespmem:$0x10400] =	vst v63  }
0x24b: {  	_ =	swait.ge [sflag:s10], $0x8000  }
0x24c: {  	s0 =	sld [smem:$0x7FB]  }
0x24d: {  	[sflag:s10] =	ssyncset.done $0x0  }
0x24e: {  	[sflag:s10] =	ssyncadd.s32 $0xFFFF8000  }
0x24f: {  	[hbm4b:s0+s2] =	stream.linear.scatter [tilespmem:s9], [sflag:$0x6], $0x8000, $0x38;
	[tilespmem:$0x10400] =	vst v63  }
0x250: {  	_ =	swait.ge [sflag:s7], $0x8000  }
0x251: {  	[sflag:s7] =	ssyncset.done $0x0  }
0x252: {  	[sflag:s7] =	ssyncadd.s32 $0xFFFF8000  }
0x253: {  	_ =	swait.ge [sflag:s14], $0x200  }
0x254: {  	[sflag:s14] =	ssyncset.done $0x0  }
0x255: {  	s0 =	sld [smem:$0x7FC];
	[sflag:s14] =	ssyncadd.s32 $0xFFFFFE00  }
0x256: {  	[tilespmem:s13], [sflag:$0x3] =	stream.indirect.gather [hbm4b:s3+s5], $0x40, s2, s5, $0xb8;
	[tilespmem:$0x10400] =	vst v63  }
0x257: {  	_ = 	snop  }
0x258: {  	[tilespmem:s5], [sflag:$0x2] =	stream.linear.gather [hbm4b:s0+s2], $0x200, $0x38;
	[tilespmem:$0x10400] =	vst v63  }
0x259: {  	_ =	swait.ge [sflag:s16], $0x8000  }
0x25a: {  	s0 =	sld [smem:$0x7FD]  }
0x25b: {  	[sflag:s16] =	ssyncset.done $0x0  }
0x25c: {  	[sflag:s16] =	ssyncadd.s32 $0xFFFF8000  }
0x25d: {  	[hbm4b:s0+s2] =	stream.linear.scatter [tilespmem:s13], [sflag:$0x5], $0x8000, $0x38;
	[tilespmem:$0x10400] =	vst v63  }
0x25e: {  	_ =	swait.ge [sflag:s6], $0x8000  }
0x25f: {  	[sflag:s6] =	ssyncset.done $0x0  }
0x260: {  	[sflag:s6] =	ssyncadd.s32 $0xFFFF8000  }
0x261: {  	_ =	swait.ge [sflag:s12], $0x200  }
0x262: {  	[sflag:s12] =	ssyncset.done $0x0  }
0x263: {  	[sflag:s12] =	ssyncadd.s32 $0xFFFFFE00  }
0x264: {  	[tilespmem:s9], [sflag:$0x4] =	stream.indirect.gather [hbm4b:s3+s5], $0x40, s5, s5, $0xb8;
	[tilespmem:$0x10400] =	vst v63  }
0x265: {  	_ = 	snop  }
0x266: {  	[tilespmem:s2], [sflag:$0x1] =	stream.linear.gather [hbm4b:s30+s2], $0x200, $0x38;
	[tilespmem:$0x10400] =	vst v63  }
0x267: {  	_ =	swait.ge [sflag:s10], $0x8000  }
0x268: {  	[sflag:s10] =	ssyncset.done $0x0  }
0x269: {  	[sflag:s10] =	ssyncadd.s32 $0xFFFF8000  }
0x26a: {  	[hbm4b:s29+s2] =	stream.linear.scatter [tilespmem:s9], [sflag:$0x6], $0x8000, $0x38;
	[tilespmem:$0x10400] =	vst v63  }
0x26b: {  	_ =	swait.ge [sflag:s7], $0x8000  }
0x26c: {  	[sflag:s7] =	ssyncset.done $0x0  }
0x26d: {  	[sflag:s7] =	ssyncadd.s32 $0xFFFF8000  }
0x26e: {  	_ =	swait.ge [sflag:s14], $0x200  }
0x26f: {  	[sflag:s14] =	ssyncset.done $0x0  }
0x270: {  	[sflag:s14] =	ssyncadd.s32 $0xFFFFFE00  }
0x271: {  	[tilespmem:s13], [sflag:$0x3] =	stream.indirect.gather [hbm4b:s3+s5], $0x40, s2, s5, $0xb8;
	[tilespmem:$0x10400] =	vst v63  }
0x272: {  	_ = 	snop  }
0x273: {  	[tilespmem:s5], [sflag:$0x2] =	stream.linear.gather [hbm4b:s28+s2], $0x200, $0x38;
	[tilespmem:$0x10400] =	vst v63  }
0x274: {  	_ =	swait.ge [sflag:s16], $0x8000  }
0x275: {  	[sflag:s16] =	ssyncset.done $0x0  }
0x276: {  	[sflag:s16] =	ssyncadd.s32 $0xFFFF8000  }
0x277: {  	[hbm4b:s26+s2] =	stream.linear.scatter [tilespmem:s13], [sflag:$0x5], $0x8000, $0x38;
	[tilespmem:$0x10400] =	vst v63  }
0x278: {  	_ =	swait.ge [sflag:s6], $0x8000  }
0x279: {  	[sflag:s6] =	ssyncset.done $0x0  }
0x27a: {  	[sflag:s6] =	ssyncadd.s32 $0xFFFF8000  }
0x27b: {  	_ =	swait.ge [sflag:s12], $0x200  }
0x27c: {  	[sflag:s12] =	ssyncset.done $0x0  }
0x27d: {  	[sflag:s12] =	ssyncadd.s32 $0xFFFFFE00  }
0x27e: {  	[tilespmem:s9], [sflag:$0x4] =	stream.indirect.gather [hbm4b:s3+s5], $0x40, s5, s5, $0xb8;
	[tilespmem:$0x10400] =	vst v63  }
0x27f: {  	_ = 	snop  }
0x280: {  	[tilespmem:s2], [sflag:$0x1] =	stream.linear.gather [hbm4b:s25+s2], $0x200, $0x38;
	[tilespmem:$0x10400] =	vst v63  }
0x281: {  	_ =	swait.ge [sflag:s10], $0x8000  }
0x282: {  	[sflag:s10] =	ssyncset.done $0x0  }
0x283: {  	[sflag:s10] =	ssyncadd.s32 $0xFFFF8000  }
0x284: {  	[hbm4b:s24+s2] =	stream.linear.scatter [tilespmem:s9], [sflag:$0x6], $0x8000, $0x38;
	[tilespmem:$0x10400] =	vst v63  }
0x285: {  	_ =	swait.ge [sflag:s7], $0x8000  }
0x286: {  	[sflag:s7] =	ssyncset.done $0x0  }
0x287: {  	[sflag:s7] =	ssyncadd.s32 $0xFFFF8000  }
0x288: {  	_ =	swait.ge [sflag:s14], $0x200  }
0x289: {  	[sflag:s14] =	ssyncset.done $0x0  }
0x28a: {  	[sflag:s14] =	ssyncadd.s32 $0xFFFFFE00  }
0x28b: {  	[tilespmem:s13], [sflag:$0x3] =	stream.indirect.gather [hbm4b:s3+s5], $0x40, s2, s5, $0xb8;
	[tilespmem:$0x10400] =	vst v63  }
0x28c: {  	_ = 	snop  }
0x28d: {  	[tilespmem:s5], [sflag:$0x2] =	stream.linear.gather [hbm4b:s23+s2], $0x200, $0x38;
	[tilespmem:$0x10400] =	vst v63  }
0x28e: {  	_ =	swait.ge [sflag:s16], $0x8000  }
0x28f: {  	[sflag:s16] =	ssyncset.done $0x0  }
0x290: {  	[sflag:s16] =	ssyncadd.s32 $0xFFFF8000  }
0x291: {  	[hbm4b:s22+s2] =	stream.linear.scatter [tilespmem:s13], [sflag:$0x5], $0x8000, $0x38;
	[tilespmem:$0x10400] =	vst v63  }
0x292: {  	_ =	swait.ge [sflag:s6], $0x8000  }
0x293: {  	[sflag:s6] =	ssyncset.done $0x0  }
0x294: {  	[sflag:s6] =	ssyncadd.s32 $0xFFFF8000  }
0x295: {  	_ =	swait.ge [sflag:s12], $0x200  }
0x296: {  	[sflag:s12] =	ssyncset.done $0x0  }
0x297: {  	[sflag:s12] =	ssyncadd.s32 $0xFFFFFE00  }
0x298: {  	[tilespmem:s9], [sflag:$0x4] =	stream.indirect.gather [hbm4b:s3+s5], $0x40, s5, s5, $0xb8;
	[tilespmem:$0x10400] =	vst v63  }
0x299: {  	_ = 	snop  }
0x29a: {  	[tilespmem:s2], [sflag:$0x1] =	stream.linear.gather [hbm4b:s21+s2], $0x200, $0x38;
	[tilespmem:$0x10400] =	vst v63  }
0x29b: {  	_ =	swait.ge [sflag:s10], $0x8000  }
0x29c: {  	[sflag:s10] =	ssyncset.done $0x0  }
0x29d: {  	[sflag:s10] =	ssyncadd.s32 $0xFFFF8000  }
0x29e: {  	[hbm4b:s20+s2] =	stream.linear.scatter [tilespmem:s9], [sflag:$0x6], $0x8000, $0x38;
	[tilespmem:$0x10400] =	vst v63  }
0x29f: {  	_ =	swait.ge [sflag:s7], $0x8000  }
0x2a0: {  	[sflag:s7] =	ssyncset.done $0x0  }
0x2a1: {  	[sflag:s7] =	ssyncadd.s32 $0xFFFF8000  }
0x2a2: {  	_ =	swait.ge [sflag:s14], $0x200  }
0x2a3: {  	[sflag:s14] =	ssyncset.done $0x0  }
0x2a4: {  	[sflag:s14] =	ssyncadd.s32 $0xFFFFFE00  }
0x2a5: {  	[tilespmem:s13], [sflag:$0x3] =	stream.indirect.gather [hbm4b:s3+s5], $0x40, s2, s5, $0xb8;
	[tilespmem:$0x10400] =	vst v63  }
0x2a6: {  	_ = 	snop  }
0x2a7: {  	[tilespmem:s5], [sflag:$0x2] =	stream.linear.gather [hbm4b:s19+s2], $0x200, $0x38;
	[tilespmem:$0x10400] =	vst v63  }
0x2a8: {  	_ =	swait.ge [sflag:s16], $0x8000  }
0x2a9: {  	[sflag:s16] =	ssyncset.done $0x0  }
0x2aa: {  	[sflag:s16] =	ssyncadd.s32 $0xFFFF8000  }
0x2ab: {  	[hbm4b:s18+s2] =	stream.linear.scatter [tilespmem:s13], [sflag:$0x5], $0x8000, $0x38;
	[tilespmem:$0x10400] =	vst v63  }
0x2ac: {  	_ =	swait.ge [sflag:s6], $0x8000  }
0x2ad: {  	[sflag:s6] =	ssyncset.done $0x0  }
0x2ae: {  	[sflag:s6] =	ssyncadd.s32 $0xFFFF8000  }
0x2af: {  	_ =	swait.ge [sflag:s12], $0x200  }
0x2b0: {  	[sflag:s12] =	ssyncset.done $0x0  }
0x2b1: {  	[sflag:s12] =	ssyncadd.s32 $0xFFFFFE00  }
0x2b2: {  	[tilespmem:s9], [sflag:$0x4] =	stream.indirect.gather [hbm4b:s3+s5], $0x40, s5, s5, $0xb8;
	[tilespmem:$0x10400] =	vst v63  }
0x2b3: {  	_ = 	snop  }
0x2b4: {  	[tilespmem:s2], [sflag:$0x1] =	stream.linear.gather [hbm4b:s17+s2], $0x200, $0x38;
	[tilespmem:$0x10400] =	vst v63  }
0x2b5: {  	_ =	swait.ge [sflag:s10], $0x8000  }
0x2b6: {  	[sflag:s10] =	ssyncset.done $0x0  }
0x2b7: {  	[sflag:s10] =	ssyncadd.s32 $0xFFFF8000  }
0x2b8: {  	[hbm4b:s15+s2] =	stream.linear.scatter [tilespmem:s9], [sflag:$0x6], $0x8000, $0x38;
	[tilespmem:$0x10400] =	vst v63  }
0x2b9: {  	_ =	swait.ge [sflag:s7], $0x8000  }
0x2ba: {  	[sflag:s7] =	ssyncset.done $0x0  }
0x2bb: {  	[sflag:s7] =	ssyncadd.s32 $0xFFFF8000  }
0x2bc: {  	_ =	swait.ge [sflag:s14], $0x200  }
0x2bd: {  	[sflag:s14] =	ssyncset.done $0x0  }
0x2be: {  	[sflag:s14] =	ssyncadd.s32 $0xFFFFFE00  }
0x2bf: {  	[tilespmem:s13], [sflag:$0x3] =	stream.indirect.gather [hbm4b:s3+s5], $0x40, s2, s5, $0xb8;
	[tilespmem:$0x10400] =	vst v63  }
0x2c0: {  	_ = 	snop  }
0x2c1: {  	[tilespmem:s5], [sflag:$0x2] =	stream.linear.gather [hbm4b:s11+s2], $0x200, $0x38;
	[tilespmem:$0x10400] =	vst v63  }
0x2c2: {  	_ =	swait.ge [sflag:s16], $0x8000  }
0x2c3: {  	[sflag:s16] =	ssyncset.done $0x0  }
0x2c4: {  	[sflag:s16] =	ssyncadd.s32 $0xFFFF8000  }
0x2c5: {  	[hbm4b:s8+s2] =	stream.linear.scatter [tilespmem:s13], [sflag:$0x5], $0x8000, $0x38;
	[tilespmem:$0x10400] =	vst v63  }
0x2c6: {  	_ =	swait.ge [sflag:s6], $0x8000  }
0x2c7: {  	[sflag:s6] =	ssyncset.done $0x0  }
0x2c8: {  	[sflag:s6] =	ssyncadd.s32 $0xFFFF8000  }
0x2c9: {  	_ =	swait.ge [sflag:s12], $0x200  }
0x2ca: {  	[sflag:s12] =	ssyncset.done $0x0  }
0x2cb: {  	[sflag:s12] =	ssyncadd.s32 $0xFFFFFE00  }
0x2cc: {  	[tilespmem:s9], [sflag:$0x4] =	stream.indirect.gather [hbm4b:s3+s5], $0x40, s5, s5, $0xb8;
	[tilespmem:$0x10400] =	vst v63  }
0x2cd: {  	_ =	swait.ge [sflag:s10], $0x8000  }
0x2ce: {  	[sflag:s10] =	ssyncset.done $0x0  }
0x2cf: {  	p1 =	sne.s32 s1, $0x1;
	[sflag:s10] =	ssyncadd.s32 $0xFFFF8000  }
0x2d0: {  	[hbm4b:s4+s2] =	stream.linear.scatter [tilespmem:s9], [sflag:$0x6], $0x8000, $0x38;
	[tilespmem:$0x10400] =	vst v63  }
.Ltmp2:
0x2d1: {  	_ =	swait.ge [sflag:s7], $0x8000;
	(pc) =	sbr.rel @p1 .LBB2_2-.Ltmp2, $4  }
0x2d2: {  	[sflag:s7] =	ssyncset.done $0x0  }
0x2d3: {  	[sflag:s7] =	ssyncadd.s32 $0xFFFF8000  }
0x2d4: {  	_ =	swait.ge [sflag:s6], $0x8000  }
0x2d5: {  	s1 =	sadd.s32 $0xFFFFFFFF, s1;
	s0 =	rddreg [dreg:$0x3];
	[sflag:s6] =	ssyncset.done $0x0  }
.LBB2_3:
0x2d6: {  	[sflag:s6] =	ssyncadd.s32 @p0 $0xFFFF8000  }
0x2d7: {  	[tilespmem:s2], [sflag:$0x1] =	stream.linear.gather [hbm4b:s0+s2], $0x200, $0x38;
	[tilespmem:$0x10400] =	vst v63  }
0x2d8: {  	_ =	swait.ge [sflag:s14], $0x200  }
0x2d9: {  	[sflag:s14] =	ssyncset.done $0x0  }
0x2da: {  	[sflag:s14] =	ssyncadd.s32 $0xFFFFFE00  }
0x2db: {  	[tilespmem:s13], [sflag:$0x3] =	stream.indirect.gather [hbm4b:s3+s5], $0x40, s2, s5, $0xb8;
	[tilespmem:$0x10400] =	vst v63  }
0x2dc: {  	s1 =	rddreg [dreg:$0x4]  }
0x2dd: {  	[tilespmem:s5], [sflag:$0x2] =	stream.linear.gather [hbm4b:s1+s2], $0x200, $0x38;
	[tilespmem:$0x10400] =	vst v63  }
0x2de: {  	_ =	swait.ge [sflag:s16], $0x8000  }
0x2df: {  	[sflag:s16] =	ssyncset.done $0x0  }
0x2e0: {  	[sflag:s16] =	ssyncadd.s32 $0xFFFF8000  }
0x2e1: {  	[hbm4b:s31+s2] =	stream.linear.scatter [tilespmem:s13], [sflag:$0x5], $0x8000, $0x38;
	[tilespmem:$0x10400] =	vst v63  }
0x2e2: {  	_ =	swait.ge [sflag:s12], $0x200  }
0x2e3: {  	[sflag:s12] =	ssyncset.done $0x0  }
0x2e4: {  	[sflag:s12] =	ssyncadd.s32 $0xFFFFFE00  }
0x2e5: {  	[tilespmem:s9], [sflag:$0x4] =	stream.indirect.gather [hbm4b:s3+s5], $0x40, s5, s5, $0xb8;
	[tilespmem:$0x10400] =	vst v63  }
0x2e6: {  	s31 =	rddreg [dreg:$0x5]  }
0x2e7: {  	[tilespmem:s2], [sflag:$0x1] =	stream.linear.gather [hbm4b:s31+s2], $0x200, $0x38;
	[tilespmem:$0x10400] =	vst v63  }
0x2e8: {  	_ =	swait.ge [sflag:s10], $0x8000  }
0x2e9: {  	[sflag:s10] =	ssyncset.done $0x0  }
0x2ea: {  	s1 =	rddreg [dreg:$0x6];
	[sflag:s10] =	ssyncadd.s32 $0xFFFF8000  }
0x2eb: {  	[hbm4b:s1+s2] =	stream.linear.scatter [tilespmem:s9], [sflag:$0x6], $0x8000, $0x38;
	[tilespmem:$0x10400] =	vst v63  }
0x2ec: {  	_ =	swait.ge [sflag:s7], $0x8000  }
0x2ed: {  	[sflag:s7] =	ssyncset.done $0x0  }
0x2ee: {  	[sflag:s7] =	ssyncadd.s32 $0xFFFF8000  }
0x2ef: {  	_ =	swait.ge [sflag:s14], $0x200  }
0x2f0: {  	[sflag:s14] =	ssyncset.done $0x0  }
0x2f1: {  	[sflag:s14] =	ssyncadd.s32 $0xFFFFFE00  }
0x2f2: {  	[tilespmem:s13], [sflag:$0x3] =	stream.indirect.gather [hbm4b:s3+s5], $0x40, s2, s5, $0xb8;
	[tilespmem:$0x10400] =	vst v63  }
0x2f3: {  	s31 =	rddreg [dreg:$0x7]  }
0x2f4: {  	[tilespmem:s5], [sflag:$0x2] =	stream.linear.gather [hbm4b:s31+s2], $0x200, $0x38;
	[tilespmem:$0x10400] =	vst v63  }
0x2f5: {  	_ =	swait.ge [sflag:s16], $0x8000  }
0x2f6: {  	[sflag:s16] =	ssyncset.done $0x0  }
0x2f7: {  	s1 =	rddreg [dreg:$0x8];
	[sflag:s16] =	ssyncadd.s32 $0xFFFF8000  }
0x2f8: {  	[hbm4b:s1+s2] =	stream.linear.scatter [tilespmem:s13], [sflag:$0x5], $0x8000, $0x38;
	[tilespmem:$0x10400] =	vst v63  }
0x2f9: {  	_ =	swait.ge [sflag:s6], $0x8000  }
0x2fa: {  	[sflag:s6] =	ssyncset.done $0x0  }
0x2fb: {  	[sflag:s6] =	ssyncadd.s32 $0xFFFF8000  }
0x2fc: {  	_ =	swait.ge [sflag:s12], $0x200  }
0x2fd: {  	[sflag:s12] =	ssyncset.done $0x0  }
0x2fe: {  	[sflag:s12] =	ssyncadd.s32 $0xFFFFFE00  }
0x2ff: {  	[tilespmem:s9], [sflag:$0x4] =	stream.indirect.gather [hbm4b:s3+s5], $0x40, s5, s5, $0xb8;
	[tilespmem:$0x10400] =	vst v63  }
0x300: {  	s31 =	rddreg [dreg:$0x9]  }
0x301: {  	[tilespmem:s2], [sflag:$0x1] =	stream.linear.gather [hbm4b:s31+s2], $0x200, $0x38;
	[tilespmem:$0x10400] =	vst v63  }
0x302: {  	_ =	swait.ge [sflag:s10], $0x8000  }
0x303: {  	[sflag:s10] =	ssyncset.done $0x0  }
0x304: {  	s1 =	rddreg [dreg:$0xa];
	[sflag:s10] =	ssyncadd.s32 $0xFFFF8000  }
0x305: {  	[hbm4b:s1+s2] =	stream.linear.scatter [tilespmem:s9], [sflag:$0x6], $0x8000, $0x38;
	[tilespmem:$0x10400] =	vst v63  }
0x306: {  	_ =	swait.ge [sflag:s7], $0x8000  }
0x307: {  	[sflag:s7] =	ssyncset.done $0x0  }
0x308: {  	[sflag:s7] =	ssyncadd.s32 $0xFFFF8000  }
0x309: {  	_ =	swait.ge [sflag:s14], $0x200  }
0x30a: {  	[sflag:s14] =	ssyncset.done $0x0  }
0x30b: {  	[sflag:s14] =	ssyncadd.s32 $0xFFFFFE00  }
0x30c: {  	[tilespmem:s13], [sflag:$0x3] =	stream.indirect.gather [hbm4b:s3+s5], $0x40, s2, s5, $0xb8;
	[tilespmem:$0x10400] =	vst v63  }
0x30d: {  	s31 =	rddreg [dreg:$0xb]  }
0x30e: {  	[tilespmem:s5], [sflag:$0x2] =	stream.linear.gather [hbm4b:s31+s2], $0x200, $0x38;
	[tilespmem:$0x10400] =	vst v63  }
0x30f: {  	_ =	swait.ge [sflag:s16], $0x8000  }
0x310: {  	[sflag:s16] =	ssyncset.done $0x0  }
0x311: {  	s1 =	rddreg [dreg:$0xc];
	[sflag:s16] =	ssyncadd.s32 $0xFFFF8000  }
0x312: {  	[hbm4b:s1+s2] =	stream.linear.scatter [tilespmem:s13], [sflag:$0x5], $0x8000, $0x38;
	[tilespmem:$0x10400] =	vst v63  }
0x313: {  	_ =	swait.ge [sflag:s6], $0x8000  }
0x314: {  	[sflag:s6] =	ssyncset.done $0x0  }
0x315: {  	[sflag:s6] =	ssyncadd.s32 $0xFFFF8000  }
0x316: {  	_ =	swait.ge [sflag:s12], $0x200  }
0x317: {  	[sflag:s12] =	ssyncset.done $0x0  }
0x318: {  	[sflag:s12] =	ssyncadd.s32 $0xFFFFFE00  }
0x319: {  	[tilespmem:s9], [sflag:$0x4] =	stream.indirect.gather [hbm4b:s3+s5], $0x40, s5, s5, $0xb8;
	[tilespmem:$0x10400] =	vst v63  }
0x31a: {  	s31 =	rddreg [dreg:$0xd]  }
0x31b: {  	[tilespmem:s2], [sflag:$0x1] =	stream.linear.gather [hbm4b:s31+s2], $0x200, $0x38;
	[tilespmem:$0x10400] =	vst v63  }
0x31c: {  	_ =	swait.ge [sflag:s10], $0x8000  }
0x31d: {  	[sflag:s10] =	ssyncset.done $0x0  }
0x31e: {  	s1 =	rddreg [dreg:$0xe];
	[sflag:s10] =	ssyncadd.s32 $0xFFFF8000  }
0x31f: {  	[hbm4b:s1+s2] =	stream.linear.scatter [tilespmem:s9], [sflag:$0x6], $0x8000, $0x38;
	[tilespmem:$0x10400] =	vst v63  }
0x320: {  	_ =	swait.ge [sflag:s7], $0x8000  }
0x321: {  	[sflag:s7] =	ssyncset.done $0x0  }
0x322: {  	[sflag:s7] =	ssyncadd.s32 $0xFFFF8000  }
0x323: {  	_ =	swait.ge [sflag:s14], $0x200  }
0x324: {  	[sflag:s14] =	ssyncset.done $0x0  }
0x325: {  	[sflag:s14] =	ssyncadd.s32 $0xFFFFFE00  }
0x326: {  	[tilespmem:s13], [sflag:$0x3] =	stream.indirect.gather [hbm4b:s3+s5], $0x40, s2, s5, $0xb8;
	[tilespmem:$0x10400] =	vst v63  }
0x327: {  	s31 =	rddreg [dreg:$0xf]  }
0x328: {  	[tilespmem:s5], [sflag:$0x2] =	stream.linear.gather [hbm4b:s31+s2], $0x200, $0x38;
	[tilespmem:$0x10400] =	vst v63  }
0x329: {  	_ =	swait.ge [sflag:s16], $0x8000  }
0x32a: {  	[sflag:s16] =	ssyncset.done $0x0  }
0x32b: {  	s1 =	rddreg [dreg:$0x10];
	[sflag:s16] =	ssyncadd.s32 $0xFFFF8000  }
0x32c: {  	[hbm4b:s1+s2] =	stream.linear.scatter [tilespmem:s13], [sflag:$0x5], $0x8000, $0x38;
	[tilespmem:$0x10400] =	vst v63  }
0x32d: {  	_ =	swait.ge [sflag:s6], $0x8000  }
0x32e: {  	[sflag:s6] =	ssyncset.done $0x0  }
0x32f: {  	[sflag:s6] =	ssyncadd.s32 $0xFFFF8000  }
0x330: {  	_ =	swait.ge [sflag:s12], $0x200  }
0x331: {  	[sflag:s12] =	ssyncset.done $0x0  }
0x332: {  	[sflag:s12] =	ssyncadd.s32 $0xFFFFFE00  }
0x333: {  	[tilespmem:s9], [sflag:$0x4] =	stream.indirect.gather [hbm4b:s3+s5], $0x40, s5, s5, $0xb8;
	[tilespmem:$0x10400] =	vst v63  }
0x334: {  	s31 =	rddreg [dreg:$0x11]  }
0x335: {  	[tilespmem:s2], [sflag:$0x1] =	stream.linear.gather [hbm4b:s31+s2], $0x200, $0x38;
	[tilespmem:$0x10400] =	vst v63  }
0x336: {  	_ =	swait.ge [sflag:s10], $0x8000  }
0x337: {  	[sflag:s10] =	ssyncset.done $0x0  }
0x338: {  	s1 =	rddreg [dreg:$0x12];
	[sflag:s10] =	ssyncadd.s32 $0xFFFF8000  }
0x339: {  	[hbm4b:s1+s2] =	stream.linear.scatter [tilespmem:s9], [sflag:$0x6], $0x8000, $0x38;
	[tilespmem:$0x10400] =	vst v63  }
0x33a: {  	_ =	swait.ge [sflag:s7], $0x8000  }
0x33b: {  	[sflag:s7] =	ssyncset.done $0x0  }
0x33c: {  	[sflag:s7] =	ssyncadd.s32 $0xFFFF8000  }
0x33d: {  	_ =	swait.ge [sflag:s14], $0x200  }
0x33e: {  	[sflag:s14] =	ssyncset.done $0x0  }
0x33f: {  	[sflag:s14] =	ssyncadd.s32 $0xFFFFFE00  }
0x340: {  	[tilespmem:s13], [sflag:$0x3] =	stream.indirect.gather [hbm4b:s3+s5], $0x40, s2, s5, $0xb8;
	[tilespmem:$0x10400] =	vst v63  }
0x341: {  	s31 =	rddreg [dreg:$0x13]  }
0x342: {  	[tilespmem:s5], [sflag:$0x2] =	stream.linear.gather [hbm4b:s31+s2], $0x200, $0x38;
	[tilespmem:$0x10400] =	vst v63  }
0x343: {  	_ =	swait.ge [sflag:s16], $0x8000  }
0x344: {  	[sflag:s16] =	ssyncset.done $0x0  }
0x345: {  	s1 =	rddreg [dreg:$0x14];
	[sflag:s16] =	ssyncadd.s32 $0xFFFF8000  }
0x346: {  	[hbm4b:s1+s2] =	stream.linear.scatter [tilespmem:s13], [sflag:$0x5], $0x8000, $0x38;
	[tilespmem:$0x10400] =	vst v63  }
0x347: {  	_ =	swait.ge [sflag:s6], $0x8000  }
0x348: {  	[sflag:s6] =	ssyncset.done $0x0  }
0x349: {  	[sflag:s6] =	ssyncadd.s32 $0xFFFF8000  }
0x34a: {  	_ =	swait.ge [sflag:s12], $0x200  }
0x34b: {  	[sflag:s12] =	ssyncset.done $0x0  }
0x34c: {  	[sflag:s12] =	ssyncadd.s32 $0xFFFFFE00  }
0x34d: {  	[tilespmem:s9], [sflag:$0x4] =	stream.indirect.gather [hbm4b:s3+s5], $0x40, s5, s5, $0xb8;
	[tilespmem:$0x10400] =	vst v63  }
0x34e: {  	s31 =	rddreg [dreg:$0x15]  }
0x34f: {  	[tilespmem:s2], [sflag:$0x1] =	stream.linear.gather [hbm4b:s31+s2], $0x200, $0x38;
	[tilespmem:$0x10400] =	vst v63  }
0x350: {  	_ =	swait.ge [sflag:s10], $0x8000  }
0x351: {  	[sflag:s10] =	ssyncset.done $0x0  }
0x352: {  	s1 =	rddreg [dreg:$0x16];
	[sflag:s10] =	ssyncadd.s32 $0xFFFF8000  }
0x353: {  	[hbm4b:s1+s2] =	stream.linear.scatter [tilespmem:s9], [sflag:$0x6], $0x8000, $0x38;
	[tilespmem:$0x10400] =	vst v63  }
0x354: {  	_ =	swait.ge [sflag:s7], $0x8000  }
0x355: {  	[sflag:s7] =	ssyncset.done $0x0  }
0x356: {  	[sflag:s7] =	ssyncadd.s32 $0xFFFF8000  }
0x357: {  	_ =	swait.ge [sflag:s14], $0x200  }
0x358: {  	[sflag:s14] =	ssyncset.done $0x0  }
0x359: {  	[sflag:s14] =	ssyncadd.s32 $0xFFFFFE00  }
0x35a: {  	[tilespmem:s13], [sflag:$0x3] =	stream.indirect.gather [hbm4b:s3+s5], $0x40, s2, s5, $0xb8;
	[tilespmem:$0x10400] =	vst v63  }
0x35b: {  	s31 =	rddreg [dreg:$0x17]  }
0x35c: {  	[tilespmem:s5], [sflag:$0x2] =	stream.linear.gather [hbm4b:s31+s2], $0x200, $0x38;
	[tilespmem:$0x10400] =	vst v63  }
0x35d: {  	_ =	swait.ge [sflag:s16], $0x8000  }
0x35e: {  	[sflag:s16] =	ssyncset.done $0x0  }
0x35f: {  	s1 =	rddreg [dreg:$0x18];
	[sflag:s16] =	ssyncadd.s32 $0xFFFF8000  }
0x360: {  	[hbm4b:s1+s2] =	stream.linear.scatter [tilespmem:s13], [sflag:$0x5], $0x8000, $0x38;
	[tilespmem:$0x10400] =	vst v63  }
0x361: {  	_ =	swait.ge [sflag:s6], $0x8000  }
0x362: {  	[sflag:s6] =	ssyncset.done $0x0  }
0x363: {  	[sflag:s6] =	ssyncadd.s32 $0xFFFF8000  }
0x364: {  	_ =	swait.ge [sflag:s12], $0x200  }
0x365: {  	[sflag:s12] =	ssyncset.done $0x0  }
0x366: {  	[sflag:s12] =	ssyncadd.s32 $0xFFFFFE00  }
0x367: {  	[tilespmem:s9], [sflag:$0x4] =	stream.indirect.gather [hbm4b:s3+s5], $0x40, s5, s5, $0xb8;
	[tilespmem:$0x10400] =	vst v63  }
0x368: {  	s31 =	rddreg [dreg:$0x19]  }
0x369: {  	[tilespmem:s2], [sflag:$0x1] =	stream.linear.gather [hbm4b:s31+s2], $0x200, $0x38;
	[tilespmem:$0x10400] =	vst v63  }
0x36a: {  	_ =	swait.ge [sflag:s10], $0x8000  }
0x36b: {  	[sflag:s10] =	ssyncset.done $0x0  }
0x36c: {  	s1 =	rddreg [dreg:$0x1a];
	[sflag:s10] =	ssyncadd.s32 $0xFFFF8000  }
0x36d: {  	[hbm4b:s1+s2] =	stream.linear.scatter [tilespmem:s9], [sflag:$0x6], $0x8000, $0x38;
	[tilespmem:$0x10400] =	vst v63  }
0x36e: {  	_ =	swait.ge [sflag:s7], $0x8000  }
0x36f: {  	[sflag:s7] =	ssyncset.done $0x0  }
0x370: {  	[sflag:s7] =	ssyncadd.s32 $0xFFFF8000  }
0x371: {  	_ =	swait.ge [sflag:s14], $0x200  }
0x372: {  	[sflag:s14] =	ssyncset.done $0x0  }
0x373: {  	[sflag:s14] =	ssyncadd.s32 $0xFFFFFE00  }
0x374: {  	[tilespmem:s13], [sflag:$0x3] =	stream.indirect.gather [hbm4b:s3+s5], $0x40, s2, s5, $0xb8;
	[tilespmem:$0x10400] =	vst v63  }
0x375: {  	s31 =	rddreg [dreg:$0x1b]  }
0x376: {  	[tilespmem:s5], [sflag:$0x2] =	stream.linear.gather [hbm4b:s31+s2], $0x200, $0x38;
	[tilespmem:$0x10400] =	vst v63  }
0x377: {  	_ =	swait.ge [sflag:s16], $0x8000  }
0x378: {  	[sflag:s16] =	ssyncset.done $0x0  }
0x379: {  	s1 =	rddreg [dreg:$0x1c];
	[sflag:s16] =	ssyncadd.s32 $0xFFFF8000  }
0x37a: {  	[hbm4b:s1+s2] =	stream.linear.scatter [tilespmem:s13], [sflag:$0x5], $0x8000, $0x38;
	[tilespmem:$0x10400] =	vst v63  }
0x37b: {  	_ =	swait.ge [sflag:s6], $0x8000  }
0x37c: {  	[sflag:s6] =	ssyncset.done $0x0  }
0x37d: {  	[sflag:s6] =	ssyncadd.s32 $0xFFFF8000  }
0x37e: {  	_ =	swait.ge [sflag:s12], $0x200  }
0x37f: {  	[sflag:s12] =	ssyncset.done $0x0  }
0x380: {  	[sflag:s12] =	ssyncadd.s32 $0xFFFFFE00  }
0x381: {  	[tilespmem:s9], [sflag:$0x4] =	stream.indirect.gather [hbm4b:s3+s5], $0x40, s5, s5, $0xb8;
	[tilespmem:$0x10400] =	vst v63  }
0x382: {  	s31 =	rddreg [dreg:$0x1d]  }
0x383: {  	[tilespmem:s2], [sflag:$0x1] =	stream.linear.gather [hbm4b:s31+s2], $0x200, $0x38;
	[tilespmem:$0x10400] =	vst v63  }
0x384: {  	_ =	swait.ge [sflag:s10], $0x8000  }
0x385: {  	[sflag:s10] =	ssyncset.done $0x0  }
0x386: {  	s1 =	rddreg [dreg:$0x1e];
	[sflag:s10] =	ssyncadd.s32 $0xFFFF8000  }
0x387: {  	[hbm4b:s1+s2] =	stream.linear.scatter [tilespmem:s9], [sflag:$0x6], $0x8000, $0x38;
	[tilespmem:$0x10400] =	vst v63  }
0x388: {  	_ =	swait.ge [sflag:s7], $0x8000  }
0x389: {  	[sflag:s7] =	ssyncset.done $0x0  }
0x38a: {  	[sflag:s7] =	ssyncadd.s32 $0xFFFF8000  }
0x38b: {  	_ =	swait.ge [sflag:s14], $0x200  }
0x38c: {  	[sflag:s14] =	ssyncset.done $0x0  }
0x38d: {  	[sflag:s14] =	ssyncadd.s32 $0xFFFFFE00  }
0x38e: {  	[tilespmem:s13], [sflag:$0x3] =	stream.indirect.gather [hbm4b:s3+s5], $0x40, s2, s5, $0xb8;
	[tilespmem:$0x10400] =	vst v63  }
0x38f: {  	s31 =	rddreg [dreg:$0x1f]  }
0x390: {  	[tilespmem:s5], [sflag:$0x2] =	stream.linear.gather [hbm4b:s31+s2], $0x200, $0x38;
	[tilespmem:$0x10400] =	vst v63  }
0x391: {  	_ =	swait.ge [sflag:s16], $0x8000  }
0x392: {  	s1 =	sld [smem:$0x7F9]  }
0x393: {  	[sflag:s16] =	ssyncset.done $0x0  }
0x394: {  	[sflag:s16] =	ssyncadd.s32 $0xFFFF8000  }
0x395: {  	[hbm4b:s1+s2] =	stream.linear.scatter [tilespmem:s13], [sflag:$0x5], $0x8000, $0x38;
	[tilespmem:$0x10400] =	vst v63  }
0x396: {  	_ =	swait.ge [sflag:s6], $0x8000  }
0x397: {  	[sflag:s6] =	ssyncset.done $0x0  }
0x398: {  	[sflag:s6] =	ssyncadd.s32 $0xFFFF8000  }
0x399: {  	_ =	swait.ge [sflag:s12], $0x200  }
0x39a: {  	[sflag:s12] =	ssyncset.done $0x0  }
0x39b: {  	s31 =	sld [smem:$0x7FA];
	[sflag:s12] =	ssyncadd.s32 $0xFFFFFE00  }
0x39c: {  	[tilespmem:s9], [sflag:$0x4] =	stream.indirect.gather [hbm4b:s3+s5], $0x40, s5, s5, $0xb8;
	[tilespmem:$0x10400] =	vst v63  }
0x39d: {  	_ = 	snop  }
0x39e: {  	[tilespmem:s2], [sflag:$0x1] =	stream.linear.gather [hbm4b:s31+s2], $0x200, $0x38;
	[tilespmem:$0x10400] =	vst v63  }
0x39f: {  	_ =	swait.ge [sflag:s10], $0x8000  }
0x3a0: {  	s1 =	sld [smem:$0x7FB]  }
0x3a1: {  	[sflag:s10] =	ssyncset.done $0x0  }
0x3a2: {  	[sflag:s10] =	ssyncadd.s32 $0xFFFF8000  }
0x3a3: {  	[hbm4b:s1+s2] =	stream.linear.scatter [tilespmem:s9], [sflag:$0x6], $0x8000, $0x38;
	[tilespmem:$0x10400] =	vst v63  }
0x3a4: {  	_ =	swait.ge [sflag:s7], $0x8000  }
0x3a5: {  	[sflag:s7] =	ssyncset.done $0x0  }
0x3a6: {  	[sflag:s7] =	ssyncadd.s32 $0xFFFF8000  }
0x3a7: {  	_ =	swait.ge [sflag:s14], $0x200  }
0x3a8: {  	[sflag:s14] =	ssyncset.done $0x0  }
0x3a9: {  	s31 =	sld [smem:$0x7FC];
	[sflag:s14] =	ssyncadd.s32 $0xFFFFFE00  }
0x3aa: {  	[tilespmem:s13], [sflag:$0x3] =	stream.indirect.gather [hbm4b:s3+s5], $0x40, s2, s5, $0xb8;
	[tilespmem:$0x10400] =	vst v63  }
0x3ab: {  	_ = 	snop  }
0x3ac: {  	[tilespmem:s5], [sflag:$0x2] =	stream.linear.gather [hbm4b:s31+s2], $0x200, $0x38;
	[tilespmem:$0x10400] =	vst v63  }
0x3ad: {  	_ =	swait.ge [sflag:s16], $0x8000  }
0x3ae: {  	s1 =	sld [smem:$0x7FD]  }
0x3af: {  	[sflag:s16] =	ssyncset.done $0x0  }
0x3b0: {  	[sflag:s16] =	ssyncadd.s32 $0xFFFF8000  }
0x3b1: {  	[hbm4b:s1+s2] =	stream.linear.scatter [tilespmem:s13], [sflag:$0x5], $0x8000, $0x38;
	[tilespmem:$0x10400] =	vst v63  }
0x3b2: {  	_ =	swait.ge [sflag:s6], $0x8000  }
0x3b3: {  	[sflag:s6] =	ssyncset.done $0x0  }
0x3b4: {  	[sflag:s6] =	ssyncadd.s32 $0xFFFF8000  }
0x3b5: {  	_ =	swait.ge [sflag:s12], $0x200  }
0x3b6: {  	[sflag:s12] =	ssyncset.done $0x0  }
0x3b7: {  	[sflag:s12] =	ssyncadd.s32 $0xFFFFFE00  }
0x3b8: {  	[tilespmem:s9], [sflag:$0x4] =	stream.indirect.gather [hbm4b:s3+s5], $0x40, s5, s5, $0xb8;
	[tilespmem:$0x10400] =	vst v63  }
0x3b9: {  	_ = 	snop  }
0x3ba: {  	[tilespmem:s2], [sflag:$0x1] =	stream.linear.gather [hbm4b:s30+s2], $0x200, $0x38;
	[tilespmem:$0x10400] =	vst v63  }
0x3bb: {  	_ =	swait.ge [sflag:s10], $0x8000  }
0x3bc: {  	[sflag:s10] =	ssyncset.done $0x0  }
0x3bd: {  	[sflag:s10] =	ssyncadd.s32 $0xFFFF8000  }
0x3be: {  	[hbm4b:s29+s2] =	stream.linear.scatter [tilespmem:s9], [sflag:$0x6], $0x8000, $0x38;
	[tilespmem:$0x10400] =	vst v63  }
0x3bf: {  	_ =	swait.ge [sflag:s7], $0x8000  }
0x3c0: {  	[sflag:s7] =	ssyncset.done $0x0  }
0x3c1: {  	[sflag:s7] =	ssyncadd.s32 $0xFFFF8000  }
0x3c2: {  	_ =	swait.ge [sflag:s14], $0x200  }
0x3c3: {  	[sflag:s14] =	ssyncset.done $0x0  }
0x3c4: {  	[sflag:s14] =	ssyncadd.s32 $0xFFFFFE00  }
0x3c5: {  	[tilespmem:s13], [sflag:$0x3] =	stream.indirect.gather [hbm4b:s3+s5], $0x40, s2, s5, $0xb8;
	[tilespmem:$0x10400] =	vst v63  }
0x3c6: {  	_ = 	snop  }
0x3c7: {  	[tilespmem:s5], [sflag:$0x2] =	stream.linear.gather [hbm4b:s28+s2], $0x200, $0x38;
	[tilespmem:$0x10400] =	vst v63  }
0x3c8: {  	_ =	swait.ge [sflag:s16], $0x8000  }
0x3c9: {  	[sflag:s16] =	ssyncset.done $0x0  }
0x3ca: {  	[sflag:s16] =	ssyncadd.s32 $0xFFFF8000  }
0x3cb: {  	[hbm4b:s26+s2] =	stream.linear.scatter [tilespmem:s13], [sflag:$0x5], $0x8000, $0x38;
	[tilespmem:$0x10400] =	vst v63  }
0x3cc: {  	_ =	swait.ge [sflag:s6], $0x8000  }
0x3cd: {  	[sflag:s6] =	ssyncset.done $0x0  }
0x3ce: {  	[sflag:s6] =	ssyncadd.s32 $0xFFFF8000  }
0x3cf: {  	_ =	swait.ge [sflag:s12], $0x200  }
0x3d0: {  	[sflag:s12] =	ssyncset.done $0x0  }
0x3d1: {  	[sflag:s12] =	ssyncadd.s32 $0xFFFFFE00  }
0x3d2: {  	[tilespmem:s9], [sflag:$0x4] =	stream.indirect.gather [hbm4b:s3+s5], $0x40, s5, s5, $0xb8;
	[tilespmem:$0x10400] =	vst v63  }
0x3d3: {  	_ = 	snop  }
0x3d4: {  	[tilespmem:s2], [sflag:$0x1] =	stream.linear.gather [hbm4b:s25+s2], $0x200, $0x38;
	[tilespmem:$0x10400] =	vst v63  }
0x3d5: {  	_ =	swait.ge [sflag:s10], $0x8000  }
0x3d6: {  	[sflag:s10] =	ssyncset.done $0x0  }
0x3d7: {  	[sflag:s10] =	ssyncadd.s32 $0xFFFF8000  }
0x3d8: {  	[hbm4b:s24+s2] =	stream.linear.scatter [tilespmem:s9], [sflag:$0x6], $0x8000, $0x38;
	[tilespmem:$0x10400] =	vst v63  }
0x3d9: {  	_ =	swait.ge [sflag:s7], $0x8000  }
0x3da: {  	[sflag:s7] =	ssyncset.done $0x0  }
0x3db: {  	[sflag:s7] =	ssyncadd.s32 $0xFFFF8000  }
0x3dc: {  	_ =	swait.ge [sflag:s14], $0x200  }
0x3dd: {  	[sflag:s14] =	ssyncset.done $0x0  }
0x3de: {  	[sflag:s14] =	ssyncadd.s32 $0xFFFFFE00  }
0x3df: {  	[tilespmem:s13], [sflag:$0x3] =	stream.indirect.gather [hbm4b:s3+s5], $0x40, s2, s5, $0xb8;
	[tilespmem:$0x10400] =	vst v63  }
0x3e0: {  	_ = 	snop  }
0x3e1: {  	[tilespmem:s5], [sflag:$0x2] =	stream.linear.gather [hbm4b:s23+s2], $0x200, $0x38;
	[tilespmem:$0x10400] =	vst v63  }
0x3e2: {  	_ =	swait.ge [sflag:s16], $0x8000  }
0x3e3: {  	[sflag:s16] =	ssyncset.done $0x0  }
0x3e4: {  	[sflag:s16] =	ssyncadd.s32 $0xFFFF8000  }
0x3e5: {  	[hbm4b:s22+s2] =	stream.linear.scatter [tilespmem:s13], [sflag:$0x5], $0x8000, $0x38;
	[tilespmem:$0x10400] =	vst v63  }
0x3e6: {  	_ =	swait.ge [sflag:s6], $0x8000  }
0x3e7: {  	[sflag:s6] =	ssyncset.done $0x0  }
0x3e8: {  	[sflag:s6] =	ssyncadd.s32 $0xFFFF8000  }
0x3e9: {  	_ =	swait.ge [sflag:s12], $0x200  }
0x3ea: {  	[sflag:s12] =	ssyncset.done $0x0  }
0x3eb: {  	[sflag:s12] =	ssyncadd.s32 $0xFFFFFE00  }
0x3ec: {  	[tilespmem:s9], [sflag:$0x4] =	stream.indirect.gather [hbm4b:s3+s5], $0x40, s5, s5, $0xb8;
	[tilespmem:$0x10400] =	vst v63  }
0x3ed: {  	_ = 	snop  }
0x3ee: {  	[tilespmem:s2], [sflag:$0x1] =	stream.linear.gather [hbm4b:s21+s2], $0x200, $0x38;
	[tilespmem:$0x10400] =	vst v63  }
0x3ef: {  	_ =	swait.ge [sflag:s10], $0x8000  }
0x3f0: {  	[sflag:s10] =	ssyncset.done $0x0  }
0x3f1: {  	[sflag:s10] =	ssyncadd.s32 $0xFFFF8000  }
0x3f2: {  	[hbm4b:s20+s2] =	stream.linear.scatter [tilespmem:s9], [sflag:$0x6], $0x8000, $0x38;
	[tilespmem:$0x10400] =	vst v63  }
0x3f3: {  	_ =	swait.ge [sflag:s7], $0x8000  }
0x3f4: {  	[sflag:s7] =	ssyncset.done $0x0  }
0x3f5: {  	[sflag:s7] =	ssyncadd.s32 $0xFFFF8000  }
0x3f6: {  	_ =	swait.ge [sflag:s14], $0x200  }
0x3f7: {  	[sflag:s14] =	ssyncset.done $0x0  }
0x3f8: {  	[sflag:s14] =	ssyncadd.s32 $0xFFFFFE00  }
0x3f9: {  	[tilespmem:s13], [sflag:$0x3] =	stream.indirect.gather [hbm4b:s3+s5], $0x40, s2, s5, $0xb8;
	[tilespmem:$0x10400] =	vst v63  }
0x3fa: {  	_ = 	snop  }
0x3fb: {  	[tilespmem:s5], [sflag:$0x2] =	stream.linear.gather [hbm4b:s19+s2], $0x200, $0x38;
	[tilespmem:$0x10400] =	vst v63  }
0x3fc: {  	_ =	swait.ge [sflag:s16], $0x8000  }
0x3fd: {  	[sflag:s16] =	ssyncset.done $0x0  }
0x3fe: {  	[sflag:s16] =	ssyncadd.s32 $0xFFFF8000  }
0x3ff: {  	[hbm4b:s18+s2] =	stream.linear.scatter [tilespmem:s13], [sflag:$0x5], $0x8000, $0x38;
	[tilespmem:$0x10400] =	vst v63  }
0x400: {  	_ =	swait.ge [sflag:s6], $0x8000  }
0x401: {  	[sflag:s6] =	ssyncset.done $0x0  }
0x402: {  	[sflag:s6] =	ssyncadd.s32 $0xFFFF8000  }
0x403: {  	_ =	swait.ge [sflag:s12], $0x200  }
0x404: {  	[sflag:s12] =	ssyncset.done $0x0  }
0x405: {  	[sflag:s12] =	ssyncadd.s32 $0xFFFFFE00  }
0x406: {  	[tilespmem:s9], [sflag:$0x4] =	stream.indirect.gather [hbm4b:s3+s5], $0x40, s5, s5, $0xb8;
	[tilespmem:$0x10400] =	vst v63  }
0x407: {  	_ = 	snop  }
0x408: {  	[tilespmem:s2], [sflag:$0x1] =	stream.linear.gather [hbm4b:s17+s2], $0x200, $0x38;
	[tilespmem:$0x10400] =	vst v63  }
0x409: {  	_ =	swait.ge [sflag:s10], $0x8000  }
0x40a: {  	[sflag:s10] =	ssyncset.done $0x0  }
0x40b: {  	[sflag:s10] =	ssyncadd.s32 $0xFFFF8000  }
0x40c: {  	[hbm4b:s15+s2] =	stream.linear.scatter [tilespmem:s9], [sflag:$0x6], $0x8000, $0x38;
	[tilespmem:$0x10400] =	vst v63  }
0x40d: {  	_ =	swait.ge [sflag:s7], $0x8000  }
0x40e: {  	[sflag:s7] =	ssyncset.done $0x0  }
0x40f: {  	[sflag:s7] =	ssyncadd.s32 $0xFFFF8000  }
0x410: {  	_ =	swait.ge [sflag:s14], $0x200  }
0x411: {  	[sflag:s14] =	ssyncset.done $0x0  }
0x412: {  	[sflag:s14] =	ssyncadd.s32 $0xFFFFFE00  }
0x413: {  	[tilespmem:s13], [sflag:$0x3] =	stream.indirect.gather [hbm4b:s3+s5], $0x40, s2, s5, $0xb8;
	[tilespmem:$0x10400] =	vst v63  }
0x414: {  	_ = 	snop  }
0x415: {  	[tilespmem:s5], [sflag:$0x2] =	stream.linear.gather [hbm4b:s11+s2], $0x200, $0x38;
	[tilespmem:$0x10400] =	vst v63  }
0x416: {  	_ =	swait.ge [sflag:s16], $0x8000  }
0x417: {  	[sflag:s16] =	ssyncset.done $0x0  }
0x418: {  	[sflag:s16] =	ssyncadd.s32 $0xFFFF8000  }
0x419: {  	[hbm4b:s8+s2] =	stream.linear.scatter [tilespmem:s13], [sflag:$0x5], $0x8000, $0x38;
	[tilespmem:$0x10400] =	vst v63  }
0x41a: {  	_ =	swait.ge [sflag:s6], $0x8000  }
0x41b: {  	[sflag:s6] =	ssyncset.done $0x0  }
0x41c: {  	[sflag:s6] =	ssyncadd.s32 $0xFFFF8000  }
0x41d: {  	_ =	swait.ge [sflag:s12], $0x200  }
0x41e: {  	[sflag:s12] =	ssyncset.done $0x0  }
0x41f: {  	[sflag:s12] =	ssyncadd.s32 $0xFFFFFE00  }
0x420: {  	[tilespmem:s9], [sflag:$0x4] =	stream.indirect.gather [hbm4b:s3+s5], $0x40, s5, s5, $0xb8;
	[tilespmem:$0x10400] =	vst v63  }
0x421: {  	_ =	swait.ge [sflag:s10], $0x8000  }
0x422: {  	[sflag:s10] =	ssyncset.done $0x0  }
0x423: {  	[sflag:s10] =	ssyncadd.s32 $0xFFFF8000  }
0x424: {  	[hbm4b:s4+s2] =	stream.linear.scatter [tilespmem:s9], [sflag:$0x6], $0x8000, $0x38;
	[tilespmem:$0x10400] =	vst v63  }
0x425: {  	_ =	swait.ge [sflag:s7], $0x8000  }
0x426: {  	[sflag:s7] =	ssyncset.done $0x0  }
0x427: {  	[sflag:s7] =	ssyncadd.s32 $0xFFFF8000  }
0x428: {  	_ =	swait.ge [sflag:s6], $0x8000  }
0x429: {  	[sflag:s6] =	ssyncset.done $0x0  }
0x42a: {  	[sflag:s6] =	ssyncadd.s32 $0xFFFF8000  }
0x42b: {  	_ =	sfence.sel $0x180000  }
0x42c: {  	[bflag:$0x0] =	sbarrier.arrive $0xFFFF  }
0x42d: {  	_ =	strace $0x90000047  }
0x42e: {  	s31 =	stileid.u32;
	[bflag:$0x2] =	sbarrier.arrive $0xFFFF  }
0x42f: {  	p0 =	sne.s32 s31, $0x0;
	s0 =	rddreg [dreg:$0x2]  }
0x430: {  	s0 =	sadd.s32 @!p0 $0x100000, s0  }
0x431: {  	[sflag:s0] =	ssyncadd.tile.s32 @!p0 $0x1;
	_ =	shalt  }
.Lfunc_end2:
_tile_overlayer_lowered:
.L_overlay_start_2:
0x432: {  	(tag) =	ssettag $0x2  }
0x433: {  	s0 =	rddreg [dreg:$0x0];
	s2 =	stileid.u32  }
0x434: {  	s1 =	rddreg [dreg:$0x1];
	p0 =	sne.s32 s2, $0x0  }
0x435: {  	s3 =	rddreg [dreg:$0x2];
	[bflag:$0x3] =	sbarrier.arrive $0xFFFF;
	s2 =	simm.s32 @!p0 $0x1C07  }
0x436: {  	[timem:s3], [sflag:s2] =	dma.local @!p0 [hbm:s0], s1  }
0x437: {  	s0 =	simm.s32 @!p0 $0x7  }
0x438: {  	_ =	swait.ge @!p0 [sflag:s0], s1  }
0x439: {  	s1 =	ssub.s32 @!p0 $0x0, s1;
	[sflag:s0] =	ssyncset.done @!p0 $0x0  }
0x43a: {  	[sflag:s0] =	ssyncadd.s32 @!p0 s1  }
0x43b: {  	[bflag:$0x3] =	sbarrier.arrive $0xFFFF  }
0x43c: {  	_ =	shalt  }

// kernel: sparse-core-data-format-call.cloned.1.call-start
scs
called_computation_lowered:
.L_overlay_start_0:
0x0: {  	s2 =	sld [smem:$0x3FD9]  }
0x1: {  	s3 =	sld [smem:$0x3FFE];
	_ =	sdelay $0x1  }
0x2: {  	s1 =	srdreg.scid  }
0x3: {  	s0 =	sand.u32 $0x1, s1  }
0x4: {  	s18 =	sshll.u32 s0, $0xA;
	s2 =	sadd.s32 s3, s2  }
0x5: {  	s2 =	sadd.s32 s2, s18  }
0x6: {  	[smem:$0x3FC6] =	sst s2  }
0x7: {  	_ = 	snop  }
0x8: {  	s2 =	sld [smem:$0x3FD0];
	(tm) =	ssettm $0x1  }
0x9: {  	s19 =	sld [smem:$0x3FFB];
	_ =	sdelay $0x3  }
0xa: {  	_ =	strace s19  }
0xb: {  	s3 =	sld [smem:$0x3FFC];
	_ =	sdelay $0x3  }
0xc: {  	_ =	strace s3  }
0xd: {  	s3 =	sld [smem:$0x3FFD];
	_ =	sdelay $0x3  }
0xe: {  	_ =	strace s3  }
0xf: {  	_ =	strace $0x8FFFFFFF  }
0x10: {  	s20 =	sld [smem:$0x3FDB];
	_ =	sdelay $0x1  }
0x11: {  	s4 =	simm.s32 $_scs_section_size  }
0x12: {  	s5 =	simm.s32 $_size__tile_overlayer_lowered;
	s6 =	simm.s32 $_tile_overlayer_lowered  }
0x13: {  	s23 =	simm.s32 $0x1BFF;
	s22 =	sshll.u32 s6, $0x1;
	s3 =	sadd.s32 s4, s20  }
0x14: {  	s7 =	simm.s32 $0x0;
	s21 =	sshll.u32 s5, $0x1;
	s5 =	sadd.s32 s22, s3  }
0x15: {  	[timem:s7], [sflag:s23] =	dma.local [hbm:s5], s21  }
0x16: {  	_ =	swait.ge [sflag:s23], s21  }
0x17: {  	s4 =	ssub.s32 $0x0, s21;
	[sflag:s23] =	ssyncset.done $0x0  }
0x18: {  	[sflag:s23] =	ssyncadd.s32 s4;
	_ =	sdelay $0x1  }
0x19: {  	s24 =	simm.s32 $0x1B8B  }
0x1a: {  	_ =	swait.ge [sflag:s24], $0x1  }
0x1b: {  	[sflag:s24] =	ssyncset.done $0x0  }
0x1c: {  	s26 =	simm.s32 $0x1B8E;
	s25 =	sld [smem:$0x3FFE];
	[sflag:s24] =	ssyncadd.s32 $0xFFFFFFFF  }
0x1d: {  	s27 =	simm.s32 $execute0_lowered;
	[smem:$0x3FD2] =	sst s26  }
0x1e: {  	s5 =	sshll.u32 s27, $0x1;
	_ =	strace $0x80000049;
	[dreg:$0x1] =	wrdreg $0xFFFFFFFF  }
0x1f: {  	s28 =	simm.s32 $_size_execute0_lowered;
	s3 =	sadd.s32 s3, s5;
	[dreg:$0x0] =	wrdreg $0x0  }
0x20: {  	s5 =	sshll.u32 s28, $0x1;
	[dreg:$0x2] =	wrdreg s3  }
0x21: {  	[dreg:$0x3] =	wrdreg s5  }
0x22: {  	[dreg:$0x4] =	wrdreg $0xC0  }
0x23: {  	_ =	task [dreg:s7], $0x5FFFF  }
0x24: {  	[dreg:$0x1] =	wrdreg $0xFFFFFFFF  }
0x25: {  	[dreg:$0x0] =	wrdreg $0x60  }
0x26: {  	[dreg:$0x2] =	wrdreg s25  }
0x27: {  	[dreg:$0x3] =	wrdreg s2  }
0x28: {  	[dreg:$0x4] =	wrdreg $0x9  }
0x29: {  	_ =	task.clear_ibuf [dreg:s7], $0x5FFFF;
	_ =	strace $0x90000049  }
0x2a: {  	s29 =	simm.s32 $0x9;
	_ =	strace $0x8000004B  }
0x2b: {  	_ =	swait.ge [sflag:s29], $0x1  }
0x2c: {  	[sflag:s29] =	ssyncadd.s32 $0xFFFFFFFF  }
0x2d: {  	_ =	strace $0x9000004B  }
0x2e: {  	_ =	sfence  }
0x2f: {  	s30 =	sld [smem:$0x0];
	_ =	sdelay $0x2  }
0x30: {  	s31 =	sshll.u32 s1, $0xD;
	s1 =	sshrl.u32 s1, $0x2  }
0x31: {  	s3 =	sand.u32 $0x4000, s31;
	s1 =	sadd.s32 s1, s30  }
0x32: {  	s0 =	sor.u32 s3, s0;
	s1 =	sshll.u32 s1, $0x11  }
0x33: {  	s0 =	sor.u32 s1, s0  }
0x34: {  	s0 =	sadd.s32 $0x8F2B, s0  }
0x35: {  	[sflag:s0] =	ssyncadd.remote.s32 $0x1  }
0x36: {  	_ =	sfence.sel $0xFFFF  }
0x37: {  	[dreg:$0x0] =	wrdreg $0xFFFFFFFF;
	(pc) =	sbr.abs _section_cstart, $3  }
0x38: {  	[dreg:$0x1] =	wrdreg $0xFFFFFFFF  }
0x39: {  	_ =	task.clear_ibuf [dreg:s7], $0x2FFFF;
	_ =	strace $0x9FFFFFFF  }
0x3a: {  	(tm) =	ssettm $0x7FFFFFFF  }
0x3b: {  	_ =	shalt  }
tec
execute0_lowered:
.L_overlay_start_1:
0x0: {  	(tag) =	ssettag $0x1  }
0x1: {  	s0 =	srdreg.scid  }
0x2: {  	s1 =	sshll.u32 s0, $0x4  }
0x3: {  	s0 =	stileid.u32;
	s1 =	sand.u32 $0x10, s1  }
0x4: {  	s7 =	rddreg [dreg:$0x0];
	s1 =	sor.u32 s0, s1  }
0x5: {  	s4 =	simm.s32 $0x1;
	s8 =	simm.s32 $0x2;
	s2 =	sshll.u32 s1, $0x7  }
0x6: {  	s13 =	simm.s32 $0x0;
	s9 =	simm.s32 $0x20000;
	s1 =	ssub.s32 $0x4000, s2  }
0x7: {  	s14 =	simm.s32 $0x0;
	s11 =	simm.s32 $0x0;
	s3 =	sand.u32 $0xF80, s1  }
0x8: {  	s12 =	simm.s32 $0x0;
	s5 =	sshrl.u32 s1, $0xC;
	p0 =	sne.s32 s3, $0x0  }
.Ltmp0:
0x9: {  	s1 =	rddreg [dreg:$0x2];
	s4 =	simm.s32 @!p0 $0x0;
	(pc) =	sbr.rel .LBB1_1-.Ltmp0, $4  }
0xa: {  	s6 =	sadd.s32 $0xA00, s7;
	s3 =	rddreg [dreg:$0x1];
	s5 =	sadd.s32 s4, s5  }
0xb: {  	_ =	strace $0x8000004A;
	s4 =	simm.s32 $0x1;
	s5 =	smul.u32 $0xD, s5  }
0xc: {  	s7 =	sadd.s32 $0x40A00, s7;
	s10 =	smov.u32 s2;
	[sflag:s4] =	ssyncpa.u1 $0x0  }
0xd: {  	p0 =	por $0x0, $0x0;
	[sflag:s8] =	ssyncpa.u1 $0x0;
	s8 =	sadd.s32 $0x1, s5  }
.LBB1_7:
0xe: {  	s15 =	sadd.s32 $0x1000, s10  }
0xf: {  	s13 =	sadd.s32 $0x2, s11;
	s17 =	smov.u32 s11;
	p2 =	sgt.s32 s15, $0x3FFF  }
0x10: {  	s17 =	smov.u32 @p2 s13  }
0x11: {  	s15 =	smov.u32 @p2 s2;
	p2 =	sgt.s32 s17, $0x19  }
0x12: {  	s17 =	simm.s32 @p2 $0x0;
	p2 =	sne.s32 s12, s8  }
.Ltmp1:
0x13: {  	p1 =	slt.u32 s12, $0x2;
	(pc) =	sbr.rel @!p2 .LBB1_8-.Ltmp1, $4  }
0x14: {  	s16 =	simm.s32 @!p1 $0x2  }
0x15: {  	s14 =	smov.u32 s11;
	p0 =	por !p0, !p0;
	_ =	swait.ge @!p1 [sflag:s16], $0x4000  }
0x16: {  	s13 =	smov.u32 s10;
	[sflag:s16] =	ssyncset.done @!p1 $0x0;
	s10 =	smov.u32 s15  }
0x17: {  	s12 =	sadd.s32 $0x1, s12;
	[sflag:s16] =	ssyncadd.s32 @!p1 $0xFFFFC000;
	s11 =	smov.u32 s17  }
.LBB1_1:
0x18: {  	p1 =	sge.u32 s12, s5  }
0x19: {  	s15 =	sxor.u32 @!p1 $0xFFFFFFFF, s12;
	s16 =	sshll.u32 @!p1 s11, $0x12  }
0x1a: {  	s17 =	sshll.u32 @!p1 s10, $0x4;
	s19 =	simm.s32 @!p1 $0x40;
	s20 =	simm.s32 @!p1 $0x80  }
0x1b: {  	s15 =	sshll.u32 @!p1 s15, $0xE;
	s17 =	sand.u32 @!p1 $0x3FFF0, s17;
	s18 =	sadd.s32 @!p1 s6, s16  }
0x1c: {  	s16 =	sadd.s32 @!p1 s16, s7;
	s15 =	sand.u32 @!p1 $0x4000, s15;
	s18 =	sadd.s32 @!p1 s17, s18  }
0x1d: {  	[tilespmem:s15], [sflag:$0x1] =	stream.strided.gather @!p1 [hbm4b:s18+s19], $0x2000, s20, s19, $0x38;
	[tilespmem:$0x10100] =	vst v63  }
0x1e: {  	s31 =	sadd.s32 $0xFFFFFFFF, s12;
	s16 =	sadd.s32 @!p1 s17, s16;
	s15 =	sor.u32 @!p1 $0x2000, s15  }
0x1f: {  	[tilespmem:s15], [sflag:$0x1] =	stream.strided.gather @!p1 [hbm4b:s16+s19], $0x2000, s20, s19, $0x38;
	[tilespmem:$0x10100] =	vst v63  }
0x20: {  	p1 =	sge.u32 s31, s5  }
.Ltmp2:
0x21: {  	_ = 	snop;
	(pc) =	sbr.rel @p1 .LBB1_7-.Ltmp2, $1  }
0x22: {  	_ =	sdelay $0x3  }
0x23: {  	s15 =	simm.s32 $0x1;
	s17 =	sand.u32 $0x1, s12  }
0x24: {  	_ =	swait.ge [sflag:s4], $0x4000;
	s15 =	simm.s32 @!p0 $0x0;
	s17 =	smul.u32 $0x10200, s17  }
0x25: {  	p2 =	por $0x1, $0x1;
	[sflag:s4] =	ssyncset.done $0x0;
	s16 =	smul.u32 $0x10200, s15  }
0x26: {  	s18 =	sshll.u32 s15, $0x10;
	[sflag:s4] =	ssyncadd.s32 $0xFFFFC000;
	s30 =	sshrl.u32 s17, $0x2  }
0x27: {  	s31 =	sshrl.u32 s18, $0x2;
	s18 =	simm.s32 $0x0;
	s16 =	sshrl.u32 s16, $0x2  }
0x28: {  	s15 =	sor.u32 $0x8000, s30;
	s17 =	sadd.s32 $0x20, s31;
	s16 =	sor.u32 $0x8000, s16  }
.LBB1_3:
0x29: {  	s19 =	sshll.u32 s18, $0xD  }
0x2a: {  	s19 =	sand.u32 $0x3FFFE000, s19  }
0x2b: {  	s21 =	sadd.s32 s19, s17  }
0x2c: {  	s31 =	smul.u32 $0x8100, s18;
	v3 =	vld [tilespmem:s21+$0x10]  }
0x2d: {  	v1 =	vld [tilespmem:s21+$0xFFFFFFF0]  }
0x2e: {  	s18 =	sshra.s32 s31, $0x2;
	v0 =	vld [tilespmem:s21+$0x0]  }
0x2f: {  	s18 =	sadd.s32 s18, s16;
	v2 =	vld [tilespmem:s21+$0xFFFFFFE0]  }
0x30: {  	s19 =	sadd.s32 $0x0, s18  }
0x31: {  	p1 =	por p2, p2;
	s20 =	simm.s32 $0x4;
	s21 =	sadd.s32 $0x40, s21;
	[tilespmem:s19+$0x1830 ss:$0x81] =	vst.msk $0xffff, v3  }
.LBB1_4:
0x32: {  	v3 =	vld [tilespmem:s21+$0x10];
	p2 =	sne.s32 s20, $0x1FC;
	[tilespmem:s19+$0x810 ss:$0x81] =	vst.msk $0xffff, v1;
	s22 =	smov.u32 s20;
	s20 =	sadd.s32 $0x4, s20  }
.Ltmp3:
0x33: {  	v1 =	vld [tilespmem:s21+$0xFFFFFFF0];
	[tilespmem:s19+$0x1020 ss:$0x81] =	vst.msk $0xffff, v0;
	(pc) =	sbr.rel @p2 .LBB1_4-.Ltmp3, $4  }
0x34: {  	v0 =	vld [tilespmem:s21+$0x0];
	[tilespmem:s19+$0x0 ss:$0x81] =	vst.msk $0xffff, v2  }
0x35: {  	s19 =	sshra.s32 s22, $0x2;
	v2 =	vld [tilespmem:s21+$0xFFFFFFE0]  }
0x36: {  	s19 =	sadd.s32 s19, s18  }
0x37: {  	s21 =	sadd.s32 $0x40, s21;
	[tilespmem:s19+$0x1830 ss:$0x81] =	vst.msk $0xffff, v3  }
.Ltmp4:
0x38: {  	(pc) =	sbr.rel @p1 .LBB1_3-.Ltmp4, $4  }
0x39: {  	_ = 	snop  }
0x3a: {  	[tilespmem:s19+$0x810 ss:$0x81] =	vst.msk $0xffff, v1  }
0x3b: {  	[tilespmem:s19+$0x1020 ss:$0x81] =	vst.msk $0xffff, v0  }
0x3c: {  	s18 =	simm.s32 $0x1;
	p2 =	por $0x0, $0x0;
	[tilespmem:s19+$0x0 ss:$0x81] =	vst.msk $0xffff, v2  }
0x3d: {  	s16 =	sshll.u32 s13, $0x3;
	s17 =	sand.u32 $0x78, s13;
	s14 =	sshll.u32 s14, $0x11  }
.Ltmp5:
0x3e: {  	s30 =	sand.u32 $0x1F800, s13;
	s16 =	sand.u32 $0x3C00, s16;
	(pc) =	sbr.rel .LBB1_7-.Ltmp5, $4  }
0x3f: {  	s31 =	sand.u32 $0x7, s13;
	s14 =	sadd.s32 s3, s14;
	s16 =	sor.u32 s17, s16  }
0x40: {  	s13 =	sshll.u32 s31, $0x12;
	s14 =	sadd.s32 s30, s14;
	s16 =	sshrl.u32 s16, $0x3  }
0x41: {  	s13 =	sor.u32 $0x400, s13;
	s14 =	sadd.s32 s16, s14  }
0x42: {  	[hbm4b:s14+s13] =	stream.strided.scatter [tilespmem:s15], [sflag:$0x2], $0x4000, s9, s13, $0x20;
	[tilespmem:$0x10100] =	vst v63  }
.LBB1_8:
0x43: {  	_ =	sfence.sel $0x180000  }
0x44: {  	s2 =	simm.s32 $0x1;
	[bflag:$0x0] =	sbarrier.arrive $0xFFFF  }
0x45: {  	s31 =	simm.s32 $0x2;
	[sflag:s2] =	ssyncpa.u1 $0x1  }
0x46: {  	[sflag:s31] =	ssyncpa.u1 $0x1  }
0x47: {  	p0 =	sne.s32 s0, $0x0;
	_ =	strace $0x9000004A  }
0x48: {  	s0 =	sadd.s32 @!p0 $0x100000, s1;
	[bflag:$0x2] =	sbarrier.arrive $0xFFFF  }
0x49: {  	[sflag:s0] =	ssyncadd.tile.s32 @!p0 $0x1;
	_ =	shalt  }
.Lfunc_end1:
_tile_overlayer_lowered:
.L_overlay_start_2:
0x4a: {  	(tag) =	ssettag $0x2  }
0x4b: {  	s0 =	rddreg [dreg:$0x0];
	s2 =	stileid.u32  }
0x4c: {  	s1 =	rddreg [dreg:$0x1];
	p0 =	sne.s32 s2, $0x0  }
0x4d: {  	s3 =	rddreg [dreg:$0x2];
	[bflag:$0x3] =	sbarrier.arrive $0xFFFF;
	s2 =	simm.s32 @!p0 $0x1C01  }
0x4e: {  	[timem:s3], [sflag:s2] =	dma.local @!p0 [hbm:s0], s1  }
0x4f: {  	s0 =	simm.s32 @!p0 $0x1  }
0x50: {  	_ =	swait.ge @!p0 [sflag:s0], s1  }
0x51: {  	s1 =	ssub.s32 @!p0 $0x0, s1;
	[sflag:s0] =	ssyncset.done @!p0 $0x0  }
0x52: {  	[sflag:s0] =	ssyncadd.s32 @!p0 s1  }
0x53: {  	[bflag:$0x3] =	sbarrier.arrive $0xFFFF  }
0x54: {  	_ =	shalt  }

</sc_bundles>
